<compile_context>
chip_gen: v7x
topology: tpu7x:2x2x1
jax: 0.10.2.dev20260603
libtpu: 0.0.44.dev20260713+nightly
codegen_flags: <defaults>
</compile_context>

<pallas_src>
import functools
import math

import jax
import jax.numpy as jnp
from jax.experimental import pallas as pl
from jax.experimental.pallas import tpu as pltpu
from jax.experimental.pallas import tpu_sc as plsc

L = 2
D = 768
HQ = 12
GKV = 4
DH = 64
E = 8
DFF = 1536
SKV = 2
EPS = 1e-6
TQ = 2048
TC = 251
TCP = 256
MID = GKV * DH
CHUNK = SKV * MID
REP = HQ // GKV
TB = 256
NB = TQ // TB
TBM = 256
NBM = TQ // TBM
INV_SQRT_DH = 1.0 / math.sqrt(DH)


def _rms(x, w):
    return x * jax.lax.rsqrt(jnp.mean(x * x, axis=-1, keepdims=True) + EPS) * w


def _dot(a, b):
    return jnp.dot(a, b, preferred_element_type=jnp.float32)


def _dotb(a, b):
    return jnp.dot(a.astype(jnp.bfloat16), b.astype(jnp.bfloat16),
                   preferred_element_type=jnp.float32)



def _ctx_kernel(xc_ref, wctx_ref, nkw_ref, nvw_ref, kc_ref, vc_ref):
    ctx = _dot(xc_ref[...], wctx_ref[...])
    for l in range(L):
        ch = ctx[:, l * CHUNK:(l + 1) * CHUNK]
        kc_ref[l] = _rms(ch[:, :MID], nkw_ref[l]).astype(jnp.bfloat16)
        vc_ref[l] = _rms(ch[:, MID:], nvw_ref[l]).astype(jnp.bfloat16)


def _ctx_kv(xc, W_ctx, norm_k_w, norm_v_w):
    return pl.pallas_call(
        _ctx_kernel,
        out_shape=(
            jax.ShapeDtypeStruct((L, TCP, MID), jnp.bfloat16),
            jax.ShapeDtypeStruct((L, TCP, MID), jnp.bfloat16),
        ),
    )(xc, W_ctx, norm_k_w, norm_v_w)



def _qkv_kernel(x_ref, nw_ref, w_ref, q_ref, k_ref, v_ref):
    xn = _rms(x_ref[...], nw_ref[...])
    qkv = _dotb(xn, w_ref[...])
    q_ref[...] = (qkv[:, :D] * INV_SQRT_DH).astype(jnp.bfloat16)
    k_ref[...] = qkv[:, D:2 * D].astype(jnp.bfloat16)
    v_ref[...] = qkv[:, 2 * D:].astype(jnp.bfloat16)


def _qkv_proj(x, nw, Wqkv_l):
    return pl.pallas_call(
        _qkv_kernel,
        grid=(NB,),
        in_specs=[
            pl.BlockSpec((TB, D), lambda i: (i, 0)),
            pl.BlockSpec((1, D), lambda i: (0, 0)),
            pl.BlockSpec((D, 3 * D), lambda i: (0, 0)),
        ],
        out_specs=(
            pl.BlockSpec((TB, D), lambda i: (i, 0)),
            pl.BlockSpec((TB, D), lambda i: (i, 0)),
            pl.BlockSpec((TB, D), lambda i: (i, 0)),
        ),
        out_shape=(
            jax.ShapeDtypeStruct((TQ, D), jnp.bfloat16),
            jax.ShapeDtypeStruct((TQ, D), jnp.bfloat16),
            jax.ShapeDtypeStruct((TQ, D), jnp.bfloat16),
        ),
    )(x, nw, Wqkv_l)



def _combine_qkv_kernel(x2_ref, y_ref, t1_ref, nw_ref, w_ref,
                        x3_ref, q_ref, k_ref, v_ref):
    x3 = x2_ref[...] + y_ref[...] * t1_ref[0, 0][:, None]
    x3_ref[...] = x3
    xn = _rms(x3, nw_ref[...])
    qkv = _dotb(xn, w_ref[...])
    q_ref[...] = (qkv[:, :D] * INV_SQRT_DH).astype(jnp.bfloat16)
    k_ref[...] = qkv[:, D:2 * D].astype(jnp.bfloat16)
    v_ref[...] = qkv[:, 2 * D:].astype(jnp.bfloat16)


def _combine_qkv(x2, yu, top1, nw, Wqkv_l):
    return pl.pallas_call(
        _combine_qkv_kernel,
        grid=(NB,),
        in_specs=[
            pl.BlockSpec((TB, D), lambda i: (i, 0)),
            pl.BlockSpec((TB, D), lambda i: (i, 0)),
            pl.BlockSpec((1, 1, TB), lambda i: (i, 0, 0)),
            pl.BlockSpec((1, D), lambda i: (0, 0)),
            pl.BlockSpec((D, 3 * D), lambda i: (0, 0)),
        ],
        out_specs=(
            pl.BlockSpec((TB, D), lambda i: (i, 0)),
            pl.BlockSpec((TB, D), lambda i: (i, 0)),
            pl.BlockSpec((TB, D), lambda i: (i, 0)),
            pl.BlockSpec((TB, D), lambda i: (i, 0)),
        ),
        out_shape=(
            jax.ShapeDtypeStruct((TQ, D), jnp.float32),
            jax.ShapeDtypeStruct((TQ, D), jnp.bfloat16),
            jax.ShapeDtypeStruct((TQ, D), jnp.bfloat16),
            jax.ShapeDtypeStruct((TQ, D), jnp.bfloat16),
        ),
    )(x2, yu, top1, nw, Wqkv_l)



def _self_attn_kernel(q_ref, k_ref, v_ref, o_ref, *, base, kw):
    i = pl.program_id(0)
    w0 = kw - 512
    rows = (base + i) * TB + jax.lax.broadcasted_iota(jnp.int32, (TB, 512), 0)
    cols = w0 + jax.lax.broadcasted_iota(jnp.int32, (TB, 512), 1)
    mask = jnp.where(cols > rows, -1e9, 0.0)
    outs = []
    for h in range(HQ):
        qh = q_ref[:, h * DH:(h + 1) * DH]
        kh = k_ref[:, h * DH:(h + 1) * DH]
        s = jax.lax.dot_general(qh, kh, (((1,), (1,)), ((), ())),
                                preferred_element_type=jnp.float32)
        p1f = jnp.exp(s[:, w0:] + mask)
        p1 = p1f.astype(jnp.bfloat16)
        if w0 > 0:
            p0f = jnp.exp(s[:, :w0])
            p0 = p0f.astype(jnp.bfloat16)
            l = (jnp.sum(p0f, axis=-1, keepdims=True)
                 + jnp.sum(p1f, axis=-1, keepdims=True))
            pv = (jax.lax.dot_general(p0, v_ref[:w0, h * DH:(h + 1) * DH],
                                      (((1,), (0,)), ((), ())),
                                      preferred_element_type=jnp.float32)
                  + jax.lax.dot_general(p1, v_ref[w0:, h * DH:(h + 1) * DH],
                                        (((1,), (0,)), ((), ())),
                                        preferred_element_type=jnp.float32))
        else:
            l = jnp.sum(p1f, axis=-1, keepdims=True)
            pv = jax.lax.dot_general(p1, v_ref[:, h * DH:(h + 1) * DH],
                                     (((1,), (0,)), ((), ())),
                                     preferred_element_type=jnp.float32)
        outs.append(pv / l)
    o_ref[...] = jnp.concatenate(outs, axis=1)


_ATTN_PIECES = ((0, 2, 512), (2, 2, 1024), (4, 2, 1536), (6, 2, 2048))


def _self_attn(q, k, v):
    pieces = []
    for base, nqb, kw in _ATTN_PIECES:
        pieces.append(pl.pallas_call(
            functools.partial(_self_attn_kernel, base=base, kw=kw),
            grid=(nqb,),
            in_specs=[
                pl.BlockSpec((TB, D), lambda i, base=base: (base + i, 0)),
                pl.BlockSpec((kw, D), lambda i: (0, 0)),
                pl.BlockSpec((kw, D), lambda i: (0, 0)),
            ],
            out_specs=pl.BlockSpec((TB, D), lambda i: (i, 0)),
            out_shape=jax.ShapeDtypeStruct((nqb * TB, D), jnp.float32),
        )(q, k, v))
    return jnp.concatenate(pieces, axis=0)



def _cross_gate_kernel(a_ref, x_ref, wo_ref, nqw_ref, wq_ref,
                       kc_ref, vc_ref, woc_ref, mnw_ref, wg_ref,
                       x2_ref, xn3_ref, eid_ref, top1_ref, wrank_ref,
                       counts_ref, carry_ref):
    x1 = x_ref[...] + _dotb(a_ref[...], wo_ref[...])
    xn = _rms(x1, nqw_ref[...])
    q2 = (_dotb(xn, wq_ref[...]) * INV_SQRT_DH).astype(jnp.bfloat16)
    kmask = jnp.where(
        jax.lax.broadcasted_iota(jnp.int32, (TB, TCP), 1) >= TC, -1e30, 0.0)
    outs = []
    for h in range(HQ):
        g = h // REP
        qh = q2[:, h * DH:(h + 1) * DH]
        kh = kc_ref[:, g * DH:(g + 1) * DH]
        s = jax.lax.dot_general(qh, kh, (((1,), (1,)), ((), ())),
                                preferred_element_type=jnp.float32)
        pf = jnp.exp(s + kmask)
        l = jnp.sum(pf, axis=-1, keepdims=True)
        pv = jax.lax.dot_general(pf.astype(jnp.bfloat16),
                                 vc_ref[:, g * DH:(g + 1) * DH],
                                 (((1,), (0,)), ((), ())),
                                 preferred_element_type=jnp.float32)
        outs.append(pv / l)
    co = jnp.concatenate(outs, axis=1)
    x2 = x1 + _dotb(co, woc_ref[...])
    x2_ref[...] = x2
    xn3 = _rms(x2, mnw_ref[...])
    xn3_ref[...] = xn3
    glog = _dot(xn3, wg_ref[...])
    m = jnp.max(glog, axis=-1, keepdims=True)
    gp = jnp.exp(glog - m)
    gs = gp / jnp.sum(gp, axis=-1, keepdims=True)
    eid = jnp.argmax(gs, axis=-1).astype(jnp.int32)
    eid_ref[0, 0] = eid
    top1_ref[0, 0] = jnp.max(gs, axis=-1)

    i = pl.program_id(0)

    @pl.when(i == 0)
    def _():
        carry_ref[...] = jnp.zeros((1, E), jnp.float32)

    carry = carry_ref[...]
    ohf = (eid[:, None] == jax.lax.broadcasted_iota(jnp.int32, (TB, E), 1)
           ).astype(jnp.bfloat16)
    tril = (jax.lax.broadcasted_iota(jnp.int32, (TB, TB), 0)
            >= jax.lax.broadcasted_iota(jnp.int32, (TB, TB), 1)
            ).astype(jnp.bfloat16)
    cum = jnp.dot(tril, ohf, preferred_element_type=jnp.float32)
    wrank = jnp.sum((cum - 1.0 + carry) * ohf.astype(jnp.float32), axis=1)
    wrank_ref[0, 0] = wrank.astype(jnp.int32)
    carry_new = carry + cum[TB - 1:TB, :]
    carry_ref[...] = carry_new
    counts_ref[...] = carry_new


def _cross_gate(attn_out, x, Wo_l, nqw, Wq_l, kc_l, vc_l, Woc_l, mnw, Wg_l):
    return pl.pallas_call(
        _cross_gate_kernel,
        grid=(NB,),
        in_specs=[
            pl.BlockSpec((TB, D), lambda i: (i, 0)),
            pl.BlockSpec((TB, D), lambda i: (i, 0)),
            pl.BlockSpec((D, D), lambda i: (0, 0)),
            pl.BlockSpec((1, D), lambda i: (0, 0)),
            pl.BlockSpec((D, D), lambda i: (0, 0)),
            pl.BlockSpec((TCP, MID), lambda i: (0, 0)),
            pl.BlockSpec((TCP, MID), lambda i: (0, 0)),
            pl.BlockSpec((D, D), lambda i: (0, 0)),
            pl.BlockSpec((1, D), lambda i: (0, 0)),
            pl.BlockSpec((D, E), lambda i: (0, 0)),
        ],
        out_specs=(
            pl.BlockSpec((TB, D), lambda i: (i, 0)),
            pl.BlockSpec((TB, D), lambda i: (i, 0)),
            pl.BlockSpec((1, 1, TB), lambda i: (i, 0, 0)),
            pl.BlockSpec((1, 1, TB), lambda i: (i, 0, 0)),
            pl.BlockSpec((1, 1, TB), lambda i: (i, 0, 0)),
            pl.BlockSpec((1, E), lambda i: (0, 0)),
        ),
        out_shape=(
            jax.ShapeDtypeStruct((TQ, D), jnp.float32),
            jax.ShapeDtypeStruct((TQ, D), jnp.float32),
            jax.ShapeDtypeStruct((NB, 1, TB), jnp.int32),
            jax.ShapeDtypeStruct((NB, 1, TB), jnp.float32),
            jax.ShapeDtypeStruct((NB, 1, TB), jnp.int32),
            jax.ShapeDtypeStruct((1, E), jnp.float32),
        ),
        scratch_shapes=[pltpu.VMEM((1, E), jnp.float32)],
    )(attn_out, x, Wo_l, nqw, Wq_l, kc_l, vc_l, Woc_l, mnw, Wg_l)



def _sc_gather(table, idx):
    info = plsc.get_sparse_core_info()
    nc, ns = info.num_cores, info.num_subcores
    nw = nc * ns
    bpw = TQ // nw
    mesh = plsc.VectorSubcoreMesh(core_axis_name="c", subcore_axis_name="s")

    @functools.partial(
        pl.kernel, mesh=mesh,
        out_type=jax.ShapeDtypeStruct((TQ, D), jnp.float32),
        scratch_types=[
            pltpu.VMEM((bpw,), jnp.int32),
            pltpu.VMEM((bpw, D), jnp.float32),
            pltpu.SemaphoreType.DMA,
        ],
    )
    def k(table_hbm, idx_hbm, out_hbm, idx_v, rows_v, sem):
        wid = jax.lax.axis_index("s") * nc + jax.lax.axis_index("c")
        base = wid * bpw
        pltpu.sync_copy(idx_hbm.at[pl.ds(base, bpw)], idx_v)
        pltpu.async_copy(table_hbm.at[idx_v], rows_v, sem).wait()
        pltpu.sync_copy(rows_v, out_hbm.at[pl.ds(base, bpw)])

    return k(table, idx)



def _dest_kernel(wr_ref, eid_ref, cnt_ref, dest_ref, bounds_ref):
    counts = cnt_ref[...]
    sut = (jax.lax.broadcasted_iota(jnp.int32, (E, E), 0)
           < jax.lax.broadcasted_iota(jnp.int32, (E, E), 1)).astype(jnp.float32)
    starts = _dot(counts, sut)
    bounds_ref[0:1, :E] = starts.astype(jnp.int32)
    bounds_ref[0:1, E:] = (starts + counts).astype(jnp.int32)
    eid = eid_ref[...]
    acc = wr_ref[...]
    for e in range(E):
        se = starts[0, e].astype(jnp.int32)
        acc = acc + jnp.where(eid == e, se, 0)
    dest_ref[...] = acc


def _dest(wrank, eid, counts):
    return pl.pallas_call(
        _dest_kernel,
        out_shape=(
            jax.ShapeDtypeStruct((NB, 1, TB), jnp.int32),
            jax.ShapeDtypeStruct((1, 2 * E), jnp.int32),
        ),
    )(wrank, eid, counts)



HDF = DFF // 2


def _moe_kernel(bounds_ref, xs_ref, we1a_ref, we1b_ref, be1_ref,
                we2a_ref, we2b_ref, be2_ref, out_ref):
    e = pl.program_id(0)
    start = bounds_ref[e]
    end = bounds_ref[E + e]

    @pl.when(e == 0)
    def _():
        out_ref[...] = jnp.zeros_like(out_ref)

    w1a = we1a_ref[0].astype(jnp.bfloat16)
    w1b = we1b_ref[0].astype(jnp.bfloat16)
    w2a = we2a_ref[0].astype(jnp.bfloat16)
    w2b = we2b_ref[0].astype(jnp.bfloat16)
    for b in range(NBM):
        r0 = b * TBM

        @pl.when((start < r0 + TBM) & (end > r0))
        def _():
            xb = xs_ref[r0:r0 + TBM, :].astype(jnp.bfloat16)
            ha = _dot(xb, w1a) + be1_ref[0, :, :HDF]
            hb = _dot(xb, w1b) + be1_ref[0, :, HDF:]
            ha = (ha * jax.nn.sigmoid(ha)).astype(jnp.bfloat16)
            hb = (hb * jax.nn.sigmoid(hb)).astype(jnp.bfloat16)
            y = _dot(ha, w2a) + _dot(hb, w2b) + be2_ref[0]
            rows = r0 + jax.lax.broadcasted_iota(jnp.int32, (TBM, D), 0)
            keep = (rows >= start) & (rows < end)
            out_ref[r0:r0 + TBM, :] += jnp.where(keep, y, 0.0)


def _moe_ffn(xs, bounds, We1_l, be1_l, We2_l, be2_l):
    grid_spec = pltpu.PrefetchScalarGridSpec(
        num_scalar_prefetch=1,
        grid=(E,),
        in_specs=[
            pl.BlockSpec((TQ, D), lambda e, b: (0, 0)),
            pl.BlockSpec((1, D, HDF), lambda e, b: (e, 0, 0)),
            pl.BlockSpec((1, D, HDF), lambda e, b: (e, 0, 1)),
            pl.BlockSpec((1, 1, DFF), lambda e, b: (e, 0, 0)),
            pl.BlockSpec((1, HDF, D), lambda e, b: (e, 0, 0)),
            pl.BlockSpec((1, HDF, D), lambda e, b: (e, 1, 0)),
            pl.BlockSpec((1, 1, D), lambda e, b: (e, 0, 0)),
        ],
        out_specs=pl.BlockSpec((TQ, D), lambda e, b: (0, 0)),
    )
    return pl.pallas_call(
        _moe_kernel,
        grid_spec=grid_spec,
        out_shape=jax.ShapeDtypeStruct((TQ, D), jnp.float32),
    )(bounds, xs, We1_l, We1_l, be1_l, We2_l, We2_l, be2_l)



def _combine_kernel_plain(x2_ref, y_ref, t1_ref, o_ref):
    o_ref[...] = x2_ref[...] + y_ref[...] * t1_ref[0, 0][:, None]


def _combine_kernel_final(x2_ref, y_ref, t1_ref, fw_ref, o_ref):
    x3 = x2_ref[...] + y_ref[...] * t1_ref[0, 0][:, None]
    o_ref[...] = _rms(x3, fw_ref[...])


def _combine(x2, yu, top1, final_w=None):
    in_specs = [
        pl.BlockSpec((TB, D), lambda i: (i, 0)),
        pl.BlockSpec((TB, D), lambda i: (i, 0)),
        pl.BlockSpec((1, 1, TB), lambda i: (i, 0, 0)),
    ]
    args = [x2, yu, top1]
    if final_w is None:
        body = _combine_kernel_plain
    else:
        body = _combine_kernel_final
        in_specs.append(pl.BlockSpec((1, D), lambda i: (0, 0)))
        args.append(final_w)
    return pl.pallas_call(
        body,
        grid=(NB,),
        in_specs=in_specs,
        out_specs=pl.BlockSpec((TB, D), lambda i: (i, 0)),
        out_shape=jax.ShapeDtypeStruct((TQ, D), jnp.float32),
    )(*args)



def kernel(x_q, user_static, short_term, long_term, W_ctx, norm_k_w, norm_v_w,
           norm_qkv_w, Wqkv, Wo_self, norm_q_w, Wq, Wo_cross, moe_norm_w,
           Wgate, We1, be1, We2, be2, final_norm_w):
    x = x_q[0]
    xc = jnp.concatenate(
        [user_static[0], short_term[0], long_term[0],
         jnp.zeros((TCP - TC, D), jnp.float32)], axis=0)
    kc, vc = _ctx_kv(xc, W_ctx, norm_k_w, norm_v_w)

    be1r = be1.reshape(L, E, 1, DFF)
    be2r = be2.reshape(L, E, 1, D)

    Wqkv_b = Wqkv.astype(jnp.bfloat16)
    Wo_self_b = Wo_self.astype(jnp.bfloat16)
    Wq_b = Wq.astype(jnp.bfloat16)
    Wo_cross_b = Wo_cross.astype(jnp.bfloat16)

    q, k, v = _qkv_proj(x, norm_qkv_w[0][None, :], Wqkv_b[0])
    for l in range(L):
        attn = _self_attn(q, k, v)
        x2, xn3, eid, top1, wrank, counts = _cross_gate(
            attn, x, Wo_self_b[l], norm_q_w[l][None, :], Wq_b[l],
            kc[l], vc[l], Wo_cross_b[l], moe_norm_w[l][None, :], Wgate[l])

        dest8, bounds2d = _dest(wrank, eid, counts)
        dest = dest8.reshape(TQ)
        bounds = bounds2d.reshape(2 * E)
        order = jnp.zeros((TQ,), jnp.int32).at[dest].set(
            jnp.arange(TQ, dtype=jnp.int32))
        xs = _sc_gather(xn3, order)
        ys = _moe_ffn(xs, bounds, We1[l], be1r[l], We2[l], be2r[l])
        yu = _sc_gather(ys, dest)
        if l < L - 1:
            x, q, k, v = _combine_qkv(x2, yu, top1,
                                      norm_qkv_w[l + 1][None, :],
                                      Wqkv_b[l + 1])
        else:
            x = _combine(x2, yu, top1, final_norm_w[None, :])

    return x[None]

# --- scband reference (transcript-rebuilt; emitter-appended) ---
"""Pipeline reference for scband-lazy-decoder-4612794876263 (READ-ONLY COPY).

The authoritative reference and input builder live on the scoring server;
editing this copy changes nothing except your own understanding.
"""

import jax, jax.numpy as jnp
import numpy as np
import math

L = 2
D = 768
HQ = 12
GKV = 4
DH = 64
E = 8
DFF = 1536
SKV = 2
EPS = 1e-6


def _rms(x, w):
    return x * jax.lax.rsqrt(jnp.mean(x * x, axis=-1, keepdims=True) + EPS) * w


def _attend(q, k, v, mask):
    d = q.shape[-1]
    s = jnp.einsum('bqhd,bkhd->bhqk', q, k) / math.sqrt(d)
    if mask is not None:
        s = s + mask
    p = jax.nn.softmax(s, axis=-1)
    return jnp.einsum('bhqk,bkhd->bqhd', p, v)


def setup_inputs(seed: int = 0) -> dict:
    key = jax.random.key(seed)
    ks = [jax.random.fold_in(key, i) for i in range(16)]
    s = 0.02
    d_ctx = SKV * L * GKV * DH
    inp = {}
    inp['x_q'] = jax.random.normal(ks[0], (1, 2048, D), jnp.float32)
    inp['user_static'] = jax.random.normal(ks[1], (1, 1, D), jnp.float32)
    inp['short_term'] = jax.random.normal(ks[2], (1, 50, D), jnp.float32)
    inp['long_term'] = jax.random.normal(ks[3], (1, 200, D), jnp.float32)
    inp['W_ctx'] = jax.random.normal(ks[4], (D, d_ctx), jnp.float32) * s
    inp['norm_k_w'] = jnp.ones((L, GKV * DH), jnp.float32)
    inp['norm_v_w'] = jnp.ones((L, GKV * DH), jnp.float32)
    inp['norm_qkv_w'] = jnp.ones((L, D), jnp.float32)
    inp['Wqkv'] = jax.random.normal(ks[5], (L, D, 3 * D), jnp.float32) * s
    inp['Wo_self'] = jax.random.normal(ks[6], (L, D, D), jnp.float32) * s
    inp['norm_q_w'] = jnp.ones((L, D), jnp.float32)
    inp['Wq'] = jax.random.normal(ks[7], (L, D, D), jnp.float32) * s
    inp['Wo_cross'] = jax.random.normal(ks[8], (L, D, D), jnp.float32) * s
    inp['moe_norm_w'] = jnp.ones((L, D), jnp.float32)
    inp['Wgate'] = jax.random.normal(ks[9], (L, D, E), jnp.float32) * s
    inp['We1'] = jax.random.normal(ks[10], (L, E, D, DFF), jnp.float32) * s
    inp['be1'] = jnp.zeros((L, E, DFF), jnp.float32)
    inp['We2'] = jax.random.normal(ks[11], (L, E, DFF, D), jnp.float32) * s
    inp['be2'] = jnp.zeros((L, E, D), jnp.float32)
    inp['final_norm_w'] = jnp.ones((D,), jnp.float32)
    return inp


def _forward(x_q, user_static, short_term, long_term, W_ctx, norm_k_w, norm_v_w,
             norm_qkv_w, Wqkv, Wo_self, norm_q_w, Wq, Wo_cross, moe_norm_w,
             Wgate, We1, be1, We2, be2, final_norm_w):
    B, Tq, _ = x_q.shape
    # ContextProcessor: shared projection of user_static / short_term / long_term
    ctx = jnp.concatenate([user_static @ W_ctx, short_term @ W_ctx, long_term @ W_ctx], axis=1)
    Tc = ctx.shape[1]
    chunk = SKV * GKV * DH
    kv_list = []
    for l in range(L):
        ch = ctx[..., l * chunk:(l + 1) * chunk]
        mid = GKV * DH
        k = _rms(ch[..., :mid], norm_k_w[l]).reshape(B, Tc, GKV, DH)
        v = _rms(ch[..., mid:], norm_v_w[l]).reshape(B, Tc, GKV, DH)
        kv_list.append((k, v))
    causal = jnp.triu(jnp.full((Tq, Tq), -1e9, jnp.float32), k=1)[None, None]
    rep = HQ // GKV
    x = x_q
    for l in range(L):
        # causal multi-head self-attention
        xn = _rms(x, norm_qkv_w[l])
        qkv = xn @ Wqkv[l]
        q, k, v = jnp.split(qkv, 3, axis=-1)
        q = q.reshape(B, Tq, HQ, DH)
        k = k.reshape(B, Tq, HQ, DH)
        v = v.reshape(B, Tq, HQ, DH)
        x = x + _attend(q, k, v, causal).reshape(B, Tq, D) @ Wo_self[l]
        # lazy GQA cross-attention over context KV
        xn = _rms(x, norm_q_w[l])
        q = (xn @ Wq[l]).reshape(B, Tq, HQ, DH)
        kc, vc = kv_list[l]
        kc = jnp.repeat(kc, rep, axis=2)
        vc = jnp.repeat(vc, rep, axis=2)
        x = x + _attend(q, kc, vc, None).reshape(B, Tq, D) @ Wo_cross[l]
        # top-1 MoE feed-forward (dense compute + one-hot combine; math-equivalent to masked dispatch)
        xn = _rms(x, moe_norm_w[l])
        gs = jax.nn.softmax(xn @ Wgate[l], axis=-1)
        top1 = jnp.max(gs, axis=-1)
        oh = jax.nn.one_hot(jnp.argmax(gs, axis=-1), E, dtype=xn.dtype)
        h = jax.nn.silu(jnp.einsum('btd,edf->btef', xn, We1[l]) + be1[l])
        ya = jnp.einsum('btef,efd->bted', h, We2[l]) + be2[l]
        x = x + jnp.einsum('bte,bted->btd', oh, ya) * top1[..., None]
    return _rms(x, final_norm_w)


def reference(x_q, user_static, short_term, long_term, W_ctx, norm_k_w, norm_v_w,
              norm_qkv_w, Wqkv, Wo_self, norm_q_w, Wq, Wo_cross, moe_norm_w,
              Wgate, We1, be1, We2, be2, final_norm_w):
    return _forward(x_q, user_static, short_term, long_term, W_ctx, norm_k_w, norm_v_w,
                    norm_qkv_w, Wqkv, Wo_self, norm_q_w, Wq, Wo_cross, moe_norm_w,
                    Wgate, We1, be1, We2, be2, final_norm_w)

if __name__ == "__main__":
    import jax
    _d = setup_inputs()
    print(jax.jit(kernel)(*tuple(_d.values())))

</pallas_src>

<mosaic_0001>
#map = affine_map<(d0, d1) -> (0, 0)>
#map1 = affine_map<(d0, d1) -> (0)>
module attributes {stable_mosaic.version = 14 : i64} {
  func.func @k(%arg0: i32, %arg1: i32, %arg2: memref<2048x768xf32, #tpu.memory_space<hbm>>, %arg3: memref<2048xi32, #tpu.memory_space<hbm>>, %arg4: memref<2048x768xf32, #tpu.memory_space<hbm>>, %arg5: memref<64xi32, #tpu.memory_space<vmem>>, %arg6: memref<64x768xf32, #tpu.memory_space<vmem>>, %arg7: memref<!tpu.dma_semaphore, #tpu.memory_space<semaphore_mem>>) attributes {dimension_semantics = [#tpu.dimension_semantics<core_parallel>, #tpu.dimension_semantics<subcore_parallel>], iteration_bounds = array<i64: 2, 16>, scalar_prefetch = 0 : i64, scratch_operands = 3 : i64, tpu.core_type = #tpu.core_type<sc_vector_subcore>, window_params = [{transform_indices = #map}, {transform_indices = #map1}, {transform_indices = #map}]} {
    %mul3A = arith.constant 2 : i32
    %mul3A_0 = arith.muli %arg1, %mul3A : i32
    %add3A = arith.addi %mul3A_0, %arg0 : i32
    %mul3A_1 = arith.constant 64 : i32
    %mul3A_2 = arith.muli %add3A, %mul3A_1 : i32
    "tpu.region"() ({
      %run_scoped3A = tpu.sem_alloc : memref<!tpu.dma_semaphore, #tpu.memory_space<semaphore_mem>>
      %dma_start3A_7 = tpu.memref_slice %arg3[%mul3A_2] : memref<2048xi32, #tpu.memory_space<hbm>> -> memref<64xi32, #tpu.memory_space<hbm>>
      %dma_start3A_8 = tpu.memref_slice %arg3[%mul3A_2] : memref<2048xi32, #tpu.memory_space<hbm>> -> memref<64xi32, #tpu.memory_space<hbm>>
      tpu.enqueue_dma source(%dma_start3A_8 : memref<64xi32, #tpu.memory_space<hbm>>) target(%arg5 : memref<64xi32, #tpu.memory_space<vmem>>) target_semaphore(%run_scoped3A : memref<!tpu.dma_semaphore, #tpu.memory_space<semaphore_mem>>)
      %dma_wait3A_9 = tpu.memref_slice %arg3[%mul3A_2] : memref<2048xi32, #tpu.memory_space<hbm>> -> memref<64xi32, #tpu.memory_space<hbm>>
      %dma_wait3A_10 = tpu.memref_slice %arg3[%mul3A_2] : memref<2048xi32, #tpu.memory_space<hbm>> -> memref<64xi32, #tpu.memory_space<hbm>>
      tpu.wait_dma2 semaphore(%run_scoped3A : memref<!tpu.dma_semaphore, #tpu.memory_space<semaphore_mem>>) src(%dma_wait3A_10 : memref<64xi32, #tpu.memory_space<hbm>>) dst(%arg5 : memref<64xi32, #tpu.memory_space<vmem>>)
      tpu.yield
    }) : () -> ()
    %dma_start3A = arith.constant 0 : i32
    %dma_start3A_3 = arith.constant 0 : i32
    %dma_start3A_4 = tpu.memref_slice %arg2[%dma_start3A, %dma_start3A_3] : memref<2048x768xf32, #tpu.memory_space<hbm>> -> memref<2048x768xf32, #tpu.memory_space<hbm>>
    tpu.enqueue_indirect_dma source(%dma_start3A_4 : memref<2048x768xf32, #tpu.memory_space<hbm>>) target(%arg6 : memref<64x768xf32, #tpu.memory_space<vmem>>) offsets(%arg5 : memref<64xi32, #tpu.memory_space<vmem>>) semaphore(%arg7 : memref<!tpu.dma_semaphore, #tpu.memory_space<semaphore_mem>>)
    %dma_wait3A = arith.constant 0 : i32
    %dma_wait3A_5 = arith.constant 0 : i32
    %dma_wait3A_6 = tpu.memref_slice %arg2[%dma_wait3A, %dma_wait3A_5] : memref<2048x768xf32, #tpu.memory_space<hbm>> -> memref<2048x768xf32, #tpu.memory_space<hbm>>
    tpu.wait_indirect_dma semaphore(%arg7 : memref<!tpu.dma_semaphore, #tpu.memory_space<semaphore_mem>>) src(%dma_wait3A_6 : memref<2048x768xf32, #tpu.memory_space<hbm>>) dst(%arg6 : memref<64x768xf32, #tpu.memory_space<vmem>>)
    "tpu.region"() ({
      %run_scoped3A = tpu.sem_alloc : memref<!tpu.dma_semaphore, #tpu.memory_space<semaphore_mem>>
      %dma_start3A_7 = arith.constant 0 : i32
      %dma_start3A_8 = tpu.memref_slice %arg4[%mul3A_2, %dma_start3A_7] : memref<2048x768xf32, #tpu.memory_space<hbm>> -> memref<64x768xf32, #tpu.memory_space<hbm>>
      %dma_start3A_9 = arith.constant 0 : i32
      %dma_start3A_10 = tpu.memref_slice %arg4[%mul3A_2, %dma_start3A_9] : memref<2048x768xf32, #tpu.memory_space<hbm>> -> memref<64x768xf32, #tpu.memory_space<hbm>>
      tpu.enqueue_dma source(%arg6 : memref<64x768xf32, #tpu.memory_space<vmem>>) target(%dma_start3A_10 : memref<64x768xf32, #tpu.memory_space<hbm>>) target_semaphore(%run_scoped3A : memref<!tpu.dma_semaphore, #tpu.memory_space<semaphore_mem>>)
      %dma_wait3A_11 = arith.constant 0 : i32
      %dma_wait3A_12 = tpu.memref_slice %arg4[%mul3A_2, %dma_wait3A_11] : memref<2048x768xf32, #tpu.memory_space<hbm>> -> memref<64x768xf32, #tpu.memory_space<hbm>>
      %dma_wait3A_13 = arith.constant 0 : i32
      %dma_wait3A_14 = tpu.memref_slice %arg4[%mul3A_2, %dma_wait3A_13] : memref<2048x768xf32, #tpu.memory_space<hbm>> -> memref<64x768xf32, #tpu.memory_space<hbm>>
      tpu.wait_dma2 semaphore(%run_scoped3A : memref<!tpu.dma_semaphore, #tpu.memory_space<semaphore_mem>>) src(%arg6 : memref<64x768xf32, #tpu.memory_space<vmem>>) dst(%dma_wait3A_14 : memref<64x768xf32, #tpu.memory_space<hbm>>)
      tpu.yield
    }) : () -> ()
    return
  }
}

#map = affine_map<(d0, d1) -> (0, 0)>
#map1 = affine_map<(d0, d1) -> (0)>
module attributes {stable_mosaic.version = 14 : i64} {
  func.func @k(%arg0: i32, %arg1: i32, %arg2: memref<2048x768xf32, #tpu.memory_space<hbm>>, %arg3: memref<2048xi32, #tpu.memory_space<hbm>>, %arg4: memref<2048x768xf32, #tpu.memory_space<hbm>>, %arg5: memref<64xi32, #tpu.memory_space<vmem>>, %arg6: memref<64x768xf32, #tpu.memory_space<vmem>>, %arg7: memref<!tpu.dma_semaphore, #tpu.memory_space<semaphore_mem>>) attributes {dimension_semantics = [#tpu.dimension_semantics<core_parallel>, #tpu.dimension_semantics<subcore_parallel>], iteration_bounds = array<i64: 2, 16>, scalar_prefetch = 0 : i64, scratch_operands = 3 : i64, tpu.core_type = #tpu.core_type<sc_vector_subcore>, window_params = [{transform_indices = #map}, {transform_indices = #map1}, {transform_indices = #map}]} {
    %mul3A = arith.constant 2 : i32
    %mul3A_0 = arith.muli %arg1, %mul3A : i32
    %add3A = arith.addi %mul3A_0, %arg0 : i32
    %mul3A_1 = arith.constant 64 : i32
    %mul3A_2 = arith.muli %add3A, %mul3A_1 : i32
    "tpu.region"() ({
      %run_scoped3A = tpu.sem_alloc : memref<!tpu.dma_semaphore, #tpu.memory_space<semaphore_mem>>
      %dma_start3A_7 = tpu.memref_slice %arg3[%mul3A_2] : memref<2048xi32, #tpu.memory_space<hbm>> -> memref<64xi32, #tpu.memory_space<hbm>>
      %dma_start3A_8 = tpu.memref_slice %arg3[%mul3A_2] : memref<2048xi32, #tpu.memory_space<hbm>> -> memref<64xi32, #tpu.memory_space<hbm>>
      tpu.enqueue_dma source(%dma_start3A_8 : memref<64xi32, #tpu.memory_space<hbm>>) target(%arg5 : memref<64xi32, #tpu.memory_space<vmem>>) target_semaphore(%run_scoped3A : memref<!tpu.dma_semaphore, #tpu.memory_space<semaphore_mem>>)
      %dma_wait3A_9 = tpu.memref_slice %arg3[%mul3A_2] : memref<2048xi32, #tpu.memory_space<hbm>> -> memref<64xi32, #tpu.memory_space<hbm>>
      %dma_wait3A_10 = tpu.memref_slice %arg3[%mul3A_2] : memref<2048xi32, #tpu.memory_space<hbm>> -> memref<64xi32, #tpu.memory_space<hbm>>
      tpu.wait_dma2 semaphore(%run_scoped3A : memref<!tpu.dma_semaphore, #tpu.memory_space<semaphore_mem>>) src(%dma_wait3A_10 : memref<64xi32, #tpu.memory_space<hbm>>) dst(%arg5 : memref<64xi32, #tpu.memory_space<vmem>>)
      tpu.yield
    }) : () -> ()
    %dma_start3A = arith.constant 0 : i32
    %dma_start3A_3 = arith.constant 0 : i32
    %dma_start3A_4 = tpu.memref_slice %arg2[%dma_start3A, %dma_start3A_3] : memref<2048x768xf32, #tpu.memory_space<hbm>> -> memref<2048x768xf32, #tpu.memory_space<hbm>>
    tpu.enqueue_indirect_dma source(%dma_start3A_4 : memref<2048x768xf32, #tpu.memory_space<hbm>>) target(%arg6 : memref<64x768xf32, #tpu.memory_space<vmem>>) offsets(%arg5 : memref<64xi32, #tpu.memory_space<vmem>>) semaphore(%arg7 : memref<!tpu.dma_semaphore, #tpu.memory_space<semaphore_mem>>)
    %dma_wait3A = arith.constant 0 : i32
    %dma_wait3A_5 = arith.constant 0 : i32
    %dma_wait3A_6 = tpu.memref_slice %arg2[%dma_wait3A, %dma_wait3A_5] : memref<2048x768xf32, #tpu.memory_space<hbm>> -> memref<2048x768xf32, #tpu.memory_space<hbm>>
    tpu.wait_indirect_dma semaphore(%arg7 : memref<!tpu.dma_semaphore, #tpu.memory_space<semaphore_mem>>) src(%dma_wait3A_6 : memref<2048x768xf32, #tpu.memory_space<hbm>>) dst(%arg6 : memref<64x768xf32, #tpu.memory_space<vmem>>)
    "tpu.region"() ({
      %run_scoped3A = tpu.sem_alloc : memref<!tpu.dma_semaphore, #tpu.memory_space<semaphore_mem>>
      %dma_start3A_7 = arith.constant 0 : i32
      %dma_start3A_8 = tpu.memref_slice %arg4[%mul3A_2, %dma_start3A_7] : memref<2048x768xf32, #tpu.memory_space<hbm>> -> memref<64x768xf32, #tpu.memory_space<hbm>>
      %dma_start3A_9 = arith.constant 0 : i32
      %dma_start3A_10 = tpu.memref_slice %arg4[%mul3A_2, %dma_start3A_9] : memref<2048x768xf32, #tpu.memory_space<hbm>> -> memref<64x768xf32, #tpu.memory_space<hbm>>
      tpu.enqueue_dma source(%arg6 : memref<64x768xf32, #tpu.memory_space<vmem>>) target(%dma_start3A_10 : memref<64x768xf32, #tpu.memory_space<hbm>>) target_semaphore(%run_scoped3A : memref<!tpu.dma_semaphore, #tpu.memory_space<semaphore_mem>>)
      %dma_wait3A_11 = arith.constant 0 : i32
      %dma_wait3A_12 = tpu.memref_slice %arg4[%mul3A_2, %dma_wait3A_11] : memref<2048x768xf32, #tpu.memory_space<hbm>> -> memref<64x768xf32, #tpu.memory_space<hbm>>
      %dma_wait3A_13 = arith.constant 0 : i32
      %dma_wait3A_14 = tpu.memref_slice %arg4[%mul3A_2, %dma_wait3A_13] : memref<2048x768xf32, #tpu.memory_space<hbm>> -> memref<64x768xf32, #tpu.memory_space<hbm>>
      tpu.wait_dma2 semaphore(%run_scoped3A : memref<!tpu.dma_semaphore, #tpu.memory_space<semaphore_mem>>) src(%arg6 : memref<64x768xf32, #tpu.memory_space<vmem>>) dst(%dma_wait3A_14 : memref<64x768xf32, #tpu.memory_space<hbm>>)
      tpu.yield
    }) : () -> ()
    return
  }
}

#map = affine_map<(d0, d1) -> (0, 0)>
#map1 = affine_map<(d0, d1) -> (0)>
module attributes {stable_mosaic.version = 14 : i64} {
  func.func @k(%arg0: i32, %arg1: i32, %arg2: memref<2048x768xf32, #tpu.memory_space<hbm>>, %arg3: memref<2048xi32, #tpu.memory_space<hbm>>, %arg4: memref<2048x768xf32, #tpu.memory_space<hbm>>, %arg5: memref<64xi32, #tpu.memory_space<vmem>>, %arg6: memref<64x768xf32, #tpu.memory_space<vmem>>, %arg7: memref<!tpu.dma_semaphore, #tpu.memory_space<semaphore_mem>>) attributes {dimension_semantics = [#tpu.dimension_semantics<core_parallel>, #tpu.dimension_semantics<subcore_parallel>], iteration_bounds = array<i64: 2, 16>, scalar_prefetch = 0 : i64, scratch_operands = 3 : i64, tpu.core_type = #tpu.core_type<sc_vector_subcore>, window_params = [{transform_indices = #map}, {transform_indices = #map1}, {transform_indices = #map}]} {
    %mul3A = arith.constant 2 : i32
    %mul3A_0 = arith.muli %arg1, %mul3A : i32
    %add3A = arith.addi %mul3A_0, %arg0 : i32
    %mul3A_1 = arith.constant 64 : i32
    %mul3A_2 = arith.muli %add3A, %mul3A_1 : i32
    "tpu.region"() ({
      %run_scoped3A = tpu.sem_alloc : memref<!tpu.dma_semaphore, #tpu.memory_space<semaphore_mem>>
      %dma_start3A_7 = tpu.memref_slice %arg3[%mul3A_2] : memref<2048xi32, #tpu.memory_space<hbm>> -> memref<64xi32, #tpu.memory_space<hbm>>
      %dma_start3A_8 = tpu.memref_slice %arg3[%mul3A_2] : memref<2048xi32, #tpu.memory_space<hbm>> -> memref<64xi32, #tpu.memory_space<hbm>>
      tpu.enqueue_dma source(%dma_start3A_8 : memref<64xi32, #tpu.memory_space<hbm>>) target(%arg5 : memref<64xi32, #tpu.memory_space<vmem>>) target_semaphore(%run_scoped3A : memref<!tpu.dma_semaphore, #tpu.memory_space<semaphore_mem>>)
      %dma_wait3A_9 = tpu.memref_slice %arg3[%mul3A_2] : memref<2048xi32, #tpu.memory_space<hbm>> -> memref<64xi32, #tpu.memory_space<hbm>>
      %dma_wait3A_10 = tpu.memref_slice %arg3[%mul3A_2] : memref<2048xi32, #tpu.memory_space<hbm>> -> memref<64xi32, #tpu.memory_space<hbm>>
      tpu.wait_dma2 semaphore(%run_scoped3A : memref<!tpu.dma_semaphore, #tpu.memory_space<semaphore_mem>>) src(%dma_wait3A_10 : memref<64xi32, #tpu.memory_space<hbm>>) dst(%arg5 : memref<64xi32, #tpu.memory_space<vmem>>)
      tpu.yield
    }) : () -> ()
    %dma_start3A = arith.constant 0 : i32
    %dma_start3A_3 = arith.constant 0 : i32
    %dma_start3A_4 = tpu.memref_slice %arg2[%dma_start3A, %dma_start3A_3] : memref<2048x768xf32, #tpu.memory_space<hbm>> -> memref<2048x768xf32, #tpu.memory_space<hbm>>
    tpu.enqueue_indirect_dma source(%dma_start3A_4 : memref<2048x768xf32, #tpu.memory_space<hbm>>) target(%arg6 : memref<64x768xf32, #tpu.memory_space<vmem>>) offsets(%arg5 : memref<64xi32, #tpu.memory_space<vmem>>) semaphore(%arg7 : memref<!tpu.dma_semaphore, #tpu.memory_space<semaphore_mem>>)
    %dma_wait3A = arith.constant 0 : i32
    %dma_wait3A_5 = arith.constant 0 : i32
    %dma_wait3A_6 = tpu.memref_slice %arg2[%dma_wait3A, %dma_wait3A_5] : memref<2048x768xf32, #tpu.memory_space<hbm>> -> memref<2048x768xf32, #tpu.memory_space<hbm>>
    tpu.wait_indirect_dma semaphore(%arg7 : memref<!tpu.dma_semaphore, #tpu.memory_space<semaphore_mem>>) src(%dma_wait3A_6 : memref<2048x768xf32, #tpu.memory_space<hbm>>) dst(%arg6 : memref<64x768xf32, #tpu.memory_space<vmem>>)
    "tpu.region"() ({
      %run_scoped3A = tpu.sem_alloc : memref<!tpu.dma_semaphore, #tpu.memory_space<semaphore_mem>>
      %dma_start3A_7 = arith.constant 0 : i32
      %dma_start3A_8 = tpu.memref_slice %arg4[%mul3A_2, %dma_start3A_7] : memref<2048x768xf32, #tpu.memory_space<hbm>> -> memref<64x768xf32, #tpu.memory_space<hbm>>
      %dma_start3A_9 = arith.constant 0 : i32
      %dma_start3A_10 = tpu.memref_slice %arg4[%mul3A_2, %dma_start3A_9] : memref<2048x768xf32, #tpu.memory_space<hbm>> -> memref<64x768xf32, #tpu.memory_space<hbm>>
      tpu.enqueue_dma source(%arg6 : memref<64x768xf32, #tpu.memory_space<vmem>>) target(%dma_start3A_10 : memref<64x768xf32, #tpu.memory_space<hbm>>) target_semaphore(%run_scoped3A : memref<!tpu.dma_semaphore, #tpu.memory_space<semaphore_mem>>)
      %dma_wait3A_11 = arith.constant 0 : i32
      %dma_wait3A_12 = tpu.memref_slice %arg4[%mul3A_2, %dma_wait3A_11] : memref<2048x768xf32, #tpu.memory_space<hbm>> -> memref<64x768xf32, #tpu.memory_space<hbm>>
      %dma_wait3A_13 = arith.constant 0 : i32
      %dma_wait3A_14 = tpu.memref_slice %arg4[%mul3A_2, %dma_wait3A_13] : memref<2048x768xf32, #tpu.memory_space<hbm>> -> memref<64x768xf32, #tpu.memory_space<hbm>>
      tpu.wait_dma2 semaphore(%run_scoped3A : memref<!tpu.dma_semaphore, #tpu.memory_space<semaphore_mem>>) src(%arg6 : memref<64x768xf32, #tpu.memory_space<vmem>>) dst(%dma_wait3A_14 : memref<64x768xf32, #tpu.memory_space<hbm>>)
      tpu.yield
    }) : () -> ()
    return
  }
}

#map = affine_map<(d0, d1) -> (0, 0)>
#map1 = affine_map<(d0, d1) -> (0)>
module attributes {stable_mosaic.version = 14 : i64} {
  func.func @k(%arg0: i32, %arg1: i32, %arg2: memref<2048x768xf32, #tpu.memory_space<hbm>>, %arg3: memref<2048xi32, #tpu.memory_space<hbm>>, %arg4: memref<2048x768xf32, #tpu.memory_space<hbm>>, %arg5: memref<64xi32, #tpu.memory_space<vmem>>, %arg6: memref<64x768xf32, #tpu.memory_space<vmem>>, %arg7: memref<!tpu.dma_semaphore, #tpu.memory_space<semaphore_mem>>) attributes {dimension_semantics = [#tpu.dimension_semantics<core_parallel>, #tpu.dimension_semantics<subcore_parallel>], iteration_bounds = array<i64: 2, 16>, scalar_prefetch = 0 : i64, scratch_operands = 3 : i64, tpu.core_type = #tpu.core_type<sc_vector_subcore>, window_params = [{transform_indices = #map}, {transform_indices = #map1}, {transform_indices = #map}]} {
    %mul3A = arith.constant 2 : i32
    %mul3A_0 = arith.muli %arg1, %mul3A : i32
    %add3A = arith.addi %mul3A_0, %arg0 : i32
    %mul3A_1 = arith.constant 64 : i32
    %mul3A_2 = arith.muli %add3A, %mul3A_1 : i32
    "tpu.region"() ({
      %run_scoped3A = tpu.sem_alloc : memref<!tpu.dma_semaphore, #tpu.memory_space<semaphore_mem>>
      %dma_start3A_7 = tpu.memref_slice %arg3[%mul3A_2] : memref<2048xi32, #tpu.memory_space<hbm>> -> memref<64xi32, #tpu.memory_space<hbm>>
      %dma_start3A_8 = tpu.memref_slice %arg3[%mul3A_2] : memref<2048xi32, #tpu.memory_space<hbm>> -> memref<64xi32, #tpu.memory_space<hbm>>
      tpu.enqueue_dma source(%dma_start3A_8 : memref<64xi32, #tpu.memory_space<hbm>>) target(%arg5 : memref<64xi32, #tpu.memory_space<vmem>>) target_semaphore(%run_scoped3A : memref<!tpu.dma_semaphore, #tpu.memory_space<semaphore_mem>>)
      %dma_wait3A_9 = tpu.memref_slice %arg3[%mul3A_2] : memref<2048xi32, #tpu.memory_space<hbm>> -> memref<64xi32, #tpu.memory_space<hbm>>
      %dma_wait3A_10 = tpu.memref_slice %arg3[%mul3A_2] : memref<2048xi32, #tpu.memory_space<hbm>> -> memref<64xi32, #tpu.memory_space<hbm>>
      tpu.wait_dma2 semaphore(%run_scoped3A : memref<!tpu.dma_semaphore, #tpu.memory_space<semaphore_mem>>) src(%dma_wait3A_10 : memref<64xi32, #tpu.memory_space<hbm>>) dst(%arg5 : memref<64xi32, #tpu.memory_space<vmem>>)
      tpu.yield
    }) : () -> ()
    %dma_start3A = arith.constant 0 : i32
    %dma_start3A_3 = arith.constant 0 : i32
    %dma_start3A_4 = tpu.memref_slice %arg2[%dma_start3A, %dma_start3A_3] : memref<2048x768xf32, #tpu.memory_space<hbm>> -> memref<2048x768xf32, #tpu.memory_space<hbm>>
    tpu.enqueue_indirect_dma source(%dma_start3A_4 : memref<2048x768xf32, #tpu.memory_space<hbm>>) target(%arg6 : memref<64x768xf32, #tpu.memory_space<vmem>>) offsets(%arg5 : memref<64xi32, #tpu.memory_space<vmem>>) semaphore(%arg7 : memref<!tpu.dma_semaphore, #tpu.memory_space<semaphore_mem>>)
    %dma_wait3A = arith.constant 0 : i32
    %dma_wait3A_5 = arith.constant 0 : i32
    %dma_wait3A_6 = tpu.memref_slice %arg2[%dma_wait3A, %dma_wait3A_5] : memref<2048x768xf32, #tpu.memory_space<hbm>> -> memref<2048x768xf32, #tpu.memory_space<hbm>>
    tpu.wait_indirect_dma semaphore(%arg7 : memref<!tpu.dma_semaphore, #tpu.memory_space<semaphore_mem>>) src(%dma_wait3A_6 : memref<2048x768xf32, #tpu.memory_space<hbm>>) dst(%arg6 : memref<64x768xf32, #tpu.memory_space<vmem>>)
    "tpu.region"() ({
      %run_scoped3A = tpu.sem_alloc : memref<!tpu.dma_semaphore, #tpu.memory_space<semaphore_mem>>
      %dma_start3A_7 = arith.constant 0 : i32
      %dma_start3A_8 = tpu.memref_slice %arg4[%mul3A_2, %dma_start3A_7] : memref<2048x768xf32, #tpu.memory_space<hbm>> -> memref<64x768xf32, #tpu.memory_space<hbm>>
      %dma_start3A_9 = arith.constant 0 : i32
      %dma_start3A_10 = tpu.memref_slice %arg4[%mul3A_2, %dma_start3A_9] : memref<2048x768xf32, #tpu.memory_space<hbm>> -> memref<64x768xf32, #tpu.memory_space<hbm>>
      tpu.enqueue_dma source(%arg6 : memref<64x768xf32, #tpu.memory_space<vmem>>) target(%dma_start3A_10 : memref<64x768xf32, #tpu.memory_space<hbm>>) target_semaphore(%run_scoped3A : memref<!tpu.dma_semaphore, #tpu.memory_space<semaphore_mem>>)
      %dma_wait3A_11 = arith.constant 0 : i32
      %dma_wait3A_12 = tpu.memref_slice %arg4[%mul3A_2, %dma_wait3A_11] : memref<2048x768xf32, #tpu.memory_space<hbm>> -> memref<64x768xf32, #tpu.memory_space<hbm>>
      %dma_wait3A_13 = arith.constant 0 : i32
      %dma_wait3A_14 = tpu.memref_slice %arg4[%mul3A_2, %dma_wait3A_13] : memref<2048x768xf32, #tpu.memory_space<hbm>> -> memref<64x768xf32, #tpu.memory_space<hbm>>
      tpu.wait_dma2 semaphore(%run_scoped3A : memref<!tpu.dma_semaphore, #tpu.memory_space<semaphore_mem>>) src(%arg6 : memref<64x768xf32, #tpu.memory_space<vmem>>) dst(%dma_wait3A_14 : memref<64x768xf32, #tpu.memory_space<hbm>>)
      tpu.yield
    }) : () -> ()
    return
  }
}

module attributes {stable_mosaic.version = 14 : i64} {
  func.func @_qkv_kernel(%arg0: i32, %arg1: memref<256x768xf32, #tpu.memory_space<vmem>>, %arg2: memref<1x768xf32, #tpu.memory_space<vmem>>, %arg3: memref<768x2304xbf16, #tpu.memory_space<vmem>>, %arg4: memref<256x768xbf16, #tpu.memory_space<vmem>>, %arg5: memref<256x768xbf16, #tpu.memory_space<vmem>>, %arg6: memref<256x768xbf16, #tpu.memory_space<vmem>>) attributes {dimension_semantics = [#tpu.dimension_semantics<arbitrary>], iteration_bounds = array<i64: 8>, scalar_prefetch = 0 : i64, scratch_operands = 0 : i64, tpu.core_type = #tpu.core_type<tc>, window_params = [{transform_indices = @transform_0, window_bounds = array<i64: 256, 768>}, {pipeline_mode = #tpu.pipeline_mode<synchronous>, transform_indices = @transform_1, window_bounds = array<i64: 1, 768>}, {pipeline_mode = #tpu.pipeline_mode<synchronous>, transform_indices = @transform_2, window_bounds = array<i64: 768, 2304>}, {transform_indices = @transform_3, window_bounds = array<i64: 256, 768>}, {transform_indices = @transform_4, window_bounds = array<i64: 256, 768>}, {transform_indices = @transform_5, window_bounds = array<i64: 256, 768>}]} {
    %get3A = arith.constant 0 : index
    %get3A_0 = arith.constant 0 : index
    %get3A_1 = vector.load %arg1[%get3A, %get3A_0] : memref<256x768xf32, #tpu.memory_space<vmem>>, vector<256x768xf32>
    %get3A_2 = arith.constant 0 : index
    %get3A_3 = arith.constant 0 : index
    %get3A_4 = vector.load %arg2[%get3A_2, %get3A_3] : memref<1x768xf32, #tpu.memory_space<vmem>>, vector<1x768xf32>
    %mul3A = arith.mulf %get3A_1, %get3A_1 : vector<256x768xf32>
    %reduce_sum3A = arith.constant dense<0.000000e+00> : vector<256xf32>
    %reduce_sum3A_5 = vector.multi_reduction <add>, %mul3A, %reduce_sum3A [1] : vector<256x768xf32> to vector<256xf32>
    %broadcast_in_dim3A = vector.shape_cast %reduce_sum3A_5 : vector<256xf32> to vector<256x1xf32>
    %div3A = arith.constant 7.680000e+02 : f32
    %div3A_6 = vector.broadcast %div3A : f32 to vector<256x1xf32>
    %div3A_7 = arith.divf %broadcast_in_dim3A, %div3A_6 : vector<256x1xf32>
    %add3A = arith.constant 9.99999997E-7 : f32
    %add3A_8 = vector.broadcast %add3A : f32 to vector<256x1xf32>
    %add3A_9 = arith.addf %div3A_7, %add3A_8 : vector<256x1xf32>
    %rsqrt3A = math.rsqrt %add3A_9 : vector<256x1xf32>
    %mul3A_10 = vector.broadcast %rsqrt3A : vector<256x1xf32> to vector<256x768xf32>
    %mul3A_11 = arith.mulf %get3A_1, %mul3A_10 : vector<256x768xf32>
    %mul3A_12 = vector.broadcast %get3A_4 : vector<1x768xf32> to vector<256x768xf32>
    %mul3A_13 = arith.mulf %mul3A_11, %mul3A_12 : vector<256x768xf32>
    %get3A_14 = arith.constant 0 : index
    %get3A_15 = arith.constant 0 : index
    %get3A_16 = vector.load %arg3[%get3A_14, %get3A_15] : memref<768x2304xbf16, #tpu.memory_space<vmem>>, vector<768x2304xbf16>
    %convert_element_type3A = arith.truncf %mul3A_13 : vector<256x768xf32> to vector<256x768xbf16>
    %dot_general3A = arith.constant dense<0.000000e+00> : vector<256x2304xf32>
    %dot_general3A_17 = tpu.matmul %convert_element_type3A, %get3A_16, %dot_general3A {dimension_numbers = #tpu.dot_dimension_numbers<[1], [0], [0], [1], [0, 0, 1, 1], [], []>, transpose_lhs_hint = false} : vector<256x768xbf16>, vector<768x2304xbf16>, vector<256x2304xf32> -> vector<256x2304xf32>
    %slice3A = vector.extract_strided_slice %dot_general3A_17 {offsets = [0, 0], sizes = [256, 768], strides = [1, 1]} : vector<256x2304xf32> to vector<256x768xf32>
    %mul3A_18 = arith.constant 1.250000e-01 : f32
    %mul3A_19 = vector.broadcast %mul3A_18 : f32 to vector<256x768xf32>
    %mul3A_20 = arith.mulf %slice3A, %mul3A_19 : vector<256x768xf32>
    %convert_element_type3A_21 = arith.truncf %mul3A_20 : vector<256x768xf32> to vector<256x768xbf16>
    %swap3A = arith.constant 0 : index
    %swap3A_22 = arith.constant 0 : index
    %swap3A_23 = vector.load %arg4[%swap3A, %swap3A_22] : memref<256x768xbf16, #tpu.memory_space<vmem>>, vector<256x768xbf16>
    tpu.vector_store %arg4[%swap3A, %swap3A_22], %convert_element_type3A_21 {strides = array<i32>} : memref<256x768xbf16, #tpu.memory_space<vmem>>, vector<256x768xbf16>,
    %slice3A_24 = vector.extract_strided_slice %dot_general3A_17 {offsets = [0, 768], sizes = [256, 768], strides = [1, 1]} : vector<256x2304xf32> to vector<256x768xf32>
    %convert_element_type3A_25 = arith.truncf %slice3A_24 : vector<256x768xf32> to vector<256x768xbf16>
    %swap3A_26 = arith.constant 0 : index
    %swap3A_27 = arith.constant 0 : index
    %swap3A_28 = vector.load %arg5[%swap3A_26, %swap3A_27] : memref<256x768xbf16, #tpu.memory_space<vmem>>, vector<256x768xbf16>
    tpu.vector_store %arg5[%swap3A_26, %swap3A_27], %convert_element_type3A_25 {strides = array<i32>} : memref<256x768xbf16, #tpu.memory_space<vmem>>, vector<256x768xbf16>,
    %slice3A_29 = vector.extract_strided_slice %dot_general3A_17 {offsets = [0, 1536], sizes = [256, 768], strides = [1, 1]} : vector<256x2304xf32> to vector<256x768xf32>
    %convert_element_type3A_30 = arith.truncf %slice3A_29 : vector<256x768xf32> to vector<256x768xbf16>
    %swap3A_31 = arith.constant 0 : index
    %swap3A_32 = arith.constant 0 : index
    %swap3A_33 = vector.load %arg6[%swap3A_31, %swap3A_32] : memref<256x768xbf16, #tpu.memory_space<vmem>>, vector<256x768xbf16>
    tpu.vector_store %arg6[%swap3A_31, %swap3A_32], %convert_element_type3A_30 {strides = array<i32>} : memref<256x768xbf16, #tpu.memory_space<vmem>>, vector<256x768xbf16>,
    return
  }
  func.func @transform_0(%arg0: i32) -> (i32, i32) {
    %c0_i32 = arith.constant 0 : i32
    %c0_i32_0 = arith.constant 0 : i32
    return %arg0, %c0_i32 : i32, i32
  }
  func.func @transform_1(%arg0: i32) -> (i32, i32) {
    %c0_i32 = arith.constant 0 : i32
    %c0_i32_0 = arith.constant 0 : i32
    %c0_i32_1 = arith.constant 0 : i32
    return %c0_i32, %c0_i32_0 : i32, i32
  }
  func.func @transform_2(%arg0: i32) -> (i32, i32) {
    %c0_i32 = arith.constant 0 : i32
    %c0_i32_0 = arith.constant 0 : i32
    %c0_i32_1 = arith.constant 0 : i32
    return %c0_i32, %c0_i32_0 : i32, i32
  }
  func.func @transform_3(%arg0: i32) -> (i32, i32) {
    %c0_i32 = arith.constant 0 : i32
    %c0_i32_0 = arith.constant 0 : i32
    return %arg0, %c0_i32 : i32, i32
  }
  func.func @transform_4(%arg0: i32) -> (i32, i32) {
    %c0_i32 = arith.constant 0 : i32
    %c0_i32_0 = arith.constant 0 : i32
    return %arg0, %c0_i32 : i32, i32
  }
  func.func @transform_5(%arg0: i32) -> (i32, i32) {
    %c0_i32 = arith.constant 0 : i32
    %c0_i32_0 = arith.constant 0 : i32
    return %arg0, %c0_i32 : i32, i32
  }
}

module attributes {stable_mosaic.version = 14 : i64} {
  func.func @_self_attn_kernel(%arg0: i32, %arg1: memref<256x768xbf16, #tpu.memory_space<vmem>>, %arg2: memref<512x768xbf16, #tpu.memory_space<vmem>>, %arg3: memref<512x768xbf16, #tpu.memory_space<vmem>>, %arg4: memref<256x768xf32, #tpu.memory_space<vmem>>) attributes {dimension_semantics = [#tpu.dimension_semantics<arbitrary>], iteration_bounds = array<i64: 2>, scalar_prefetch = 0 : i64, scratch_operands = 0 : i64, tpu.core_type = #tpu.core_type<tc>, window_params = [{transform_indices = @transform_0, window_bounds = array<i64: 256, 768>}, {transform_indices = @transform_1, window_bounds = array<i64: 512, 768>}, {transform_indices = @transform_2, window_bounds = array<i64: 512, 768>}, {transform_indices = @transform_3, window_bounds = array<i64: 256, 768>}]} {
    %add3A = arith.constant 0 : i32
    %add3A_0 = arith.addi %add3A, %arg0 : i32
    %mul3A = arith.constant 256 : i32
    %mul3A_1 = arith.muli %add3A_0, %mul3A : i32
    %iota3A = tpu.iota {dimensions = array<i32: 0>} : vector<256x512xi32>
    %add3A_2 = vector.broadcast %mul3A_1 : i32 to vector<256x512xi32>
    %add3A_3 = arith.addi %add3A_2, %iota3A : vector<256x512xi32>
    %iota3A_4 = tpu.iota {dimensions = array<i32: 1>} : vector<256x512xi32>
    %add3A_5 = arith.constant 0 : i32
    %add3A_6 = vector.broadcast %add3A_5 : i32 to vector<256x512xi32>
    %add3A_7 = arith.addi %add3A_6, %iota3A_4 : vector<256x512xi32>
    %gt3A = arith.cmpi sgt, %add3A_7, %add3A_3 : vector<256x512xi32>
    %jit3A = arith.constant -1.000000e+09 : f32
    %jit3A_8 = arith.constant 0.000000e+00 : f32
    %broadcast_in_dim3A = vector.broadcast %jit3A : f32 to vector<256x512xf32>
    %broadcast_in_dim3A_9 = vector.broadcast %jit3A_8 : f32 to vector<256x512xf32>
    %select_n3A = arith.select %gt3A, %broadcast_in_dim3A, %broadcast_in_dim3A_9 : vector<256x512xi1>, vector<256x512xf32>
    %get3A = arith.constant 0 : index
    %get3A_10 = arith.constant 0 : index
    %get3A_11 = vector.load %arg1[%get3A, %get3A_10] : memref<256x768xbf16, #tpu.memory_space<vmem>>, vector<256x64xbf16>
    %get3A_12 = arith.constant 0 : index
    %get3A_13 = arith.constant 0 : index
    %get3A_14 = vector.load %arg2[%get3A_12, %get3A_13] : memref<512x768xbf16, #tpu.memory_space<vmem>>, vector<512x64xbf16>
    %dot_general3A = arith.constant dense<0.000000e+00> : vector<256x512xf32>
    %dot_general3A_15 = tpu.matmul %get3A_11, %get3A_14, %dot_general3A {dimension_numbers = #tpu.dot_dimension_numbers<[1], [1], [0], [0], [0, 0, 1, 0], [], []>, transpose_lhs_hint = false} : vector<256x64xbf16>, vector<512x64xbf16>, vector<256x512xf32> -> vector<256x512xf32>
    %add3A_16 = arith.addf %dot_general3A_15, %select_n3A : vector<256x512xf32>
    %exp3A = math.exp %add3A_16 : vector<256x512xf32>
    %convert_element_type3A = arith.truncf %exp3A : vector<256x512xf32> to vector<256x512xbf16>
    %reduce_sum3A = arith.constant dense<0.000000e+00> : vector<256xf32>
    %reduce_sum3A_17 = vector.multi_reduction <add>, %exp3A, %reduce_sum3A [1] : vector<256x512xf32> to vector<256xf32>
    %broadcast_in_dim3A_18 = vector.shape_cast %reduce_sum3A_17 : vector<256xf32> to vector<256x1xf32>
    %get3A_19 = arith.constant 0 : index
    %get3A_20 = arith.constant 0 : index
    %get3A_21 = vector.load %arg3[%get3A_19, %get3A_20] : memref<512x768xbf16, #tpu.memory_space<vmem>>, vector<512x64xbf16>
    %dot_general3A_22 = arith.constant dense<0.000000e+00> : vector<256x64xf32>
    %dot_general3A_23 = tpu.matmul %convert_element_type3A, %get3A_21, %dot_general3A_22 {dimension_numbers = #tpu.dot_dimension_numbers<[1], [0], [0], [1], [0, 0, 1, 1], [], []>, transpose_lhs_hint = false} : vector<256x512xbf16>, vector<512x64xbf16>, vector<256x64xf32> -> vector<256x64xf32>
    %div3A = vector.broadcast %broadcast_in_dim3A_18 : vector<256x1xf32> to vector<256x64xf32>
    %div3A_24 = arith.divf %dot_general3A_23, %div3A : vector<256x64xf32>
    %get3A_25 = arith.constant 0 : index
    %get3A_26 = arith.constant 64 : index
    %get3A_27 = vector.load %arg1[%get3A_25, %get3A_26] : memref<256x768xbf16, #tpu.memory_space<vmem>>, vector<256x64xbf16>
    %get3A_28 = arith.constant 0 : index
    %get3A_29 = arith.constant 64 : index
    %get3A_30 = vector.load %arg2[%get3A_28, %get3A_29] : memref<512x768xbf16, #tpu.memory_space<vmem>>, vector<512x64xbf16>
    %dot_general3A_31 = arith.constant dense<0.000000e+00> : vector<256x512xf32>
    %dot_general3A_32 = tpu.matmul %get3A_27, %get3A_30, %dot_general3A_31 {dimension_numbers = #tpu.dot_dimension_numbers<[1], [1], [0], [0], [0, 0, 1, 0], [], []>, transpose_lhs_hint = false} : vector<256x64xbf16>, vector<512x64xbf16>, vector<256x512xf32> -> vector<256x512xf32>
    %add3A_33 = arith.addf %dot_general3A_32, %select_n3A : vector<256x512xf32>
    %exp3A_34 = math.exp %add3A_33 : vector<256x512xf32>
    %convert_element_type3A_35 = arith.truncf %exp3A_34 : vector<256x512xf32> to vector<256x512xbf16>
    %reduce_sum3A_36 = arith.constant dense<0.000000e+00> : vector<256xf32>
    %reduce_sum3A_37 = vector.multi_reduction <add>, %exp3A_34, %reduce_sum3A_36 [1] : vector<256x512xf32> to vector<256xf32>
    %broadcast_in_dim3A_38 = vector.shape_cast %reduce_sum3A_37 : vector<256xf32> to vector<256x1xf32>
    %get3A_39 = arith.constant 0 : index
    %get3A_40 = arith.constant 64 : index
    %get3A_41 = vector.load %arg3[%get3A_39, %get3A_40] : memref<512x768xbf16, #tpu.memory_space<vmem>>, vector<512x64xbf16>
    %dot_general3A_42 = arith.constant dense<0.000000e+00> : vector<256x64xf32>
    %dot_general3A_43 = tpu.matmul %convert_element_type3A_35, %get3A_41, %dot_general3A_42 {dimension_numbers = #tpu.dot_dimension_numbers<[1], [0], [0], [1], [0, 0, 1, 1], [], []>, transpose_lhs_hint = false} : vector<256x512xbf16>, vector<512x64xbf16>, vector<256x64xf32> -> vector<256x64xf32>
    %div3A_44 = vector.broadcast %broadcast_in_dim3A_38 : vector<256x1xf32> to vector<256x64xf32>
    %div3A_45 = arith.divf %dot_general3A_43, %div3A_44 : vector<256x64xf32>
    %get3A_46 = arith.constant 0 : index
    %get3A_47 = arith.constant 128 : index
    %get3A_48 = vector.load %arg1[%get3A_46, %get3A_47] : memref<256x768xbf16, #tpu.memory_space<vmem>>, vector<256x64xbf16>
    %get3A_49 = arith.constant 0 : index
    %get3A_50 = arith.constant 128 : index
    %get3A_51 = vector.load %arg2[%get3A_49, %get3A_50] : memref<512x768xbf16, #tpu.memory_space<vmem>>, vector<512x64xbf16>
    %dot_general3A_52 = arith.constant dense<0.000000e+00> : vector<256x512xf32>
    %dot_general3A_53 = tpu.matmul %get3A_48, %get3A_51, %dot_general3A_52 {dimension_numbers = #tpu.dot_dimension_numbers<[1], [1], [0], [0], [0, 0, 1, 0], [], []>, transpose_lhs_hint = false} : vector<256x64xbf16>, vector<512x64xbf16>, vector<256x512xf32> -> vector<256x512xf32>
    %add3A_54 = arith.addf %dot_general3A_53, %select_n3A : vector<256x512xf32>
    %exp3A_55 = math.exp %add3A_54 : vector<256x512xf32>
    %convert_element_type3A_56 = arith.truncf %exp3A_55 : vector<256x512xf32> to vector<256x512xbf16>
    %reduce_sum3A_57 = arith.constant dense<0.000000e+00> : vector<256xf32>
    %reduce_sum3A_58 = vector.multi_reduction <add>, %exp3A_55, %reduce_sum3A_57 [1] : vector<256x512xf32> to vector<256xf32>
    %broadcast_in_dim3A_59 = vector.shape_cast %reduce_sum3A_58 : vector<256xf32> to vector<256x1xf32>
    %get3A_60 = arith.constant 0 : index
    %get3A_61 = arith.constant 128 : index
    %get3A_62 = vector.load %arg3[%get3A_60, %get3A_61] : memref<512x768xbf16, #tpu.memory_space<vmem>>, vector<512x64xbf16>
    %dot_general3A_63 = arith.constant dense<0.000000e+00> : vector<256x64xf32>
    %dot_general3A_64 = tpu.matmul %convert_element_type3A_56, %get3A_62, %dot_general3A_63 {dimension_numbers = #tpu.dot_dimension_numbers<[1], [0], [0], [1], [0, 0, 1, 1], [], []>, transpose_lhs_hint = false} : vector<256x512xbf16>, vector<512x64xbf16>, vector<256x64xf32> -> vector<256x64xf32>
    %div3A_65 = vector.broadcast %broadcast_in_dim3A_59 : vector<256x1xf32> to vector<256x64xf32>
    %div3A_66 = arith.divf %dot_general3A_64, %div3A_65 : vector<256x64xf32>
    %get3A_67 = arith.constant 0 : index
    %get3A_68 = arith.constant 192 : index
    %get3A_69 = vector.load %arg1[%get3A_67, %get3A_68] : memref<256x768xbf16, #tpu.memory_space<vmem>>, vector<256x64xbf16>
    %get3A_70 = arith.constant 0 : index
    %get3A_71 = arith.constant 192 : index
    %get3A_72 = vector.load %arg2[%get3A_70, %get3A_71] : memref<512x768xbf16, #tpu.memory_space<vmem>>, vector<512x64xbf16>
    %dot_general3A_73 = arith.constant dense<0.000000e+00> : vector<256x512xf32>
    %dot_general3A_74 = tpu.matmul %get3A_69, %get3A_72, %dot_general3A_73 {dimension_numbers = #tpu.dot_dimension_numbers<[1], [1], [0], [0], [0, 0, 1, 0], [], []>, transpose_lhs_hint = false} : vector<256x64xbf16>, vector<512x64xbf16>, vector<256x512xf32> -> vector<256x512xf32>
    %add3A_75 = arith.addf %dot_general3A_74, %select_n3A : vector<256x512xf32>
    %exp3A_76 = math.exp %add3A_75 : vector<256x512xf32>
    %convert_element_type3A_77 = arith.truncf %exp3A_76 : vector<256x512xf32> to vector<256x512xbf16>
    %reduce_sum3A_78 = arith.constant dense<0.000000e+00> : vector<256xf32>
    %reduce_sum3A_79 = vector.multi_reduction <add>, %exp3A_76, %reduce_sum3A_78 [1] : vector<256x512xf32> to vector<256xf32>
    %broadcast_in_dim3A_80 = vector.shape_cast %reduce_sum3A_79 : vector<256xf32> to vector<256x1xf32>
    %get3A_81 = arith.constant 0 : index
    %get3A_82 = arith.constant 192 : index
    %get3A_83 = vector.load %arg3[%get3A_81, %get3A_82] : memref<512x768xbf16, #tpu.memory_space<vmem>>, vector<512x64xbf16>
    %dot_general3A_84 = arith.constant dense<0.000000e+00> : vector<256x64xf32>
    %dot_general3A_85 = tpu.matmul %convert_element_type3A_77, %get3A_83, %dot_general3A_84 {dimension_numbers = #tpu.dot_dimension_numbers<[1], [0], [0], [1], [0, 0, 1, 1], [], []>, transpose_lhs_hint = false} : vector<256x512xbf16>, vector<512x64xbf16>, vector<256x64xf32> -> vector<256x64xf32>
    %div3A_86 = vector.broadcast %broadcast_in_dim3A_80 : vector<256x1xf32> to vector<256x64xf32>
    %div3A_87 = arith.divf %dot_general3A_85, %div3A_86 : vector<256x64xf32>
    %get3A_88 = arith.constant 0 : index
    %get3A_89 = arith.constant 256 : index
    %get3A_90 = vector.load %arg1[%get3A_88, %get3A_89] : memref<256x768xbf16, #tpu.memory_space<vmem>>, vector<256x64xbf16>
    %get3A_91 = arith.constant 0 : index
    %get3A_92 = arith.constant 256 : index
    %get3A_93 = vector.load %arg2[%get3A_91, %get3A_92] : memref<512x768xbf16, #tpu.memory_space<vmem>>, vector<512x64xbf16>
    %dot_general3A_94 = arith.constant dense<0.000000e+00> : vector<256x512xf32>
    %dot_general3A_95 = tpu.matmul %get3A_90, %get3A_93, %dot_general3A_94 {dimension_numbers = #tpu.dot_dimension_numbers<[1], [1], [0], [0], [0, 0, 1, 0], [], []>, transpose_lhs_hint = false} : vector<256x64xbf16>, vector<512x64xbf16>, vector<256x512xf32> -> vector<256x512xf32>
    %add3A_96 = arith.addf %dot_general3A_95, %select_n3A : vector<256x512xf32>
    %exp3A_97 = math.exp %add3A_96 : vector<256x512xf32>
    %convert_element_type3A_98 = arith.truncf %exp3A_97 : vector<256x512xf32> to vector<256x512xbf16>
    %reduce_sum3A_99 = arith.constant dense<0.000000e+00> : vector<256xf32>
    %reduce_sum3A_100 = vector.multi_reduction <add>, %exp3A_97, %reduce_sum3A_99 [1] : vector<256x512xf32> to vector<256xf32>
    %broadcast_in_dim3A_101 = vector.shape_cast %reduce_sum3A_100 : vector<256xf32> to vector<256x1xf32>
    %get3A_102 = arith.constant 0 : index
    %get3A_103 = arith.constant 256 : index
    %get3A_104 = vector.load %arg3[%get3A_102, %get3A_103] : memref<512x768xbf16, #tpu.memory_space<vmem>>, vector<512x64xbf16>
    %dot_general3A_105 = arith.constant dense<0.000000e+00> : vector<256x64xf32>
    %dot_general3A_106 = tpu.matmul %convert_element_type3A_98, %get3A_104, %dot_general3A_105 {dimension_numbers = #tpu.dot_dimension_numbers<[1], [0], [0], [1], [0, 0, 1, 1], [], []>, transpose_lhs_hint = false} : vector<256x512xbf16>, vector<512x64xbf16>, vector<256x64xf32> -> vector<256x64xf32>
    %div3A_107 = vector.broadcast %broadcast_in_dim3A_101 : vector<256x1xf32> to vector<256x64xf32>
    %div3A_108 = arith.divf %dot_general3A_106, %div3A_107 : vector<256x64xf32>
    %get3A_109 = arith.constant 0 : index
    %get3A_110 = arith.constant 320 : index
    %get3A_111 = vector.load %arg1[%get3A_109, %get3A_110] : memref<256x768xbf16, #tpu.memory_space<vmem>>, vector<256x64xbf16>
    %get3A_112 = arith.constant 0 : index
    %get3A_113 = arith.constant 320 : index
    %get3A_114 = vector.load %arg2[%get3A_112, %get3A_113] : memref<512x768xbf16, #tpu.memory_space<vmem>>, vector<512x64xbf16>
    %dot_general3A_115 = arith.constant dense<0.000000e+00> : vector<256x512xf32>
    %dot_general3A_116 = tpu.matmul %get3A_111, %get3A_114, %dot_general3A_115 {dimension_numbers = #tpu.dot_dimension_numbers<[1], [1], [0], [0], [0, 0, 1, 0], [], []>, transpose_lhs_hint = false} : vector<256x64xbf16>, vector<512x64xbf16>, vector<256x512xf32> -> vector<256x512xf32>
    %add3A_117 = arith.addf %dot_general3A_116, %select_n3A : vector<256x512xf32>
    %exp3A_118 = math.exp %add3A_117 : vector<256x512xf32>
    %convert_element_type3A_119 = arith.truncf %exp3A_118 : vector<256x512xf32> to vector<256x512xbf16>
    %reduce_sum3A_120 = arith.constant dense<0.000000e+00> : vector<256xf32>
    %reduce_sum3A_121 = vector.multi_reduction <add>, %exp3A_118, %reduce_sum3A_120 [1] : vector<256x512xf32> to vector<256xf32>
    %broadcast_in_dim3A_122 = vector.shape_cast %reduce_sum3A_121 : vector<256xf32> to vector<256x1xf32>
    %get3A_123 = arith.constant 0 : index
    %get3A_124 = arith.constant 320 : index
    %get3A_125 = vector.load %arg3[%get3A_123, %get3A_124] : memref<512x768xbf16, #tpu.memory_space<vmem>>, vector<512x64xbf16>
    %dot_general3A_126 = arith.constant dense<0.000000e+00> : vector<256x64xf32>
    %dot_general3A_127 = tpu.matmul %convert_element_type3A_119, %get3A_125, %dot_general3A_126 {dimension_numbers = #tpu.dot_dimension_numbers<[1], [0], [0], [1], [0, 0, 1, 1], [], []>, transpose_lhs_hint = false} : vector<256x512xbf16>, vector<512x64xbf16>, vector<256x64xf32> -> vector<256x64xf32>
    %div3A_128 = vector.broadcast %broadcast_in_dim3A_122 : vector<256x1xf32> to vector<256x64xf32>
    %div3A_129 = arith.divf %dot_general3A_127, %div3A_128 : vector<256x64xf32>
    %get3A_130 = arith.constant 0 : index
    %get3A_131 = arith.constant 384 : index
    %get3A_132 = vector.load %arg1[%get3A_130, %get3A_131] : memref<256x768xbf16, #tpu.memory_space<vmem>>, vector<256x64xbf16>
    %get3A_133 = arith.constant 0 : index
    %get3A_134 = arith.constant 384 : index
    %get3A_135 = vector.load %arg2[%get3A_133, %get3A_134] : memref<512x768xbf16, #tpu.memory_space<vmem>>, vector<512x64xbf16>
    %dot_general3A_136 = arith.constant dense<0.000000e+00> : vector<256x512xf32>
    %dot_general3A_137 = tpu.matmul %get3A_132, %get3A_135, %dot_general3A_136 {dimension_numbers = #tpu.dot_dimension_numbers<[1], [1], [0], [0], [0, 0, 1, 0], [], []>, transpose_lhs_hint = false} : vector<256x64xbf16>, vector<512x64xbf16>, vector<256x512xf32> -> vector<256x512xf32>
    %add3A_138 = arith.addf %dot_general3A_137, %select_n3A : vector<256x512xf32>
    %exp3A_139 = math.exp %add3A_138 : vector<256x512xf32>
    %convert_element_type3A_140 = arith.truncf %exp3A_139 : vector<256x512xf32> to vector<256x512xbf16>
    %reduce_sum3A_141 = arith.constant dense<0.000000e+00> : vector<256xf32>
    %reduce_sum3A_142 = vector.multi_reduction <add>, %exp3A_139, %reduce_sum3A_141 [1] : vector<256x512xf32> to vector<256xf32>
    %broadcast_in_dim3A_143 = vector.shape_cast %reduce_sum3A_142 : vector<256xf32> to vector<256x1xf32>
    %get3A_144 = arith.constant 0 : index
    %get3A_145 = arith.constant 384 : index
    %get3A_146 = vector.load %arg3[%get3A_144, %get3A_145] : memref<512x768xbf16, #tpu.memory_space<vmem>>, vector<512x64xbf16>
    %dot_general3A_147 = arith.constant dense<0.000000e+00> : vector<256x64xf32>
    %dot_general3A_148 = tpu.matmul %convert_element_type3A_140, %get3A_146, %dot_general3A_147 {dimension_numbers = #tpu.dot_dimension_numbers<[1], [0], [0], [1], [0, 0, 1, 1], [], []>, transpose_lhs_hint = false} : vector<256x512xbf16>, vector<512x64xbf16>, vector<256x64xf32> -> vector<256x64xf32>
    %div3A_149 = vector.broadcast %broadcast_in_dim3A_143 : vector<256x1xf32> to vector<256x64xf32>
    %div3A_150 = arith.divf %dot_general3A_148, %div3A_149 : vector<256x64xf32>
    %get3A_151 = arith.constant 0 : index
    %get3A_152 = arith.constant 448 : index
    %get3A_153 = vector.load %arg1[%get3A_151, %get3A_152] : memref<256x768xbf16, #tpu.memory_space<vmem>>, vector<256x64xbf16>
    %get3A_154 = arith.constant 0 : index
    %get3A_155 = arith.constant 448 : index
    %get3A_156 = vector.load %arg2[%get3A_154, %get3A_155] : memref<512x768xbf16, #tpu.memory_space<vmem>>, vector<512x64xbf16>
    %dot_general3A_157 = arith.constant dense<0.000000e+00> : vector<256x512xf32>
    %dot_general3A_158 = tpu.matmul %get3A_153, %get3A_156, %dot_general3A_157 {dimension_numbers = #tpu.dot_dimension_numbers<[1], [1], [0], [0], [0, 0, 1, 0], [], []>, transpose_lhs_hint = false} : vector<256x64xbf16>, vector<512x64xbf16>, vector<256x512xf32> -> vector<256x512xf32>
    %add3A_159 = arith.addf %dot_general3A_158, %select_n3A : vector<256x512xf32>
    %exp3A_160 = math.exp %add3A_159 : vector<256x512xf32>
    %convert_element_type3A_161 = arith.truncf %exp3A_160 : vector<256x512xf32> to vector<256x512xbf16>
    %reduce_sum3A_162 = arith.constant dense<0.000000e+00> : vector<256xf32>
    %reduce_sum3A_163 = vector.multi_reduction <add>, %exp3A_160, %reduce_sum3A_162 [1] : vector<256x512xf32> to vector<256xf32>
    %broadcast_in_dim3A_164 = vector.shape_cast %reduce_sum3A_163 : vector<256xf32> to vector<256x1xf32>
    %get3A_165 = arith.constant 0 : index
    %get3A_166 = arith.constant 448 : index
    %get3A_167 = vector.load %arg3[%get3A_165, %get3A_166] : memref<512x768xbf16, #tpu.memory_space<vmem>>, vector<512x64xbf16>
    %dot_general3A_168 = arith.constant dense<0.000000e+00> : vector<256x64xf32>
    %dot_general3A_169 = tpu.matmul %convert_element_type3A_161, %get3A_167, %dot_general3A_168 {dimension_numbers = #tpu.dot_dimension_numbers<[1], [0], [0], [1], [0, 0, 1, 1], [], []>, transpose_lhs_hint = false} : vector<256x512xbf16>, vector<512x64xbf16>, vector<256x64xf32> -> vector<256x64xf32>
    %div3A_170 = vector.broadcast %broadcast_in_dim3A_164 : vector<256x1xf32> to vector<256x64xf32>
    %div3A_171 = arith.divf %dot_general3A_169, %div3A_170 : vector<256x64xf32>
    %get3A_172 = arith.constant 0 : index
    %get3A_173 = arith.constant 512 : index
    %get3A_174 = vector.load %arg1[%get3A_172, %get3A_173] : memref<256x768xbf16, #tpu.memory_space<vmem>>, vector<256x64xbf16>
    %get3A_175 = arith.constant 0 : index
    %get3A_176 = arith.constant 512 : index
    %get3A_177 = vector.load %arg2[%get3A_175, %get3A_176] : memref<512x768xbf16, #tpu.memory_space<vmem>>, vector<512x64xbf16>
    %dot_general3A_178 = arith.constant dense<0.000000e+00> : vector<256x512xf32>
    %dot_general3A_179 = tpu.matmul %get3A_174, %get3A_177, %dot_general3A_178 {dimension_numbers = #tpu.dot_dimension_numbers<[1], [1], [0], [0], [0, 0, 1, 0], [], []>, transpose_lhs_hint = false} : vector<256x64xbf16>, vector<512x64xbf16>, vector<256x512xf32> -> vector<256x512xf32>
    %add3A_180 = arith.addf %dot_general3A_179, %select_n3A : vector<256x512xf32>
    %exp3A_181 = math.exp %add3A_180 : vector<256x512xf32>
    %convert_element_type3A_182 = arith.truncf %exp3A_181 : vector<256x512xf32> to vector<256x512xbf16>
    %reduce_sum3A_183 = arith.constant dense<0.000000e+00> : vector<256xf32>
    %reduce_sum3A_184 = vector.multi_reduction <add>, %exp3A_181, %reduce_sum3A_183 [1] : vector<256x512xf32> to vector<256xf32>
    %broadcast_in_dim3A_185 = vector.shape_cast %reduce_sum3A_184 : vector<256xf32> to vector<256x1xf32>
    %get3A_186 = arith.constant 0 : index
    %get3A_187 = arith.constant 512 : index
    %get3A_188 = vector.load %arg3[%get3A_186, %get3A_187] : memref<512x768xbf16, #tpu.memory_space<vmem>>, vector<512x64xbf16>
    %dot_general3A_189 = arith.constant dense<0.000000e+00> : vector<256x64xf32>
    %dot_general3A_190 = tpu.matmul %convert_element_type3A_182, %get3A_188, %dot_general3A_189 {dimension_numbers = #tpu.dot_dimension_numbers<[1], [0], [0], [1], [0, 0, 1, 1], [], []>, transpose_lhs_hint = false} : vector<256x512xbf16>, vector<512x64xbf16>, vector<256x64xf32> -> vector<256x64xf32>
    %div3A_191 = vector.broadcast %broadcast_in_dim3A_185 : vector<256x1xf32> to vector<256x64xf32>
    %div3A_192 = arith.divf %dot_general3A_190, %div3A_191 : vector<256x64xf32>
    %get3A_193 = arith.constant 0 : index
    %get3A_194 = arith.constant 576 : index
    %get3A_195 = vector.load %arg1[%get3A_193, %get3A_194] : memref<256x768xbf16, #tpu.memory_space<vmem>>, vector<256x64xbf16>
    %get3A_196 = arith.constant 0 : index
    %get3A_197 = arith.constant 576 : index
    %get3A_198 = vector.load %arg2[%get3A_196, %get3A_197] : memref<512x768xbf16, #tpu.memory_space<vmem>>, vector<512x64xbf16>
    %dot_general3A_199 = arith.constant dense<0.000000e+00> : vector<256x512xf32>
    %dot_general3A_200 = tpu.matmul %get3A_195, %get3A_198, %dot_general3A_199 {dimension_numbers = #tpu.dot_dimension_numbers<[1], [1], [0], [0], [0, 0, 1, 0], [], []>, transpose_lhs_hint = false} : vector<256x64xbf16>, vector<512x64xbf16>, vector<256x512xf32> -> vector<256x512xf32>
    %add3A_201 = arith.addf %dot_general3A_200, %select_n3A : vector<256x512xf32>
    %exp3A_202 = math.exp %add3A_201 : vector<256x512xf32>
    %convert_element_type3A_203 = arith.truncf %exp3A_202 : vector<256x512xf32> to vector<256x512xbf16>
    %reduce_sum3A_204 = arith.constant dense<0.000000e+00> : vector<256xf32>
    %reduce_sum3A_205 = vector.multi_reduction <add>, %exp3A_202, %reduce_sum3A_204 [1] : vector<256x512xf32> to vector<256xf32>
    %broadcast_in_dim3A_206 = vector.shape_cast %reduce_sum3A_205 : vector<256xf32> to vector<256x1xf32>
    %get3A_207 = arith.constant 0 : index
    %get3A_208 = arith.constant 576 : index
    %get3A_209 = vector.load %arg3[%get3A_207, %get3A_208] : memref<512x768xbf16, #tpu.memory_space<vmem>>, vector<512x64xbf16>
    %dot_general3A_210 = arith.constant dense<0.000000e+00> : vector<256x64xf32>
    %dot_general3A_211 = tpu.matmul %convert_element_type3A_203, %get3A_209, %dot_general3A_210 {dimension_numbers = #tpu.dot_dimension_numbers<[1], [0], [0], [1], [0, 0, 1, 1], [], []>, transpose_lhs_hint = false} : vector<256x512xbf16>, vector<512x64xbf16>, vector<256x64xf32> -> vector<256x64xf32>
    %div3A_212 = vector.broadcast %broadcast_in_dim3A_206 : vector<256x1xf32> to vector<256x64xf32>
    %div3A_213 = arith.divf %dot_general3A_211, %div3A_212 : vector<256x64xf32>
    %get3A_214 = arith.constant 0 : index
    %get3A_215 = arith.constant 640 : index
    %get3A_216 = vector.load %arg1[%get3A_214, %get3A_215] : memref<256x768xbf16, #tpu.memory_space<vmem>>, vector<256x64xbf16>
    %get3A_217 = arith.constant 0 : index
    %get3A_218 = arith.constant 640 : index
    %get3A_219 = vector.load %arg2[%get3A_217, %get3A_218] : memref<512x768xbf16, #tpu.memory_space<vmem>>, vector<512x64xbf16>
    %dot_general3A_220 = arith.constant dense<0.000000e+00> : vector<256x512xf32>
    %dot_general3A_221 = tpu.matmul %get3A_216, %get3A_219, %dot_general3A_220 {dimension_numbers = #tpu.dot_dimension_numbers<[1], [1], [0], [0], [0, 0, 1, 0], [], []>, transpose_lhs_hint = false} : vector<256x64xbf16>, vector<512x64xbf16>, vector<256x512xf32> -> vector<256x512xf32>
    %add3A_222 = arith.addf %dot_general3A_221, %select_n3A : vector<256x512xf32>
    %exp3A_223 = math.exp %add3A_222 : vector<256x512xf32>
    %convert_element_type3A_224 = arith.truncf %exp3A_223 : vector<256x512xf32> to vector<256x512xbf16>
    %reduce_sum3A_225 = arith.constant dense<0.000000e+00> : vector<256xf32>
    %reduce_sum3A_226 = vector.multi_reduction <add>, %exp3A_223, %reduce_sum3A_225 [1] : vector<256x512xf32> to vector<256xf32>
    %broadcast_in_dim3A_227 = vector.shape_cast %reduce_sum3A_226 : vector<256xf32> to vector<256x1xf32>
    %get3A_228 = arith.constant 0 : index
    %get3A_229 = arith.constant 640 : index
    %get3A_230 = vector.load %arg3[%get3A_228, %get3A_229] : memref<512x768xbf16, #tpu.memory_space<vmem>>, vector<512x64xbf16>
    %dot_general3A_231 = arith.constant dense<0.000000e+00> : vector<256x64xf32>
    %dot_general3A_232 = tpu.matmul %convert_element_type3A_224, %get3A_230, %dot_general3A_231 {dimension_numbers = #tpu.dot_dimension_numbers<[1], [0], [0], [1], [0, 0, 1, 1], [], []>, transpose_lhs_hint = false} : vector<256x512xbf16>, vector<512x64xbf16>, vector<256x64xf32> -> vector<256x64xf32>
    %div3A_233 = vector.broadcast %broadcast_in_dim3A_227 : vector<256x1xf32> to vector<256x64xf32>
    %div3A_234 = arith.divf %dot_general3A_232, %div3A_233 : vector<256x64xf32>
    %get3A_235 = arith.constant 0 : index
    %get3A_236 = arith.constant 704 : index
    %get3A_237 = vector.load %arg1[%get3A_235, %get3A_236] : memref<256x768xbf16, #tpu.memory_space<vmem>>, vector<256x64xbf16>
    %get3A_238 = arith.constant 0 : index
    %get3A_239 = arith.constant 704 : index
    %get3A_240 = vector.load %arg2[%get3A_238, %get3A_239] : memref<512x768xbf16, #tpu.memory_space<vmem>>, vector<512x64xbf16>
    %dot_general3A_241 = arith.constant dense<0.000000e+00> : vector<256x512xf32>
    %dot_general3A_242 = tpu.matmul %get3A_237, %get3A_240, %dot_general3A_241 {dimension_numbers = #tpu.dot_dimension_numbers<[1], [1], [0], [0], [0, 0, 1, 0], [], []>, transpose_lhs_hint = false} : vector<256x64xbf16>, vector<512x64xbf16>, vector<256x512xf32> -> vector<256x512xf32>
    %add3A_243 = arith.addf %dot_general3A_242, %select_n3A : vector<256x512xf32>
    %exp3A_244 = math.exp %add3A_243 : vector<256x512xf32>
    %convert_element_type3A_245 = arith.truncf %exp3A_244 : vector<256x512xf32> to vector<256x512xbf16>
    %reduce_sum3A_246 = arith.constant dense<0.000000e+00> : vector<256xf32>
    %reduce_sum3A_247 = vector.multi_reduction <add>, %exp3A_244, %reduce_sum3A_246 [1] : vector<256x512xf32> to vector<256xf32>
    %broadcast_in_dim3A_248 = vector.shape_cast %reduce_sum3A_247 : vector<256xf32> to vector<256x1xf32>
    %get3A_249 = arith.constant 0 : index
    %get3A_250 = arith.constant 704 : index
    %get3A_251 = vector.load %arg3[%get3A_249, %get3A_250] : memref<512x768xbf16, #tpu.memory_space<vmem>>, vector<512x64xbf16>
    %dot_general3A_252 = arith.constant dense<0.000000e+00> : vector<256x64xf32>
    %dot_general3A_253 = tpu.matmul %convert_element_type3A_245, %get3A_251, %dot_general3A_252 {dimension_numbers = #tpu.dot_dimension_numbers<[1], [0], [0], [1], [0, 0, 1, 1], [], []>, transpose_lhs_hint = false} : vector<256x512xbf16>, vector<512x64xbf16>, vector<256x64xf32> -> vector<256x64xf32>
    %div3A_254 = vector.broadcast %broadcast_in_dim3A_248 : vector<256x1xf32> to vector<256x64xf32>
    %div3A_255 = arith.divf %dot_general3A_253, %div3A_254 : vector<256x64xf32>
    %concatenate3A = tpu.concatenate %div3A_24, %div3A_45, %div3A_66, %div3A_87, %div3A_108, %div3A_129, %div3A_150, %div3A_171, %div3A_192, %div3A_213, %div3A_234, %div3A_255 in 1 : vector<256x64xf32>, vector<256x64xf32>, vector<256x64xf32>, vector<256x64xf32>, vector<256x64xf32>, vector<256x64xf32>, vector<256x64xf32>, vector<256x64xf32>, vector<256x64xf32>, vector<256x64xf32>, vector<256x64xf32>, vector<256x64xf32> -> vector<256x768xf32>
    %swap3A = arith.constant 0 : index
    %swap3A_256 = arith.constant 0 : index
    %swap3A_257 = vector.load %arg4[%swap3A, %swap3A_256] : memref<256x768xf32, #tpu.memory_space<vmem>>, vector<256x768xf32>
    tpu.vector_store %arg4[%swap3A, %swap3A_256], %concatenate3A {strides = array<i32>} : memref<256x768xf32, #tpu.memory_space<vmem>>, vector<256x768xf32>,
    return
  }
  func.func @transform_0(%arg0: i32) -> (i32, i32) {
    %add3A = arith.constant 0 : i32
    %add3A_0 = arith.addi %add3A, %arg0 : i32
    %c0_i32 = arith.constant 0 : i32
    %c0_i32_1 = arith.constant 0 : i32
    return %add3A_0, %c0_i32 : i32, i32
  }
  func.func @transform_1(%arg0: i32) -> (i32, i32) {
    %c0_i32 = arith.constant 0 : i32
    %c0_i32_0 = arith.constant 0 : i32
    %c0_i32_1 = arith.constant 0 : i32
    return %c0_i32, %c0_i32_0 : i32, i32
  }
  func.func @transform_2(%arg0: i32) -> (i32, i32) {
    %c0_i32 = arith.constant 0 : i32
    %c0_i32_0 = arith.constant 0 : i32
    %c0_i32_1 = arith.constant 0 : i32
    return %c0_i32, %c0_i32_0 : i32, i32
  }
  func.func @transform_3(%arg0: i32) -> (i32, i32) {
    %c0_i32 = arith.constant 0 : i32
    %c0_i32_0 = arith.constant 0 : i32
    return %arg0, %c0_i32 : i32, i32
  }
}

module attributes {stable_mosaic.version = 14 : i64} {
  func.func @_self_attn_kernel(%arg0: i32, %arg1: memref<256x768xbf16, #tpu.memory_space<vmem>>, %arg2: memref<1024x768xbf16, #tpu.memory_space<vmem>>, %arg3: memref<1024x768xbf16, #tpu.memory_space<vmem>>, %arg4: memref<256x768xf32, #tpu.memory_space<vmem>>) attributes {dimension_semantics = [#tpu.dimension_semantics<arbitrary>], iteration_bounds = array<i64: 2>, scalar_prefetch = 0 : i64, scratch_operands = 0 : i64, tpu.core_type = #tpu.core_type<tc>, window_params = [{transform_indices = @transform_0, window_bounds = array<i64: 256, 768>}, {transform_indices = @transform_1, window_bounds = array<i64: 1024, 768>}, {transform_indices = @transform_2, window_bounds = array<i64: 1024, 768>}, {transform_indices = @transform_3, window_bounds = array<i64: 256, 768>}]} {
    %add3A = arith.constant 2 : i32
    %add3A_0 = arith.addi %add3A, %arg0 : i32
    %mul3A = arith.constant 256 : i32
    %mul3A_1 = arith.muli %add3A_0, %mul3A : i32
    %iota3A = tpu.iota {dimensions = array<i32: 0>} : vector<256x512xi32>
    %add3A_2 = vector.broadcast %mul3A_1 : i32 to vector<256x512xi32>
    %add3A_3 = arith.addi %add3A_2, %iota3A : vector<256x512xi32>
    %iota3A_4 = tpu.iota {dimensions = array<i32: 1>} : vector<256x512xi32>
    %add3A_5 = arith.constant 512 : i32
    %add3A_6 = vector.broadcast %add3A_5 : i32 to vector<256x512xi32>
    %add3A_7 = arith.addi %add3A_6, %iota3A_4 : vector<256x512xi32>
    %gt3A = arith.cmpi sgt, %add3A_7, %add3A_3 : vector<256x512xi32>
    %jit3A = arith.constant -1.000000e+09 : f32
    %jit3A_8 = arith.constant 0.000000e+00 : f32
    %broadcast_in_dim3A = vector.broadcast %jit3A : f32 to vector<256x512xf32>
    %broadcast_in_dim3A_9 = vector.broadcast %jit3A_8 : f32 to vector<256x512xf32>
    %select_n3A = arith.select %gt3A, %broadcast_in_dim3A, %broadcast_in_dim3A_9 : vector<256x512xi1>, vector<256x512xf32>
    %get3A = arith.constant 0 : index
    %get3A_10 = arith.constant 0 : index
    %get3A_11 = vector.load %arg1[%get3A, %get3A_10] : memref<256x768xbf16, #tpu.memory_space<vmem>>, vector<256x64xbf16>
    %get3A_12 = arith.constant 0 : index
    %get3A_13 = arith.constant 0 : index
    %get3A_14 = vector.load %arg2[%get3A_12, %get3A_13] : memref<1024x768xbf16, #tpu.memory_space<vmem>>, vector<1024x64xbf16>
    %dot_general3A = arith.constant dense<0.000000e+00> : vector<256x1024xf32>
    %dot_general3A_15 = tpu.matmul %get3A_11, %get3A_14, %dot_general3A {dimension_numbers = #tpu.dot_dimension_numbers<[1], [1], [0], [0], [0, 0, 1, 0], [], []>, transpose_lhs_hint = false} : vector<256x64xbf16>, vector<1024x64xbf16>, vector<256x1024xf32> -> vector<256x1024xf32>
    %slice3A = vector.extract_strided_slice %dot_general3A_15 {offsets = [0, 512], sizes = [256, 512], strides = [1, 1]} : vector<256x1024xf32> to vector<256x512xf32>
    %add3A_16 = arith.addf %slice3A, %select_n3A : vector<256x512xf32>
    %exp3A = math.exp %add3A_16 : vector<256x512xf32>
    %convert_element_type3A = arith.truncf %exp3A : vector<256x512xf32> to vector<256x512xbf16>
    %slice3A_17 = vector.extract_strided_slice %dot_general3A_15 {offsets = [0, 0], sizes = [256, 512], strides = [1, 1]} : vector<256x1024xf32> to vector<256x512xf32>
    %exp3A_18 = math.exp %slice3A_17 : vector<256x512xf32>
    %convert_element_type3A_19 = arith.truncf %exp3A_18 : vector<256x512xf32> to vector<256x512xbf16>
    %reduce_sum3A = arith.constant dense<0.000000e+00> : vector<256xf32>
    %reduce_sum3A_20 = vector.multi_reduction <add>, %exp3A_18, %reduce_sum3A [1] : vector<256x512xf32> to vector<256xf32>
    %broadcast_in_dim3A_21 = vector.shape_cast %reduce_sum3A_20 : vector<256xf32> to vector<256x1xf32>
    %reduce_sum3A_22 = arith.constant dense<0.000000e+00> : vector<256xf32>
    %reduce_sum3A_23 = vector.multi_reduction <add>, %exp3A, %reduce_sum3A_22 [1] : vector<256x512xf32> to vector<256xf32>
    %broadcast_in_dim3A_24 = vector.shape_cast %reduce_sum3A_23 : vector<256xf32> to vector<256x1xf32>
    %add3A_25 = arith.addf %broadcast_in_dim3A_21, %broadcast_in_dim3A_24 : vector<256x1xf32>
    %get3A_26 = arith.constant 0 : index
    %get3A_27 = arith.constant 0 : index
    %get3A_28 = vector.load %arg3[%get3A_26, %get3A_27] : memref<1024x768xbf16, #tpu.memory_space<vmem>>, vector<512x64xbf16>
    %dot_general3A_29 = arith.constant dense<0.000000e+00> : vector<256x64xf32>
    %dot_general3A_30 = tpu.matmul %convert_element_type3A_19, %get3A_28, %dot_general3A_29 {dimension_numbers = #tpu.dot_dimension_numbers<[1], [0], [0], [1], [0, 0, 1, 1], [], []>, transpose_lhs_hint = false} : vector<256x512xbf16>, vector<512x64xbf16>, vector<256x64xf32> -> vector<256x64xf32>
    %get3A_31 = arith.constant 512 : index
    %get3A_32 = arith.constant 0 : index
    %get3A_33 = vector.load %arg3[%get3A_31, %get3A_32] : memref<1024x768xbf16, #tpu.memory_space<vmem>>, vector<512x64xbf16>
    %dot_general3A_34 = arith.constant dense<0.000000e+00> : vector<256x64xf32>
    %dot_general3A_35 = tpu.matmul %convert_element_type3A, %get3A_33, %dot_general3A_34 {dimension_numbers = #tpu.dot_dimension_numbers<[1], [0], [0], [1], [0, 0, 1, 1], [], []>, transpose_lhs_hint = false} : vector<256x512xbf16>, vector<512x64xbf16>, vector<256x64xf32> -> vector<256x64xf32>
    %add3A_36 = arith.addf %dot_general3A_30, %dot_general3A_35 : vector<256x64xf32>
    %div3A = vector.broadcast %add3A_25 : vector<256x1xf32> to vector<256x64xf32>
    %div3A_37 = arith.divf %add3A_36, %div3A : vector<256x64xf32>
    %get3A_38 = arith.constant 0 : index
    %get3A_39 = arith.constant 64 : index
    %get3A_40 = vector.load %arg1[%get3A_38, %get3A_39] : memref<256x768xbf16, #tpu.memory_space<vmem>>, vector<256x64xbf16>
    %get3A_41 = arith.constant 0 : index
    %get3A_42 = arith.constant 64 : index
    %get3A_43 = vector.load %arg2[%get3A_41, %get3A_42] : memref<1024x768xbf16, #tpu.memory_space<vmem>>, vector<1024x64xbf16>
    %dot_general3A_44 = arith.constant dense<0.000000e+00> : vector<256x1024xf32>
    %dot_general3A_45 = tpu.matmul %get3A_40, %get3A_43, %dot_general3A_44 {dimension_numbers = #tpu.dot_dimension_numbers<[1], [1], [0], [0], [0, 0, 1, 0], [], []>, transpose_lhs_hint = false} : vector<256x64xbf16>, vector<1024x64xbf16>, vector<256x1024xf32> -> vector<256x1024xf32>
    %slice3A_46 = vector.extract_strided_slice %dot_general3A_45 {offsets = [0, 512], sizes = [256, 512], strides = [1, 1]} : vector<256x1024xf32> to vector<256x512xf32>
    %add3A_47 = arith.addf %slice3A_46, %select_n3A : vector<256x512xf32>
    %exp3A_48 = math.exp %add3A_47 : vector<256x512xf32>
    %convert_element_type3A_49 = arith.truncf %exp3A_48 : vector<256x512xf32> to vector<256x512xbf16>
    %slice3A_50 = vector.extract_strided_slice %dot_general3A_45 {offsets = [0, 0], sizes = [256, 512], strides = [1, 1]} : vector<256x1024xf32> to vector<256x512xf32>
    %exp3A_51 = math.exp %slice3A_50 : vector<256x512xf32>
    %convert_element_type3A_52 = arith.truncf %exp3A_51 : vector<256x512xf32> to vector<256x512xbf16>
    %reduce_sum3A_53 = arith.constant dense<0.000000e+00> : vector<256xf32>
    %reduce_sum3A_54 = vector.multi_reduction <add>, %exp3A_51, %reduce_sum3A_53 [1] : vector<256x512xf32> to vector<256xf32>
    %broadcast_in_dim3A_55 = vector.shape_cast %reduce_sum3A_54 : vector<256xf32> to vector<256x1xf32>
    %reduce_sum3A_56 = arith.constant dense<0.000000e+00> : vector<256xf32>
    %reduce_sum3A_57 = vector.multi_reduction <add>, %exp3A_48, %reduce_sum3A_56 [1] : vector<256x512xf32> to vector<256xf32>
    %broadcast_in_dim3A_58 = vector.shape_cast %reduce_sum3A_57 : vector<256xf32> to vector<256x1xf32>
    %add3A_59 = arith.addf %broadcast_in_dim3A_55, %broadcast_in_dim3A_58 : vector<256x1xf32>
    %get3A_60 = arith.constant 0 : index
    %get3A_61 = arith.constant 64 : index
    %get3A_62 = vector.load %arg3[%get3A_60, %get3A_61] : memref<1024x768xbf16, #tpu.memory_space<vmem>>, vector<512x64xbf16>
    %dot_general3A_63 = arith.constant dense<0.000000e+00> : vector<256x64xf32>
    %dot_general3A_64 = tpu.matmul %convert_element_type3A_52, %get3A_62, %dot_general3A_63 {dimension_numbers = #tpu.dot_dimension_numbers<[1], [0], [0], [1], [0, 0, 1, 1], [], []>, transpose_lhs_hint = false} : vector<256x512xbf16>, vector<512x64xbf16>, vector<256x64xf32> -> vector<256x64xf32>
    %get3A_65 = arith.constant 512 : index
    %get3A_66 = arith.constant 64 : index
    %get3A_67 = vector.load %arg3[%get3A_65, %get3A_66] : memref<1024x768xbf16, #tpu.memory_space<vmem>>, vector<512x64xbf16>
    %dot_general3A_68 = arith.constant dense<0.000000e+00> : vector<256x64xf32>
    %dot_general3A_69 = tpu.matmul %convert_element_type3A_49, %get3A_67, %dot_general3A_68 {dimension_numbers = #tpu.dot_dimension_numbers<[1], [0], [0], [1], [0, 0, 1, 1], [], []>, transpose_lhs_hint = false} : vector<256x512xbf16>, vector<512x64xbf16>, vector<256x64xf32> -> vector<256x64xf32>
    %add3A_70 = arith.addf %dot_general3A_64, %dot_general3A_69 : vector<256x64xf32>
    %div3A_71 = vector.broadcast %add3A_59 : vector<256x1xf32> to vector<256x64xf32>
    %div3A_72 = arith.divf %add3A_70, %div3A_71 : vector<256x64xf32>
    %get3A_73 = arith.constant 0 : index
    %get3A_74 = arith.constant 128 : index
    %get3A_75 = vector.load %arg1[%get3A_73, %get3A_74] : memref<256x768xbf16, #tpu.memory_space<vmem>>, vector<256x64xbf16>
    %get3A_76 = arith.constant 0 : index
    %get3A_77 = arith.constant 128 : index
    %get3A_78 = vector.load %arg2[%get3A_76, %get3A_77] : memref<1024x768xbf16, #tpu.memory_space<vmem>>, vector<1024x64xbf16>
    %dot_general3A_79 = arith.constant dense<0.000000e+00> : vector<256x1024xf32>
    %dot_general3A_80 = tpu.matmul %get3A_75, %get3A_78, %dot_general3A_79 {dimension_numbers = #tpu.dot_dimension_numbers<[1], [1], [0], [0], [0, 0, 1, 0], [], []>, transpose_lhs_hint = false} : vector<256x64xbf16>, vector<1024x64xbf16>, vector<256x1024xf32> -> vector<256x1024xf32>
    %slice3A_81 = vector.extract_strided_slice %dot_general3A_80 {offsets = [0, 512], sizes = [256, 512], strides = [1, 1]} : vector<256x1024xf32> to vector<256x512xf32>
    %add3A_82 = arith.addf %slice3A_81, %select_n3A : vector<256x512xf32>
    %exp3A_83 = math.exp %add3A_82 : vector<256x512xf32>
    %convert_element_type3A_84 = arith.truncf %exp3A_83 : vector<256x512xf32> to vector<256x512xbf16>
    %slice3A_85 = vector.extract_strided_slice %dot_general3A_80 {offsets = [0, 0], sizes = [256, 512], strides = [1, 1]} : vector<256x1024xf32> to vector<256x512xf32>
    %exp3A_86 = math.exp %slice3A_85 : vector<256x512xf32>
    %convert_element_type3A_87 = arith.truncf %exp3A_86 : vector<256x512xf32> to vector<256x512xbf16>
    %reduce_sum3A_88 = arith.constant dense<0.000000e+00> : vector<256xf32>
    %reduce_sum3A_89 = vector.multi_reduction <add>, %exp3A_86, %reduce_sum3A_88 [1] : vector<256x512xf32> to vector<256xf32>
    %broadcast_in_dim3A_90 = vector.shape_cast %reduce_sum3A_89 : vector<256xf32> to vector<256x1xf32>
    %reduce_sum3A_91 = arith.constant dense<0.000000e+00> : vector<256xf32>
    %reduce_sum3A_92 = vector.multi_reduction <add>, %exp3A_83, %reduce_sum3A_91 [1] : vector<256x512xf32> to vector<256xf32>
    %broadcast_in_dim3A_93 = vector.shape_cast %reduce_sum3A_92 : vector<256xf32> to vector<256x1xf32>
    %add3A_94 = arith.addf %broadcast_in_dim3A_90, %broadcast_in_dim3A_93 : vector<256x1xf32>
    %get3A_95 = arith.constant 0 : index
    %get3A_96 = arith.constant 128 : index
    %get3A_97 = vector.load %arg3[%get3A_95, %get3A_96] : memref<1024x768xbf16, #tpu.memory_space<vmem>>, vector<512x64xbf16>
    %dot_general3A_98 = arith.constant dense<0.000000e+00> : vector<256x64xf32>
    %dot_general3A_99 = tpu.matmul %convert_element_type3A_87, %get3A_97, %dot_general3A_98 {dimension_numbers = #tpu.dot_dimension_numbers<[1], [0], [0], [1], [0, 0, 1, 1], [], []>, transpose_lhs_hint = false} : vector<256x512xbf16>, vector<512x64xbf16>, vector<256x64xf32> -> vector<256x64xf32>
    %get3A_100 = arith.constant 512 : index
    %get3A_101 = arith.constant 128 : index
    %get3A_102 = vector.load %arg3[%get3A_100, %get3A_101] : memref<1024x768xbf16, #tpu.memory_space<vmem>>, vector<512x64xbf16>
    %dot_general3A_103 = arith.constant dense<0.000000e+00> : vector<256x64xf32>
    %dot_general3A_104 = tpu.matmul %convert_element_type3A_84, %get3A_102, %dot_general3A_103 {dimension_numbers = #tpu.dot_dimension_numbers<[1], [0], [0], [1], [0, 0, 1, 1], [], []>, transpose_lhs_hint = false} : vector<256x512xbf16>, vector<512x64xbf16>, vector<256x64xf32> -> vector<256x64xf32>
    %add3A_105 = arith.addf %dot_general3A_99, %dot_general3A_104 : vector<256x64xf32>
    %div3A_106 = vector.broadcast %add3A_94 : vector<256x1xf32> to vector<256x64xf32>
    %div3A_107 = arith.divf %add3A_105, %div3A_106 : vector<256x64xf32>
    %get3A_108 = arith.constant 0 : index
    %get3A_109 = arith.constant 192 : index
    %get3A_110 = vector.load %arg1[%get3A_108, %get3A_109] : memref<256x768xbf16, #tpu.memory_space<vmem>>, vector<256x64xbf16>
    %get3A_111 = arith.constant 0 : index
    %get3A_112 = arith.constant 192 : index
    %get3A_113 = vector.load %arg2[%get3A_111, %get3A_112] : memref<1024x768xbf16, #tpu.memory_space<vmem>>, vector<1024x64xbf16>
    %dot_general3A_114 = arith.constant dense<0.000000e+00> : vector<256x1024xf32>
    %dot_general3A_115 = tpu.matmul %get3A_110, %get3A_113, %dot_general3A_114 {dimension_numbers = #tpu.dot_dimension_numbers<[1], [1], [0], [0], [0, 0, 1, 0], [], []>, transpose_lhs_hint = false} : vector<256x64xbf16>, vector<1024x64xbf16>, vector<256x1024xf32> -> vector<256x1024xf32>
    %slice3A_116 = vector.extract_strided_slice %dot_general3A_115 {offsets = [0, 512], sizes = [256, 512], strides = [1, 1]} : vector<256x1024xf32> to vector<256x512xf32>
    %add3A_117 = arith.addf %slice3A_116, %select_n3A : vector<256x512xf32>
    %exp3A_118 = math.exp %add3A_117 : vector<256x512xf32>
    %convert_element_type3A_119 = arith.truncf %exp3A_118 : vector<256x512xf32> to vector<256x512xbf16>
    %slice3A_120 = vector.extract_strided_slice %dot_general3A_115 {offsets = [0, 0], sizes = [256, 512], strides = [1, 1]} : vector<256x1024xf32> to vector<256x512xf32>
    %exp3A_121 = math.exp %slice3A_120 : vector<256x512xf32>
    %convert_element_type3A_122 = arith.truncf %exp3A_121 : vector<256x512xf32> to vector<256x512xbf16>
    %reduce_sum3A_123 = arith.constant dense<0.000000e+00> : vector<256xf32>
    %reduce_sum3A_124 = vector.multi_reduction <add>, %exp3A_121, %reduce_sum3A_123 [1] : vector<256x512xf32> to vector<256xf32>
    %broadcast_in_dim3A_125 = vector.shape_cast %reduce_sum3A_124 : vector<256xf32> to vector<256x1xf32>
    %reduce_sum3A_126 = arith.constant dense<0.000000e+00> : vector<256xf32>
    %reduce_sum3A_127 = vector.multi_reduction <add>, %exp3A_118, %reduce_sum3A_126 [1] : vector<256x512xf32> to vector<256xf32>
    %broadcast_in_dim3A_128 = vector.shape_cast %reduce_sum3A_127 : vector<256xf32> to vector<256x1xf32>
    %add3A_129 = arith.addf %broadcast_in_dim3A_125, %broadcast_in_dim3A_128 : vector<256x1xf32>
    %get3A_130 = arith.constant 0 : index
    %get3A_131 = arith.constant 192 : index
    %get3A_132 = vector.load %arg3[%get3A_130, %get3A_131] : memref<1024x768xbf16, #tpu.memory_space<vmem>>, vector<512x64xbf16>
    %dot_general3A_133 = arith.constant dense<0.000000e+00> : vector<256x64xf32>
    %dot_general3A_134 = tpu.matmul %convert_element_type3A_122, %get3A_132, %dot_general3A_133 {dimension_numbers = #tpu.dot_dimension_numbers<[1], [0], [0], [1], [0, 0, 1, 1], [], []>, transpose_lhs_hint = false} : vector<256x512xbf16>, vector<512x64xbf16>, vector<256x64xf32> -> vector<256x64xf32>
    %get3A_135 = arith.constant 512 : index
    %get3A_136 = arith.constant 192 : index
    %get3A_137 = vector.load %arg3[%get3A_135, %get3A_136] : memref<1024x768xbf16, #tpu.memory_space<vmem>>, vector<512x64xbf16>
    %dot_general3A_138 = arith.constant dense<0.000000e+00> : vector<256x64xf32>
    %dot_general3A_139 = tpu.matmul %convert_element_type3A_119, %get3A_137, %dot_general3A_138 {dimension_numbers = #tpu.dot_dimension_numbers<[1], [0], [0], [1], [0, 0, 1, 1], [], []>, transpose_lhs_hint = false} : vector<256x512xbf16>, vector<512x64xbf16>, vector<256x64xf32> -> vector<256x64xf32>
    %add3A_140 = arith.addf %dot_general3A_134, %dot_general3A_139 : vector<256x64xf32>
    %div3A_141 = vector.broadcast %add3A_129 : vector<256x1xf32> to vector<256x64xf32>
    %div3A_142 = arith.divf %add3A_140, %div3A_141 : vector<256x64xf32>
    %get3A_143 = arith.constant 0 : index
    %get3A_144 = arith.constant 256 : index
    %get3A_145 = vector.load %arg1[%get3A_143, %get3A_144] : memref<256x768xbf16, #tpu.memory_space<vmem>>, vector<256x64xbf16>
    %get3A_146 = arith.constant 0 : index
    %get3A_147 = arith.constant 256 : index
    %get3A_148 = vector.load %arg2[%get3A_146, %get3A_147] : memref<1024x768xbf16, #tpu.memory_space<vmem>>, vector<1024x64xbf16>
    %dot_general3A_149 = arith.constant dense<0.000000e+00> : vector<256x1024xf32>
    %dot_general3A_150 = tpu.matmul %get3A_145, %get3A_148, %dot_general3A_149 {dimension_numbers = #tpu.dot_dimension_numbers<[1], [1], [0], [0], [0, 0, 1, 0], [], []>, transpose_lhs_hint = false} : vector<256x64xbf16>, vector<1024x64xbf16>, vector<256x1024xf32> -> vector<256x1024xf32>
    %slice3A_151 = vector.extract_strided_slice %dot_general3A_150 {offsets = [0, 512], sizes = [256, 512], strides = [1, 1]} : vector<256x1024xf32> to vector<256x512xf32>
    %add3A_152 = arith.addf %slice3A_151, %select_n3A : vector<256x512xf32>
    %exp3A_153 = math.exp %add3A_152 : vector<256x512xf32>
    %convert_element_type3A_154 = arith.truncf %exp3A_153 : vector<256x512xf32> to vector<256x512xbf16>
    %slice3A_155 = vector.extract_strided_slice %dot_general3A_150 {offsets = [0, 0], sizes = [256, 512], strides = [1, 1]} : vector<256x1024xf32> to vector<256x512xf32>
    %exp3A_156 = math.exp %slice3A_155 : vector<256x512xf32>
    %convert_element_type3A_157 = arith.truncf %exp3A_156 : vector<256x512xf32> to vector<256x512xbf16>
    %reduce_sum3A_158 = arith.constant dense<0.000000e+00> : vector<256xf32>
    %reduce_sum3A_159 = vector.multi_reduction <add>, %exp3A_156, %reduce_sum3A_158 [1] : vector<256x512xf32> to vector<256xf32>
    %broadcast_in_dim3A_160 = vector.shape_cast %reduce_sum3A_159 : vector<256xf32> to vector<256x1xf32>
    %reduce_sum3A_161 = arith.constant dense<0.000000e+00> : vector<256xf32>
    %reduce_sum3A_162 = vector.multi_reduction <add>, %exp3A_153, %reduce_sum3A_161 [1] : vector<256x512xf32> to vector<256xf32>
    %broadcast_in_dim3A_163 = vector.shape_cast %reduce_sum3A_162 : vector<256xf32> to vector<256x1xf32>
    %add3A_164 = arith.addf %broadcast_in_dim3A_160, %broadcast_in_dim3A_163 : vector<256x1xf32>
    %get3A_165 = arith.constant 0 : index
    %get3A_166 = arith.constant 256 : index
    %get3A_167 = vector.load %arg3[%get3A_165, %get3A_166] : memref<1024x768xbf16, #tpu.memory_space<vmem>>, vector<512x64xbf16>
    %dot_general3A_168 = arith.constant dense<0.000000e+00> : vector<256x64xf32>
    %dot_general3A_169 = tpu.matmul %convert_element_type3A_157, %get3A_167, %dot_general3A_168 {dimension_numbers = #tpu.dot_dimension_numbers<[1], [0], [0], [1], [0, 0, 1, 1], [], []>, transpose_lhs_hint = false} : vector<256x512xbf16>, vector<512x64xbf16>, vector<256x64xf32> -> vector<256x64xf32>
    %get3A_170 = arith.constant 512 : index
    %get3A_171 = arith.constant 256 : index
    %get3A_172 = vector.load %arg3[%get3A_170, %get3A_171] : memref<1024x768xbf16, #tpu.memory_space<vmem>>, vector<512x64xbf16>
    %dot_general3A_173 = arith.constant dense<0.000000e+00> : vector<256x64xf32>
    %dot_general3A_174 = tpu.matmul %convert_element_type3A_154, %get3A_172, %dot_general3A_173 {dimension_numbers = #tpu.dot_dimension_numbers<[1], [0], [0], [1], [0, 0, 1, 1], [], []>, transpose_lhs_hint = false} : vector<256x512xbf16>, vector<512x64xbf16>, vector<256x64xf32> -> vector<256x64xf32>
    %add3A_175 = arith.addf %dot_general3A_169, %dot_general3A_174 : vector<256x64xf32>
    %div3A_176 = vector.broadcast %add3A_164 : vector<256x1xf32> to vector<256x64xf32>
    %div3A_177 = arith.divf %add3A_175, %div3A_176 : vector<256x64xf32>
    %get3A_178 = arith.constant 0 : index
    %get3A_179 = arith.constant 320 : index
    %get3A_180 = vector.load %arg1[%get3A_178, %get3A_179] : memref<256x768xbf16, #tpu.memory_space<vmem>>, vector<256x64xbf16>
    %get3A_181 = arith.constant 0 : index
    %get3A_182 = arith.constant 320 : index
    %get3A_183 = vector.load %arg2[%get3A_181, %get3A_182] : memref<1024x768xbf16, #tpu.memory_space<vmem>>, vector<1024x64xbf16>
    %dot_general3A_184 = arith.constant dense<0.000000e+00> : vector<256x1024xf32>
    %dot_general3A_185 = tpu.matmul %get3A_180, %get3A_183, %dot_general3A_184 {dimension_numbers = #tpu.dot_dimension_numbers<[1], [1], [0], [0], [0, 0, 1, 0], [], []>, transpose_lhs_hint = false} : vector<256x64xbf16>, vector<1024x64xbf16>, vector<256x1024xf32> -> vector<256x1024xf32>
    %slice3A_186 = vector.extract_strided_slice %dot_general3A_185 {offsets = [0, 512], sizes = [256, 512], strides = [1, 1]} : vector<256x1024xf32> to vector<256x512xf32>
    %add3A_187 = arith.addf %slice3A_186, %select_n3A : vector<256x512xf32>
    %exp3A_188 = math.exp %add3A_187 : vector<256x512xf32>
    %convert_element_type3A_189 = arith.truncf %exp3A_188 : vector<256x512xf32> to vector<256x512xbf16>
    %slice3A_190 = vector.extract_strided_slice %dot_general3A_185 {offsets = [0, 0], sizes = [256, 512], strides = [1, 1]} : vector<256x1024xf32> to vector<256x512xf32>
    %exp3A_191 = math.exp %slice3A_190 : vector<256x512xf32>
    %convert_element_type3A_192 = arith.truncf %exp3A_191 : vector<256x512xf32> to vector<256x512xbf16>
    %reduce_sum3A_193 = arith.constant dense<0.000000e+00> : vector<256xf32>
    %reduce_sum3A_194 = vector.multi_reduction <add>, %exp3A_191, %reduce_sum3A_193 [1] : vector<256x512xf32> to vector<256xf32>
    %broadcast_in_dim3A_195 = vector.shape_cast %reduce_sum3A_194 : vector<256xf32> to vector<256x1xf32>
    %reduce_sum3A_196 = arith.constant dense<0.000000e+00> : vector<256xf32>
    %reduce_sum3A_197 = vector.multi_reduction <add>, %exp3A_188, %reduce_sum3A_196 [1] : vector<256x512xf32> to vector<256xf32>
    %broadcast_in_dim3A_198 = vector.shape_cast %reduce_sum3A_197 : vector<256xf32> to vector<256x1xf32>
    %add3A_199 = arith.addf %broadcast_in_dim3A_195, %broadcast_in_dim3A_198 : vector<256x1xf32>
    %get3A_200 = arith.constant 0 : index
    %get3A_201 = arith.constant 320 : index
    %get3A_202 = vector.load %arg3[%get3A_200, %get3A_201] : memref<1024x768xbf16, #tpu.memory_space<vmem>>, vector<512x64xbf16>
    %dot_general3A_203 = arith.constant dense<0.000000e+00> : vector<256x64xf32>
    %dot_general3A_204 = tpu.matmul %convert_element_type3A_192, %get3A_202, %dot_general3A_203 {dimension_numbers = #tpu.dot_dimension_numbers<[1], [0], [0], [1], [0, 0, 1, 1], [], []>, transpose_lhs_hint = false} : vector<256x512xbf16>, vector<512x64xbf16>, vector<256x64xf32> -> vector<256x64xf32>
    %get3A_205 = arith.constant 512 : index
    %get3A_206 = arith.constant 320 : index
    %get3A_207 = vector.load %arg3[%get3A_205, %get3A_206] : memref<1024x768xbf16, #tpu.memory_space<vmem>>, vector<512x64xbf16>
    %dot_general3A_208 = arith.constant dense<0.000000e+00> : vector<256x64xf32>
    %dot_general3A_209 = tpu.matmul %convert_element_type3A_189, %get3A_207, %dot_general3A_208 {dimension_numbers = #tpu.dot_dimension_numbers<[1], [0], [0], [1], [0, 0, 1, 1], [], []>, transpose_lhs_hint = false} : vector<256x512xbf16>, vector<512x64xbf16>, vector<256x64xf32> -> vector<256x64xf32>
    %add3A_210 = arith.addf %dot_general3A_204, %dot_general3A_209 : vector<256x64xf32>
    %div3A_211 = vector.broadcast %add3A_199 : vector<256x1xf32> to vector<256x64xf32>
    %div3A_212 = arith.divf %add3A_210, %div3A_211 : vector<256x64xf32>
    %get3A_213 = arith.constant 0 : index
    %get3A_214 = arith.constant 384 : index
    %get3A_215 = vector.load %arg1[%get3A_213, %get3A_214] : memref<256x768xbf16, #tpu.memory_space<vmem>>, vector<256x64xbf16>
    %get3A_216 = arith.constant 0 : index
    %get3A_217 = arith.constant 384 : index
    %get3A_218 = vector.load %arg2[%get3A_216, %get3A_217] : memref<1024x768xbf16, #tpu.memory_space<vmem>>, vector<1024x64xbf16>
    %dot_general3A_219 = arith.constant dense<0.000000e+00> : vector<256x1024xf32>
    %dot_general3A_220 = tpu.matmul %get3A_215, %get3A_218, %dot_general3A_219 {dimension_numbers = #tpu.dot_dimension_numbers<[1], [1], [0], [0], [0, 0, 1, 0], [], []>, transpose_lhs_hint = false} : vector<256x64xbf16>, vector<1024x64xbf16>, vector<256x1024xf32> -> vector<256x1024xf32>
    %slice3A_221 = vector.extract_strided_slice %dot_general3A_220 {offsets = [0, 512], sizes = [256, 512], strides = [1, 1]} : vector<256x1024xf32> to vector<256x512xf32>
    %add3A_222 = arith.addf %slice3A_221, %select_n3A : vector<256x512xf32>
    %exp3A_223 = math.exp %add3A_222 : vector<256x512xf32>
    %convert_element_type3A_224 = arith.truncf %exp3A_223 : vector<256x512xf32> to vector<256x512xbf16>
    %slice3A_225 = vector.extract_strided_slice %dot_general3A_220 {offsets = [0, 0], sizes = [256, 512], strides = [1, 1]} : vector<256x1024xf32> to vector<256x512xf32>
    %exp3A_226 = math.exp %slice3A_225 : vector<256x512xf32>
    %convert_element_type3A_227 = arith.truncf %exp3A_226 : vector<256x512xf32> to vector<256x512xbf16>
    %reduce_sum3A_228 = arith.constant dense<0.000000e+00> : vector<256xf32>
    %reduce_sum3A_229 = vector.multi_reduction <add>, %exp3A_226, %reduce_sum3A_228 [1] : vector<256x512xf32> to vector<256xf32>
    %broadcast_in_dim3A_230 = vector.shape_cast %reduce_sum3A_229 : vector<256xf32> to vector<256x1xf32>
    %reduce_sum3A_231 = arith.constant dense<0.000000e+00> : vector<256xf32>
    %reduce_sum3A_232 = vector.multi_reduction <add>, %exp3A_223, %reduce_sum3A_231 [1] : vector<256x512xf32> to vector<256xf32>
    %broadcast_in_dim3A_233 = vector.shape_cast %reduce_sum3A_232 : vector<256xf32> to vector<256x1xf32>
    %add3A_234 = arith.addf %broadcast_in_dim3A_230, %broadcast_in_dim3A_233 : vector<256x1xf32>
    %get3A_235 = arith.constant 0 : index
    %get3A_236 = arith.constant 384 : index
    %get3A_237 = vector.load %arg3[%get3A_235, %get3A_236] : memref<1024x768xbf16, #tpu.memory_space<vmem>>, vector<512x64xbf16>
    %dot_general3A_238 = arith.constant dense<0.000000e+00> : vector<256x64xf32>
    %dot_general3A_239 = tpu.matmul %convert_element_type3A_227, %get3A_237, %dot_general3A_238 {dimension_numbers = #tpu.dot_dimension_numbers<[1], [0], [0], [1], [0, 0, 1, 1], [], []>, transpose_lhs_hint = false} : vector<256x512xbf16>, vector<512x64xbf16>, vector<256x64xf32> -> vector<256x64xf32>
    %get3A_240 = arith.constant 512 : index
    %get3A_241 = arith.constant 384 : index
    %get3A_242 = vector.load %arg3[%get3A_240, %get3A_241] : memref<1024x768xbf16, #tpu.memory_space<vmem>>, vector<512x64xbf16>
    %dot_general3A_243 = arith.constant dense<0.000000e+00> : vector<256x64xf32>
    %dot_general3A_244 = tpu.matmul %convert_element_type3A_224, %get3A_242, %dot_general3A_243 {dimension_numbers = #tpu.dot_dimension_numbers<[1], [0], [0], [1], [0, 0, 1, 1], [], []>, transpose_lhs_hint = false} : vector<256x512xbf16>, vector<512x64xbf16>, vector<256x64xf32> -> vector<256x64xf32>
    %add3A_245 = arith.addf %dot_general3A_239, %dot_general3A_244 : vector<256x64xf32>
    %div3A_246 = vector.broadcast %add3A_234 : vector<256x1xf32> to vector<256x64xf32>
    %div3A_247 = arith.divf %add3A_245, %div3A_246 : vector<256x64xf32>
    %get3A_248 = arith.constant 0 : index
    %get3A_249 = arith.constant 448 : index
    %get3A_250 = vector.load %arg1[%get3A_248, %get3A_249] : memref<256x768xbf16, #tpu.memory_space<vmem>>, vector<256x64xbf16>
    %get3A_251 = arith.constant 0 : index
    %get3A_252 = arith.constant 448 : index
    %get3A_253 = vector.load %arg2[%get3A_251, %get3A_252] : memref<1024x768xbf16, #tpu.memory_space<vmem>>, vector<1024x64xbf16>
    %dot_general3A_254 = arith.constant dense<0.000000e+00> : vector<256x1024xf32>
    %dot_general3A_255 = tpu.matmul %get3A_250, %get3A_253, %dot_general3A_254 {dimension_numbers = #tpu.dot_dimension_numbers<[1], [1], [0], [0], [0, 0, 1, 0], [], []>, transpose_lhs_hint = false} : vector<256x64xbf16>, vector<1024x64xbf16>, vector<256x1024xf32> -> vector<256x1024xf32>
    %slice3A_256 = vector.extract_strided_slice %dot_general3A_255 {offsets = [0, 512], sizes = [256, 512], strides = [1, 1]} : vector<256x1024xf32> to vector<256x512xf32>
    %add3A_257 = arith.addf %slice3A_256, %select_n3A : vector<256x512xf32>
    %exp3A_258 = math.exp %add3A_257 : vector<256x512xf32>
    %convert_element_type3A_259 = arith.truncf %exp3A_258 : vector<256x512xf32> to vector<256x512xbf16>
    %slice3A_260 = vector.extract_strided_slice %dot_general3A_255 {offsets = [0, 0], sizes = [256, 512], strides = [1, 1]} : vector<256x1024xf32> to vector<256x512xf32>
    %exp3A_261 = math.exp %slice3A_260 : vector<256x512xf32>
    %convert_element_type3A_262 = arith.truncf %exp3A_261 : vector<256x512xf32> to vector<256x512xbf16>
    %reduce_sum3A_263 = arith.constant dense<0.000000e+00> : vector<256xf32>
    %reduce_sum3A_264 = vector.multi_reduction <add>, %exp3A_261, %reduce_sum3A_263 [1] : vector<256x512xf32> to vector<256xf32>
    %broadcast_in_dim3A_265 = vector.shape_cast %reduce_sum3A_264 : vector<256xf32> to vector<256x1xf32>
    %reduce_sum3A_266 = arith.constant dense<0.000000e+00> : vector<256xf32>
    %reduce_sum3A_267 = vector.multi_reduction <add>, %exp3A_258, %reduce_sum3A_266 [1] : vector<256x512xf32> to vector<256xf32>
    %broadcast_in_dim3A_268 = vector.shape_cast %reduce_sum3A_267 : vector<256xf32> to vector<256x1xf32>
    %add3A_269 = arith.addf %broadcast_in_dim3A_265, %broadcast_in_dim3A_268 : vector<256x1xf32>
    %get3A_270 = arith.constant 0 : index
    %get3A_271 = arith.constant 448 : index
    %get3A_272 = vector.load %arg3[%get3A_270, %get3A_271] : memref<1024x768xbf16, #tpu.memory_space<vmem>>, vector<512x64xbf16>
    %dot_general3A_273 = arith.constant dense<0.000000e+00> : vector<256x64xf32>
    %dot_general3A_274 = tpu.matmul %convert_element_type3A_262, %get3A_272, %dot_general3A_273 {dimension_numbers = #tpu.dot_dimension_numbers<[1], [0], [0], [1], [0, 0, 1, 1], [], []>, transpose_lhs_hint = false} : vector<256x512xbf16>, vector<512x64xbf16>, vector<256x64xf32> -> vector<256x64xf32>
    %get3A_275 = arith.constant 512 : index
    %get3A_276 = arith.constant 448 : index
    %get3A_277 = vector.load %arg3[%get3A_275, %get3A_276] : memref<1024x768xbf16, #tpu.memory_space<vmem>>, vector<512x64xbf16>
    %dot_general3A_278 = arith.constant dense<0.000000e+00> : vector<256x64xf32>
    %dot_general3A_279 = tpu.matmul %convert_element_type3A_259, %get3A_277, %dot_general3A_278 {dimension_numbers = #tpu.dot_dimension_numbers<[1], [0], [0], [1], [0, 0, 1, 1], [], []>, transpose_lhs_hint = false} : vector<256x512xbf16>, vector<512x64xbf16>, vector<256x64xf32> -> vector<256x64xf32>
    %add3A_280 = arith.addf %dot_general3A_274, %dot_general3A_279 : vector<256x64xf32>
    %div3A_281 = vector.broadcast %add3A_269 : vector<256x1xf32> to vector<256x64xf32>
    %div3A_282 = arith.divf %add3A_280, %div3A_281 : vector<256x64xf32>
    %get3A_283 = arith.constant 0 : index
    %get3A_284 = arith.constant 512 : index
    %get3A_285 = vector.load %arg1[%get3A_283, %get3A_284] : memref<256x768xbf16, #tpu.memory_space<vmem>>, vector<256x64xbf16>
    %get3A_286 = arith.constant 0 : index
    %get3A_287 = arith.constant 512 : index
    %get3A_288 = vector.load %arg2[%get3A_286, %get3A_287] : memref<1024x768xbf16, #tpu.memory_space<vmem>>, vector<1024x64xbf16>
    %dot_general3A_289 = arith.constant dense<0.000000e+00> : vector<256x1024xf32>
    %dot_general3A_290 = tpu.matmul %get3A_285, %get3A_288, %dot_general3A_289 {dimension_numbers = #tpu.dot_dimension_numbers<[1], [1], [0], [0], [0, 0, 1, 0], [], []>, transpose_lhs_hint = false} : vector<256x64xbf16>, vector<1024x64xbf16>, vector<256x1024xf32> -> vector<256x1024xf32>
    %slice3A_291 = vector.extract_strided_slice %dot_general3A_290 {offsets = [0, 512], sizes = [256, 512], strides = [1, 1]} : vector<256x1024xf32> to vector<256x512xf32>
    %add3A_292 = arith.addf %slice3A_291, %select_n3A : vector<256x512xf32>
    %exp3A_293 = math.exp %add3A_292 : vector<256x512xf32>
    %convert_element_type3A_294 = arith.truncf %exp3A_293 : vector<256x512xf32> to vector<256x512xbf16>
    %slice3A_295 = vector.extract_strided_slice %dot_general3A_290 {offsets = [0, 0], sizes = [256, 512], strides = [1, 1]} : vector<256x1024xf32> to vector<256x512xf32>
    %exp3A_296 = math.exp %slice3A_295 : vector<256x512xf32>
    %convert_element_type3A_297 = arith.truncf %exp3A_296 : vector<256x512xf32> to vector<256x512xbf16>
    %reduce_sum3A_298 = arith.constant dense<0.000000e+00> : vector<256xf32>
    %reduce_sum3A_299 = vector.multi_reduction <add>, %exp3A_296, %reduce_sum3A_298 [1] : vector<256x512xf32> to vector<256xf32>
    %broadcast_in_dim3A_300 = vector.shape_cast %reduce_sum3A_299 : vector<256xf32> to vector<256x1xf32>
    %reduce_sum3A_301 = arith.constant dense<0.000000e+00> : vector<256xf32>
    %reduce_sum3A_302 = vector.multi_reduction <add>, %exp3A_293, %reduce_sum3A_301 [1] : vector<256x512xf32> to vector<256xf32>
    %broadcast_in_dim3A_303 = vector.shape_cast %reduce_sum3A_302 : vector<256xf32> to vector<256x1xf32>
    %add3A_304 = arith.addf %broadcast_in_dim3A_300, %broadcast_in_dim3A_303 : vector<256x1xf32>
    %get3A_305 = arith.constant 0 : index
    %get3A_306 = arith.constant 512 : index
    %get3A_307 = vector.load %arg3[%get3A_305, %get3A_306] : memref<1024x768xbf16, #tpu.memory_space<vmem>>, vector<512x64xbf16>
    %dot_general3A_308 = arith.constant dense<0.000000e+00> : vector<256x64xf32>
    %dot_general3A_309 = tpu.matmul %convert_element_type3A_297, %get3A_307, %dot_general3A_308 {dimension_numbers = #tpu.dot_dimension_numbers<[1], [0], [0], [1], [0, 0, 1, 1], [], []>, transpose_lhs_hint = false} : vector<256x512xbf16>, vector<512x64xbf16>, vector<256x64xf32> -> vector<256x64xf32>
    %get3A_310 = arith.constant 512 : index
    %get3A_311 = arith.constant 512 : index
    %get3A_312 = vector.load %arg3[%get3A_310, %get3A_311] : memref<1024x768xbf16, #tpu.memory_space<vmem>>, vector<512x64xbf16>
    %dot_general3A_313 = arith.constant dense<0.000000e+00> : vector<256x64xf32>
    %dot_general3A_314 = tpu.matmul %convert_element_type3A_294, %get3A_312, %dot_general3A_313 {dimension_numbers = #tpu.dot_dimension_numbers<[1], [0], [0], [1], [0, 0, 1, 1], [], []>, transpose_lhs_hint = false} : vector<256x512xbf16>, vector<512x64xbf16>, vector<256x64xf32> -> vector<256x64xf32>
    %add3A_315 = arith.addf %dot_general3A_309, %dot_general3A_314 : vector<256x64xf32>
    %div3A_316 = vector.broadcast %add3A_304 : vector<256x1xf32> to vector<256x64xf32>
    %div3A_317 = arith.divf %add3A_315, %div3A_316 : vector<256x64xf32>
    %get3A_318 = arith.constant 0 : index
    %get3A_319 = arith.constant 576 : index
    %get3A_320 = vector.load %arg1[%get3A_318, %get3A_319] : memref<256x768xbf16, #tpu.memory_space<vmem>>, vector<256x64xbf16>
    %get3A_321 = arith.constant 0 : index
    %get3A_322 = arith.constant 576 : index
    %get3A_323 = vector.load %arg2[%get3A_321, %get3A_322] : memref<1024x768xbf16, #tpu.memory_space<vmem>>, vector<1024x64xbf16>
    %dot_general3A_324 = arith.constant dense<0.000000e+00> : vector<256x1024xf32>
    %dot_general3A_325 = tpu.matmul %get3A_320, %get3A_323, %dot_general3A_324 {dimension_numbers = #tpu.dot_dimension_numbers<[1], [1], [0], [0], [0, 0, 1, 0], [], []>, transpose_lhs_hint = false} : vector<256x64xbf16>, vector<1024x64xbf16>, vector<256x1024xf32> -> vector<256x1024xf32>
    %slice3A_326 = vector.extract_strided_slice %dot_general3A_325 {offsets = [0, 512], sizes = [256, 512], strides = [1, 1]} : vector<256x1024xf32> to vector<256x512xf32>
    %add3A_327 = arith.addf %slice3A_326, %select_n3A : vector<256x512xf32>
    %exp3A_328 = math.exp %add3A_327 : vector<256x512xf32>
    %convert_element_type3A_329 = arith.truncf %exp3A_328 : vector<256x512xf32> to vector<256x512xbf16>
    %slice3A_330 = vector.extract_strided_slice %dot_general3A_325 {offsets = [0, 0], sizes = [256, 512], strides = [1, 1]} : vector<256x1024xf32> to vector<256x512xf32>
    %exp3A_331 = math.exp %slice3A_330 : vector<256x512xf32>
    %convert_element_type3A_332 = arith.truncf %exp3A_331 : vector<256x512xf32> to vector<256x512xbf16>
    %reduce_sum3A_333 = arith.constant dense<0.000000e+00> : vector<256xf32>
    %reduce_sum3A_334 = vector.multi_reduction <add>, %exp3A_331, %reduce_sum3A_333 [1] : vector<256x512xf32> to vector<256xf32>
    %broadcast_in_dim3A_335 = vector.shape_cast %reduce_sum3A_334 : vector<256xf32> to vector<256x1xf32>
    %reduce_sum3A_336 = arith.constant dense<0.000000e+00> : vector<256xf32>
    %reduce_sum3A_337 = vector.multi_reduction <add>, %exp3A_328, %reduce_sum3A_336 [1] : vector<256x512xf32> to vector<256xf32>
    %broadcast_in_dim3A_338 = vector.shape_cast %reduce_sum3A_337 : vector<256xf32> to vector<256x1xf32>
    %add3A_339 = arith.addf %broadcast_in_dim3A_335, %broadcast_in_dim3A_338 : vector<256x1xf32>
    %get3A_340 = arith.constant 0 : index
    %get3A_341 = arith.constant 576 : index
    %get3A_342 = vector.load %arg3[%get3A_340, %get3A_341] : memref<1024x768xbf16, #tpu.memory_space<vmem>>, vector<512x64xbf16>
    %dot_general3A_343 = arith.constant dense<0.000000e+00> : vector<256x64xf32>
    %dot_general3A_344 = tpu.matmul %convert_element_type3A_332, %get3A_342, %dot_general3A_343 {dimension_numbers = #tpu.dot_dimension_numbers<[1], [0], [0], [1], [0, 0, 1, 1], [], []>, transpose_lhs_hint = false} : vector<256x512xbf16>, vector<512x64xbf16>, vector<256x64xf32> -> vector<256x64xf32>
    %get3A_345 = arith.constant 512 : index
    %get3A_346 = arith.constant 576 : index
    %get3A_347 = vector.load %arg3[%get3A_345, %get3A_346] : memref<1024x768xbf16, #tpu.memory_space<vmem>>, vector<512x64xbf16>
    %dot_general3A_348 = arith.constant dense<0.000000e+00> : vector<256x64xf32>
    %dot_general3A_349 = tpu.matmul %convert_element_type3A_329, %get3A_347, %dot_general3A_348 {dimension_numbers = #tpu.dot_dimension_numbers<[1], [0], [0], [1], [0, 0, 1, 1], [], []>, transpose_lhs_hint = false} : vector<256x512xbf16>, vector<512x64xbf16>, vector<256x64xf32> -> vector<256x64xf32>
    %add3A_350 = arith.addf %dot_general3A_344, %dot_general3A_349 : vector<256x64xf32>
    %div3A_351 = vector.broadcast %add3A_339 : vector<256x1xf32> to vector<256x64xf32>
    %div3A_352 = arith.divf %add3A_350, %div3A_351 : vector<256x64xf32>
    %get3A_353 = arith.constant 0 : index
    %get3A_354 = arith.constant 640 : index
    %get3A_355 = vector.load %arg1[%get3A_353, %get3A_354] : memref<256x768xbf16, #tpu.memory_space<vmem>>, vector<256x64xbf16>
    %get3A_356 = arith.constant 0 : index
    %get3A_357 = arith.constant 640 : index
    %get3A_358 = vector.load %arg2[%get3A_356, %get3A_357] : memref<1024x768xbf16, #tpu.memory_space<vmem>>, vector<1024x64xbf16>
    %dot_general3A_359 = arith.constant dense<0.000000e+00> : vector<256x1024xf32>
    %dot_general3A_360 = tpu.matmul %get3A_355, %get3A_358, %dot_general3A_359 {dimension_numbers = #tpu.dot_dimension_numbers<[1], [1], [0], [0], [0, 0, 1, 0], [], []>, transpose_lhs_hint = false} : vector<256x64xbf16>, vector<1024x64xbf16>, vector<256x1024xf32> -> vector<256x1024xf32>
    %slice3A_361 = vector.extract_strided_slice %dot_general3A_360 {offsets = [0, 512], sizes = [256, 512], strides = [1, 1]} : vector<256x1024xf32> to vector<256x512xf32>
    %add3A_362 = arith.addf %slice3A_361, %select_n3A : vector<256x512xf32>
    %exp3A_363 = math.exp %add3A_362 : vector<256x512xf32>
    %convert_element_type3A_364 = arith.truncf %exp3A_363 : vector<256x512xf32> to vector<256x512xbf16>
    %slice3A_365 = vector.extract_strided_slice %dot_general3A_360 {offsets = [0, 0], sizes = [256, 512], strides = [1, 1]} : vector<256x1024xf32> to vector<256x512xf32>
    %exp3A_366 = math.exp %slice3A_365 : vector<256x512xf32>
    %convert_element_type3A_367 = arith.truncf %exp3A_366 : vector<256x512xf32> to vector<256x512xbf16>
    %reduce_sum3A_368 = arith.constant dense<0.000000e+00> : vector<256xf32>
    %reduce_sum3A_369 = vector.multi_reduction <add>, %exp3A_366, %reduce_sum3A_368 [1] : vector<256x512xf32> to vector<256xf32>
    %broadcast_in_dim3A_370 = vector.shape_cast %reduce_sum3A_369 : vector<256xf32> to vector<256x1xf32>
    %reduce_sum3A_371 = arith.constant dense<0.000000e+00> : vector<256xf32>
    %reduce_sum3A_372 = vector.multi_reduction <add>, %exp3A_363, %reduce_sum3A_371 [1] : vector<256x512xf32> to vector<256xf32>
    %broadcast_in_dim3A_373 = vector.shape_cast %reduce_sum3A_372 : vector<256xf32> to vector<256x1xf32>
    %add3A_374 = arith.addf %broadcast_in_dim3A_370, %broadcast_in_dim3A_373 : vector<256x1xf32>
    %get3A_375 = arith.constant 0 : index
    %get3A_376 = arith.constant 640 : index
    %get3A_377 = vector.load %arg3[%get3A_375, %get3A_376] : memref<1024x768xbf16, #tpu.memory_space<vmem>>, vector<512x64xbf16>
    %dot_general3A_378 = arith.constant dense<0.000000e+00> : vector<256x64xf32>
    %dot_general3A_379 = tpu.matmul %convert_element_type3A_367, %get3A_377, %dot_general3A_378 {dimension_numbers = #tpu.dot_dimension_numbers<[1], [0], [0], [1], [0, 0, 1, 1], [], []>, transpose_lhs_hint = false} : vector<256x512xbf16>, vector<512x64xbf16>, vector<256x64xf32> -> vector<256x64xf32>
    %get3A_380 = arith.constant 512 : index
    %get3A_381 = arith.constant 640 : index
    %get3A_382 = vector.load %arg3[%get3A_380, %get3A_381] : memref<1024x768xbf16, #tpu.memory_space<vmem>>, vector<512x64xbf16>
    %dot_general3A_383 = arith.constant dense<0.000000e+00> : vector<256x64xf32>
    %dot_general3A_384 = tpu.matmul %convert_element_type3A_364, %get3A_382, %dot_general3A_383 {dimension_numbers = #tpu.dot_dimension_numbers<[1], [0], [0], [1], [0, 0, 1, 1], [], []>, transpose_lhs_hint = false} : vector<256x512xbf16>, vector<512x64xbf16>, vector<256x64xf32> -> vector<256x64xf32>
    %add3A_385 = arith.addf %dot_general3A_379, %dot_general3A_384 : vector<256x64xf32>
    %div3A_386 = vector.broadcast %add3A_374 : vector<256x1xf32> to vector<256x64xf32>
    %div3A_387 = arith.divf %add3A_385, %div3A_386 : vector<256x64xf32>
    %get3A_388 = arith.constant 0 : index
    %get3A_389 = arith.constant 704 : index
    %get3A_390 = vector.load %arg1[%get3A_388, %get3A_389] : memref<256x768xbf16, #tpu.memory_space<vmem>>, vector<256x64xbf16>
    %get3A_391 = arith.constant 0 : index
    %get3A_392 = arith.constant 704 : index
    %get3A_393 = vector.load %arg2[%get3A_391, %get3A_392] : memref<1024x768xbf16, #tpu.memory_space<vmem>>, vector<1024x64xbf16>
    %dot_general3A_394 = arith.constant dense<0.000000e+00> : vector<256x1024xf32>
    %dot_general3A_395 = tpu.matmul %get3A_390, %get3A_393, %dot_general3A_394 {dimension_numbers = #tpu.dot_dimension_numbers<[1], [1], [0], [0], [0, 0, 1, 0], [], []>, transpose_lhs_hint = false} : vector<256x64xbf16>, vector<1024x64xbf16>, vector<256x1024xf32> -> vector<256x1024xf32>
    %slice3A_396 = vector.extract_strided_slice %dot_general3A_395 {offsets = [0, 512], sizes = [256, 512], strides = [1, 1]} : vector<256x1024xf32> to vector<256x512xf32>
    %add3A_397 = arith.addf %slice3A_396, %select_n3A : vector<256x512xf32>
    %exp3A_398 = math.exp %add3A_397 : vector<256x512xf32>
    %convert_element_type3A_399 = arith.truncf %exp3A_398 : vector<256x512xf32> to vector<256x512xbf16>
    %slice3A_400 = vector.extract_strided_slice %dot_general3A_395 {offsets = [0, 0], sizes = [256, 512], strides = [1, 1]} : vector<256x1024xf32> to vector<256x512xf32>
    %exp3A_401 = math.exp %slice3A_400 : vector<256x512xf32>
    %convert_element_type3A_402 = arith.truncf %exp3A_401 : vector<256x512xf32> to vector<256x512xbf16>
    %reduce_sum3A_403 = arith.constant dense<0.000000e+00> : vector<256xf32>
    %reduce_sum3A_404 = vector.multi_reduction <add>, %exp3A_401, %reduce_sum3A_403 [1] : vector<256x512xf32> to vector<256xf32>
    %broadcast_in_dim3A_405 = vector.shape_cast %reduce_sum3A_404 : vector<256xf32> to vector<256x1xf32>
    %reduce_sum3A_406 = arith.constant dense<0.000000e+00> : vector<256xf32>
    %reduce_sum3A_407 = vector.multi_reduction <add>, %exp3A_398, %reduce_sum3A_406 [1] : vector<256x512xf32> to vector<256xf32>
    %broadcast_in_dim3A_408 = vector.shape_cast %reduce_sum3A_407 : vector<256xf32> to vector<256x1xf32>
    %add3A_409 = arith.addf %broadcast_in_dim3A_405, %broadcast_in_dim3A_408 : vector<256x1xf32>
    %get3A_410 = arith.constant 0 : index
    %get3A_411 = arith.constant 704 : index
    %get3A_412 = vector.load %arg3[%get3A_410, %get3A_411] : memref<1024x768xbf16, #tpu.memory_space<vmem>>, vector<512x64xbf16>
    %dot_general3A_413 = arith.constant dense<0.000000e+00> : vector<256x64xf32>
    %dot_general3A_414 = tpu.matmul %convert_element_type3A_402, %get3A_412, %dot_general3A_413 {dimension_numbers = #tpu.dot_dimension_numbers<[1], [0], [0], [1], [0, 0, 1, 1], [], []>, transpose_lhs_hint = false} : vector<256x512xbf16>, vector<512x64xbf16>, vector<256x64xf32> -> vector<256x64xf32>
    %get3A_415 = arith.constant 512 : index
    %get3A_416 = arith.constant 704 : index
    %get3A_417 = vector.load %arg3[%get3A_415, %get3A_416] : memref<1024x768xbf16, #tpu.memory_space<vmem>>, vector<512x64xbf16>
    %dot_general3A_418 = arith.constant dense<0.000000e+00> : vector<256x64xf32>
    %dot_general3A_419 = tpu.matmul %convert_element_type3A_399, %get3A_417, %dot_general3A_418 {dimension_numbers = #tpu.dot_dimension_numbers<[1], [0], [0], [1], [0, 0, 1, 1], [], []>, transpose_lhs_hint = false} : vector<256x512xbf16>, vector<512x64xbf16>, vector<256x64xf32> -> vector<256x64xf32>
    %add3A_420 = arith.addf %dot_general3A_414, %dot_general3A_419 : vector<256x64xf32>
    %div3A_421 = vector.broadcast %add3A_409 : vector<256x1xf32> to vector<256x64xf32>
    %div3A_422 = arith.divf %add3A_420, %div3A_421 : vector<256x64xf32>
    %concatenate3A = tpu.concatenate %div3A_37, %div3A_72, %div3A_107, %div3A_142, %div3A_177, %div3A_212, %div3A_247, %div3A_282, %div3A_317, %div3A_352, %div3A_387, %div3A_422 in 1 : vector<256x64xf32>, vector<256x64xf32>, vector<256x64xf32>, vector<256x64xf32>, vector<256x64xf32>, vector<256x64xf32>, vector<256x64xf32>, vector<256x64xf32>, vector<256x64xf32>, vector<256x64xf32>, vector<256x64xf32>, vector<256x64xf32> -> vector<256x768xf32>
    %swap3A = arith.constant 0 : index
    %swap3A_423 = arith.constant 0 : index
    %swap3A_424 = vector.load %arg4[%swap3A, %swap3A_423] : memref<256x768xf32, #tpu.memory_space<vmem>>, vector<256x768xf32>
    tpu.vector_store %arg4[%swap3A, %swap3A_423], %concatenate3A {strides = array<i32>} : memref<256x768xf32, #tpu.memory_space<vmem>>, vector<256x768xf32>,
    return
  }
  func.func @transform_0(%arg0: i32) -> (i32, i32) {
    %add3A = arith.constant 2 : i32
    %add3A_0 = arith.addi %add3A, %arg0 : i32
    %c0_i32 = arith.constant 0 : i32
    %c0_i32_1 = arith.constant 0 : i32
    return %add3A_0, %c0_i32 : i32, i32
  }
  func.func @transform_1(%arg0: i32) -> (i32, i32) {
    %c0_i32 = arith.constant 0 : i32
    %c0_i32_0 = arith.constant 0 : i32
    %c0_i32_1 = arith.constant 0 : i32
    return %c0_i32, %c0_i32_0 : i32, i32
  }
  func.func @transform_2(%arg0: i32) -> (i32, i32) {
    %c0_i32 = arith.constant 0 : i32
    %c0_i32_0 = arith.constant 0 : i32
    %c0_i32_1 = arith.constant 0 : i32
    return %c0_i32, %c0_i32_0 : i32, i32
  }
  func.func @transform_3(%arg0: i32) -> (i32, i32) {
    %c0_i32 = arith.constant 0 : i32
    %c0_i32_0 = arith.constant 0 : i32
    return %arg0, %c0_i32 : i32, i32
  }
}

module attributes {stable_mosaic.version = 14 : i64} {
  func.func @_self_attn_kernel(%arg0: i32, %arg1: memref<256x768xbf16, #tpu.memory_space<vmem>>, %arg2: memref<1536x768xbf16, #tpu.memory_space<vmem>>, %arg3: memref<1536x768xbf16, #tpu.memory_space<vmem>>, %arg4: memref<256x768xf32, #tpu.memory_space<vmem>>) attributes {dimension_semantics = [#tpu.dimension_semantics<arbitrary>], iteration_bounds = array<i64: 2>, scalar_prefetch = 0 : i64, scratch_operands = 0 : i64, tpu.core_type = #tpu.core_type<tc>, window_params = [{transform_indices = @transform_0, window_bounds = array<i64: 256, 768>}, {transform_indices = @transform_1, window_bounds = array<i64: 1536, 768>}, {transform_indices = @transform_2, window_bounds = array<i64: 1536, 768>}, {transform_indices = @transform_3, window_bounds = array<i64: 256, 768>}]} {
    %add3A = arith.constant 4 : i32
    %add3A_0 = arith.addi %add3A, %arg0 : i32
    %mul3A = arith.constant 256 : i32
    %mul3A_1 = arith.muli %add3A_0, %mul3A : i32
    %iota3A = tpu.iota {dimensions = array<i32: 0>} : vector<256x512xi32>
    %add3A_2 = vector.broadcast %mul3A_1 : i32 to vector<256x512xi32>
    %add3A_3 = arith.addi %add3A_2, %iota3A : vector<256x512xi32>
    %iota3A_4 = tpu.iota {dimensions = array<i32: 1>} : vector<256x512xi32>
    %add3A_5 = arith.constant 1024 : i32
    %add3A_6 = vector.broadcast %add3A_5 : i32 to vector<256x512xi32>
    %add3A_7 = arith.addi %add3A_6, %iota3A_4 : vector<256x512xi32>
    %gt3A = arith.cmpi sgt, %add3A_7, %add3A_3 : vector<256x512xi32>
    %jit3A = arith.constant -1.000000e+09 : f32
    %jit3A_8 = arith.constant 0.000000e+00 : f32
    %broadcast_in_dim3A = vector.broadcast %jit3A : f32 to vector<256x512xf32>
    %broadcast_in_dim3A_9 = vector.broadcast %jit3A_8 : f32 to vector<256x512xf32>
    %select_n3A = arith.select %gt3A, %broadcast_in_dim3A, %broadcast_in_dim3A_9 : vector<256x512xi1>, vector<256x512xf32>
    %get3A = arith.constant 0 : index
    %get3A_10 = arith.constant 0 : index
    %get3A_11 = vector.load %arg1[%get3A, %get3A_10] : memref<256x768xbf16, #tpu.memory_space<vmem>>, vector<256x64xbf16>
    %get3A_12 = arith.constant 0 : index
    %get3A_13 = arith.constant 0 : index
    %get3A_14 = vector.load %arg2[%get3A_12, %get3A_13] : memref<1536x768xbf16, #tpu.memory_space<vmem>>, vector<1536x64xbf16>
    %dot_general3A = arith.constant dense<0.000000e+00> : vector<256x1536xf32>
    %dot_general3A_15 = tpu.matmul %get3A_11, %get3A_14, %dot_general3A {dimension_numbers = #tpu.dot_dimension_numbers<[1], [1], [0], [0], [0, 0, 1, 0], [], []>, transpose_lhs_hint = false} : vector<256x64xbf16>, vector<1536x64xbf16>, vector<256x1536xf32> -> vector<256x1536xf32>
    %slice3A = vector.extract_strided_slice %dot_general3A_15 {offsets = [0, 1024], sizes = [256, 512], strides = [1, 1]} : vector<256x1536xf32> to vector<256x512xf32>
    %add3A_16 = arith.addf %slice3A, %select_n3A : vector<256x512xf32>
    %exp3A = math.exp %add3A_16 : vector<256x512xf32>
    %convert_element_type3A = arith.truncf %exp3A : vector<256x512xf32> to vector<256x512xbf16>
    %slice3A_17 = vector.extract_strided_slice %dot_general3A_15 {offsets = [0, 0], sizes = [256, 1024], strides = [1, 1]} : vector<256x1536xf32> to vector<256x1024xf32>
    %exp3A_18 = math.exp %slice3A_17 : vector<256x1024xf32>
    %convert_element_type3A_19 = arith.truncf %exp3A_18 : vector<256x1024xf32> to vector<256x1024xbf16>
    %reduce_sum3A = arith.constant dense<0.000000e+00> : vector<256xf32>
    %reduce_sum3A_20 = vector.multi_reduction <add>, %exp3A_18, %reduce_sum3A [1] : vector<256x1024xf32> to vector<256xf32>
    %broadcast_in_dim3A_21 = vector.shape_cast %reduce_sum3A_20 : vector<256xf32> to vector<256x1xf32>
    %reduce_sum3A_22 = arith.constant dense<0.000000e+00> : vector<256xf32>
    %reduce_sum3A_23 = vector.multi_reduction <add>, %exp3A, %reduce_sum3A_22 [1] : vector<256x512xf32> to vector<256xf32>
    %broadcast_in_dim3A_24 = vector.shape_cast %reduce_sum3A_23 : vector<256xf32> to vector<256x1xf32>
    %add3A_25 = arith.addf %broadcast_in_dim3A_21, %broadcast_in_dim3A_24 : vector<256x1xf32>
    %get3A_26 = arith.constant 0 : index
    %get3A_27 = arith.constant 0 : index
    %get3A_28 = vector.load %arg3[%get3A_26, %get3A_27] : memref<1536x768xbf16, #tpu.memory_space<vmem>>, vector<1024x64xbf16>
    %dot_general3A_29 = arith.constant dense<0.000000e+00> : vector<256x64xf32>
    %dot_general3A_30 = tpu.matmul %convert_element_type3A_19, %get3A_28, %dot_general3A_29 {dimension_numbers = #tpu.dot_dimension_numbers<[1], [0], [0], [1], [0, 0, 1, 1], [], []>, transpose_lhs_hint = false} : vector<256x1024xbf16>, vector<1024x64xbf16>, vector<256x64xf32> -> vector<256x64xf32>
    %get3A_31 = arith.constant 1024 : index
    %get3A_32 = arith.constant 0 : index
    %get3A_33 = vector.load %arg3[%get3A_31, %get3A_32] : memref<1536x768xbf16, #tpu.memory_space<vmem>>, vector<512x64xbf16>
    %dot_general3A_34 = arith.constant dense<0.000000e+00> : vector<256x64xf32>
    %dot_general3A_35 = tpu.matmul %convert_element_type3A, %get3A_33, %dot_general3A_34 {dimension_numbers = #tpu.dot_dimension_numbers<[1], [0], [0], [1], [0, 0, 1, 1], [], []>, transpose_lhs_hint = false} : vector<256x512xbf16>, vector<512x64xbf16>, vector<256x64xf32> -> vector<256x64xf32>
    %add3A_36 = arith.addf %dot_general3A_30, %dot_general3A_35 : vector<256x64xf32>
    %div3A = vector.broadcast %add3A_25 : vector<256x1xf32> to vector<256x64xf32>
    %div3A_37 = arith.divf %add3A_36, %div3A : vector<256x64xf32>
    %get3A_38 = arith.constant 0 : index
    %get3A_39 = arith.constant 64 : index
    %get3A_40 = vector.load %arg1[%get3A_38, %get3A_39] : memref<256x768xbf16, #tpu.memory_space<vmem>>, vector<256x64xbf16>
    %get3A_41 = arith.constant 0 : index
    %get3A_42 = arith.constant 64 : index
    %get3A_43 = vector.load %arg2[%get3A_41, %get3A_42] : memref<1536x768xbf16, #tpu.memory_space<vmem>>, vector<1536x64xbf16>
    %dot_general3A_44 = arith.constant dense<0.000000e+00> : vector<256x1536xf32>
    %dot_general3A_45 = tpu.matmul %get3A_40, %get3A_43, %dot_general3A_44 {dimension_numbers = #tpu.dot_dimension_numbers<[1], [1], [0], [0], [0, 0, 1, 0], [], []>, transpose_lhs_hint = false} : vector<256x64xbf16>, vector<1536x64xbf16>, vector<256x1536xf32> -> vector<256x1536xf32>
    %slice3A_46 = vector.extract_strided_slice %dot_general3A_45 {offsets = [0, 1024], sizes = [256, 512], strides = [1, 1]} : vector<256x1536xf32> to vector<256x512xf32>
    %add3A_47 = arith.addf %slice3A_46, %select_n3A : vector<256x512xf32>
    %exp3A_48 = math.exp %add3A_47 : vector<256x512xf32>
    %convert_element_type3A_49 = arith.truncf %exp3A_48 : vector<256x512xf32> to vector<256x512xbf16>
    %slice3A_50 = vector.extract_strided_slice %dot_general3A_45 {offsets = [0, 0], sizes = [256, 1024], strides = [1, 1]} : vector<256x1536xf32> to vector<256x1024xf32>
    %exp3A_51 = math.exp %slice3A_50 : vector<256x1024xf32>
    %convert_element_type3A_52 = arith.truncf %exp3A_51 : vector<256x1024xf32> to vector<256x1024xbf16>
    %reduce_sum3A_53 = arith.constant dense<0.000000e+00> : vector<256xf32>
    %reduce_sum3A_54 = vector.multi_reduction <add>, %exp3A_51, %reduce_sum3A_53 [1] : vector<256x1024xf32> to vector<256xf32>
    %broadcast_in_dim3A_55 = vector.shape_cast %reduce_sum3A_54 : vector<256xf32> to vector<256x1xf32>
    %reduce_sum3A_56 = arith.constant dense<0.000000e+00> : vector<256xf32>
    %reduce_sum3A_57 = vector.multi_reduction <add>, %exp3A_48, %reduce_sum3A_56 [1] : vector<256x512xf32> to vector<256xf32>
    %broadcast_in_dim3A_58 = vector.shape_cast %reduce_sum3A_57 : vector<256xf32> to vector<256x1xf32>
    %add3A_59 = arith.addf %broadcast_in_dim3A_55, %broadcast_in_dim3A_58 : vector<256x1xf32>
    %get3A_60 = arith.constant 0 : index
    %get3A_61 = arith.constant 64 : index
    %get3A_62 = vector.load %arg3[%get3A_60, %get3A_61] : memref<1536x768xbf16, #tpu.memory_space<vmem>>, vector<1024x64xbf16>
    %dot_general3A_63 = arith.constant dense<0.000000e+00> : vector<256x64xf32>
    %dot_general3A_64 = tpu.matmul %convert_element_type3A_52, %get3A_62, %dot_general3A_63 {dimension_numbers = #tpu.dot_dimension_numbers<[1], [0], [0], [1], [0, 0, 1, 1], [], []>, transpose_lhs_hint = false} : vector<256x1024xbf16>, vector<1024x64xbf16>, vector<256x64xf32> -> vector<256x64xf32>
    %get3A_65 = arith.constant 1024 : index
    %get3A_66 = arith.constant 64 : index
    %get3A_67 = vector.load %arg3[%get3A_65, %get3A_66] : memref<1536x768xbf16, #tpu.memory_space<vmem>>, vector<512x64xbf16>
    %dot_general3A_68 = arith.constant dense<0.000000e+00> : vector<256x64xf32>
    %dot_general3A_69 = tpu.matmul %convert_element_type3A_49, %get3A_67, %dot_general3A_68 {dimension_numbers = #tpu.dot_dimension_numbers<[1], [0], [0], [1], [0, 0, 1, 1], [], []>, transpose_lhs_hint = false} : vector<256x512xbf16>, vector<512x64xbf16>, vector<256x64xf32> -> vector<256x64xf32>
    %add3A_70 = arith.addf %dot_general3A_64, %dot_general3A_69 : vector<256x64xf32>
    %div3A_71 = vector.broadcast %add3A_59 : vector<256x1xf32> to vector<256x64xf32>
    %div3A_72 = arith.divf %add3A_70, %div3A_71 : vector<256x64xf32>
    %get3A_73 = arith.constant 0 : index
    %get3A_74 = arith.constant 128 : index
    %get3A_75 = vector.load %arg1[%get3A_73, %get3A_74] : memref<256x768xbf16, #tpu.memory_space<vmem>>, vector<256x64xbf16>
    %get3A_76 = arith.constant 0 : index
    %get3A_77 = arith.constant 128 : index
    %get3A_78 = vector.load %arg2[%get3A_76, %get3A_77] : memref<1536x768xbf16, #tpu.memory_space<vmem>>, vector<1536x64xbf16>
    %dot_general3A_79 = arith.constant dense<0.000000e+00> : vector<256x1536xf32>
    %dot_general3A_80 = tpu.matmul %get3A_75, %get3A_78, %dot_general3A_79 {dimension_numbers = #tpu.dot_dimension_numbers<[1], [1], [0], [0], [0, 0, 1, 0], [], []>, transpose_lhs_hint = false} : vector<256x64xbf16>, vector<1536x64xbf16>, vector<256x1536xf32> -> vector<256x1536xf32>
    %slice3A_81 = vector.extract_strided_slice %dot_general3A_80 {offsets = [0, 1024], sizes = [256, 512], strides = [1, 1]} : vector<256x1536xf32> to vector<256x512xf32>
    %add3A_82 = arith.addf %slice3A_81, %select_n3A : vector<256x512xf32>
    %exp3A_83 = math.exp %add3A_82 : vector<256x512xf32>
    %convert_element_type3A_84 = arith.truncf %exp3A_83 : vector<256x512xf32> to vector<256x512xbf16>
    %slice3A_85 = vector.extract_strided_slice %dot_general3A_80 {offsets = [0, 0], sizes = [256, 1024], strides = [1, 1]} : vector<256x1536xf32> to vector<256x1024xf32>
    %exp3A_86 = math.exp %slice3A_85 : vector<256x1024xf32>
    %convert_element_type3A_87 = arith.truncf %exp3A_86 : vector<256x1024xf32> to vector<256x1024xbf16>
    %reduce_sum3A_88 = arith.constant dense<0.000000e+00> : vector<256xf32>
    %reduce_sum3A_89 = vector.multi_reduction <add>, %exp3A_86, %reduce_sum3A_88 [1] : vector<256x1024xf32> to vector<256xf32>
    %broadcast_in_dim3A_90 = vector.shape_cast %reduce_sum3A_89 : vector<256xf32> to vector<256x1xf32>
    %reduce_sum3A_91 = arith.constant dense<0.000000e+00> : vector<256xf32>
    %reduce_sum3A_92 = vector.multi_reduction <add>, %exp3A_83, %reduce_sum3A_91 [1] : vector<256x512xf32> to vector<256xf32>
    %broadcast_in_dim3A_93 = vector.shape_cast %reduce_sum3A_92 : vector<256xf32> to vector<256x1xf32>
    %add3A_94 = arith.addf %broadcast_in_dim3A_90, %broadcast_in_dim3A_93 : vector<256x1xf32>
    %get3A_95 = arith.constant 0 : index
    %get3A_96 = arith.constant 128 : index
    %get3A_97 = vector.load %arg3[%get3A_95, %get3A_96] : memref<1536x768xbf16, #tpu.memory_space<vmem>>, vector<1024x64xbf16>
    %dot_general3A_98 = arith.constant dense<0.000000e+00> : vector<256x64xf32>
    %dot_general3A_99 = tpu.matmul %convert_element_type3A_87, %get3A_97, %dot_general3A_98 {dimension_numbers = #tpu.dot_dimension_numbers<[1], [0], [0], [1], [0, 0, 1, 1], [], []>, transpose_lhs_hint = false} : vector<256x1024xbf16>, vector<1024x64xbf16>, vector<256x64xf32> -> vector<256x64xf32>
    %get3A_100 = arith.constant 1024 : index
    %get3A_101 = arith.constant 128 : index
    %get3A_102 = vector.load %arg3[%get3A_100, %get3A_101] : memref<1536x768xbf16, #tpu.memory_space<vmem>>, vector<512x64xbf16>
    %dot_general3A_103 = arith.constant dense<0.000000e+00> : vector<256x64xf32>
    %dot_general3A_104 = tpu.matmul %convert_element_type3A_84, %get3A_102, %dot_general3A_103 {dimension_numbers = #tpu.dot_dimension_numbers<[1], [0], [0], [1], [0, 0, 1, 1], [], []>, transpose_lhs_hint = false} : vector<256x512xbf16>, vector<512x64xbf16>, vector<256x64xf32> -> vector<256x64xf32>
    %add3A_105 = arith.addf %dot_general3A_99, %dot_general3A_104 : vector<256x64xf32>
    %div3A_106 = vector.broadcast %add3A_94 : vector<256x1xf32> to vector<256x64xf32>
    %div3A_107 = arith.divf %add3A_105, %div3A_106 : vector<256x64xf32>
    %get3A_108 = arith.constant 0 : index
    %get3A_109 = arith.constant 192 : index
    %get3A_110 = vector.load %arg1[%get3A_108, %get3A_109] : memref<256x768xbf16, #tpu.memory_space<vmem>>, vector<256x64xbf16>
    %get3A_111 = arith.constant 0 : index
    %get3A_112 = arith.constant 192 : index
    %get3A_113 = vector.load %arg2[%get3A_111, %get3A_112] : memref<1536x768xbf16, #tpu.memory_space<vmem>>, vector<1536x64xbf16>
    %dot_general3A_114 = arith.constant dense<0.000000e+00> : vector<256x1536xf32>
    %dot_general3A_115 = tpu.matmul %get3A_110, %get3A_113, %dot_general3A_114 {dimension_numbers = #tpu.dot_dimension_numbers<[1], [1], [0], [0], [0, 0, 1, 0], [], []>, transpose_lhs_hint = false} : vector<256x64xbf16>, vector<1536x64xbf16>, vector<256x1536xf32> -> vector<256x1536xf32>
    %slice3A_116 = vector.extract_strided_slice %dot_general3A_115 {offsets = [0, 1024], sizes = [256, 512], strides = [1, 1]} : vector<256x1536xf32> to vector<256x512xf32>
    %add3A_117 = arith.addf %slice3A_116, %select_n3A : vector<256x512xf32>
    %exp3A_118 = math.exp %add3A_117 : vector<256x512xf32>
    %convert_element_type3A_119 = arith.truncf %exp3A_118 : vector<256x512xf32> to vector<256x512xbf16>
    %slice3A_120 = vector.extract_strided_slice %dot_general3A_115 {offsets = [0, 0], sizes = [256, 1024], strides = [1, 1]} : vector<256x1536xf32> to vector<256x1024xf32>
    %exp3A_121 = math.exp %slice3A_120 : vector<256x1024xf32>
    %convert_element_type3A_122 = arith.truncf %exp3A_121 : vector<256x1024xf32> to vector<256x1024xbf16>
    %reduce_sum3A_123 = arith.constant dense<0.000000e+00> : vector<256xf32>
    %reduce_sum3A_124 = vector.multi_reduction <add>, %exp3A_121, %reduce_sum3A_123 [1] : vector<256x1024xf32> to vector<256xf32>
    %broadcast_in_dim3A_125 = vector.shape_cast %reduce_sum3A_124 : vector<256xf32> to vector<256x1xf32>
    %reduce_sum3A_126 = arith.constant dense<0.000000e+00> : vector<256xf32>
    %reduce_sum3A_127 = vector.multi_reduction <add>, %exp3A_118, %reduce_sum3A_126 [1] : vector<256x512xf32> to vector<256xf32>
    %broadcast_in_dim3A_128 = vector.shape_cast %reduce_sum3A_127 : vector<256xf32> to vector<256x1xf32>
    %add3A_129 = arith.addf %broadcast_in_dim3A_125, %broadcast_in_dim3A_128 : vector<256x1xf32>
    %get3A_130 = arith.constant 0 : index
    %get3A_131 = arith.constant 192 : index
    %get3A_132 = vector.load %arg3[%get3A_130, %get3A_131] : memref<1536x768xbf16, #tpu.memory_space<vmem>>, vector<1024x64xbf16>
    %dot_general3A_133 = arith.constant dense<0.000000e+00> : vector<256x64xf32>
    %dot_general3A_134 = tpu.matmul %convert_element_type3A_122, %get3A_132, %dot_general3A_133 {dimension_numbers = #tpu.dot_dimension_numbers<[1], [0], [0], [1], [0, 0, 1, 1], [], []>, transpose_lhs_hint = false} : vector<256x1024xbf16>, vector<1024x64xbf16>, vector<256x64xf32> -> vector<256x64xf32>
    %get3A_135 = arith.constant 1024 : index
    %get3A_136 = arith.constant 192 : index
    %get3A_137 = vector.load %arg3[%get3A_135, %get3A_136] : memref<1536x768xbf16, #tpu.memory_space<vmem>>, vector<512x64xbf16>
    %dot_general3A_138 = arith.constant dense<0.000000e+00> : vector<256x64xf32>
    %dot_general3A_139 = tpu.matmul %convert_element_type3A_119, %get3A_137, %dot_general3A_138 {dimension_numbers = #tpu.dot_dimension_numbers<[1], [0], [0], [1], [0, 0, 1, 1], [], []>, transpose_lhs_hint = false} : vector<256x512xbf16>, vector<512x64xbf16>, vector<256x64xf32> -> vector<256x64xf32>
    %add3A_140 = arith.addf %dot_general3A_134, %dot_general3A_139 : vector<256x64xf32>
    %div3A_141 = vector.broadcast %add3A_129 : vector<256x1xf32> to vector<256x64xf32>
    %div3A_142 = arith.divf %add3A_140, %div3A_141 : vector<256x64xf32>
    %get3A_143 = arith.constant 0 : index
    %get3A_144 = arith.constant 256 : index
    %get3A_145 = vector.load %arg1[%get3A_143, %get3A_144] : memref<256x768xbf16, #tpu.memory_space<vmem>>, vector<256x64xbf16>
    %get3A_146 = arith.constant 0 : index
    %get3A_147 = arith.constant 256 : index
    %get3A_148 = vector.load %arg2[%get3A_146, %get3A_147] : memref<1536x768xbf16, #tpu.memory_space<vmem>>, vector<1536x64xbf16>
    %dot_general3A_149 = arith.constant dense<0.000000e+00> : vector<256x1536xf32>
    %dot_general3A_150 = tpu.matmul %get3A_145, %get3A_148, %dot_general3A_149 {dimension_numbers = #tpu.dot_dimension_numbers<[1], [1], [0], [0], [0, 0, 1, 0], [], []>, transpose_lhs_hint = false} : vector<256x64xbf16>, vector<1536x64xbf16>, vector<256x1536xf32> -> vector<256x1536xf32>
    %slice3A_151 = vector.extract_strided_slice %dot_general3A_150 {offsets = [0, 1024], sizes = [256, 512], strides = [1, 1]} : vector<256x1536xf32> to vector<256x512xf32>
    %add3A_152 = arith.addf %slice3A_151, %select_n3A : vector<256x512xf32>
    %exp3A_153 = math.exp %add3A_152 : vector<256x512xf32>
    %convert_element_type3A_154 = arith.truncf %exp3A_153 : vector<256x512xf32> to vector<256x512xbf16>
    %slice3A_155 = vector.extract_strided_slice %dot_general3A_150 {offsets = [0, 0], sizes = [256, 1024], strides = [1, 1]} : vector<256x1536xf32> to vector<256x1024xf32>
    %exp3A_156 = math.exp %slice3A_155 : vector<256x1024xf32>
    %convert_element_type3A_157 = arith.truncf %exp3A_156 : vector<256x1024xf32> to vector<256x1024xbf16>
    %reduce_sum3A_158 = arith.constant dense<0.000000e+00> : vector<256xf32>
    %reduce_sum3A_159 = vector.multi_reduction <add>, %exp3A_156, %reduce_sum3A_158 [1] : vector<256x1024xf32> to vector<256xf32>
    %broadcast_in_dim3A_160 = vector.shape_cast %reduce_sum3A_159 : vector<256xf32> to vector<256x1xf32>
    %reduce_sum3A_161 = arith.constant dense<0.000000e+00> : vector<256xf32>
    %reduce_sum3A_162 = vector.multi_reduction <add>, %exp3A_153, %reduce_sum3A_161 [1] : vector<256x512xf32> to vector<256xf32>
    %broadcast_in_dim3A_163 = vector.shape_cast %reduce_sum3A_162 : vector<256xf32> to vector<256x1xf32>
    %add3A_164 = arith.addf %broadcast_in_dim3A_160, %broadcast_in_dim3A_163 : vector<256x1xf32>
    %get3A_165 = arith.constant 0 : index
    %get3A_166 = arith.constant 256 : index
    %get3A_167 = vector.load %arg3[%get3A_165, %get3A_166] : memref<1536x768xbf16, #tpu.memory_space<vmem>>, vector<1024x64xbf16>
    %dot_general3A_168 = arith.constant dense<0.000000e+00> : vector<256x64xf32>
    %dot_general3A_169 = tpu.matmul %convert_element_type3A_157, %get3A_167, %dot_general3A_168 {dimension_numbers = #tpu.dot_dimension_numbers<[1], [0], [0], [1], [0, 0, 1, 1], [], []>, transpose_lhs_hint = false} : vector<256x1024xbf16>, vector<1024x64xbf16>, vector<256x64xf32> -> vector<256x64xf32>
    %get3A_170 = arith.constant 1024 : index
    %get3A_171 = arith.constant 256 : index
    %get3A_172 = vector.load %arg3[%get3A_170, %get3A_171] : memref<1536x768xbf16, #tpu.memory_space<vmem>>, vector<512x64xbf16>
    %dot_general3A_173 = arith.constant dense<0.000000e+00> : vector<256x64xf32>
    %dot_general3A_174 = tpu.matmul %convert_element_type3A_154, %get3A_172, %dot_general3A_173 {dimension_numbers = #tpu.dot_dimension_numbers<[1], [0], [0], [1], [0, 0, 1, 1], [], []>, transpose_lhs_hint = false} : vector<256x512xbf16>, vector<512x64xbf16>, vector<256x64xf32> -> vector<256x64xf32>
    %add3A_175 = arith.addf %dot_general3A_169, %dot_general3A_174 : vector<256x64xf32>
    %div3A_176 = vector.broadcast %add3A_164 : vector<256x1xf32> to vector<256x64xf32>
    %div3A_177 = arith.divf %add3A_175, %div3A_176 : vector<256x64xf32>
    %get3A_178 = arith.constant 0 : index
    %get3A_179 = arith.constant 320 : index
    %get3A_180 = vector.load %arg1[%get3A_178, %get3A_179] : memref<256x768xbf16, #tpu.memory_space<vmem>>, vector<256x64xbf16>
    %get3A_181 = arith.constant 0 : index
    %get3A_182 = arith.constant 320 : index
    %get3A_183 = vector.load %arg2[%get3A_181, %get3A_182] : memref<1536x768xbf16, #tpu.memory_space<vmem>>, vector<1536x64xbf16>
    %dot_general3A_184 = arith.constant dense<0.000000e+00> : vector<256x1536xf32>
    %dot_general3A_185 = tpu.matmul %get3A_180, %get3A_183, %dot_general3A_184 {dimension_numbers = #tpu.dot_dimension_numbers<[1], [1], [0], [0], [0, 0, 1, 0], [], []>, transpose_lhs_hint = false} : vector<256x64xbf16>, vector<1536x64xbf16>, vector<256x1536xf32> -> vector<256x1536xf32>
    %slice3A_186 = vector.extract_strided_slice %dot_general3A_185 {offsets = [0, 1024], sizes = [256, 512], strides = [1, 1]} : vector<256x1536xf32> to vector<256x512xf32>
    %add3A_187 = arith.addf %slice3A_186, %select_n3A : vector<256x512xf32>
    %exp3A_188 = math.exp %add3A_187 : vector<256x512xf32>
    %convert_element_type3A_189 = arith.truncf %exp3A_188 : vector<256x512xf32> to vector<256x512xbf16>
    %slice3A_190 = vector.extract_strided_slice %dot_general3A_185 {offsets = [0, 0], sizes = [256, 1024], strides = [1, 1]} : vector<256x1536xf32> to vector<256x1024xf32>
    %exp3A_191 = math.exp %slice3A_190 : vector<256x1024xf32>
    %convert_element_type3A_192 = arith.truncf %exp3A_191 : vector<256x1024xf32> to vector<256x1024xbf16>
    %reduce_sum3A_193 = arith.constant dense<0.000000e+00> : vector<256xf32>
    %reduce_sum3A_194 = vector.multi_reduction <add>, %exp3A_191, %reduce_sum3A_193 [1] : vector<256x1024xf32> to vector<256xf32>
    %broadcast_in_dim3A_195 = vector.shape_cast %reduce_sum3A_194 : vector<256xf32> to vector<256x1xf32>
    %reduce_sum3A_196 = arith.constant dense<0.000000e+00> : vector<256xf32>
    %reduce_sum3A_197 = vector.multi_reduction <add>, %exp3A_188, %reduce_sum3A_196 [1] : vector<256x512xf32> to vector<256xf32>
    %broadcast_in_dim3A_198 = vector.shape_cast %reduce_sum3A_197 : vector<256xf32> to vector<256x1xf32>
    %add3A_199 = arith.addf %broadcast_in_dim3A_195, %broadcast_in_dim3A_198 : vector<256x1xf32>
    %get3A_200 = arith.constant 0 : index
    %get3A_201 = arith.constant 320 : index
    %get3A_202 = vector.load %arg3[%get3A_200, %get3A_201] : memref<1536x768xbf16, #tpu.memory_space<vmem>>, vector<1024x64xbf16>
    %dot_general3A_203 = arith.constant dense<0.000000e+00> : vector<256x64xf32>
    %dot_general3A_204 = tpu.matmul %convert_element_type3A_192, %get3A_202, %dot_general3A_203 {dimension_numbers = #tpu.dot_dimension_numbers<[1], [0], [0], [1], [0, 0, 1, 1], [], []>, transpose_lhs_hint = false} : vector<256x1024xbf16>, vector<1024x64xbf16>, vector<256x64xf32> -> vector<256x64xf32>
    %get3A_205 = arith.constant 1024 : index
    %get3A_206 = arith.constant 320 : index
    %get3A_207 = vector.load %arg3[%get3A_205, %get3A_206] : memref<1536x768xbf16, #tpu.memory_space<vmem>>, vector<512x64xbf16>
    %dot_general3A_208 = arith.constant dense<0.000000e+00> : vector<256x64xf32>
    %dot_general3A_209 = tpu.matmul %convert_element_type3A_189, %get3A_207, %dot_general3A_208 {dimension_numbers = #tpu.dot_dimension_numbers<[1], [0], [0], [1], [0, 0, 1, 1], [], []>, transpose_lhs_hint = false} : vector<256x512xbf16>, vector<512x64xbf16>, vector<256x64xf32> -> vector<256x64xf32>
    %add3A_210 = arith.addf %dot_general3A_204, %dot_general3A_209 : vector<256x64xf32>
    %div3A_211 = vector.broadcast %add3A_199 : vector<256x1xf32> to vector<256x64xf32>
    %div3A_212 = arith.divf %add3A_210, %div3A_211 : vector<256x64xf32>
    %get3A_213 = arith.constant 0 : index
    %get3A_214 = arith.constant 384 : index
    %get3A_215 = vector.load %arg1[%get3A_213, %get3A_214] : memref<256x768xbf16, #tpu.memory_space<vmem>>, vector<256x64xbf16>
    %get3A_216 = arith.constant 0 : index
    %get3A_217 = arith.constant 384 : index
    %get3A_218 = vector.load %arg2[%get3A_216, %get3A_217] : memref<1536x768xbf16, #tpu.memory_space<vmem>>, vector<1536x64xbf16>
    %dot_general3A_219 = arith.constant dense<0.000000e+00> : vector<256x1536xf32>
    %dot_general3A_220 = tpu.matmul %get3A_215, %get3A_218, %dot_general3A_219 {dimension_numbers = #tpu.dot_dimension_numbers<[1], [1], [0], [0], [0, 0, 1, 0], [], []>, transpose_lhs_hint = false} : vector<256x64xbf16>, vector<1536x64xbf16>, vector<256x1536xf32> -> vector<256x1536xf32>
    %slice3A_221 = vector.extract_strided_slice %dot_general3A_220 {offsets = [0, 1024], sizes = [256, 512], strides = [1, 1]} : vector<256x1536xf32> to vector<256x512xf32>
    %add3A_222 = arith.addf %slice3A_221, %select_n3A : vector<256x512xf32>
    %exp3A_223 = math.exp %add3A_222 : vector<256x512xf32>
    %convert_element_type3A_224 = arith.truncf %exp3A_223 : vector<256x512xf32> to vector<256x512xbf16>
    %slice3A_225 = vector.extract_strided_slice %dot_general3A_220 {offsets = [0, 0], sizes = [256, 1024], strides = [1, 1]} : vector<256x1536xf32> to vector<256x1024xf32>
    %exp3A_226 = math.exp %slice3A_225 : vector<256x1024xf32>
    %convert_element_type3A_227 = arith.truncf %exp3A_226 : vector<256x1024xf32> to vector<256x1024xbf16>
    %reduce_sum3A_228 = arith.constant dense<0.000000e+00> : vector<256xf32>
    %reduce_sum3A_229 = vector.multi_reduction <add>, %exp3A_226, %reduce_sum3A_228 [1] : vector<256x1024xf32> to vector<256xf32>
    %broadcast_in_dim3A_230 = vector.shape_cast %reduce_sum3A_229 : vector<256xf32> to vector<256x1xf32>
    %reduce_sum3A_231 = arith.constant dense<0.000000e+00> : vector<256xf32>
    %reduce_sum3A_232 = vector.multi_reduction <add>, %exp3A_223, %reduce_sum3A_231 [1] : vector<256x512xf32> to vector<256xf32>
    %broadcast_in_dim3A_233 = vector.shape_cast %reduce_sum3A_232 : vector<256xf32> to vector<256x1xf32>
    %add3A_234 = arith.addf %broadcast_in_dim3A_230, %broadcast_in_dim3A_233 : vector<256x1xf32>
    %get3A_235 = arith.constant 0 : index
    %get3A_236 = arith.constant 384 : index
    %get3A_237 = vector.load %arg3[%get3A_235, %get3A_236] : memref<1536x768xbf16, #tpu.memory_space<vmem>>, vector<1024x64xbf16>
    %dot_general3A_238 = arith.constant dense<0.000000e+00> : vector<256x64xf32>
    %dot_general3A_239 = tpu.matmul %convert_element_type3A_227, %get3A_237, %dot_general3A_238 {dimension_numbers = #tpu.dot_dimension_numbers<[1], [0], [0], [1], [0, 0, 1, 1], [], []>, transpose_lhs_hint = false} : vector<256x1024xbf16>, vector<1024x64xbf16>, vector<256x64xf32> -> vector<256x64xf32>
    %get3A_240 = arith.constant 1024 : index
    %get3A_241 = arith.constant 384 : index
    %get3A_242 = vector.load %arg3[%get3A_240, %get3A_241] : memref<1536x768xbf16, #tpu.memory_space<vmem>>, vector<512x64xbf16>
    %dot_general3A_243 = arith.constant dense<0.000000e+00> : vector<256x64xf32>
    %dot_general3A_244 = tpu.matmul %convert_element_type3A_224, %get3A_242, %dot_general3A_243 {dimension_numbers = #tpu.dot_dimension_numbers<[1], [0], [0], [1], [0, 0, 1, 1], [], []>, transpose_lhs_hint = false} : vector<256x512xbf16>, vector<512x64xbf16>, vector<256x64xf32> -> vector<256x64xf32>
    %add3A_245 = arith.addf %dot_general3A_239, %dot_general3A_244 : vector<256x64xf32>
    %div3A_246 = vector.broadcast %add3A_234 : vector<256x1xf32> to vector<256x64xf32>
    %div3A_247 = arith.divf %add3A_245, %div3A_246 : vector<256x64xf32>
    %get3A_248 = arith.constant 0 : index
    %get3A_249 = arith.constant 448 : index
    %get3A_250 = vector.load %arg1[%get3A_248, %get3A_249] : memref<256x768xbf16, #tpu.memory_space<vmem>>, vector<256x64xbf16>
    %get3A_251 = arith.constant 0 : index
    %get3A_252 = arith.constant 448 : index
    %get3A_253 = vector.load %arg2[%get3A_251, %get3A_252] : memref<1536x768xbf16, #tpu.memory_space<vmem>>, vector<1536x64xbf16>
    %dot_general3A_254 = arith.constant dense<0.000000e+00> : vector<256x1536xf32>
    %dot_general3A_255 = tpu.matmul %get3A_250, %get3A_253, %dot_general3A_254 {dimension_numbers = #tpu.dot_dimension_numbers<[1], [1], [0], [0], [0, 0, 1, 0], [], []>, transpose_lhs_hint = false} : vector<256x64xbf16>, vector<1536x64xbf16>, vector<256x1536xf32> -> vector<256x1536xf32>
    %slice3A_256 = vector.extract_strided_slice %dot_general3A_255 {offsets = [0, 1024], sizes = [256, 512], strides = [1, 1]} : vector<256x1536xf32> to vector<256x512xf32>
    %add3A_257 = arith.addf %slice3A_256, %select_n3A : vector<256x512xf32>
    %exp3A_258 = math.exp %add3A_257 : vector<256x512xf32>
    %convert_element_type3A_259 = arith.truncf %exp3A_258 : vector<256x512xf32> to vector<256x512xbf16>
    %slice3A_260 = vector.extract_strided_slice %dot_general3A_255 {offsets = [0, 0], sizes = [256, 1024], strides = [1, 1]} : vector<256x1536xf32> to vector<256x1024xf32>
    %exp3A_261 = math.exp %slice3A_260 : vector<256x1024xf32>
    %convert_element_type3A_262 = arith.truncf %exp3A_261 : vector<256x1024xf32> to vector<256x1024xbf16>
    %reduce_sum3A_263 = arith.constant dense<0.000000e+00> : vector<256xf32>
    %reduce_sum3A_264 = vector.multi_reduction <add>, %exp3A_261, %reduce_sum3A_263 [1] : vector<256x1024xf32> to vector<256xf32>
    %broadcast_in_dim3A_265 = vector.shape_cast %reduce_sum3A_264 : vector<256xf32> to vector<256x1xf32>
    %reduce_sum3A_266 = arith.constant dense<0.000000e+00> : vector<256xf32>
    %reduce_sum3A_267 = vector.multi_reduction <add>, %exp3A_258, %reduce_sum3A_266 [1] : vector<256x512xf32> to vector<256xf32>
    %broadcast_in_dim3A_268 = vector.shape_cast %reduce_sum3A_267 : vector<256xf32> to vector<256x1xf32>
    %add3A_269 = arith.addf %broadcast_in_dim3A_265, %broadcast_in_dim3A_268 : vector<256x1xf32>
    %get3A_270 = arith.constant 0 : index
    %get3A_271 = arith.constant 448 : index
    %get3A_272 = vector.load %arg3[%get3A_270, %get3A_271] : memref<1536x768xbf16, #tpu.memory_space<vmem>>, vector<1024x64xbf16>
    %dot_general3A_273 = arith.constant dense<0.000000e+00> : vector<256x64xf32>
    %dot_general3A_274 = tpu.matmul %convert_element_type3A_262, %get3A_272, %dot_general3A_273 {dimension_numbers = #tpu.dot_dimension_numbers<[1], [0], [0], [1], [0, 0, 1, 1], [], []>, transpose_lhs_hint = false} : vector<256x1024xbf16>, vector<1024x64xbf16>, vector<256x64xf32> -> vector<256x64xf32>
    %get3A_275 = arith.constant 1024 : index
    %get3A_276 = arith.constant 448 : index
    %get3A_277 = vector.load %arg3[%get3A_275, %get3A_276] : memref<1536x768xbf16, #tpu.memory_space<vmem>>, vector<512x64xbf16>
    %dot_general3A_278 = arith.constant dense<0.000000e+00> : vector<256x64xf32>
    %dot_general3A_279 = tpu.matmul %convert_element_type3A_259, %get3A_277, %dot_general3A_278 {dimension_numbers = #tpu.dot_dimension_numbers<[1], [0], [0], [1], [0, 0, 1, 1], [], []>, transpose_lhs_hint = false} : vector<256x512xbf16>, vector<512x64xbf16>, vector<256x64xf32> -> vector<256x64xf32>
    %add3A_280 = arith.addf %dot_general3A_274, %dot_general3A_279 : vector<256x64xf32>
    %div3A_281 = vector.broadcast %add3A_269 : vector<256x1xf32> to vector<256x64xf32>
    %div3A_282 = arith.divf %add3A_280, %div3A_281 : vector<256x64xf32>
    %get3A_283 = arith.constant 0 : index
    %get3A_284 = arith.constant 512 : index
    %get3A_285 = vector.load %arg1[%get3A_283, %get3A_284] : memref<256x768xbf16, #tpu.memory_space<vmem>>, vector<256x64xbf16>
    %get3A_286 = arith.constant 0 : index
    %get3A_287 = arith.constant 512 : index
    %get3A_288 = vector.load %arg2[%get3A_286, %get3A_287] : memref<1536x768xbf16, #tpu.memory_space<vmem>>, vector<1536x64xbf16>
    %dot_general3A_289 = arith.constant dense<0.000000e+00> : vector<256x1536xf32>
    %dot_general3A_290 = tpu.matmul %get3A_285, %get3A_288, %dot_general3A_289 {dimension_numbers = #tpu.dot_dimension_numbers<[1], [1], [0], [0], [0, 0, 1, 0], [], []>, transpose_lhs_hint = false} : vector<256x64xbf16>, vector<1536x64xbf16>, vector<256x1536xf32> -> vector<256x1536xf32>
    %slice3A_291 = vector.extract_strided_slice %dot_general3A_290 {offsets = [0, 1024], sizes = [256, 512], strides = [1, 1]} : vector<256x1536xf32> to vector<256x512xf32>
    %add3A_292 = arith.addf %slice3A_291, %select_n3A : vector<256x512xf32>
    %exp3A_293 = math.exp %add3A_292 : vector<256x512xf32>
    %convert_element_type3A_294 = arith.truncf %exp3A_293 : vector<256x512xf32> to vector<256x512xbf16>
    %slice3A_295 = vector.extract_strided_slice %dot_general3A_290 {offsets = [0, 0], sizes = [256, 1024], strides = [1, 1]} : vector<256x1536xf32> to vector<256x1024xf32>
    %exp3A_296 = math.exp %slice3A_295 : vector<256x1024xf32>
    %convert_element_type3A_297 = arith.truncf %exp3A_296 : vector<256x1024xf32> to vector<256x1024xbf16>
    %reduce_sum3A_298 = arith.constant dense<0.000000e+00> : vector<256xf32>
    %reduce_sum3A_299 = vector.multi_reduction <add>, %exp3A_296, %reduce_sum3A_298 [1] : vector<256x1024xf32> to vector<256xf32>
    %broadcast_in_dim3A_300 = vector.shape_cast %reduce_sum3A_299 : vector<256xf32> to vector<256x1xf32>
    %reduce_sum3A_301 = arith.constant dense<0.000000e+00> : vector<256xf32>
    %reduce_sum3A_302 = vector.multi_reduction <add>, %exp3A_293, %reduce_sum3A_301 [1] : vector<256x512xf32> to vector<256xf32>
    %broadcast_in_dim3A_303 = vector.shape_cast %reduce_sum3A_302 : vector<256xf32> to vector<256x1xf32>
    %add3A_304 = arith.addf %broadcast_in_dim3A_300, %broadcast_in_dim3A_303 : vector<256x1xf32>
    %get3A_305 = arith.constant 0 : index
    %get3A_306 = arith.constant 512 : index
    %get3A_307 = vector.load %arg3[%get3A_305, %get3A_306] : memref<1536x768xbf16, #tpu.memory_space<vmem>>, vector<1024x64xbf16>
    %dot_general3A_308 = arith.constant dense<0.000000e+00> : vector<256x64xf32>
    %dot_general3A_309 = tpu.matmul %convert_element_type3A_297, %get3A_307, %dot_general3A_308 {dimension_numbers = #tpu.dot_dimension_numbers<[1], [0], [0], [1], [0, 0, 1, 1], [], []>, transpose_lhs_hint = false} : vector<256x1024xbf16>, vector<1024x64xbf16>, vector<256x64xf32> -> vector<256x64xf32>
    %get3A_310 = arith.constant 1024 : index
    %get3A_311 = arith.constant 512 : index
    %get3A_312 = vector.load %arg3[%get3A_310, %get3A_311] : memref<1536x768xbf16, #tpu.memory_space<vmem>>, vector<512x64xbf16>
    %dot_general3A_313 = arith.constant dense<0.000000e+00> : vector<256x64xf32>
    %dot_general3A_314 = tpu.matmul %convert_element_type3A_294, %get3A_312, %dot_general3A_313 {dimension_numbers = #tpu.dot_dimension_numbers<[1], [0], [0], [1], [0, 0, 1, 1], [], []>, transpose_lhs_hint = false} : vector<256x512xbf16>, vector<512x64xbf16>, vector<256x64xf32> -> vector<256x64xf32>
    %add3A_315 = arith.addf %dot_general3A_309, %dot_general3A_314 : vector<256x64xf32>
    %div3A_316 = vector.broadcast %add3A_304 : vector<256x1xf32> to vector<256x64xf32>
    %div3A_317 = arith.divf %add3A_315, %div3A_316 : vector<256x64xf32>
    %get3A_318 = arith.constant 0 : index
    %get3A_319 = arith.constant 576 : index
    %get3A_320 = vector.load %arg1[%get3A_318, %get3A_319] : memref<256x768xbf16, #tpu.memory_space<vmem>>, vector<256x64xbf16>
    %get3A_321 = arith.constant 0 : index
    %get3A_322 = arith.constant 576 : index
    %get3A_323 = vector.load %arg2[%get3A_321, %get3A_322] : memref<1536x768xbf16, #tpu.memory_space<vmem>>, vector<1536x64xbf16>
    %dot_general3A_324 = arith.constant dense<0.000000e+00> : vector<256x1536xf32>
    %dot_general3A_325 = tpu.matmul %get3A_320, %get3A_323, %dot_general3A_324 {dimension_numbers = #tpu.dot_dimension_numbers<[1], [1], [0], [0], [0, 0, 1, 0], [], []>, transpose_lhs_hint = false} : vector<256x64xbf16>, vector<1536x64xbf16>, vector<256x1536xf32> -> vector<256x1536xf32>
    %slice3A_326 = vector.extract_strided_slice %dot_general3A_325 {offsets = [0, 1024], sizes = [256, 512], strides = [1, 1]} : vector<256x1536xf32> to vector<256x512xf32>
    %add3A_327 = arith.addf %slice3A_326, %select_n3A : vector<256x512xf32>
    %exp3A_328 = math.exp %add3A_327 : vector<256x512xf32>
    %convert_element_type3A_329 = arith.truncf %exp3A_328 : vector<256x512xf32> to vector<256x512xbf16>
    %slice3A_330 = vector.extract_strided_slice %dot_general3A_325 {offsets = [0, 0], sizes = [256, 1024], strides = [1, 1]} : vector<256x1536xf32> to vector<256x1024xf32>
    %exp3A_331 = math.exp %slice3A_330 : vector<256x1024xf32>
    %convert_element_type3A_332 = arith.truncf %exp3A_331 : vector<256x1024xf32> to vector<256x1024xbf16>
    %reduce_sum3A_333 = arith.constant dense<0.000000e+00> : vector<256xf32>
    %reduce_sum3A_334 = vector.multi_reduction <add>, %exp3A_331, %reduce_sum3A_333 [1] : vector<256x1024xf32> to vector<256xf32>
    %broadcast_in_dim3A_335 = vector.shape_cast %reduce_sum3A_334 : vector<256xf32> to vector<256x1xf32>
    %reduce_sum3A_336 = arith.constant dense<0.000000e+00> : vector<256xf32>
    %reduce_sum3A_337 = vector.multi_reduction <add>, %exp3A_328, %reduce_sum3A_336 [1] : vector<256x512xf32> to vector<256xf32>
    %broadcast_in_dim3A_338 = vector.shape_cast %reduce_sum3A_337 : vector<256xf32> to vector<256x1xf32>
    %add3A_339 = arith.addf %broadcast_in_dim3A_335, %broadcast_in_dim3A_338 : vector<256x1xf32>
    %get3A_340 = arith.constant 0 : index
    %get3A_341 = arith.constant 576 : index
    %get3A_342 = vector.load %arg3[%get3A_340, %get3A_341] : memref<1536x768xbf16, #tpu.memory_space<vmem>>, vector<1024x64xbf16>
    %dot_general3A_343 = arith.constant dense<0.000000e+00> : vector<256x64xf32>
    %dot_general3A_344 = tpu.matmul %convert_element_type3A_332, %get3A_342, %dot_general3A_343 {dimension_numbers = #tpu.dot_dimension_numbers<[1], [0], [0], [1], [0, 0, 1, 1], [], []>, transpose_lhs_hint = false} : vector<256x1024xbf16>, vector<1024x64xbf16>, vector<256x64xf32> -> vector<256x64xf32>
    %get3A_345 = arith.constant 1024 : index
    %get3A_346 = arith.constant 576 : index
    %get3A_347 = vector.load %arg3[%get3A_345, %get3A_346] : memref<1536x768xbf16, #tpu.memory_space<vmem>>, vector<512x64xbf16>
    %dot_general3A_348 = arith.constant dense<0.000000e+00> : vector<256x64xf32>
    %dot_general3A_349 = tpu.matmul %convert_element_type3A_329, %get3A_347, %dot_general3A_348 {dimension_numbers = #tpu.dot_dimension_numbers<[1], [0], [0], [1], [0, 0, 1, 1], [], []>, transpose_lhs_hint = false} : vector<256x512xbf16>, vector<512x64xbf16>, vector<256x64xf32> -> vector<256x64xf32>
    %add3A_350 = arith.addf %dot_general3A_344, %dot_general3A_349 : vector<256x64xf32>
    %div3A_351 = vector.broadcast %add3A_339 : vector<256x1xf32> to vector<256x64xf32>
    %div3A_352 = arith.divf %add3A_350, %div3A_351 : vector<256x64xf32>
    %get3A_353 = arith.constant 0 : index
    %get3A_354 = arith.constant 640 : index
    %get3A_355 = vector.load %arg1[%get3A_353, %get3A_354] : memref<256x768xbf16, #tpu.memory_space<vmem>>, vector<256x64xbf16>
    %get3A_356 = arith.constant 0 : index
    %get3A_357 = arith.constant 640 : index
    %get3A_358 = vector.load %arg2[%get3A_356, %get3A_357] : memref<1536x768xbf16, #tpu.memory_space<vmem>>, vector<1536x64xbf16>
    %dot_general3A_359 = arith.constant dense<0.000000e+00> : vector<256x1536xf32>
    %dot_general3A_360 = tpu.matmul %get3A_355, %get3A_358, %dot_general3A_359 {dimension_numbers = #tpu.dot_dimension_numbers<[1], [1], [0], [0], [0, 0, 1, 0], [], []>, transpose_lhs_hint = false} : vector<256x64xbf16>, vector<1536x64xbf16>, vector<256x1536xf32> -> vector<256x1536xf32>
    %slice3A_361 = vector.extract_strided_slice %dot_general3A_360 {offsets = [0, 1024], sizes = [256, 512], strides = [1, 1]} : vector<256x1536xf32> to vector<256x512xf32>
    %add3A_362 = arith.addf %slice3A_361, %select_n3A : vector<256x512xf32>
    %exp3A_363 = math.exp %add3A_362 : vector<256x512xf32>
    %convert_element_type3A_364 = arith.truncf %exp3A_363 : vector<256x512xf32> to vector<256x512xbf16>
    %slice3A_365 = vector.extract_strided_slice %dot_general3A_360 {offsets = [0, 0], sizes = [256, 1024], strides = [1, 1]} : vector<256x1536xf32> to vector<256x1024xf32>
    %exp3A_366 = math.exp %slice3A_365 : vector<256x1024xf32>
    %convert_element_type3A_367 = arith.truncf %exp3A_366 : vector<256x1024xf32> to vector<256x1024xbf16>
    %reduce_sum3A_368 = arith.constant dense<0.000000e+00> : vector<256xf32>
    %reduce_sum3A_369 = vector.multi_reduction <add>, %exp3A_366, %reduce_sum3A_368 [1] : vector<256x1024xf32> to vector<256xf32>
    %broadcast_in_dim3A_370 = vector.shape_cast %reduce_sum3A_369 : vector<256xf32> to vector<256x1xf32>
    %reduce_sum3A_371 = arith.constant dense<0.000000e+00> : vector<256xf32>
    %reduce_sum3A_372 = vector.multi_reduction <add>, %exp3A_363, %reduce_sum3A_371 [1] : vector<256x512xf32> to vector<256xf32>
    %broadcast_in_dim3A_373 = vector.shape_cast %reduce_sum3A_372 : vector<256xf32> to vector<256x1xf32>
    %add3A_374 = arith.addf %broadcast_in_dim3A_370, %broadcast_in_dim3A_373 : vector<256x1xf32>
    %get3A_375 = arith.constant 0 : index
    %get3A_376 = arith.constant 640 : index
    %get3A_377 = vector.load %arg3[%get3A_375, %get3A_376] : memref<1536x768xbf16, #tpu.memory_space<vmem>>, vector<1024x64xbf16>
    %dot_general3A_378 = arith.constant dense<0.000000e+00> : vector<256x64xf32>
    %dot_general3A_379 = tpu.matmul %convert_element_type3A_367, %get3A_377, %dot_general3A_378 {dimension_numbers = #tpu.dot_dimension_numbers<[1], [0], [0], [1], [0, 0, 1, 1], [], []>, transpose_lhs_hint = false} : vector<256x1024xbf16>, vector<1024x64xbf16>, vector<256x64xf32> -> vector<256x64xf32>
    %get3A_380 = arith.constant 1024 : index
    %get3A_381 = arith.constant 640 : index
    %get3A_382 = vector.load %arg3[%get3A_380, %get3A_381] : memref<1536x768xbf16, #tpu.memory_space<vmem>>, vector<512x64xbf16>
    %dot_general3A_383 = arith.constant dense<0.000000e+00> : vector<256x64xf32>
    %dot_general3A_384 = tpu.matmul %convert_element_type3A_364, %get3A_382, %dot_general3A_383 {dimension_numbers = #tpu.dot_dimension_numbers<[1], [0], [0], [1], [0, 0, 1, 1], [], []>, transpose_lhs_hint = false} : vector<256x512xbf16>, vector<512x64xbf16>, vector<256x64xf32> -> vector<256x64xf32>
    %add3A_385 = arith.addf %dot_general3A_379, %dot_general3A_384 : vector<256x64xf32>
    %div3A_386 = vector.broadcast %add3A_374 : vector<256x1xf32> to vector<256x64xf32>
    %div3A_387 = arith.divf %add3A_385, %div3A_386 : vector<256x64xf32>
    %get3A_388 = arith.constant 0 : index
    %get3A_389 = arith.constant 704 : index
    %get3A_390 = vector.load %arg1[%get3A_388, %get3A_389] : memref<256x768xbf16, #tpu.memory_space<vmem>>, vector<256x64xbf16>
    %get3A_391 = arith.constant 0 : index
    %get3A_392 = arith.constant 704 : index
    %get3A_393 = vector.load %arg2[%get3A_391, %get3A_392] : memref<1536x768xbf16, #tpu.memory_space<vmem>>, vector<1536x64xbf16>
    %dot_general3A_394 = arith.constant dense<0.000000e+00> : vector<256x1536xf32>
    %dot_general3A_395 = tpu.matmul %get3A_390, %get3A_393, %dot_general3A_394 {dimension_numbers = #tpu.dot_dimension_numbers<[1], [1], [0], [0], [0, 0, 1, 0], [], []>, transpose_lhs_hint = false} : vector<256x64xbf16>, vector<1536x64xbf16>, vector<256x1536xf32> -> vector<256x1536xf32>
    %slice3A_396 = vector.extract_strided_slice %dot_general3A_395 {offsets = [0, 1024], sizes = [256, 512], strides = [1, 1]} : vector<256x1536xf32> to vector<256x512xf32>
    %add3A_397 = arith.addf %slice3A_396, %select_n3A : vector<256x512xf32>
    %exp3A_398 = math.exp %add3A_397 : vector<256x512xf32>
    %convert_element_type3A_399 = arith.truncf %exp3A_398 : vector<256x512xf32> to vector<256x512xbf16>
    %slice3A_400 = vector.extract_strided_slice %dot_general3A_395 {offsets = [0, 0], sizes = [256, 1024], strides = [1, 1]} : vector<256x1536xf32> to vector<256x1024xf32>
    %exp3A_401 = math.exp %slice3A_400 : vector<256x1024xf32>
    %convert_element_type3A_402 = arith.truncf %exp3A_401 : vector<256x1024xf32> to vector<256x1024xbf16>
    %reduce_sum3A_403 = arith.constant dense<0.000000e+00> : vector<256xf32>
    %reduce_sum3A_404 = vector.multi_reduction <add>, %exp3A_401, %reduce_sum3A_403 [1] : vector<256x1024xf32> to vector<256xf32>
    %broadcast_in_dim3A_405 = vector.shape_cast %reduce_sum3A_404 : vector<256xf32> to vector<256x1xf32>
    %reduce_sum3A_406 = arith.constant dense<0.000000e+00> : vector<256xf32>
    %reduce_sum3A_407 = vector.multi_reduction <add>, %exp3A_398, %reduce_sum3A_406 [1] : vector<256x512xf32> to vector<256xf32>
    %broadcast_in_dim3A_408 = vector.shape_cast %reduce_sum3A_407 : vector<256xf32> to vector<256x1xf32>
    %add3A_409 = arith.addf %broadcast_in_dim3A_405, %broadcast_in_dim3A_408 : vector<256x1xf32>
    %get3A_410 = arith.constant 0 : index
    %get3A_411 = arith.constant 704 : index
    %get3A_412 = vector.load %arg3[%get3A_410, %get3A_411] : memref<1536x768xbf16, #tpu.memory_space<vmem>>, vector<1024x64xbf16>
    %dot_general3A_413 = arith.constant dense<0.000000e+00> : vector<256x64xf32>
    %dot_general3A_414 = tpu.matmul %convert_element_type3A_402, %get3A_412, %dot_general3A_413 {dimension_numbers = #tpu.dot_dimension_numbers<[1], [0], [0], [1], [0, 0, 1, 1], [], []>, transpose_lhs_hint = false} : vector<256x1024xbf16>, vector<1024x64xbf16>, vector<256x64xf32> -> vector<256x64xf32>
    %get3A_415 = arith.constant 1024 : index
    %get3A_416 = arith.constant 704 : index
    %get3A_417 = vector.load %arg3[%get3A_415, %get3A_416] : memref<1536x768xbf16, #tpu.memory_space<vmem>>, vector<512x64xbf16>
    %dot_general3A_418 = arith.constant dense<0.000000e+00> : vector<256x64xf32>
    %dot_general3A_419 = tpu.matmul %convert_element_type3A_399, %get3A_417, %dot_general3A_418 {dimension_numbers = #tpu.dot_dimension_numbers<[1], [0], [0], [1], [0, 0, 1, 1], [], []>, transpose_lhs_hint = false} : vector<256x512xbf16>, vector<512x64xbf16>, vector<256x64xf32> -> vector<256x64xf32>
    %add3A_420 = arith.addf %dot_general3A_414, %dot_general3A_419 : vector<256x64xf32>
    %div3A_421 = vector.broadcast %add3A_409 : vector<256x1xf32> to vector<256x64xf32>
    %div3A_422 = arith.divf %add3A_420, %div3A_421 : vector<256x64xf32>
    %concatenate3A = tpu.concatenate %div3A_37, %div3A_72, %div3A_107, %div3A_142, %div3A_177, %div3A_212, %div3A_247, %div3A_282, %div3A_317, %div3A_352, %div3A_387, %div3A_422 in 1 : vector<256x64xf32>, vector<256x64xf32>, vector<256x64xf32>, vector<256x64xf32>, vector<256x64xf32>, vector<256x64xf32>, vector<256x64xf32>, vector<256x64xf32>, vector<256x64xf32>, vector<256x64xf32>, vector<256x64xf32>, vector<256x64xf32> -> vector<256x768xf32>
    %swap3A = arith.constant 0 : index
    %swap3A_423 = arith.constant 0 : index
    %swap3A_424 = vector.load %arg4[%swap3A, %swap3A_423] : memref<256x768xf32, #tpu.memory_space<vmem>>, vector<256x768xf32>
    tpu.vector_store %arg4[%swap3A, %swap3A_423], %concatenate3A {strides = array<i32>} : memref<256x768xf32, #tpu.memory_space<vmem>>, vector<256x768xf32>,
    return
  }
  func.func @transform_0(%arg0: i32) -> (i32, i32) {
    %add3A = arith.constant 4 : i32
    %add3A_0 = arith.addi %add3A, %arg0 : i32
    %c0_i32 = arith.constant 0 : i32
    %c0_i32_1 = arith.constant 0 : i32
    return %add3A_0, %c0_i32 : i32, i32
  }
  func.func @transform_1(%arg0: i32) -> (i32, i32) {
    %c0_i32 = arith.constant 0 : i32
    %c0_i32_0 = arith.constant 0 : i32
    %c0_i32_1 = arith.constant 0 : i32
    return %c0_i32, %c0_i32_0 : i32, i32
  }
  func.func @transform_2(%arg0: i32) -> (i32, i32) {
    %c0_i32 = arith.constant 0 : i32
    %c0_i32_0 = arith.constant 0 : i32
    %c0_i32_1 = arith.constant 0 : i32
    return %c0_i32, %c0_i32_0 : i32, i32
  }
  func.func @transform_3(%arg0: i32) -> (i32, i32) {
    %c0_i32 = arith.constant 0 : i32
    %c0_i32_0 = arith.constant 0 : i32
    return %arg0, %c0_i32 : i32, i32
  }
}

module attributes {stable_mosaic.version = 14 : i64} {
  func.func @_self_attn_kernel(%arg0: i32, %arg1: memref<256x768xbf16, #tpu.memory_space<vmem>>, %arg2: memref<2048x768xbf16, #tpu.memory_space<vmem>>, %arg3: memref<2048x768xbf16, #tpu.memory_space<vmem>>, %arg4: memref<256x768xf32, #tpu.memory_space<vmem>>) attributes {dimension_semantics = [#tpu.dimension_semantics<arbitrary>], iteration_bounds = array<i64: 2>, scalar_prefetch = 0 : i64, scratch_operands = 0 : i64, tpu.core_type = #tpu.core_type<tc>, window_params = [{transform_indices = @transform_0, window_bounds = array<i64: 256, 768>}, {pipeline_mode = #tpu.pipeline_mode<synchronous>, transform_indices = @transform_1, window_bounds = array<i64: 2048, 768>}, {pipeline_mode = #tpu.pipeline_mode<synchronous>, transform_indices = @transform_2, window_bounds = array<i64: 2048, 768>}, {transform_indices = @transform_3, window_bounds = array<i64: 256, 768>}]} {
    %add3A = arith.constant 6 : i32
    %add3A_0 = arith.addi %add3A, %arg0 : i32
    %mul3A = arith.constant 256 : i32
    %mul3A_1 = arith.muli %add3A_0, %mul3A : i32
    %iota3A = tpu.iota {dimensions = array<i32: 0>} : vector<256x512xi32>
    %add3A_2 = vector.broadcast %mul3A_1 : i32 to vector<256x512xi32>
    %add3A_3 = arith.addi %add3A_2, %iota3A : vector<256x512xi32>
    %iota3A_4 = tpu.iota {dimensions = array<i32: 1>} : vector<256x512xi32>
    %add3A_5 = arith.constant 1536 : i32
    %add3A_6 = vector.broadcast %add3A_5 : i32 to vector<256x512xi32>
    %add3A_7 = arith.addi %add3A_6, %iota3A_4 : vector<256x512xi32>
    %gt3A = arith.cmpi sgt, %add3A_7, %add3A_3 : vector<256x512xi32>
    %jit3A = arith.constant -1.000000e+09 : f32
    %jit3A_8 = arith.constant 0.000000e+00 : f32
    %broadcast_in_dim3A = vector.broadcast %jit3A : f32 to vector<256x512xf32>
    %broadcast_in_dim3A_9 = vector.broadcast %jit3A_8 : f32 to vector<256x512xf32>
    %select_n3A = arith.select %gt3A, %broadcast_in_dim3A, %broadcast_in_dim3A_9 : vector<256x512xi1>, vector<256x512xf32>
    %get3A = arith.constant 0 : index
    %get3A_10 = arith.constant 0 : index
    %get3A_11 = vector.load %arg1[%get3A, %get3A_10] : memref<256x768xbf16, #tpu.memory_space<vmem>>, vector<256x64xbf16>
    %get3A_12 = arith.constant 0 : index
    %get3A_13 = arith.constant 0 : index
    %get3A_14 = vector.load %arg2[%get3A_12, %get3A_13] : memref<2048x768xbf16, #tpu.memory_space<vmem>>, vector<2048x64xbf16>
    %dot_general3A = arith.constant dense<0.000000e+00> : vector<256x2048xf32>
    %dot_general3A_15 = tpu.matmul %get3A_11, %get3A_14, %dot_general3A {dimension_numbers = #tpu.dot_dimension_numbers<[1], [1], [0], [0], [0, 0, 1, 0], [], []>, transpose_lhs_hint = false} : vector<256x64xbf16>, vector<2048x64xbf16>, vector<256x2048xf32> -> vector<256x2048xf32>
    %slice3A = vector.extract_strided_slice %dot_general3A_15 {offsets = [0, 1536], sizes = [256, 512], strides = [1, 1]} : vector<256x2048xf32> to vector<256x512xf32>
    %add3A_16 = arith.addf %slice3A, %select_n3A : vector<256x512xf32>
    %exp3A = math.exp %add3A_16 : vector<256x512xf32>
    %convert_element_type3A = arith.truncf %exp3A : vector<256x512xf32> to vector<256x512xbf16>
    %slice3A_17 = vector.extract_strided_slice %dot_general3A_15 {offsets = [0, 0], sizes = [256, 1536], strides = [1, 1]} : vector<256x2048xf32> to vector<256x1536xf32>
    %exp3A_18 = math.exp %slice3A_17 : vector<256x1536xf32>
    %convert_element_type3A_19 = arith.truncf %exp3A_18 : vector<256x1536xf32> to vector<256x1536xbf16>
    %reduce_sum3A = arith.constant dense<0.000000e+00> : vector<256xf32>
    %reduce_sum3A_20 = vector.multi_reduction <add>, %exp3A_18, %reduce_sum3A [1] : vector<256x1536xf32> to vector<256xf32>
    %broadcast_in_dim3A_21 = vector.shape_cast %reduce_sum3A_20 : vector<256xf32> to vector<256x1xf32>
    %reduce_sum3A_22 = arith.constant dense<0.000000e+00> : vector<256xf32>
    %reduce_sum3A_23 = vector.multi_reduction <add>, %exp3A, %reduce_sum3A_22 [1] : vector<256x512xf32> to vector<256xf32>
    %broadcast_in_dim3A_24 = vector.shape_cast %reduce_sum3A_23 : vector<256xf32> to vector<256x1xf32>
    %add3A_25 = arith.addf %broadcast_in_dim3A_21, %broadcast_in_dim3A_24 : vector<256x1xf32>
    %get3A_26 = arith.constant 0 : index
    %get3A_27 = arith.constant 0 : index
    %get3A_28 = vector.load %arg3[%get3A_26, %get3A_27] : memref<2048x768xbf16, #tpu.memory_space<vmem>>, vector<1536x64xbf16>
    %dot_general3A_29 = arith.constant dense<0.000000e+00> : vector<256x64xf32>
    %dot_general3A_30 = tpu.matmul %convert_element_type3A_19, %get3A_28, %dot_general3A_29 {dimension_numbers = #tpu.dot_dimension_numbers<[1], [0], [0], [1], [0, 0, 1, 1], [], []>, transpose_lhs_hint = false} : vector<256x1536xbf16>, vector<1536x64xbf16>, vector<256x64xf32> -> vector<256x64xf32>
    %get3A_31 = arith.constant 1536 : index
    %get3A_32 = arith.constant 0 : index
    %get3A_33 = vector.load %arg3[%get3A_31, %get3A_32] : memref<2048x768xbf16, #tpu.memory_space<vmem>>, vector<512x64xbf16>
    %dot_general3A_34 = arith.constant dense<0.000000e+00> : vector<256x64xf32>
    %dot_general3A_35 = tpu.matmul %convert_element_type3A, %get3A_33, %dot_general3A_34 {dimension_numbers = #tpu.dot_dimension_numbers<[1], [0], [0], [1], [0, 0, 1, 1], [], []>, transpose_lhs_hint = false} : vector<256x512xbf16>, vector<512x64xbf16>, vector<256x64xf32> -> vector<256x64xf32>
    %add3A_36 = arith.addf %dot_general3A_30, %dot_general3A_35 : vector<256x64xf32>
    %div3A = vector.broadcast %add3A_25 : vector<256x1xf32> to vector<256x64xf32>
    %div3A_37 = arith.divf %add3A_36, %div3A : vector<256x64xf32>
    %get3A_38 = arith.constant 0 : index
    %get3A_39 = arith.constant 64 : index
    %get3A_40 = vector.load %arg1[%get3A_38, %get3A_39] : memref<256x768xbf16, #tpu.memory_space<vmem>>, vector<256x64xbf16>
    %get3A_41 = arith.constant 0 : index
    %get3A_42 = arith.constant 64 : index
    %get3A_43 = vector.load %arg2[%get3A_41, %get3A_42] : memref<2048x768xbf16, #tpu.memory_space<vmem>>, vector<2048x64xbf16>
    %dot_general3A_44 = arith.constant dense<0.000000e+00> : vector<256x2048xf32>
    %dot_general3A_45 = tpu.matmul %get3A_40, %get3A_43, %dot_general3A_44 {dimension_numbers = #tpu.dot_dimension_numbers<[1], [1], [0], [0], [0, 0, 1, 0], [], []>, transpose_lhs_hint = false} : vector<256x64xbf16>, vector<2048x64xbf16>, vector<256x2048xf32> -> vector<256x2048xf32>
    %slice3A_46 = vector.extract_strided_slice %dot_general3A_45 {offsets = [0, 1536], sizes = [256, 512], strides = [1, 1]} : vector<256x2048xf32> to vector<256x512xf32>
    %add3A_47 = arith.addf %slice3A_46, %select_n3A : vector<256x512xf32>
    %exp3A_48 = math.exp %add3A_47 : vector<256x512xf32>
    %convert_element_type3A_49 = arith.truncf %exp3A_48 : vector<256x512xf32> to vector<256x512xbf16>
    %slice3A_50 = vector.extract_strided_slice %dot_general3A_45 {offsets = [0, 0], sizes = [256, 1536], strides = [1, 1]} : vector<256x2048xf32> to vector<256x1536xf32>
    %exp3A_51 = math.exp %slice3A_50 : vector<256x1536xf32>
    %convert_element_type3A_52 = arith.truncf %exp3A_51 : vector<256x1536xf32> to vector<256x1536xbf16>
    %reduce_sum3A_53 = arith.constant dense<0.000000e+00> : vector<256xf32>
    %reduce_sum3A_54 = vector.multi_reduction <add>, %exp3A_51, %reduce_sum3A_53 [1] : vector<256x1536xf32> to vector<256xf32>
    %broadcast_in_dim3A_55 = vector.shape_cast %reduce_sum3A_54 : vector<256xf32> to vector<256x1xf32>
    %reduce_sum3A_56 = arith.constant dense<0.000000e+00> : vector<256xf32>
    %reduce_sum3A_57 = vector.multi_reduction <add>, %exp3A_48, %reduce_sum3A_56 [1] : vector<256x512xf32> to vector<256xf32>
    %broadcast_in_dim3A_58 = vector.shape_cast %reduce_sum3A_57 : vector<256xf32> to vector<256x1xf32>
    %add3A_59 = arith.addf %broadcast_in_dim3A_55, %broadcast_in_dim3A_58 : vector<256x1xf32>
    %get3A_60 = arith.constant 0 : index
    %get3A_61 = arith.constant 64 : index
    %get3A_62 = vector.load %arg3[%get3A_60, %get3A_61] : memref<2048x768xbf16, #tpu.memory_space<vmem>>, vector<1536x64xbf16>
    %dot_general3A_63 = arith.constant dense<0.000000e+00> : vector<256x64xf32>
    %dot_general3A_64 = tpu.matmul %convert_element_type3A_52, %get3A_62, %dot_general3A_63 {dimension_numbers = #tpu.dot_dimension_numbers<[1], [0], [0], [1], [0, 0, 1, 1], [], []>, transpose_lhs_hint = false} : vector<256x1536xbf16>, vector<1536x64xbf16>, vector<256x64xf32> -> vector<256x64xf32>
    %get3A_65 = arith.constant 1536 : index
    %get3A_66 = arith.constant 64 : index
    %get3A_67 = vector.load %arg3[%get3A_65, %get3A_66] : memref<2048x768xbf16, #tpu.memory_space<vmem>>, vector<512x64xbf16>
    %dot_general3A_68 = arith.constant dense<0.000000e+00> : vector<256x64xf32>
    %dot_general3A_69 = tpu.matmul %convert_element_type3A_49, %get3A_67, %dot_general3A_68 {dimension_numbers = #tpu.dot_dimension_numbers<[1], [0], [0], [1], [0, 0, 1, 1], [], []>, transpose_lhs_hint = false} : vector<256x512xbf16>, vector<512x64xbf16>, vector<256x64xf32> -> vector<256x64xf32>
    %add3A_70 = arith.addf %dot_general3A_64, %dot_general3A_69 : vector<256x64xf32>
    %div3A_71 = vector.broadcast %add3A_59 : vector<256x1xf32> to vector<256x64xf32>
    %div3A_72 = arith.divf %add3A_70, %div3A_71 : vector<256x64xf32>
    %get3A_73 = arith.constant 0 : index
    %get3A_74 = arith.constant 128 : index
    %get3A_75 = vector.load %arg1[%get3A_73, %get3A_74] : memref<256x768xbf16, #tpu.memory_space<vmem>>, vector<256x64xbf16>
    %get3A_76 = arith.constant 0 : index
    %get3A_77 = arith.constant 128 : index
    %get3A_78 = vector.load %arg2[%get3A_76, %get3A_77] : memref<2048x768xbf16, #tpu.memory_space<vmem>>, vector<2048x64xbf16>
    %dot_general3A_79 = arith.constant dense<0.000000e+00> : vector<256x2048xf32>
    %dot_general3A_80 = tpu.matmul %get3A_75, %get3A_78, %dot_general3A_79 {dimension_numbers = #tpu.dot_dimension_numbers<[1], [1], [0], [0], [0, 0, 1, 0], [], []>, transpose_lhs_hint = false} : vector<256x64xbf16>, vector<2048x64xbf16>, vector<256x2048xf32> -> vector<256x2048xf32>
    %slice3A_81 = vector.extract_strided_slice %dot_general3A_80 {offsets = [0, 1536], sizes = [256, 512], strides = [1, 1]} : vector<256x2048xf32> to vector<256x512xf32>
    %add3A_82 = arith.addf %slice3A_81, %select_n3A : vector<256x512xf32>
    %exp3A_83 = math.exp %add3A_82 : vector<256x512xf32>
    %convert_element_type3A_84 = arith.truncf %exp3A_83 : vector<256x512xf32> to vector<256x512xbf16>
    %slice3A_85 = vector.extract_strided_slice %dot_general3A_80 {offsets = [0, 0], sizes = [256, 1536], strides = [1, 1]} : vector<256x2048xf32> to vector<256x1536xf32>
    %exp3A_86 = math.exp %slice3A_85 : vector<256x1536xf32>
    %convert_element_type3A_87 = arith.truncf %exp3A_86 : vector<256x1536xf32> to vector<256x1536xbf16>
    %reduce_sum3A_88 = arith.constant dense<0.000000e+00> : vector<256xf32>
    %reduce_sum3A_89 = vector.multi_reduction <add>, %exp3A_86, %reduce_sum3A_88 [1] : vector<256x1536xf32> to vector<256xf32>
    %broadcast_in_dim3A_90 = vector.shape_cast %reduce_sum3A_89 : vector<256xf32> to vector<256x1xf32>
    %reduce_sum3A_91 = arith.constant dense<0.000000e+00> : vector<256xf32>
    %reduce_sum3A_92 = vector.multi_reduction <add>, %exp3A_83, %reduce_sum3A_91 [1] : vector<256x512xf32> to vector<256xf32>
    %broadcast_in_dim3A_93 = vector.shape_cast %reduce_sum3A_92 : vector<256xf32> to vector<256x1xf32>
    %add3A_94 = arith.addf %broadcast_in_dim3A_90, %broadcast_in_dim3A_93 : vector<256x1xf32>
    %get3A_95 = arith.constant 0 : index
    %get3A_96 = arith.constant 128 : index
    %get3A_97 = vector.load %arg3[%get3A_95, %get3A_96] : memref<2048x768xbf16, #tpu.memory_space<vmem>>, vector<1536x64xbf16>
    %dot_general3A_98 = arith.constant dense<0.000000e+00> : vector<256x64xf32>
    %dot_general3A_99 = tpu.matmul %convert_element_type3A_87, %get3A_97, %dot_general3A_98 {dimension_numbers = #tpu.dot_dimension_numbers<[1], [0], [0], [1], [0, 0, 1, 1], [], []>, transpose_lhs_hint = false} : vector<256x1536xbf16>, vector<1536x64xbf16>, vector<256x64xf32> -> vector<256x64xf32>
    %get3A_100 = arith.constant 1536 : index
    %get3A_101 = arith.constant 128 : index
    %get3A_102 = vector.load %arg3[%get3A_100, %get3A_101] : memref<2048x768xbf16, #tpu.memory_space<vmem>>, vector<512x64xbf16>
    %dot_general3A_103 = arith.constant dense<0.000000e+00> : vector<256x64xf32>
    %dot_general3A_104 = tpu.matmul %convert_element_type3A_84, %get3A_102, %dot_general3A_103 {dimension_numbers = #tpu.dot_dimension_numbers<[1], [0], [0], [1], [0, 0, 1, 1], [], []>, transpose_lhs_hint = false} : vector<256x512xbf16>, vector<512x64xbf16>, vector<256x64xf32> -> vector<256x64xf32>
    %add3A_105 = arith.addf %dot_general3A_99, %dot_general3A_104 : vector<256x64xf32>
    %div3A_106 = vector.broadcast %add3A_94 : vector<256x1xf32> to vector<256x64xf32>
    %div3A_107 = arith.divf %add3A_105, %div3A_106 : vector<256x64xf32>
    %get3A_108 = arith.constant 0 : index
    %get3A_109 = arith.constant 192 : index
    %get3A_110 = vector.load %arg1[%get3A_108, %get3A_109] : memref<256x768xbf16, #tpu.memory_space<vmem>>, vector<256x64xbf16>
    %get3A_111 = arith.constant 0 : index
    %get3A_112 = arith.constant 192 : index
    %get3A_113 = vector.load %arg2[%get3A_111, %get3A_112] : memref<2048x768xbf16, #tpu.memory_space<vmem>>, vector<2048x64xbf16>
    %dot_general3A_114 = arith.constant dense<0.000000e+00> : vector<256x2048xf32>
    %dot_general3A_115 = tpu.matmul %get3A_110, %get3A_113, %dot_general3A_114 {dimension_numbers = #tpu.dot_dimension_numbers<[1], [1], [0], [0], [0, 0, 1, 0], [], []>, transpose_lhs_hint = false} : vector<256x64xbf16>, vector<2048x64xbf16>, vector<256x2048xf32> -> vector<256x2048xf32>
    %slice3A_116 = vector.extract_strided_slice %dot_general3A_115 {offsets = [0, 1536], sizes = [256, 512], strides = [1, 1]} : vector<256x2048xf32> to vector<256x512xf32>
    %add3A_117 = arith.addf %slice3A_116, %select_n3A : vector<256x512xf32>
    %exp3A_118 = math.exp %add3A_117 : vector<256x512xf32>
    %convert_element_type3A_119 = arith.truncf %exp3A_118 : vector<256x512xf32> to vector<256x512xbf16>
    %slice3A_120 = vector.extract_strided_slice %dot_general3A_115 {offsets = [0, 0], sizes = [256, 1536], strides = [1, 1]} : vector<256x2048xf32> to vector<256x1536xf32>
    %exp3A_121 = math.exp %slice3A_120 : vector<256x1536xf32>
    %convert_element_type3A_122 = arith.truncf %exp3A_121 : vector<256x1536xf32> to vector<256x1536xbf16>
    %reduce_sum3A_123 = arith.constant dense<0.000000e+00> : vector<256xf32>
    %reduce_sum3A_124 = vector.multi_reduction <add>, %exp3A_121, %reduce_sum3A_123 [1] : vector<256x1536xf32> to vector<256xf32>
    %broadcast_in_dim3A_125 = vector.shape_cast %reduce_sum3A_124 : vector<256xf32> to vector<256x1xf32>
    %reduce_sum3A_126 = arith.constant dense<0.000000e+00> : vector<256xf32>
    %reduce_sum3A_127 = vector.multi_reduction <add>, %exp3A_118, %reduce_sum3A_126 [1] : vector<256x512xf32> to vector<256xf32>
    %broadcast_in_dim3A_128 = vector.shape_cast %reduce_sum3A_127 : vector<256xf32> to vector<256x1xf32>
    %add3A_129 = arith.addf %broadcast_in_dim3A_125, %broadcast_in_dim3A_128 : vector<256x1xf32>
    %get3A_130 = arith.constant 0 : index
    %get3A_131 = arith.constant 192 : index
    %get3A_132 = vector.load %arg3[%get3A_130, %get3A_131] : memref<2048x768xbf16, #tpu.memory_space<vmem>>, vector<1536x64xbf16>
    %dot_general3A_133 = arith.constant dense<0.000000e+00> : vector<256x64xf32>
    %dot_general3A_134 = tpu.matmul %convert_element_type3A_122, %get3A_132, %dot_general3A_133 {dimension_numbers = #tpu.dot_dimension_numbers<[1], [0], [0], [1], [0, 0, 1, 1], [], []>, transpose_lhs_hint = false} : vector<256x1536xbf16>, vector<1536x64xbf16>, vector<256x64xf32> -> vector<256x64xf32>
    %get3A_135 = arith.constant 1536 : index
    %get3A_136 = arith.constant 192 : index
    %get3A_137 = vector.load %arg3[%get3A_135, %get3A_136] : memref<2048x768xbf16, #tpu.memory_space<vmem>>, vector<512x64xbf16>
    %dot_general3A_138 = arith.constant dense<0.000000e+00> : vector<256x64xf32>
    %dot_general3A_139 = tpu.matmul %convert_element_type3A_119, %get3A_137, %dot_general3A_138 {dimension_numbers = #tpu.dot_dimension_numbers<[1], [0], [0], [1], [0, 0, 1, 1], [], []>, transpose_lhs_hint = false} : vector<256x512xbf16>, vector<512x64xbf16>, vector<256x64xf32> -> vector<256x64xf32>
    %add3A_140 = arith.addf %dot_general3A_134, %dot_general3A_139 : vector<256x64xf32>
    %div3A_141 = vector.broadcast %add3A_129 : vector<256x1xf32> to vector<256x64xf32>
    %div3A_142 = arith.divf %add3A_140, %div3A_141 : vector<256x64xf32>
    %get3A_143 = arith.constant 0 : index
    %get3A_144 = arith.constant 256 : index
    %get3A_145 = vector.load %arg1[%get3A_143, %get3A_144] : memref<256x768xbf16, #tpu.memory_space<vmem>>, vector<256x64xbf16>
    %get3A_146 = arith.constant 0 : index
    %get3A_147 = arith.constant 256 : index
    %get3A_148 = vector.load %arg2[%get3A_146, %get3A_147] : memref<2048x768xbf16, #tpu.memory_space<vmem>>, vector<2048x64xbf16>
    %dot_general3A_149 = arith.constant dense<0.000000e+00> : vector<256x2048xf32>
    %dot_general3A_150 = tpu.matmul %get3A_145, %get3A_148, %dot_general3A_149 {dimension_numbers = #tpu.dot_dimension_numbers<[1], [1], [0], [0], [0, 0, 1, 0], [], []>, transpose_lhs_hint = false} : vector<256x64xbf16>, vector<2048x64xbf16>, vector<256x2048xf32> -> vector<256x2048xf32>
    %slice3A_151 = vector.extract_strided_slice %dot_general3A_150 {offsets = [0, 1536], sizes = [256, 512], strides = [1, 1]} : vector<256x2048xf32> to vector<256x512xf32>
    %add3A_152 = arith.addf %slice3A_151, %select_n3A : vector<256x512xf32>
    %exp3A_153 = math.exp %add3A_152 : vector<256x512xf32>
    %convert_element_type3A_154 = arith.truncf %exp3A_153 : vector<256x512xf32> to vector<256x512xbf16>
    %slice3A_155 = vector.extract_strided_slice %dot_general3A_150 {offsets = [0, 0], sizes = [256, 1536], strides = [1, 1]} : vector<256x2048xf32> to vector<256x1536xf32>
    %exp3A_156 = math.exp %slice3A_155 : vector<256x1536xf32>
    %convert_element_type3A_157 = arith.truncf %exp3A_156 : vector<256x1536xf32> to vector<256x1536xbf16>
    %reduce_sum3A_158 = arith.constant dense<0.000000e+00> : vector<256xf32>
    %reduce_sum3A_159 = vector.multi_reduction <add>, %exp3A_156, %reduce_sum3A_158 [1] : vector<256x1536xf32> to vector<256xf32>
    %broadcast_in_dim3A_160 = vector.shape_cast %reduce_sum3A_159 : vector<256xf32> to vector<256x1xf32>
    %reduce_sum3A_161 = arith.constant dense<0.000000e+00> : vector<256xf32>
    %reduce_sum3A_162 = vector.multi_reduction <add>, %exp3A_153, %reduce_sum3A_161 [1] : vector<256x512xf32> to vector<256xf32>
    %broadcast_in_dim3A_163 = vector.shape_cast %reduce_sum3A_162 : vector<256xf32> to vector<256x1xf32>
    %add3A_164 = arith.addf %broadcast_in_dim3A_160, %broadcast_in_dim3A_163 : vector<256x1xf32>
    %get3A_165 = arith.constant 0 : index
    %get3A_166 = arith.constant 256 : index
    %get3A_167 = vector.load %arg3[%get3A_165, %get3A_166] : memref<2048x768xbf16, #tpu.memory_space<vmem>>, vector<1536x64xbf16>
    %dot_general3A_168 = arith.constant dense<0.000000e+00> : vector<256x64xf32>
    %dot_general3A_169 = tpu.matmul %convert_element_type3A_157, %get3A_167, %dot_general3A_168 {dimension_numbers = #tpu.dot_dimension_numbers<[1], [0], [0], [1], [0, 0, 1, 1], [], []>, transpose_lhs_hint = false} : vector<256x1536xbf16>, vector<1536x64xbf16>, vector<256x64xf32> -> vector<256x64xf32>
    %get3A_170 = arith.constant 1536 : index
    %get3A_171 = arith.constant 256 : index
    %get3A_172 = vector.load %arg3[%get3A_170, %get3A_171] : memref<2048x768xbf16, #tpu.memory_space<vmem>>, vector<512x64xbf16>
    %dot_general3A_173 = arith.constant dense<0.000000e+00> : vector<256x64xf32>
    %dot_general3A_174 = tpu.matmul %convert_element_type3A_154, %get3A_172, %dot_general3A_173 {dimension_numbers = #tpu.dot_dimension_numbers<[1], [0], [0], [1], [0, 0, 1, 1], [], []>, transpose_lhs_hint = false} : vector<256x512xbf16>, vector<512x64xbf16>, vector<256x64xf32> -> vector<256x64xf32>
    %add3A_175 = arith.addf %dot_general3A_169, %dot_general3A_174 : vector<256x64xf32>
    %div3A_176 = vector.broadcast %add3A_164 : vector<256x1xf32> to vector<256x64xf32>
    %div3A_177 = arith.divf %add3A_175, %div3A_176 : vector<256x64xf32>
    %get3A_178 = arith.constant 0 : index
    %get3A_179 = arith.constant 320 : index
    %get3A_180 = vector.load %arg1[%get3A_178, %get3A_179] : memref<256x768xbf16, #tpu.memory_space<vmem>>, vector<256x64xbf16>
    %get3A_181 = arith.constant 0 : index
    %get3A_182 = arith.constant 320 : index
    %get3A_183 = vector.load %arg2[%get3A_181, %get3A_182] : memref<2048x768xbf16, #tpu.memory_space<vmem>>, vector<2048x64xbf16>
    %dot_general3A_184 = arith.constant dense<0.000000e+00> : vector<256x2048xf32>
    %dot_general3A_185 = tpu.matmul %get3A_180, %get3A_183, %dot_general3A_184 {dimension_numbers = #tpu.dot_dimension_numbers<[1], [1], [0], [0], [0, 0, 1, 0], [], []>, transpose_lhs_hint = false} : vector<256x64xbf16>, vector<2048x64xbf16>, vector<256x2048xf32> -> vector<256x2048xf32>
    %slice3A_186 = vector.extract_strided_slice %dot_general3A_185 {offsets = [0, 1536], sizes = [256, 512], strides = [1, 1]} : vector<256x2048xf32> to vector<256x512xf32>
    %add3A_187 = arith.addf %slice3A_186, %select_n3A : vector<256x512xf32>
    %exp3A_188 = math.exp %add3A_187 : vector<256x512xf32>
    %convert_element_type3A_189 = arith.truncf %exp3A_188 : vector<256x512xf32> to vector<256x512xbf16>
    %slice3A_190 = vector.extract_strided_slice %dot_general3A_185 {offsets = [0, 0], sizes = [256, 1536], strides = [1, 1]} : vector<256x2048xf32> to vector<256x1536xf32>
    %exp3A_191 = math.exp %slice3A_190 : vector<256x1536xf32>
    %convert_element_type3A_192 = arith.truncf %exp3A_191 : vector<256x1536xf32> to vector<256x1536xbf16>
    %reduce_sum3A_193 = arith.constant dense<0.000000e+00> : vector<256xf32>
    %reduce_sum3A_194 = vector.multi_reduction <add>, %exp3A_191, %reduce_sum3A_193 [1] : vector<256x1536xf32> to vector<256xf32>
    %broadcast_in_dim3A_195 = vector.shape_cast %reduce_sum3A_194 : vector<256xf32> to vector<256x1xf32>
    %reduce_sum3A_196 = arith.constant dense<0.000000e+00> : vector<256xf32>
    %reduce_sum3A_197 = vector.multi_reduction <add>, %exp3A_188, %reduce_sum3A_196 [1] : vector<256x512xf32> to vector<256xf32>
    %broadcast_in_dim3A_198 = vector.shape_cast %reduce_sum3A_197 : vector<256xf32> to vector<256x1xf32>
    %add3A_199 = arith.addf %broadcast_in_dim3A_195, %broadcast_in_dim3A_198 : vector<256x1xf32>
    %get3A_200 = arith.constant 0 : index
    %get3A_201 = arith.constant 320 : index
    %get3A_202 = vector.load %arg3[%get3A_200, %get3A_201] : memref<2048x768xbf16, #tpu.memory_space<vmem>>, vector<1536x64xbf16>
    %dot_general3A_203 = arith.constant dense<0.000000e+00> : vector<256x64xf32>
    %dot_general3A_204 = tpu.matmul %convert_element_type3A_192, %get3A_202, %dot_general3A_203 {dimension_numbers = #tpu.dot_dimension_numbers<[1], [0], [0], [1], [0, 0, 1, 1], [], []>, transpose_lhs_hint = false} : vector<256x1536xbf16>, vector<1536x64xbf16>, vector<256x64xf32> -> vector<256x64xf32>
    %get3A_205 = arith.constant 1536 : index
    %get3A_206 = arith.constant 320 : index
    %get3A_207 = vector.load %arg3[%get3A_205, %get3A_206] : memref<2048x768xbf16, #tpu.memory_space<vmem>>, vector<512x64xbf16>
    %dot_general3A_208 = arith.constant dense<0.000000e+00> : vector<256x64xf32>
    %dot_general3A_209 = tpu.matmul %convert_element_type3A_189, %get3A_207, %dot_general3A_208 {dimension_numbers = #tpu.dot_dimension_numbers<[1], [0], [0], [1], [0, 0, 1, 1], [], []>, transpose_lhs_hint = false} : vector<256x512xbf16>, vector<512x64xbf16>, vector<256x64xf32> -> vector<256x64xf32>
    %add3A_210 = arith.addf %dot_general3A_204, %dot_general3A_209 : vector<256x64xf32>
    %div3A_211 = vector.broadcast %add3A_199 : vector<256x1xf32> to vector<256x64xf32>
    %div3A_212 = arith.divf %add3A_210, %div3A_211 : vector<256x64xf32>
    %get3A_213 = arith.constant 0 : index
    %get3A_214 = arith.constant 384 : index
    %get3A_215 = vector.load %arg1[%get3A_213, %get3A_214] : memref<256x768xbf16, #tpu.memory_space<vmem>>, vector<256x64xbf16>
    %get3A_216 = arith.constant 0 : index
    %get3A_217 = arith.constant 384 : index
    %get3A_218 = vector.load %arg2[%get3A_216, %get3A_217] : memref<2048x768xbf16, #tpu.memory_space<vmem>>, vector<2048x64xbf16>
    %dot_general3A_219 = arith.constant dense<0.000000e+00> : vector<256x2048xf32>
    %dot_general3A_220 = tpu.matmul %get3A_215, %get3A_218, %dot_general3A_219 {dimension_numbers = #tpu.dot_dimension_numbers<[1], [1], [0], [0], [0, 0, 1, 0], [], []>, transpose_lhs_hint = false} : vector<256x64xbf16>, vector<2048x64xbf16>, vector<256x2048xf32> -> vector<256x2048xf32>
    %slice3A_221 = vector.extract_strided_slice %dot_general3A_220 {offsets = [0, 1536], sizes = [256, 512], strides = [1, 1]} : vector<256x2048xf32> to vector<256x512xf32>
    %add3A_222 = arith.addf %slice3A_221, %select_n3A : vector<256x512xf32>
    %exp3A_223 = math.exp %add3A_222 : vector<256x512xf32>
    %convert_element_type3A_224 = arith.truncf %exp3A_223 : vector<256x512xf32> to vector<256x512xbf16>
    %slice3A_225 = vector.extract_strided_slice %dot_general3A_220 {offsets = [0, 0], sizes = [256, 1536], strides = [1, 1]} : vector<256x2048xf32> to vector<256x1536xf32>
    %exp3A_226 = math.exp %slice3A_225 : vector<256x1536xf32>
    %convert_element_type3A_227 = arith.truncf %exp3A_226 : vector<256x1536xf32> to vector<256x1536xbf16>
    %reduce_sum3A_228 = arith.constant dense<0.000000e+00> : vector<256xf32>
    %reduce_sum3A_229 = vector.multi_reduction <add>, %exp3A_226, %reduce_sum3A_228 [1] : vector<256x1536xf32> to vector<256xf32>
    %broadcast_in_dim3A_230 = vector.shape_cast %reduce_sum3A_229 : vector<256xf32> to vector<256x1xf32>
    %reduce_sum3A_231 = arith.constant dense<0.000000e+00> : vector<256xf32>
    %reduce_sum3A_232 = vector.multi_reduction <add>, %exp3A_223, %reduce_sum3A_231 [1] : vector<256x512xf32> to vector<256xf32>
    %broadcast_in_dim3A_233 = vector.shape_cast %reduce_sum3A_232 : vector<256xf32> to vector<256x1xf32>
    %add3A_234 = arith.addf %broadcast_in_dim3A_230, %broadcast_in_dim3A_233 : vector<256x1xf32>
    %get3A_235 = arith.constant 0 : index
    %get3A_236 = arith.constant 384 : index
    %get3A_237 = vector.load %arg3[%get3A_235, %get3A_236] : memref<2048x768xbf16, #tpu.memory_space<vmem>>, vector<1536x64xbf16>
    %dot_general3A_238 = arith.constant dense<0.000000e+00> : vector<256x64xf32>
    %dot_general3A_239 = tpu.matmul %convert_element_type3A_227, %get3A_237, %dot_general3A_238 {dimension_numbers = #tpu.dot_dimension_numbers<[1], [0], [0], [1], [0, 0, 1, 1], [], []>, transpose_lhs_hint = false} : vector<256x1536xbf16>, vector<1536x64xbf16>, vector<256x64xf32> -> vector<256x64xf32>
    %get3A_240 = arith.constant 1536 : index
    %get3A_241 = arith.constant 384 : index
    %get3A_242 = vector.load %arg3[%get3A_240, %get3A_241] : memref<2048x768xbf16, #tpu.memory_space<vmem>>, vector<512x64xbf16>
    %dot_general3A_243 = arith.constant dense<0.000000e+00> : vector<256x64xf32>
    %dot_general3A_244 = tpu.matmul %convert_element_type3A_224, %get3A_242, %dot_general3A_243 {dimension_numbers = #tpu.dot_dimension_numbers<[1], [0], [0], [1], [0, 0, 1, 1], [], []>, transpose_lhs_hint = false} : vector<256x512xbf16>, vector<512x64xbf16>, vector<256x64xf32> -> vector<256x64xf32>
    %add3A_245 = arith.addf %dot_general3A_239, %dot_general3A_244 : vector<256x64xf32>
    %div3A_246 = vector.broadcast %add3A_234 : vector<256x1xf32> to vector<256x64xf32>
    %div3A_247 = arith.divf %add3A_245, %div3A_246 : vector<256x64xf32>
    %get3A_248 = arith.constant 0 : index
    %get3A_249 = arith.constant 448 : index
    %get3A_250 = vector.load %arg1[%get3A_248, %get3A_249] : memref<256x768xbf16, #tpu.memory_space<vmem>>, vector<256x64xbf16>
    %get3A_251 = arith.constant 0 : index
    %get3A_252 = arith.constant 448 : index
    %get3A_253 = vector.load %arg2[%get3A_251, %get3A_252] : memref<2048x768xbf16, #tpu.memory_space<vmem>>, vector<2048x64xbf16>
    %dot_general3A_254 = arith.constant dense<0.000000e+00> : vector<256x2048xf32>
    %dot_general3A_255 = tpu.matmul %get3A_250, %get3A_253, %dot_general3A_254 {dimension_numbers = #tpu.dot_dimension_numbers<[1], [1], [0], [0], [0, 0, 1, 0], [], []>, transpose_lhs_hint = false} : vector<256x64xbf16>, vector<2048x64xbf16>, vector<256x2048xf32> -> vector<256x2048xf32>
    %slice3A_256 = vector.extract_strided_slice %dot_general3A_255 {offsets = [0, 1536], sizes = [256, 512], strides = [1, 1]} : vector<256x2048xf32> to vector<256x512xf32>
    %add3A_257 = arith.addf %slice3A_256, %select_n3A : vector<256x512xf32>
    %exp3A_258 = math.exp %add3A_257 : vector<256x512xf32>
    %convert_element_type3A_259 = arith.truncf %exp3A_258 : vector<256x512xf32> to vector<256x512xbf16>
    %slice3A_260 = vector.extract_strided_slice %dot_general3A_255 {offsets = [0, 0], sizes = [256, 1536], strides = [1, 1]} : vector<256x2048xf32> to vector<256x1536xf32>
    %exp3A_261 = math.exp %slice3A_260 : vector<256x1536xf32>
    %convert_element_type3A_262 = arith.truncf %exp3A_261 : vector<256x1536xf32> to vector<256x1536xbf16>
    %reduce_sum3A_263 = arith.constant dense<0.000000e+00> : vector<256xf32>
    %reduce_sum3A_264 = vector.multi_reduction <add>, %exp3A_261, %reduce_sum3A_263 [1] : vector<256x1536xf32> to vector<256xf32>
    %broadcast_in_dim3A_265 = vector.shape_cast %reduce_sum3A_264 : vector<256xf32> to vector<256x1xf32>
    %reduce_sum3A_266 = arith.constant dense<0.000000e+00> : vector<256xf32>
    %reduce_sum3A_267 = vector.multi_reduction <add>, %exp3A_258, %reduce_sum3A_266 [1] : vector<256x512xf32> to vector<256xf32>
    %broadcast_in_dim3A_268 = vector.shape_cast %reduce_sum3A_267 : vector<256xf32> to vector<256x1xf32>
    %add3A_269 = arith.addf %broadcast_in_dim3A_265, %broadcast_in_dim3A_268 : vector<256x1xf32>
    %get3A_270 = arith.constant 0 : index
    %get3A_271 = arith.constant 448 : index
    %get3A_272 = vector.load %arg3[%get3A_270, %get3A_271] : memref<2048x768xbf16, #tpu.memory_space<vmem>>, vector<1536x64xbf16>
    %dot_general3A_273 = arith.constant dense<0.000000e+00> : vector<256x64xf32>
    %dot_general3A_274 = tpu.matmul %convert_element_type3A_262, %get3A_272, %dot_general3A_273 {dimension_numbers = #tpu.dot_dimension_numbers<[1], [0], [0], [1], [0, 0, 1, 1], [], []>, transpose_lhs_hint = false} : vector<256x1536xbf16>, vector<1536x64xbf16>, vector<256x64xf32> -> vector<256x64xf32>
    %get3A_275 = arith.constant 1536 : index
    %get3A_276 = arith.constant 448 : index
    %get3A_277 = vector.load %arg3[%get3A_275, %get3A_276] : memref<2048x768xbf16, #tpu.memory_space<vmem>>, vector<512x64xbf16>
    %dot_general3A_278 = arith.constant dense<0.000000e+00> : vector<256x64xf32>
    %dot_general3A_279 = tpu.matmul %convert_element_type3A_259, %get3A_277, %dot_general3A_278 {dimension_numbers = #tpu.dot_dimension_numbers<[1], [0], [0], [1], [0, 0, 1, 1], [], []>, transpose_lhs_hint = false} : vector<256x512xbf16>, vector<512x64xbf16>, vector<256x64xf32> -> vector<256x64xf32>
    %add3A_280 = arith.addf %dot_general3A_274, %dot_general3A_279 : vector<256x64xf32>
    %div3A_281 = vector.broadcast %add3A_269 : vector<256x1xf32> to vector<256x64xf32>
    %div3A_282 = arith.divf %add3A_280, %div3A_281 : vector<256x64xf32>
    %get3A_283 = arith.constant 0 : index
    %get3A_284 = arith.constant 512 : index
    %get3A_285 = vector.load %arg1[%get3A_283, %get3A_284] : memref<256x768xbf16, #tpu.memory_space<vmem>>, vector<256x64xbf16>
    %get3A_286 = arith.constant 0 : index
    %get3A_287 = arith.constant 512 : index
    %get3A_288 = vector.load %arg2[%get3A_286, %get3A_287] : memref<2048x768xbf16, #tpu.memory_space<vmem>>, vector<2048x64xbf16>
    %dot_general3A_289 = arith.constant dense<0.000000e+00> : vector<256x2048xf32>
    %dot_general3A_290 = tpu.matmul %get3A_285, %get3A_288, %dot_general3A_289 {dimension_numbers = #tpu.dot_dimension_numbers<[1], [1], [0], [0], [0, 0, 1, 0], [], []>, transpose_lhs_hint = false} : vector<256x64xbf16>, vector<2048x64xbf16>, vector<256x2048xf32> -> vector<256x2048xf32>
    %slice3A_291 = vector.extract_strided_slice %dot_general3A_290 {offsets = [0, 1536], sizes = [256, 512], strides = [1, 1]} : vector<256x2048xf32> to vector<256x512xf32>
    %add3A_292 = arith.addf %slice3A_291, %select_n3A : vector<256x512xf32>
    %exp3A_293 = math.exp %add3A_292 : vector<256x512xf32>
    %convert_element_type3A_294 = arith.truncf %exp3A_293 : vector<256x512xf32> to vector<256x512xbf16>
    %slice3A_295 = vector.extract_strided_slice %dot_general3A_290 {offsets = [0, 0], sizes = [256, 1536], strides = [1, 1]} : vector<256x2048xf32> to vector<256x1536xf32>
    %exp3A_296 = math.exp %slice3A_295 : vector<256x1536xf32>
    %convert_element_type3A_297 = arith.truncf %exp3A_296 : vector<256x1536xf32> to vector<256x1536xbf16>
    %reduce_sum3A_298 = arith.constant dense<0.000000e+00> : vector<256xf32>
    %reduce_sum3A_299 = vector.multi_reduction <add>, %exp3A_296, %reduce_sum3A_298 [1] : vector<256x1536xf32> to vector<256xf32>
    %broadcast_in_dim3A_300 = vector.shape_cast %reduce_sum3A_299 : vector<256xf32> to vector<256x1xf32>
    %reduce_sum3A_301 = arith.constant dense<0.000000e+00> : vector<256xf32>
    %reduce_sum3A_302 = vector.multi_reduction <add>, %exp3A_293, %reduce_sum3A_301 [1] : vector<256x512xf32> to vector<256xf32>
    %broadcast_in_dim3A_303 = vector.shape_cast %reduce_sum3A_302 : vector<256xf32> to vector<256x1xf32>
    %add3A_304 = arith.addf %broadcast_in_dim3A_300, %broadcast_in_dim3A_303 : vector<256x1xf32>
    %get3A_305 = arith.constant 0 : index
    %get3A_306 = arith.constant 512 : index
    %get3A_307 = vector.load %arg3[%get3A_305, %get3A_306] : memref<2048x768xbf16, #tpu.memory_space<vmem>>, vector<1536x64xbf16>
    %dot_general3A_308 = arith.constant dense<0.000000e+00> : vector<256x64xf32>
    %dot_general3A_309 = tpu.matmul %convert_element_type3A_297, %get3A_307, %dot_general3A_308 {dimension_numbers = #tpu.dot_dimension_numbers<[1], [0], [0], [1], [0, 0, 1, 1], [], []>, transpose_lhs_hint = false} : vector<256x1536xbf16>, vector<1536x64xbf16>, vector<256x64xf32> -> vector<256x64xf32>
    %get3A_310 = arith.constant 1536 : index
    %get3A_311 = arith.constant 512 : index
    %get3A_312 = vector.load %arg3[%get3A_310, %get3A_311] : memref<2048x768xbf16, #tpu.memory_space<vmem>>, vector<512x64xbf16>
    %dot_general3A_313 = arith.constant dense<0.000000e+00> : vector<256x64xf32>
    %dot_general3A_314 = tpu.matmul %convert_element_type3A_294, %get3A_312, %dot_general3A_313 {dimension_numbers = #tpu.dot_dimension_numbers<[1], [0], [0], [1], [0, 0, 1, 1], [], []>, transpose_lhs_hint = false} : vector<256x512xbf16>, vector<512x64xbf16>, vector<256x64xf32> -> vector<256x64xf32>
    %add3A_315 = arith.addf %dot_general3A_309, %dot_general3A_314 : vector<256x64xf32>
    %div3A_316 = vector.broadcast %add3A_304 : vector<256x1xf32> to vector<256x64xf32>
    %div3A_317 = arith.divf %add3A_315, %div3A_316 : vector<256x64xf32>
    %get3A_318 = arith.constant 0 : index
    %get3A_319 = arith.constant 576 : index
    %get3A_320 = vector.load %arg1[%get3A_318, %get3A_319] : memref<256x768xbf16, #tpu.memory_space<vmem>>, vector<256x64xbf16>
    %get3A_321 = arith.constant 0 : index
    %get3A_322 = arith.constant 576 : index
    %get3A_323 = vector.load %arg2[%get3A_321, %get3A_322] : memref<2048x768xbf16, #tpu.memory_space<vmem>>, vector<2048x64xbf16>
    %dot_general3A_324 = arith.constant dense<0.000000e+00> : vector<256x2048xf32>
    %dot_general3A_325 = tpu.matmul %get3A_320, %get3A_323, %dot_general3A_324 {dimension_numbers = #tpu.dot_dimension_numbers<[1], [1], [0], [0], [0, 0, 1, 0], [], []>, transpose_lhs_hint = false} : vector<256x64xbf16>, vector<2048x64xbf16>, vector<256x2048xf32> -> vector<256x2048xf32>
    %slice3A_326 = vector.extract_strided_slice %dot_general3A_325 {offsets = [0, 1536], sizes = [256, 512], strides = [1, 1]} : vector<256x2048xf32> to vector<256x512xf32>
    %add3A_327 = arith.addf %slice3A_326, %select_n3A : vector<256x512xf32>
    %exp3A_328 = math.exp %add3A_327 : vector<256x512xf32>
    %convert_element_type3A_329 = arith.truncf %exp3A_328 : vector<256x512xf32> to vector<256x512xbf16>
    %slice3A_330 = vector.extract_strided_slice %dot_general3A_325 {offsets = [0, 0], sizes = [256, 1536], strides = [1, 1]} : vector<256x2048xf32> to vector<256x1536xf32>
    %exp3A_331 = math.exp %slice3A_330 : vector<256x1536xf32>
    %convert_element_type3A_332 = arith.truncf %exp3A_331 : vector<256x1536xf32> to vector<256x1536xbf16>
    %reduce_sum3A_333 = arith.constant dense<0.000000e+00> : vector<256xf32>
    %reduce_sum3A_334 = vector.multi_reduction <add>, %exp3A_331, %reduce_sum3A_333 [1] : vector<256x1536xf32> to vector<256xf32>
    %broadcast_in_dim3A_335 = vector.shape_cast %reduce_sum3A_334 : vector<256xf32> to vector<256x1xf32>
    %reduce_sum3A_336 = arith.constant dense<0.000000e+00> : vector<256xf32>
    %reduce_sum3A_337 = vector.multi_reduction <add>, %exp3A_328, %reduce_sum3A_336 [1] : vector<256x512xf32> to vector<256xf32>
    %broadcast_in_dim3A_338 = vector.shape_cast %reduce_sum3A_337 : vector<256xf32> to vector<256x1xf32>
    %add3A_339 = arith.addf %broadcast_in_dim3A_335, %broadcast_in_dim3A_338 : vector<256x1xf32>
    %get3A_340 = arith.constant 0 : index
    %get3A_341 = arith.constant 576 : index
    %get3A_342 = vector.load %arg3[%get3A_340, %get3A_341] : memref<2048x768xbf16, #tpu.memory_space<vmem>>, vector<1536x64xbf16>
    %dot_general3A_343 = arith.constant dense<0.000000e+00> : vector<256x64xf32>
    %dot_general3A_344 = tpu.matmul %convert_element_type3A_332, %get3A_342, %dot_general3A_343 {dimension_numbers = #tpu.dot_dimension_numbers<[1], [0], [0], [1], [0, 0, 1, 1], [], []>, transpose_lhs_hint = false} : vector<256x1536xbf16>, vector<1536x64xbf16>, vector<256x64xf32> -> vector<256x64xf32>
    %get3A_345 = arith.constant 1536 : index
    %get3A_346 = arith.constant 576 : index
    %get3A_347 = vector.load %arg3[%get3A_345, %get3A_346] : memref<2048x768xbf16, #tpu.memory_space<vmem>>, vector<512x64xbf16>
    %dot_general3A_348 = arith.constant dense<0.000000e+00> : vector<256x64xf32>
    %dot_general3A_349 = tpu.matmul %convert_element_type3A_329, %get3A_347, %dot_general3A_348 {dimension_numbers = #tpu.dot_dimension_numbers<[1], [0], [0], [1], [0, 0, 1, 1], [], []>, transpose_lhs_hint = false} : vector<256x512xbf16>, vector<512x64xbf16>, vector<256x64xf32> -> vector<256x64xf32>
    %add3A_350 = arith.addf %dot_general3A_344, %dot_general3A_349 : vector<256x64xf32>
    %div3A_351 = vector.broadcast %add3A_339 : vector<256x1xf32> to vector<256x64xf32>
    %div3A_352 = arith.divf %add3A_350, %div3A_351 : vector<256x64xf32>
    %get3A_353 = arith.constant 0 : index
    %get3A_354 = arith.constant 640 : index
    %get3A_355 = vector.load %arg1[%get3A_353, %get3A_354] : memref<256x768xbf16, #tpu.memory_space<vmem>>, vector<256x64xbf16>
    %get3A_356 = arith.constant 0 : index
    %get3A_357 = arith.constant 640 : index
    %get3A_358 = vector.load %arg2[%get3A_356, %get3A_357] : memref<2048x768xbf16, #tpu.memory_space<vmem>>, vector<2048x64xbf16>
    %dot_general3A_359 = arith.constant dense<0.000000e+00> : vector<256x2048xf32>
    %dot_general3A_360 = tpu.matmul %get3A_355, %get3A_358, %dot_general3A_359 {dimension_numbers = #tpu.dot_dimension_numbers<[1], [1], [0], [0], [0, 0, 1, 0], [], []>, transpose_lhs_hint = false} : vector<256x64xbf16>, vector<2048x64xbf16>, vector<256x2048xf32> -> vector<256x2048xf32>
    %slice3A_361 = vector.extract_strided_slice %dot_general3A_360 {offsets = [0, 1536], sizes = [256, 512], strides = [1, 1]} : vector<256x2048xf32> to vector<256x512xf32>
    %add3A_362 = arith.addf %slice3A_361, %select_n3A : vector<256x512xf32>
    %exp3A_363 = math.exp %add3A_362 : vector<256x512xf32>
    %convert_element_type3A_364 = arith.truncf %exp3A_363 : vector<256x512xf32> to vector<256x512xbf16>
    %slice3A_365 = vector.extract_strided_slice %dot_general3A_360 {offsets = [0, 0], sizes = [256, 1536], strides = [1, 1]} : vector<256x2048xf32> to vector<256x1536xf32>
    %exp3A_366 = math.exp %slice3A_365 : vector<256x1536xf32>
    %convert_element_type3A_367 = arith.truncf %exp3A_366 : vector<256x1536xf32> to vector<256x1536xbf16>
    %reduce_sum3A_368 = arith.constant dense<0.000000e+00> : vector<256xf32>
    %reduce_sum3A_369 = vector.multi_reduction <add>, %exp3A_366, %reduce_sum3A_368 [1] : vector<256x1536xf32> to vector<256xf32>
    %broadcast_in_dim3A_370 = vector.shape_cast %reduce_sum3A_369 : vector<256xf32> to vector<256x1xf32>
    %reduce_sum3A_371 = arith.constant dense<0.000000e+00> : vector<256xf32>
    %reduce_sum3A_372 = vector.multi_reduction <add>, %exp3A_363, %reduce_sum3A_371 [1] : vector<256x512xf32> to vector<256xf32>
    %broadcast_in_dim3A_373 = vector.shape_cast %reduce_sum3A_372 : vector<256xf32> to vector<256x1xf32>
    %add3A_374 = arith.addf %broadcast_in_dim3A_370, %broadcast_in_dim3A_373 : vector<256x1xf32>
    %get3A_375 = arith.constant 0 : index
    %get3A_376 = arith.constant 640 : index
    %get3A_377 = vector.load %arg3[%get3A_375, %get3A_376] : memref<2048x768xbf16, #tpu.memory_space<vmem>>, vector<1536x64xbf16>
    %dot_general3A_378 = arith.constant dense<0.000000e+00> : vector<256x64xf32>
    %dot_general3A_379 = tpu.matmul %convert_element_type3A_367, %get3A_377, %dot_general3A_378 {dimension_numbers = #tpu.dot_dimension_numbers<[1], [0], [0], [1], [0, 0, 1, 1], [], []>, transpose_lhs_hint = false} : vector<256x1536xbf16>, vector<1536x64xbf16>, vector<256x64xf32> -> vector<256x64xf32>
    %get3A_380 = arith.constant 1536 : index
    %get3A_381 = arith.constant 640 : index
    %get3A_382 = vector.load %arg3[%get3A_380, %get3A_381] : memref<2048x768xbf16, #tpu.memory_space<vmem>>, vector<512x64xbf16>
    %dot_general3A_383 = arith.constant dense<0.000000e+00> : vector<256x64xf32>
    %dot_general3A_384 = tpu.matmul %convert_element_type3A_364, %get3A_382, %dot_general3A_383 {dimension_numbers = #tpu.dot_dimension_numbers<[1], [0], [0], [1], [0, 0, 1, 1], [], []>, transpose_lhs_hint = false} : vector<256x512xbf16>, vector<512x64xbf16>, vector<256x64xf32> -> vector<256x64xf32>
    %add3A_385 = arith.addf %dot_general3A_379, %dot_general3A_384 : vector<256x64xf32>
    %div3A_386 = vector.broadcast %add3A_374 : vector<256x1xf32> to vector<256x64xf32>
    %div3A_387 = arith.divf %add3A_385, %div3A_386 : vector<256x64xf32>
    %get3A_388 = arith.constant 0 : index
    %get3A_389 = arith.constant 704 : index
    %get3A_390 = vector.load %arg1[%get3A_388, %get3A_389] : memref<256x768xbf16, #tpu.memory_space<vmem>>, vector<256x64xbf16>
    %get3A_391 = arith.constant 0 : index
    %get3A_392 = arith.constant 704 : index
    %get3A_393 = vector.load %arg2[%get3A_391, %get3A_392] : memref<2048x768xbf16, #tpu.memory_space<vmem>>, vector<2048x64xbf16>
    %dot_general3A_394 = arith.constant dense<0.000000e+00> : vector<256x2048xf32>
    %dot_general3A_395 = tpu.matmul %get3A_390, %get3A_393, %dot_general3A_394 {dimension_numbers = #tpu.dot_dimension_numbers<[1], [1], [0], [0], [0, 0, 1, 0], [], []>, transpose_lhs_hint = false} : vector<256x64xbf16>, vector<2048x64xbf16>, vector<256x2048xf32> -> vector<256x2048xf32>
    %slice3A_396 = vector.extract_strided_slice %dot_general3A_395 {offsets = [0, 1536], sizes = [256, 512], strides = [1, 1]} : vector<256x2048xf32> to vector<256x512xf32>
    %add3A_397 = arith.addf %slice3A_396, %select_n3A : vector<256x512xf32>
    %exp3A_398 = math.exp %add3A_397 : vector<256x512xf32>
    %convert_element_type3A_399 = arith.truncf %exp3A_398 : vector<256x512xf32> to vector<256x512xbf16>
    %slice3A_400 = vector.extract_strided_slice %dot_general3A_395 {offsets = [0, 0], sizes = [256, 1536], strides = [1, 1]} : vector<256x2048xf32> to vector<256x1536xf32>
    %exp3A_401 = math.exp %slice3A_400 : vector<256x1536xf32>
    %convert_element_type3A_402 = arith.truncf %exp3A_401 : vector<256x1536xf32> to vector<256x1536xbf16>
    %reduce_sum3A_403 = arith.constant dense<0.000000e+00> : vector<256xf32>
    %reduce_sum3A_404 = vector.multi_reduction <add>, %exp3A_401, %reduce_sum3A_403 [1] : vector<256x1536xf32> to vector<256xf32>
    %broadcast_in_dim3A_405 = vector.shape_cast %reduce_sum3A_404 : vector<256xf32> to vector<256x1xf32>
    %reduce_sum3A_406 = arith.constant dense<0.000000e+00> : vector<256xf32>
    %reduce_sum3A_407 = vector.multi_reduction <add>, %exp3A_398, %reduce_sum3A_406 [1] : vector<256x512xf32> to vector<256xf32>
    %broadcast_in_dim3A_408 = vector.shape_cast %reduce_sum3A_407 : vector<256xf32> to vector<256x1xf32>
    %add3A_409 = arith.addf %broadcast_in_dim3A_405, %broadcast_in_dim3A_408 : vector<256x1xf32>
    %get3A_410 = arith.constant 0 : index
    %get3A_411 = arith.constant 704 : index
    %get3A_412 = vector.load %arg3[%get3A_410, %get3A_411] : memref<2048x768xbf16, #tpu.memory_space<vmem>>, vector<1536x64xbf16>
    %dot_general3A_413 = arith.constant dense<0.000000e+00> : vector<256x64xf32>
    %dot_general3A_414 = tpu.matmul %convert_element_type3A_402, %get3A_412, %dot_general3A_413 {dimension_numbers = #tpu.dot_dimension_numbers<[1], [0], [0], [1], [0, 0, 1, 1], [], []>, transpose_lhs_hint = false} : vector<256x1536xbf16>, vector<1536x64xbf16>, vector<256x64xf32> -> vector<256x64xf32>
    %get3A_415 = arith.constant 1536 : index
    %get3A_416 = arith.constant 704 : index
    %get3A_417 = vector.load %arg3[%get3A_415, %get3A_416] : memref<2048x768xbf16, #tpu.memory_space<vmem>>, vector<512x64xbf16>
    %dot_general3A_418 = arith.constant dense<0.000000e+00> : vector<256x64xf32>
    %dot_general3A_419 = tpu.matmul %convert_element_type3A_399, %get3A_417, %dot_general3A_418 {dimension_numbers = #tpu.dot_dimension_numbers<[1], [0], [0], [1], [0, 0, 1, 1], [], []>, transpose_lhs_hint = false} : vector<256x512xbf16>, vector<512x64xbf16>, vector<256x64xf32> -> vector<256x64xf32>
    %add3A_420 = arith.addf %dot_general3A_414, %dot_general3A_419 : vector<256x64xf32>
    %div3A_421 = vector.broadcast %add3A_409 : vector<256x1xf32> to vector<256x64xf32>
    %div3A_422 = arith.divf %add3A_420, %div3A_421 : vector<256x64xf32>
    %concatenate3A = tpu.concatenate %div3A_37, %div3A_72, %div3A_107, %div3A_142, %div3A_177, %div3A_212, %div3A_247, %div3A_282, %div3A_317, %div3A_352, %div3A_387, %div3A_422 in 1 : vector<256x64xf32>, vector<256x64xf32>, vector<256x64xf32>, vector<256x64xf32>, vector<256x64xf32>, vector<256x64xf32>, vector<256x64xf32>, vector<256x64xf32>, vector<256x64xf32>, vector<256x64xf32>, vector<256x64xf32>, vector<256x64xf32> -> vector<256x768xf32>
    %swap3A = arith.constant 0 : index
    %swap3A_423 = arith.constant 0 : index
    %swap3A_424 = vector.load %arg4[%swap3A, %swap3A_423] : memref<256x768xf32, #tpu.memory_space<vmem>>, vector<256x768xf32>
    tpu.vector_store %arg4[%swap3A, %swap3A_423], %concatenate3A {strides = array<i32>} : memref<256x768xf32, #tpu.memory_space<vmem>>, vector<256x768xf32>,
    return
  }
  func.func @transform_0(%arg0: i32) -> (i32, i32) {
    %add3A = arith.constant 6 : i32
    %add3A_0 = arith.addi %add3A, %arg0 : i32
    %c0_i32 = arith.constant 0 : i32
    %c0_i32_1 = arith.constant 0 : i32
    return %add3A_0, %c0_i32 : i32, i32
  }
  func.func @transform_1(%arg0: i32) -> (i32, i32) {
    %c0_i32 = arith.constant 0 : i32
    %c0_i32_0 = arith.constant 0 : i32
    %c0_i32_1 = arith.constant 0 : i32
    return %c0_i32, %c0_i32_0 : i32, i32
  }
  func.func @transform_2(%arg0: i32) -> (i32, i32) {
    %c0_i32 = arith.constant 0 : i32
    %c0_i32_0 = arith.constant 0 : i32
    %c0_i32_1 = arith.constant 0 : i32
    return %c0_i32, %c0_i32_0 : i32, i32
  }
  func.func @transform_3(%arg0: i32) -> (i32, i32) {
    %c0_i32 = arith.constant 0 : i32
    %c0_i32_0 = arith.constant 0 : i32
    return %arg0, %c0_i32 : i32, i32
  }
}

module attributes {stable_mosaic.version = 14 : i64} {
  func.func @_ctx_kernel(%arg0: memref<256x768xf32, #tpu.memory_space<vmem>>, %arg1: memref<768x1024xf32, #tpu.memory_space<vmem>>, %arg2: memref<2x256xf32, #tpu.memory_space<vmem>>, %arg3: memref<2x256xf32, #tpu.memory_space<vmem>>, %arg4: memref<2x256x256xbf16, #tpu.memory_space<vmem>>, %arg5: memref<2x256x256xbf16, #tpu.memory_space<vmem>>) attributes {dimension_semantics = [], scalar_prefetch = 0 : i64, scratch_operands = 0 : i64, tpu.core_type = #tpu.core_type<tc>} {
    %get3A = arith.constant 0 : index
    %get3A_0 = arith.constant 0 : index
    %get3A_1 = vector.load %arg0[%get3A, %get3A_0] : memref<256x768xf32, #tpu.memory_space<vmem>>, vector<256x768xf32>
    %get3A_2 = arith.constant 0 : index
    %get3A_3 = arith.constant 0 : index
    %get3A_4 = vector.load %arg1[%get3A_2, %get3A_3] : memref<768x1024xf32, #tpu.memory_space<vmem>>, vector<768x1024xf32>
    %dot_general3A = arith.constant dense<0.000000e+00> : vector<256x1024xf32>
    %dot_general3A_5 = tpu.matmul %get3A_1, %get3A_4, %dot_general3A {dimension_numbers = #tpu.dot_dimension_numbers<[1], [0], [0], [1], [0, 0, 1, 1], [], []>, transpose_lhs_hint = false} : vector<256x768xf32>, vector<768x1024xf32>, vector<256x1024xf32> -> vector<256x1024xf32>
    %slice3A = vector.extract_strided_slice %dot_general3A_5 {offsets = [0, 0], sizes = [256, 512], strides = [1, 1]} : vector<256x1024xf32> to vector<256x512xf32>
    %slice3A_6 = vector.extract_strided_slice %slice3A {offsets = [0, 0], sizes = [256, 256], strides = [1, 1]} : vector<256x512xf32> to vector<256x256xf32>
    %get3A_7 = arith.constant 0 : index
    %get3A_8 = arith.constant 0 : index
    %get3A_9 = vector.load %arg2[%get3A_7, %get3A_8] : memref<2x256xf32, #tpu.memory_space<vmem>>, vector<1x256xf32>
    %get3A_10 = vector.shape_cast %get3A_9 : vector<1x256xf32> to vector<256xf32>
    %mul3A = arith.mulf %slice3A_6, %slice3A_6 : vector<256x256xf32>
    %reduce_sum3A = arith.constant dense<0.000000e+00> : vector<256xf32>
    %reduce_sum3A_11 = vector.multi_reduction <add>, %mul3A, %reduce_sum3A [1] : vector<256x256xf32> to vector<256xf32>
    %broadcast_in_dim3A = vector.shape_cast %reduce_sum3A_11 : vector<256xf32> to vector<256x1xf32>
    %div3A = arith.constant 2.560000e+02 : f32
    %div3A_12 = vector.broadcast %div3A : f32 to vector<256x1xf32>
    %div3A_13 = arith.divf %broadcast_in_dim3A, %div3A_12 : vector<256x1xf32>
    %add3A = arith.constant 9.99999997E-7 : f32
    %add3A_14 = vector.broadcast %add3A : f32 to vector<256x1xf32>
    %add3A_15 = arith.addf %div3A_13, %add3A_14 : vector<256x1xf32>
    %rsqrt3A = math.rsqrt %add3A_15 : vector<256x1xf32>
    %mul3A_16 = vector.broadcast %rsqrt3A : vector<256x1xf32> to vector<256x256xf32>
    %mul3A_17 = arith.mulf %slice3A_6, %mul3A_16 : vector<256x256xf32>
    %broadcast_in_dim3A_18 = vector.shape_cast %get3A_10 : vector<256xf32> to vector<1x256xf32>
    %mul3A_19 = vector.broadcast %broadcast_in_dim3A_18 : vector<1x256xf32> to vector<256x256xf32>
    %mul3A_20 = arith.mulf %mul3A_17, %mul3A_19 : vector<256x256xf32>
    %convert_element_type3A = arith.truncf %mul3A_20 : vector<256x256xf32> to vector<256x256xbf16>
    %swap3A = arith.constant 0 : index
    %swap3A_21 = arith.constant 0 : index
    %swap3A_22 = arith.constant 0 : index
    %swap3A_23 = vector.load %arg4[%swap3A, %swap3A_21, %swap3A_22] : memref<2x256x256xbf16, #tpu.memory_space<vmem>>, vector<1x256x256xbf16>
    %swap3A_24 = vector.shape_cast %swap3A_23 : vector<1x256x256xbf16> to vector<256x256xbf16>
    %swap3A_25 = vector.shape_cast %convert_element_type3A : vector<256x256xbf16> to vector<1x256x256xbf16>
    tpu.vector_store %arg4[%swap3A, %swap3A_21, %swap3A_22], %swap3A_25 {strides = array<i32>} : memref<2x256x256xbf16, #tpu.memory_space<vmem>>, vector<1x256x256xbf16>,
    %slice3A_26 = vector.extract_strided_slice %slice3A {offsets = [0, 256], sizes = [256, 256], strides = [1, 1]} : vector<256x512xf32> to vector<256x256xf32>
    %get3A_27 = arith.constant 0 : index
    %get3A_28 = arith.constant 0 : index
    %get3A_29 = vector.load %arg3[%get3A_27, %get3A_28] : memref<2x256xf32, #tpu.memory_space<vmem>>, vector<1x256xf32>
    %get3A_30 = vector.shape_cast %get3A_29 : vector<1x256xf32> to vector<256xf32>
    %mul3A_31 = arith.mulf %slice3A_26, %slice3A_26 : vector<256x256xf32>
    %reduce_sum3A_32 = arith.constant dense<0.000000e+00> : vector<256xf32>
    %reduce_sum3A_33 = vector.multi_reduction <add>, %mul3A_31, %reduce_sum3A_32 [1] : vector<256x256xf32> to vector<256xf32>
    %broadcast_in_dim3A_34 = vector.shape_cast %reduce_sum3A_33 : vector<256xf32> to vector<256x1xf32>
    %div3A_35 = arith.constant 2.560000e+02 : f32
    %div3A_36 = vector.broadcast %div3A_35 : f32 to vector<256x1xf32>
    %div3A_37 = arith.divf %broadcast_in_dim3A_34, %div3A_36 : vector<256x1xf32>
    %add3A_38 = arith.constant 9.99999997E-7 : f32
    %add3A_39 = vector.broadcast %add3A_38 : f32 to vector<256x1xf32>
    %add3A_40 = arith.addf %div3A_37, %add3A_39 : vector<256x1xf32>
    %rsqrt3A_41 = math.rsqrt %add3A_40 : vector<256x1xf32>
    %mul3A_42 = vector.broadcast %rsqrt3A_41 : vector<256x1xf32> to vector<256x256xf32>
    %mul3A_43 = arith.mulf %slice3A_26, %mul3A_42 : vector<256x256xf32>
    %broadcast_in_dim3A_44 = vector.shape_cast %get3A_30 : vector<256xf32> to vector<1x256xf32>
    %mul3A_45 = vector.broadcast %broadcast_in_dim3A_44 : vector<1x256xf32> to vector<256x256xf32>
    %mul3A_46 = arith.mulf %mul3A_43, %mul3A_45 : vector<256x256xf32>
    %convert_element_type3A_47 = arith.truncf %mul3A_46 : vector<256x256xf32> to vector<256x256xbf16>
    %swap3A_48 = arith.constant 0 : index
    %swap3A_49 = arith.constant 0 : index
    %swap3A_50 = arith.constant 0 : index
    %swap3A_51 = vector.load %arg5[%swap3A_48, %swap3A_49, %swap3A_50] : memref<2x256x256xbf16, #tpu.memory_space<vmem>>, vector<1x256x256xbf16>
    %swap3A_52 = vector.shape_cast %swap3A_51 : vector<1x256x256xbf16> to vector<256x256xbf16>
    %swap3A_53 = vector.shape_cast %convert_element_type3A_47 : vector<256x256xbf16> to vector<1x256x256xbf16>
    tpu.vector_store %arg5[%swap3A_48, %swap3A_49, %swap3A_50], %swap3A_53 {strides = array<i32>} : memref<2x256x256xbf16, #tpu.memory_space<vmem>>, vector<1x256x256xbf16>,
    %slice3A_54 = vector.extract_strided_slice %dot_general3A_5 {offsets = [0, 512], sizes = [256, 512], strides = [1, 1]} : vector<256x1024xf32> to vector<256x512xf32>
    %slice3A_55 = vector.extract_strided_slice %slice3A_54 {offsets = [0, 0], sizes = [256, 256], strides = [1, 1]} : vector<256x512xf32> to vector<256x256xf32>
    %get3A_56 = arith.constant 1 : index
    %get3A_57 = arith.constant 0 : index
    %get3A_58 = vector.load %arg2[%get3A_56, %get3A_57] : memref<2x256xf32, #tpu.memory_space<vmem>>, vector<1x256xf32>
    %get3A_59 = vector.shape_cast %get3A_58 : vector<1x256xf32> to vector<256xf32>
    %mul3A_60 = arith.mulf %slice3A_55, %slice3A_55 : vector<256x256xf32>
    %reduce_sum3A_61 = arith.constant dense<0.000000e+00> : vector<256xf32>
    %reduce_sum3A_62 = vector.multi_reduction <add>, %mul3A_60, %reduce_sum3A_61 [1] : vector<256x256xf32> to vector<256xf32>
    %broadcast_in_dim3A_63 = vector.shape_cast %reduce_sum3A_62 : vector<256xf32> to vector<256x1xf32>
    %div3A_64 = arith.constant 2.560000e+02 : f32
    %div3A_65 = vector.broadcast %div3A_64 : f32 to vector<256x1xf32>
    %div3A_66 = arith.divf %broadcast_in_dim3A_63, %div3A_65 : vector<256x1xf32>
    %add3A_67 = arith.constant 9.99999997E-7 : f32
    %add3A_68 = vector.broadcast %add3A_67 : f32 to vector<256x1xf32>
    %add3A_69 = arith.addf %div3A_66, %add3A_68 : vector<256x1xf32>
    %rsqrt3A_70 = math.rsqrt %add3A_69 : vector<256x1xf32>
    %mul3A_71 = vector.broadcast %rsqrt3A_70 : vector<256x1xf32> to vector<256x256xf32>
    %mul3A_72 = arith.mulf %slice3A_55, %mul3A_71 : vector<256x256xf32>
    %broadcast_in_dim3A_73 = vector.shape_cast %get3A_59 : vector<256xf32> to vector<1x256xf32>
    %mul3A_74 = vector.broadcast %broadcast_in_dim3A_73 : vector<1x256xf32> to vector<256x256xf32>
    %mul3A_75 = arith.mulf %mul3A_72, %mul3A_74 : vector<256x256xf32>
    %convert_element_type3A_76 = arith.truncf %mul3A_75 : vector<256x256xf32> to vector<256x256xbf16>
    %swap3A_77 = arith.constant 1 : index
    %swap3A_78 = arith.constant 0 : index
    %swap3A_79 = arith.constant 0 : index
    %swap3A_80 = vector.load %arg4[%swap3A_77, %swap3A_78, %swap3A_79] : memref<2x256x256xbf16, #tpu.memory_space<vmem>>, vector<1x256x256xbf16>
    %swap3A_81 = vector.shape_cast %swap3A_80 : vector<1x256x256xbf16> to vector<256x256xbf16>
    %swap3A_82 = vector.shape_cast %convert_element_type3A_76 : vector<256x256xbf16> to vector<1x256x256xbf16>
    tpu.vector_store %arg4[%swap3A_77, %swap3A_78, %swap3A_79], %swap3A_82 {strides = array<i32>} : memref<2x256x256xbf16, #tpu.memory_space<vmem>>, vector<1x256x256xbf16>,
    %slice3A_83 = vector.extract_strided_slice %slice3A_54 {offsets = [0, 256], sizes = [256, 256], strides = [1, 1]} : vector<256x512xf32> to vector<256x256xf32>
    %get3A_84 = arith.constant 1 : index
    %get3A_85 = arith.constant 0 : index
    %get3A_86 = vector.load %arg3[%get3A_84, %get3A_85] : memref<2x256xf32, #tpu.memory_space<vmem>>, vector<1x256xf32>
    %get3A_87 = vector.shape_cast %get3A_86 : vector<1x256xf32> to vector<256xf32>
    %mul3A_88 = arith.mulf %slice3A_83, %slice3A_83 : vector<256x256xf32>
    %reduce_sum3A_89 = arith.constant dense<0.000000e+00> : vector<256xf32>
    %reduce_sum3A_90 = vector.multi_reduction <add>, %mul3A_88, %reduce_sum3A_89 [1] : vector<256x256xf32> to vector<256xf32>
    %broadcast_in_dim3A_91 = vector.shape_cast %reduce_sum3A_90 : vector<256xf32> to vector<256x1xf32>
    %div3A_92 = arith.constant 2.560000e+02 : f32
    %div3A_93 = vector.broadcast %div3A_92 : f32 to vector<256x1xf32>
    %div3A_94 = arith.divf %broadcast_in_dim3A_91, %div3A_93 : vector<256x1xf32>
    %add3A_95 = arith.constant 9.99999997E-7 : f32
    %add3A_96 = vector.broadcast %add3A_95 : f32 to vector<256x1xf32>
    %add3A_97 = arith.addf %div3A_94, %add3A_96 : vector<256x1xf32>
    %rsqrt3A_98 = math.rsqrt %add3A_97 : vector<256x1xf32>
    %mul3A_99 = vector.broadcast %rsqrt3A_98 : vector<256x1xf32> to vector<256x256xf32>
    %mul3A_100 = arith.mulf %slice3A_83, %mul3A_99 : vector<256x256xf32>
    %broadcast_in_dim3A_101 = vector.shape_cast %get3A_87 : vector<256xf32> to vector<1x256xf32>
    %mul3A_102 = vector.broadcast %broadcast_in_dim3A_101 : vector<1x256xf32> to vector<256x256xf32>
    %mul3A_103 = arith.mulf %mul3A_100, %mul3A_102 : vector<256x256xf32>
    %convert_element_type3A_104 = arith.truncf %mul3A_103 : vector<256x256xf32> to vector<256x256xbf16>
    %swap3A_105 = arith.constant 1 : index
    %swap3A_106 = arith.constant 0 : index
    %swap3A_107 = arith.constant 0 : index
    %swap3A_108 = vector.load %arg5[%swap3A_105, %swap3A_106, %swap3A_107] : memref<2x256x256xbf16, #tpu.memory_space<vmem>>, vector<1x256x256xbf16>
    %swap3A_109 = vector.shape_cast %swap3A_108 : vector<1x256x256xbf16> to vector<256x256xbf16>
    %swap3A_110 = vector.shape_cast %convert_element_type3A_104 : vector<256x256xbf16> to vector<1x256x256xbf16>
    tpu.vector_store %arg5[%swap3A_105, %swap3A_106, %swap3A_107], %swap3A_110 {strides = array<i32>} : memref<2x256x256xbf16, #tpu.memory_space<vmem>>, vector<1x256x256xbf16>,
    return
  }
}

module attributes {stable_mosaic.version = 14 : i64} {
  func.func @_cross_gate_kernel(%arg0: i32, %arg1: memref<256x768xf32, #tpu.memory_space<vmem>>, %arg2: memref<256x768xf32, #tpu.memory_space<vmem>>, %arg3: memref<768x768xbf16, #tpu.memory_space<vmem>>, %arg4: memref<1x768xf32, #tpu.memory_space<vmem>>, %arg5: memref<768x768xbf16, #tpu.memory_space<vmem>>, %arg6: memref<256x256xbf16, #tpu.memory_space<vmem>>, %arg7: memref<256x256xbf16, #tpu.memory_space<vmem>>, %arg8: memref<768x768xbf16, #tpu.memory_space<vmem>>, %arg9: memref<1x768xf32, #tpu.memory_space<vmem>>, %arg10: memref<768x8xf32, #tpu.memory_space<vmem>>, %arg11: memref<256x768xf32, #tpu.memory_space<vmem>>, %arg12: memref<256x768xf32, #tpu.memory_space<vmem>>, %arg13: memref<1x1x256xi32, #tpu.memory_space<vmem>>, %arg14: memref<1x1x256xf32, #tpu.memory_space<vmem>>, %arg15: memref<1x1x256xi32, #tpu.memory_space<vmem>>, %arg16: memref<1x8xf32, #tpu.memory_space<vmem>>, %arg17: memref<1x8xf32, #tpu.memory_space<vmem>>) attributes {dimension_semantics = [#tpu.dimension_semantics<arbitrary>], iteration_bounds = array<i64: 8>, scalar_prefetch = 0 : i64, scratch_operands = 1 : i64, tpu.core_type = #tpu.core_type<tc>, window_params = [{transform_indices = @transform_0, window_bounds = array<i64: 256, 768>}, {transform_indices = @transform_1, window_bounds = array<i64: 256, 768>}, {pipeline_mode = #tpu.pipeline_mode<synchronous>, transform_indices = @transform_2, window_bounds = array<i64: 768, 768>}, {pipeline_mode = #tpu.pipeline_mode<synchronous>, transform_indices = @transform_3, window_bounds = array<i64: 1, 768>}, {pipeline_mode = #tpu.pipeline_mode<synchronous>, transform_indices = @transform_4, window_bounds = array<i64: 768, 768>}, {pipeline_mode = #tpu.pipeline_mode<synchronous>, transform_indices = @transform_5, window_bounds = array<i64: 256, 256>}, {pipeline_mode = #tpu.pipeline_mode<synchronous>, transform_indices = @transform_6, window_bounds = array<i64: 256, 256>}, {pipeline_mode = #tpu.pipeline_mode<synchronous>, transform_indices = @transform_7, window_bounds = array<i64: 768, 768>}, {pipeline_mode = #tpu.pipeline_mode<synchronous>, transform_indices = @transform_8, window_bounds = array<i64: 1, 768>}, {pipeline_mode = #tpu.pipeline_mode<synchronous>, transform_indices = @transform_9, window_bounds = array<i64: 768, 8>}, {transform_indices = @transform_10, window_bounds = array<i64: 256, 768>}, {transform_indices = @transform_11, window_bounds = array<i64: 256, 768>}, {transform_indices = @transform_12, window_bounds = array<i64: 1, 1, 256>}, {transform_indices = @transform_13, window_bounds = array<i64: 1, 1, 256>}, {transform_indices = @transform_14, window_bounds = array<i64: 1, 1, 256>}, {pipeline_mode = #tpu.pipeline_mode<synchronous>, transform_indices = @transform_15, window_bounds = array<i64: 1, 8>}]} {
    %get3A = arith.constant 0 : index
    %get3A_0 = arith.constant 0 : index
    %get3A_1 = vector.load %arg2[%get3A, %get3A_0] : memref<256x768xf32, #tpu.memory_space<vmem>>, vector<256x768xf32>
    %get3A_2 = arith.constant 0 : index
    %get3A_3 = arith.constant 0 : index
    %get3A_4 = vector.load %arg1[%get3A_2, %get3A_3] : memref<256x768xf32, #tpu.memory_space<vmem>>, vector<256x768xf32>
    %get3A_5 = arith.constant 0 : index
    %get3A_6 = arith.constant 0 : index
    %get3A_7 = vector.load %arg3[%get3A_5, %get3A_6] : memref<768x768xbf16, #tpu.memory_space<vmem>>, vector<768x768xbf16>
    %convert_element_type3A = arith.truncf %get3A_4 : vector<256x768xf32> to vector<256x768xbf16>
    %dot_general3A = arith.constant dense<0.000000e+00> : vector<256x768xf32>
    %dot_general3A_8 = tpu.matmul %convert_element_type3A, %get3A_7, %dot_general3A {dimension_numbers = #tpu.dot_dimension_numbers<[1], [0], [0], [1], [0, 0, 1, 1], [], []>, transpose_lhs_hint = false} : vector<256x768xbf16>, vector<768x768xbf16>, vector<256x768xf32> -> vector<256x768xf32>
    %add3A = arith.addf %get3A_1, %dot_general3A_8 : vector<256x768xf32>
    %get3A_9 = arith.constant 0 : index
    %get3A_10 = arith.constant 0 : index
    %get3A_11 = vector.load %arg4[%get3A_9, %get3A_10] : memref<1x768xf32, #tpu.memory_space<vmem>>, vector<1x768xf32>
    %mul3A = arith.mulf %add3A, %add3A : vector<256x768xf32>
    %reduce_sum3A = arith.constant dense<0.000000e+00> : vector<256xf32>
    %reduce_sum3A_12 = vector.multi_reduction <add>, %mul3A, %reduce_sum3A [1] : vector<256x768xf32> to vector<256xf32>
    %broadcast_in_dim3A = vector.shape_cast %reduce_sum3A_12 : vector<256xf32> to vector<256x1xf32>
    %div3A = arith.constant 7.680000e+02 : f32
    %div3A_13 = vector.broadcast %div3A : f32 to vector<256x1xf32>
    %div3A_14 = arith.divf %broadcast_in_dim3A, %div3A_13 : vector<256x1xf32>
    %add3A_15 = arith.constant 9.99999997E-7 : f32
    %add3A_16 = vector.broadcast %add3A_15 : f32 to vector<256x1xf32>
    %add3A_17 = arith.addf %div3A_14, %add3A_16 : vector<256x1xf32>
    %rsqrt3A = math.rsqrt %add3A_17 : vector<256x1xf32>
    %mul3A_18 = vector.broadcast %rsqrt3A : vector<256x1xf32> to vector<256x768xf32>
    %mul3A_19 = arith.mulf %add3A, %mul3A_18 : vector<256x768xf32>
    %mul3A_20 = vector.broadcast %get3A_11 : vector<1x768xf32> to vector<256x768xf32>
    %mul3A_21 = arith.mulf %mul3A_19, %mul3A_20 : vector<256x768xf32>
    %get3A_22 = arith.constant 0 : index
    %get3A_23 = arith.constant 0 : index
    %get3A_24 = vector.load %arg5[%get3A_22, %get3A_23] : memref<768x768xbf16, #tpu.memory_space<vmem>>, vector<768x768xbf16>
    %convert_element_type3A_25 = arith.truncf %mul3A_21 : vector<256x768xf32> to vector<256x768xbf16>
    %dot_general3A_26 = arith.constant dense<0.000000e+00> : vector<256x768xf32>
    %dot_general3A_27 = tpu.matmul %convert_element_type3A_25, %get3A_24, %dot_general3A_26 {dimension_numbers = #tpu.dot_dimension_numbers<[1], [0], [0], [1], [0, 0, 1, 1], [], []>, transpose_lhs_hint = false} : vector<256x768xbf16>, vector<768x768xbf16>, vector<256x768xf32> -> vector<256x768xf32>
    %mul3A_28 = arith.constant 1.250000e-01 : f32
    %mul3A_29 = vector.broadcast %mul3A_28 : f32 to vector<256x768xf32>
    %mul3A_30 = arith.mulf %dot_general3A_27, %mul3A_29 : vector<256x768xf32>
    %convert_element_type3A_31 = arith.truncf %mul3A_30 : vector<256x768xf32> to vector<256x768xbf16>
    %iota3A = tpu.iota {dimensions = array<i32: 1>} : vector<256x256xi32>
    %ge3A = arith.constant 251 : i32
    %ge3A_32 = vector.broadcast %ge3A : i32 to vector<256x256xi32>
    %ge3A_33 = arith.cmpi sge, %iota3A, %ge3A_32 : vector<256x256xi32>
    %jit3A = arith.constant -1.000000e+30 : f32
    %jit3A_34 = arith.constant 0.000000e+00 : f32
    %broadcast_in_dim3A_35 = vector.broadcast %jit3A : f32 to vector<256x256xf32>
    %broadcast_in_dim3A_36 = vector.broadcast %jit3A_34 : f32 to vector<256x256xf32>
    %select_n3A = arith.select %ge3A_33, %broadcast_in_dim3A_35, %broadcast_in_dim3A_36 : vector<256x256xi1>, vector<256x256xf32>
    %slice3A = vector.extract_strided_slice %convert_element_type3A_31 {offsets = [0, 0], sizes = [256, 64], strides = [1, 1]} : vector<256x768xbf16> to vector<256x64xbf16>
    %get3A_37 = arith.constant 0 : index
    %get3A_38 = arith.constant 0 : index
    %get3A_39 = vector.load %arg6[%get3A_37, %get3A_38] : memref<256x256xbf16, #tpu.memory_space<vmem>>, vector<256x64xbf16>
    %dot_general3A_40 = arith.constant dense<0.000000e+00> : vector<256x256xf32>
    %dot_general3A_41 = tpu.matmul %slice3A, %get3A_39, %dot_general3A_40 {dimension_numbers = #tpu.dot_dimension_numbers<[1], [1], [0], [0], [0, 0, 1, 0], [], []>, transpose_lhs_hint = false} : vector<256x64xbf16>, vector<256x64xbf16>, vector<256x256xf32> -> vector<256x256xf32>
    %add3A_42 = arith.addf %dot_general3A_41, %select_n3A : vector<256x256xf32>
    %exp3A = math.exp %add3A_42 : vector<256x256xf32>
    %reduce_sum3A_43 = arith.constant dense<0.000000e+00> : vector<256xf32>
    %reduce_sum3A_44 = vector.multi_reduction <add>, %exp3A, %reduce_sum3A_43 [1] : vector<256x256xf32> to vector<256xf32>
    %broadcast_in_dim3A_45 = vector.shape_cast %reduce_sum3A_44 : vector<256xf32> to vector<256x1xf32>
    %convert_element_type3A_46 = arith.truncf %exp3A : vector<256x256xf32> to vector<256x256xbf16>
    %get3A_47 = arith.constant 0 : index
    %get3A_48 = arith.constant 0 : index
    %get3A_49 = vector.load %arg7[%get3A_47, %get3A_48] : memref<256x256xbf16, #tpu.memory_space<vmem>>, vector<256x64xbf16>
    %dot_general3A_50 = arith.constant dense<0.000000e+00> : vector<256x64xf32>
    %dot_general3A_51 = tpu.matmul %convert_element_type3A_46, %get3A_49, %dot_general3A_50 {dimension_numbers = #tpu.dot_dimension_numbers<[1], [0], [0], [1], [0, 0, 1, 1], [], []>, transpose_lhs_hint = false} : vector<256x256xbf16>, vector<256x64xbf16>, vector<256x64xf32> -> vector<256x64xf32>
    %div3A_52 = vector.broadcast %broadcast_in_dim3A_45 : vector<256x1xf32> to vector<256x64xf32>
    %div3A_53 = arith.divf %dot_general3A_51, %div3A_52 : vector<256x64xf32>
    %slice3A_54 = vector.extract_strided_slice %convert_element_type3A_31 {offsets = [0, 64], sizes = [256, 64], strides = [1, 1]} : vector<256x768xbf16> to vector<256x64xbf16>
    %get3A_55 = arith.constant 0 : index
    %get3A_56 = arith.constant 0 : index
    %get3A_57 = vector.load %arg6[%get3A_55, %get3A_56] : memref<256x256xbf16, #tpu.memory_space<vmem>>, vector<256x64xbf16>
    %dot_general3A_58 = arith.constant dense<0.000000e+00> : vector<256x256xf32>
    %dot_general3A_59 = tpu.matmul %slice3A_54, %get3A_57, %dot_general3A_58 {dimension_numbers = #tpu.dot_dimension_numbers<[1], [1], [0], [0], [0, 0, 1, 0], [], []>, transpose_lhs_hint = false} : vector<256x64xbf16>, vector<256x64xbf16>, vector<256x256xf32> -> vector<256x256xf32>
    %add3A_60 = arith.addf %dot_general3A_59, %select_n3A : vector<256x256xf32>
    %exp3A_61 = math.exp %add3A_60 : vector<256x256xf32>
    %reduce_sum3A_62 = arith.constant dense<0.000000e+00> : vector<256xf32>
    %reduce_sum3A_63 = vector.multi_reduction <add>, %exp3A_61, %reduce_sum3A_62 [1] : vector<256x256xf32> to vector<256xf32>
    %broadcast_in_dim3A_64 = vector.shape_cast %reduce_sum3A_63 : vector<256xf32> to vector<256x1xf32>
    %convert_element_type3A_65 = arith.truncf %exp3A_61 : vector<256x256xf32> to vector<256x256xbf16>
    %get3A_66 = arith.constant 0 : index
    %get3A_67 = arith.constant 0 : index
    %get3A_68 = vector.load %arg7[%get3A_66, %get3A_67] : memref<256x256xbf16, #tpu.memory_space<vmem>>, vector<256x64xbf16>
    %dot_general3A_69 = arith.constant dense<0.000000e+00> : vector<256x64xf32>
    %dot_general3A_70 = tpu.matmul %convert_element_type3A_65, %get3A_68, %dot_general3A_69 {dimension_numbers = #tpu.dot_dimension_numbers<[1], [0], [0], [1], [0, 0, 1, 1], [], []>, transpose_lhs_hint = false} : vector<256x256xbf16>, vector<256x64xbf16>, vector<256x64xf32> -> vector<256x64xf32>
    %div3A_71 = vector.broadcast %broadcast_in_dim3A_64 : vector<256x1xf32> to vector<256x64xf32>
    %div3A_72 = arith.divf %dot_general3A_70, %div3A_71 : vector<256x64xf32>
    %slice3A_73 = vector.extract_strided_slice %convert_element_type3A_31 {offsets = [0, 128], sizes = [256, 64], strides = [1, 1]} : vector<256x768xbf16> to vector<256x64xbf16>
    %get3A_74 = arith.constant 0 : index
    %get3A_75 = arith.constant 0 : index
    %get3A_76 = vector.load %arg6[%get3A_74, %get3A_75] : memref<256x256xbf16, #tpu.memory_space<vmem>>, vector<256x64xbf16>
    %dot_general3A_77 = arith.constant dense<0.000000e+00> : vector<256x256xf32>
    %dot_general3A_78 = tpu.matmul %slice3A_73, %get3A_76, %dot_general3A_77 {dimension_numbers = #tpu.dot_dimension_numbers<[1], [1], [0], [0], [0, 0, 1, 0], [], []>, transpose_lhs_hint = false} : vector<256x64xbf16>, vector<256x64xbf16>, vector<256x256xf32> -> vector<256x256xf32>
    %add3A_79 = arith.addf %dot_general3A_78, %select_n3A : vector<256x256xf32>
    %exp3A_80 = math.exp %add3A_79 : vector<256x256xf32>
    %reduce_sum3A_81 = arith.constant dense<0.000000e+00> : vector<256xf32>
    %reduce_sum3A_82 = vector.multi_reduction <add>, %exp3A_80, %reduce_sum3A_81 [1] : vector<256x256xf32> to vector<256xf32>
    %broadcast_in_dim3A_83 = vector.shape_cast %reduce_sum3A_82 : vector<256xf32> to vector<256x1xf32>
    %convert_element_type3A_84 = arith.truncf %exp3A_80 : vector<256x256xf32> to vector<256x256xbf16>
    %get3A_85 = arith.constant 0 : index
    %get3A_86 = arith.constant 0 : index
    %get3A_87 = vector.load %arg7[%get3A_85, %get3A_86] : memref<256x256xbf16, #tpu.memory_space<vmem>>, vector<256x64xbf16>
    %dot_general3A_88 = arith.constant dense<0.000000e+00> : vector<256x64xf32>
    %dot_general3A_89 = tpu.matmul %convert_element_type3A_84, %get3A_87, %dot_general3A_88 {dimension_numbers = #tpu.dot_dimension_numbers<[1], [0], [0], [1], [0, 0, 1, 1], [], []>, transpose_lhs_hint = false} : vector<256x256xbf16>, vector<256x64xbf16>, vector<256x64xf32> -> vector<256x64xf32>
    %div3A_90 = vector.broadcast %broadcast_in_dim3A_83 : vector<256x1xf32> to vector<256x64xf32>
    %div3A_91 = arith.divf %dot_general3A_89, %div3A_90 : vector<256x64xf32>
    %slice3A_92 = vector.extract_strided_slice %convert_element_type3A_31 {offsets = [0, 192], sizes = [256, 64], strides = [1, 1]} : vector<256x768xbf16> to vector<256x64xbf16>
    %get3A_93 = arith.constant 0 : index
    %get3A_94 = arith.constant 64 : index
    %get3A_95 = vector.load %arg6[%get3A_93, %get3A_94] : memref<256x256xbf16, #tpu.memory_space<vmem>>, vector<256x64xbf16>
    %dot_general3A_96 = arith.constant dense<0.000000e+00> : vector<256x256xf32>
    %dot_general3A_97 = tpu.matmul %slice3A_92, %get3A_95, %dot_general3A_96 {dimension_numbers = #tpu.dot_dimension_numbers<[1], [1], [0], [0], [0, 0, 1, 0], [], []>, transpose_lhs_hint = false} : vector<256x64xbf16>, vector<256x64xbf16>, vector<256x256xf32> -> vector<256x256xf32>
    %add3A_98 = arith.addf %dot_general3A_97, %select_n3A : vector<256x256xf32>
    %exp3A_99 = math.exp %add3A_98 : vector<256x256xf32>
    %reduce_sum3A_100 = arith.constant dense<0.000000e+00> : vector<256xf32>
    %reduce_sum3A_101 = vector.multi_reduction <add>, %exp3A_99, %reduce_sum3A_100 [1] : vector<256x256xf32> to vector<256xf32>
    %broadcast_in_dim3A_102 = vector.shape_cast %reduce_sum3A_101 : vector<256xf32> to vector<256x1xf32>
    %convert_element_type3A_103 = arith.truncf %exp3A_99 : vector<256x256xf32> to vector<256x256xbf16>
    %get3A_104 = arith.constant 0 : index
    %get3A_105 = arith.constant 64 : index
    %get3A_106 = vector.load %arg7[%get3A_104, %get3A_105] : memref<256x256xbf16, #tpu.memory_space<vmem>>, vector<256x64xbf16>
    %dot_general3A_107 = arith.constant dense<0.000000e+00> : vector<256x64xf32>
    %dot_general3A_108 = tpu.matmul %convert_element_type3A_103, %get3A_106, %dot_general3A_107 {dimension_numbers = #tpu.dot_dimension_numbers<[1], [0], [0], [1], [0, 0, 1, 1], [], []>, transpose_lhs_hint = false} : vector<256x256xbf16>, vector<256x64xbf16>, vector<256x64xf32> -> vector<256x64xf32>
    %div3A_109 = vector.broadcast %broadcast_in_dim3A_102 : vector<256x1xf32> to vector<256x64xf32>
    %div3A_110 = arith.divf %dot_general3A_108, %div3A_109 : vector<256x64xf32>
    %slice3A_111 = vector.extract_strided_slice %convert_element_type3A_31 {offsets = [0, 256], sizes = [256, 64], strides = [1, 1]} : vector<256x768xbf16> to vector<256x64xbf16>
    %get3A_112 = arith.constant 0 : index
    %get3A_113 = arith.constant 64 : index
    %get3A_114 = vector.load %arg6[%get3A_112, %get3A_113] : memref<256x256xbf16, #tpu.memory_space<vmem>>, vector<256x64xbf16>
    %dot_general3A_115 = arith.constant dense<0.000000e+00> : vector<256x256xf32>
    %dot_general3A_116 = tpu.matmul %slice3A_111, %get3A_114, %dot_general3A_115 {dimension_numbers = #tpu.dot_dimension_numbers<[1], [1], [0], [0], [0, 0, 1, 0], [], []>, transpose_lhs_hint = false} : vector<256x64xbf16>, vector<256x64xbf16>, vector<256x256xf32> -> vector<256x256xf32>
    %add3A_117 = arith.addf %dot_general3A_116, %select_n3A : vector<256x256xf32>
    %exp3A_118 = math.exp %add3A_117 : vector<256x256xf32>
    %reduce_sum3A_119 = arith.constant dense<0.000000e+00> : vector<256xf32>
    %reduce_sum3A_120 = vector.multi_reduction <add>, %exp3A_118, %reduce_sum3A_119 [1] : vector<256x256xf32> to vector<256xf32>
    %broadcast_in_dim3A_121 = vector.shape_cast %reduce_sum3A_120 : vector<256xf32> to vector<256x1xf32>
    %convert_element_type3A_122 = arith.truncf %exp3A_118 : vector<256x256xf32> to vector<256x256xbf16>
    %get3A_123 = arith.constant 0 : index
    %get3A_124 = arith.constant 64 : index
    %get3A_125 = vector.load %arg7[%get3A_123, %get3A_124] : memref<256x256xbf16, #tpu.memory_space<vmem>>, vector<256x64xbf16>
    %dot_general3A_126 = arith.constant dense<0.000000e+00> : vector<256x64xf32>
    %dot_general3A_127 = tpu.matmul %convert_element_type3A_122, %get3A_125, %dot_general3A_126 {dimension_numbers = #tpu.dot_dimension_numbers<[1], [0], [0], [1], [0, 0, 1, 1], [], []>, transpose_lhs_hint = false} : vector<256x256xbf16>, vector<256x64xbf16>, vector<256x64xf32> -> vector<256x64xf32>
    %div3A_128 = vector.broadcast %broadcast_in_dim3A_121 : vector<256x1xf32> to vector<256x64xf32>
    %div3A_129 = arith.divf %dot_general3A_127, %div3A_128 : vector<256x64xf32>
    %slice3A_130 = vector.extract_strided_slice %convert_element_type3A_31 {offsets = [0, 320], sizes = [256, 64], strides = [1, 1]} : vector<256x768xbf16> to vector<256x64xbf16>
    %get3A_131 = arith.constant 0 : index
    %get3A_132 = arith.constant 64 : index
    %get3A_133 = vector.load %arg6[%get3A_131, %get3A_132] : memref<256x256xbf16, #tpu.memory_space<vmem>>, vector<256x64xbf16>
    %dot_general3A_134 = arith.constant dense<0.000000e+00> : vector<256x256xf32>
    %dot_general3A_135 = tpu.matmul %slice3A_130, %get3A_133, %dot_general3A_134 {dimension_numbers = #tpu.dot_dimension_numbers<[1], [1], [0], [0], [0, 0, 1, 0], [], []>, transpose_lhs_hint = false} : vector<256x64xbf16>, vector<256x64xbf16>, vector<256x256xf32> -> vector<256x256xf32>
    %add3A_136 = arith.addf %dot_general3A_135, %select_n3A : vector<256x256xf32>
    %exp3A_137 = math.exp %add3A_136 : vector<256x256xf32>
    %reduce_sum3A_138 = arith.constant dense<0.000000e+00> : vector<256xf32>
    %reduce_sum3A_139 = vector.multi_reduction <add>, %exp3A_137, %reduce_sum3A_138 [1] : vector<256x256xf32> to vector<256xf32>
    %broadcast_in_dim3A_140 = vector.shape_cast %reduce_sum3A_139 : vector<256xf32> to vector<256x1xf32>
    %convert_element_type3A_141 = arith.truncf %exp3A_137 : vector<256x256xf32> to vector<256x256xbf16>
    %get3A_142 = arith.constant 0 : index
    %get3A_143 = arith.constant 64 : index
    %get3A_144 = vector.load %arg7[%get3A_142, %get3A_143] : memref<256x256xbf16, #tpu.memory_space<vmem>>, vector<256x64xbf16>
    %dot_general3A_145 = arith.constant dense<0.000000e+00> : vector<256x64xf32>
    %dot_general3A_146 = tpu.matmul %convert_element_type3A_141, %get3A_144, %dot_general3A_145 {dimension_numbers = #tpu.dot_dimension_numbers<[1], [0], [0], [1], [0, 0, 1, 1], [], []>, transpose_lhs_hint = false} : vector<256x256xbf16>, vector<256x64xbf16>, vector<256x64xf32> -> vector<256x64xf32>
    %div3A_147 = vector.broadcast %broadcast_in_dim3A_140 : vector<256x1xf32> to vector<256x64xf32>
    %div3A_148 = arith.divf %dot_general3A_146, %div3A_147 : vector<256x64xf32>
    %slice3A_149 = vector.extract_strided_slice %convert_element_type3A_31 {offsets = [0, 384], sizes = [256, 64], strides = [1, 1]} : vector<256x768xbf16> to vector<256x64xbf16>
    %get3A_150 = arith.constant 0 : index
    %get3A_151 = arith.constant 128 : index
    %get3A_152 = vector.load %arg6[%get3A_150, %get3A_151] : memref<256x256xbf16, #tpu.memory_space<vmem>>, vector<256x64xbf16>
    %dot_general3A_153 = arith.constant dense<0.000000e+00> : vector<256x256xf32>
    %dot_general3A_154 = tpu.matmul %slice3A_149, %get3A_152, %dot_general3A_153 {dimension_numbers = #tpu.dot_dimension_numbers<[1], [1], [0], [0], [0, 0, 1, 0], [], []>, transpose_lhs_hint = false} : vector<256x64xbf16>, vector<256x64xbf16>, vector<256x256xf32> -> vector<256x256xf32>
    %add3A_155 = arith.addf %dot_general3A_154, %select_n3A : vector<256x256xf32>
    %exp3A_156 = math.exp %add3A_155 : vector<256x256xf32>
    %reduce_sum3A_157 = arith.constant dense<0.000000e+00> : vector<256xf32>
    %reduce_sum3A_158 = vector.multi_reduction <add>, %exp3A_156, %reduce_sum3A_157 [1] : vector<256x256xf32> to vector<256xf32>
    %broadcast_in_dim3A_159 = vector.shape_cast %reduce_sum3A_158 : vector<256xf32> to vector<256x1xf32>
    %convert_element_type3A_160 = arith.truncf %exp3A_156 : vector<256x256xf32> to vector<256x256xbf16>
    %get3A_161 = arith.constant 0 : index
    %get3A_162 = arith.constant 128 : index
    %get3A_163 = vector.load %arg7[%get3A_161, %get3A_162] : memref<256x256xbf16, #tpu.memory_space<vmem>>, vector<256x64xbf16>
    %dot_general3A_164 = arith.constant dense<0.000000e+00> : vector<256x64xf32>
    %dot_general3A_165 = tpu.matmul %convert_element_type3A_160, %get3A_163, %dot_general3A_164 {dimension_numbers = #tpu.dot_dimension_numbers<[1], [0], [0], [1], [0, 0, 1, 1], [], []>, transpose_lhs_hint = false} : vector<256x256xbf16>, vector<256x64xbf16>, vector<256x64xf32> -> vector<256x64xf32>
    %div3A_166 = vector.broadcast %broadcast_in_dim3A_159 : vector<256x1xf32> to vector<256x64xf32>
    %div3A_167 = arith.divf %dot_general3A_165, %div3A_166 : vector<256x64xf32>
    %slice3A_168 = vector.extract_strided_slice %convert_element_type3A_31 {offsets = [0, 448], sizes = [256, 64], strides = [1, 1]} : vector<256x768xbf16> to vector<256x64xbf16>
    %get3A_169 = arith.constant 0 : index
    %get3A_170 = arith.constant 128 : index
    %get3A_171 = vector.load %arg6[%get3A_169, %get3A_170] : memref<256x256xbf16, #tpu.memory_space<vmem>>, vector<256x64xbf16>
    %dot_general3A_172 = arith.constant dense<0.000000e+00> : vector<256x256xf32>
    %dot_general3A_173 = tpu.matmul %slice3A_168, %get3A_171, %dot_general3A_172 {dimension_numbers = #tpu.dot_dimension_numbers<[1], [1], [0], [0], [0, 0, 1, 0], [], []>, transpose_lhs_hint = false} : vector<256x64xbf16>, vector<256x64xbf16>, vector<256x256xf32> -> vector<256x256xf32>
    %add3A_174 = arith.addf %dot_general3A_173, %select_n3A : vector<256x256xf32>
    %exp3A_175 = math.exp %add3A_174 : vector<256x256xf32>
    %reduce_sum3A_176 = arith.constant dense<0.000000e+00> : vector<256xf32>
    %reduce_sum3A_177 = vector.multi_reduction <add>, %exp3A_175, %reduce_sum3A_176 [1] : vector<256x256xf32> to vector<256xf32>
    %broadcast_in_dim3A_178 = vector.shape_cast %reduce_sum3A_177 : vector<256xf32> to vector<256x1xf32>
    %convert_element_type3A_179 = arith.truncf %exp3A_175 : vector<256x256xf32> to vector<256x256xbf16>
    %get3A_180 = arith.constant 0 : index
    %get3A_181 = arith.constant 128 : index
    %get3A_182 = vector.load %arg7[%get3A_180, %get3A_181] : memref<256x256xbf16, #tpu.memory_space<vmem>>, vector<256x64xbf16>
    %dot_general3A_183 = arith.constant dense<0.000000e+00> : vector<256x64xf32>
    %dot_general3A_184 = tpu.matmul %convert_element_type3A_179, %get3A_182, %dot_general3A_183 {dimension_numbers = #tpu.dot_dimension_numbers<[1], [0], [0], [1], [0, 0, 1, 1], [], []>, transpose_lhs_hint = false} : vector<256x256xbf16>, vector<256x64xbf16>, vector<256x64xf32> -> vector<256x64xf32>
    %div3A_185 = vector.broadcast %broadcast_in_dim3A_178 : vector<256x1xf32> to vector<256x64xf32>
    %div3A_186 = arith.divf %dot_general3A_184, %div3A_185 : vector<256x64xf32>
    %slice3A_187 = vector.extract_strided_slice %convert_element_type3A_31 {offsets = [0, 512], sizes = [256, 64], strides = [1, 1]} : vector<256x768xbf16> to vector<256x64xbf16>
    %get3A_188 = arith.constant 0 : index
    %get3A_189 = arith.constant 128 : index
    %get3A_190 = vector.load %arg6[%get3A_188, %get3A_189] : memref<256x256xbf16, #tpu.memory_space<vmem>>, vector<256x64xbf16>
    %dot_general3A_191 = arith.constant dense<0.000000e+00> : vector<256x256xf32>
    %dot_general3A_192 = tpu.matmul %slice3A_187, %get3A_190, %dot_general3A_191 {dimension_numbers = #tpu.dot_dimension_numbers<[1], [1], [0], [0], [0, 0, 1, 0], [], []>, transpose_lhs_hint = false} : vector<256x64xbf16>, vector<256x64xbf16>, vector<256x256xf32> -> vector<256x256xf32>
    %add3A_193 = arith.addf %dot_general3A_192, %select_n3A : vector<256x256xf32>
    %exp3A_194 = math.exp %add3A_193 : vector<256x256xf32>
    %reduce_sum3A_195 = arith.constant dense<0.000000e+00> : vector<256xf32>
    %reduce_sum3A_196 = vector.multi_reduction <add>, %exp3A_194, %reduce_sum3A_195 [1] : vector<256x256xf32> to vector<256xf32>
    %broadcast_in_dim3A_197 = vector.shape_cast %reduce_sum3A_196 : vector<256xf32> to vector<256x1xf32>
    %convert_element_type3A_198 = arith.truncf %exp3A_194 : vector<256x256xf32> to vector<256x256xbf16>
    %get3A_199 = arith.constant 0 : index
    %get3A_200 = arith.constant 128 : index
    %get3A_201 = vector.load %arg7[%get3A_199, %get3A_200] : memref<256x256xbf16, #tpu.memory_space<vmem>>, vector<256x64xbf16>
    %dot_general3A_202 = arith.constant dense<0.000000e+00> : vector<256x64xf32>
    %dot_general3A_203 = tpu.matmul %convert_element_type3A_198, %get3A_201, %dot_general3A_202 {dimension_numbers = #tpu.dot_dimension_numbers<[1], [0], [0], [1], [0, 0, 1, 1], [], []>, transpose_lhs_hint = false} : vector<256x256xbf16>, vector<256x64xbf16>, vector<256x64xf32> -> vector<256x64xf32>
    %div3A_204 = vector.broadcast %broadcast_in_dim3A_197 : vector<256x1xf32> to vector<256x64xf32>
    %div3A_205 = arith.divf %dot_general3A_203, %div3A_204 : vector<256x64xf32>
    %slice3A_206 = vector.extract_strided_slice %convert_element_type3A_31 {offsets = [0, 576], sizes = [256, 64], strides = [1, 1]} : vector<256x768xbf16> to vector<256x64xbf16>
    %get3A_207 = arith.constant 0 : index
    %get3A_208 = arith.constant 192 : index
    %get3A_209 = vector.load %arg6[%get3A_207, %get3A_208] : memref<256x256xbf16, #tpu.memory_space<vmem>>, vector<256x64xbf16>
    %dot_general3A_210 = arith.constant dense<0.000000e+00> : vector<256x256xf32>
    %dot_general3A_211 = tpu.matmul %slice3A_206, %get3A_209, %dot_general3A_210 {dimension_numbers = #tpu.dot_dimension_numbers<[1], [1], [0], [0], [0, 0, 1, 0], [], []>, transpose_lhs_hint = false} : vector<256x64xbf16>, vector<256x64xbf16>, vector<256x256xf32> -> vector<256x256xf32>
    %add3A_212 = arith.addf %dot_general3A_211, %select_n3A : vector<256x256xf32>
    %exp3A_213 = math.exp %add3A_212 : vector<256x256xf32>
    %reduce_sum3A_214 = arith.constant dense<0.000000e+00> : vector<256xf32>
    %reduce_sum3A_215 = vector.multi_reduction <add>, %exp3A_213, %reduce_sum3A_214 [1] : vector<256x256xf32> to vector<256xf32>
    %broadcast_in_dim3A_216 = vector.shape_cast %reduce_sum3A_215 : vector<256xf32> to vector<256x1xf32>
    %convert_element_type3A_217 = arith.truncf %exp3A_213 : vector<256x256xf32> to vector<256x256xbf16>
    %get3A_218 = arith.constant 0 : index
    %get3A_219 = arith.constant 192 : index
    %get3A_220 = vector.load %arg7[%get3A_218, %get3A_219] : memref<256x256xbf16, #tpu.memory_space<vmem>>, vector<256x64xbf16>
    %dot_general3A_221 = arith.constant dense<0.000000e+00> : vector<256x64xf32>
    %dot_general3A_222 = tpu.matmul %convert_element_type3A_217, %get3A_220, %dot_general3A_221 {dimension_numbers = #tpu.dot_dimension_numbers<[1], [0], [0], [1], [0, 0, 1, 1], [], []>, transpose_lhs_hint = false} : vector<256x256xbf16>, vector<256x64xbf16>, vector<256x64xf32> -> vector<256x64xf32>
    %div3A_223 = vector.broadcast %broadcast_in_dim3A_216 : vector<256x1xf32> to vector<256x64xf32>
    %div3A_224 = arith.divf %dot_general3A_222, %div3A_223 : vector<256x64xf32>
    %slice3A_225 = vector.extract_strided_slice %convert_element_type3A_31 {offsets = [0, 640], sizes = [256, 64], strides = [1, 1]} : vector<256x768xbf16> to vector<256x64xbf16>
    %get3A_226 = arith.constant 0 : index
    %get3A_227 = arith.constant 192 : index
    %get3A_228 = vector.load %arg6[%get3A_226, %get3A_227] : memref<256x256xbf16, #tpu.memory_space<vmem>>, vector<256x64xbf16>
    %dot_general3A_229 = arith.constant dense<0.000000e+00> : vector<256x256xf32>
    %dot_general3A_230 = tpu.matmul %slice3A_225, %get3A_228, %dot_general3A_229 {dimension_numbers = #tpu.dot_dimension_numbers<[1], [1], [0], [0], [0, 0, 1, 0], [], []>, transpose_lhs_hint = false} : vector<256x64xbf16>, vector<256x64xbf16>, vector<256x256xf32> -> vector<256x256xf32>
    %add3A_231 = arith.addf %dot_general3A_230, %select_n3A : vector<256x256xf32>
    %exp3A_232 = math.exp %add3A_231 : vector<256x256xf32>
    %reduce_sum3A_233 = arith.constant dense<0.000000e+00> : vector<256xf32>
    %reduce_sum3A_234 = vector.multi_reduction <add>, %exp3A_232, %reduce_sum3A_233 [1] : vector<256x256xf32> to vector<256xf32>
    %broadcast_in_dim3A_235 = vector.shape_cast %reduce_sum3A_234 : vector<256xf32> to vector<256x1xf32>
    %convert_element_type3A_236 = arith.truncf %exp3A_232 : vector<256x256xf32> to vector<256x256xbf16>
    %get3A_237 = arith.constant 0 : index
    %get3A_238 = arith.constant 192 : index
    %get3A_239 = vector.load %arg7[%get3A_237, %get3A_238] : memref<256x256xbf16, #tpu.memory_space<vmem>>, vector<256x64xbf16>
    %dot_general3A_240 = arith.constant dense<0.000000e+00> : vector<256x64xf32>
    %dot_general3A_241 = tpu.matmul %convert_element_type3A_236, %get3A_239, %dot_general3A_240 {dimension_numbers = #tpu.dot_dimension_numbers<[1], [0], [0], [1], [0, 0, 1, 1], [], []>, transpose_lhs_hint = false} : vector<256x256xbf16>, vector<256x64xbf16>, vector<256x64xf32> -> vector<256x64xf32>
    %div3A_242 = vector.broadcast %broadcast_in_dim3A_235 : vector<256x1xf32> to vector<256x64xf32>
    %div3A_243 = arith.divf %dot_general3A_241, %div3A_242 : vector<256x64xf32>
    %slice3A_244 = vector.extract_strided_slice %convert_element_type3A_31 {offsets = [0, 704], sizes = [256, 64], strides = [1, 1]} : vector<256x768xbf16> to vector<256x64xbf16>
    %get3A_245 = arith.constant 0 : index
    %get3A_246 = arith.constant 192 : index
    %get3A_247 = vector.load %arg6[%get3A_245, %get3A_246] : memref<256x256xbf16, #tpu.memory_space<vmem>>, vector<256x64xbf16>
    %dot_general3A_248 = arith.constant dense<0.000000e+00> : vector<256x256xf32>
    %dot_general3A_249 = tpu.matmul %slice3A_244, %get3A_247, %dot_general3A_248 {dimension_numbers = #tpu.dot_dimension_numbers<[1], [1], [0], [0], [0, 0, 1, 0], [], []>, transpose_lhs_hint = false} : vector<256x64xbf16>, vector<256x64xbf16>, vector<256x256xf32> -> vector<256x256xf32>
    %add3A_250 = arith.addf %dot_general3A_249, %select_n3A : vector<256x256xf32>
    %exp3A_251 = math.exp %add3A_250 : vector<256x256xf32>
    %reduce_sum3A_252 = arith.constant dense<0.000000e+00> : vector<256xf32>
    %reduce_sum3A_253 = vector.multi_reduction <add>, %exp3A_251, %reduce_sum3A_252 [1] : vector<256x256xf32> to vector<256xf32>
    %broadcast_in_dim3A_254 = vector.shape_cast %reduce_sum3A_253 : vector<256xf32> to vector<256x1xf32>
    %convert_element_type3A_255 = arith.truncf %exp3A_251 : vector<256x256xf32> to vector<256x256xbf16>
    %get3A_256 = arith.constant 0 : index
    %get3A_257 = arith.constant 192 : index
    %get3A_258 = vector.load %arg7[%get3A_256, %get3A_257] : memref<256x256xbf16, #tpu.memory_space<vmem>>, vector<256x64xbf16>
    %dot_general3A_259 = arith.constant dense<0.000000e+00> : vector<256x64xf32>
    %dot_general3A_260 = tpu.matmul %convert_element_type3A_255, %get3A_258, %dot_general3A_259 {dimension_numbers = #tpu.dot_dimension_numbers<[1], [0], [0], [1], [0, 0, 1, 1], [], []>, transpose_lhs_hint = false} : vector<256x256xbf16>, vector<256x64xbf16>, vector<256x64xf32> -> vector<256x64xf32>
    %div3A_261 = vector.broadcast %broadcast_in_dim3A_254 : vector<256x1xf32> to vector<256x64xf32>
    %div3A_262 = arith.divf %dot_general3A_260, %div3A_261 : vector<256x64xf32>
    %concatenate3A = tpu.concatenate %div3A_53, %div3A_72, %div3A_91, %div3A_110, %div3A_129, %div3A_148, %div3A_167, %div3A_186, %div3A_205, %div3A_224, %div3A_243, %div3A_262 in 1 : vector<256x64xf32>, vector<256x64xf32>, vector<256x64xf32>, vector<256x64xf32>, vector<256x64xf32>, vector<256x64xf32>, vector<256x64xf32>, vector<256x64xf32>, vector<256x64xf32>, vector<256x64xf32>, vector<256x64xf32>, vector<256x64xf32> -> vector<256x768xf32>
    %get3A_263 = arith.constant 0 : index
    %get3A_264 = arith.constant 0 : index
    %get3A_265 = vector.load %arg8[%get3A_263, %get3A_264] : memref<768x768xbf16, #tpu.memory_space<vmem>>, vector<768x768xbf16>
    %convert_element_type3A_266 = arith.truncf %concatenate3A : vector<256x768xf32> to vector<256x768xbf16>
    %dot_general3A_267 = arith.constant dense<0.000000e+00> : vector<256x768xf32>
    %dot_general3A_268 = tpu.matmul %convert_element_type3A_266, %get3A_265, %dot_general3A_267 {dimension_numbers = #tpu.dot_dimension_numbers<[1], [0], [0], [1], [0, 0, 1, 1], [], []>, transpose_lhs_hint = false} : vector<256x768xbf16>, vector<768x768xbf16>, vector<256x768xf32> -> vector<256x768xf32>
    %add3A_269 = arith.addf %add3A, %dot_general3A_268 : vector<256x768xf32>
    %swap3A = arith.constant 0 : index
    %swap3A_270 = arith.constant 0 : index
    %swap3A_271 = vector.load %arg11[%swap3A, %swap3A_270] : memref<256x768xf32, #tpu.memory_space<vmem>>, vector<256x768xf32>
    tpu.vector_store %arg11[%swap3A, %swap3A_270], %add3A_269 {strides = array<i32>} : memref<256x768xf32, #tpu.memory_space<vmem>>, vector<256x768xf32>,
    %get3A_272 = arith.constant 0 : index
    %get3A_273 = arith.constant 0 : index
    %get3A_274 = vector.load %arg9[%get3A_272, %get3A_273] : memref<1x768xf32, #tpu.memory_space<vmem>>, vector<1x768xf32>
    %mul3A_275 = arith.mulf %add3A_269, %add3A_269 : vector<256x768xf32>
    %reduce_sum3A_276 = arith.constant dense<0.000000e+00> : vector<256xf32>
    %reduce_sum3A_277 = vector.multi_reduction <add>, %mul3A_275, %reduce_sum3A_276 [1] : vector<256x768xf32> to vector<256xf32>
    %broadcast_in_dim3A_278 = vector.shape_cast %reduce_sum3A_277 : vector<256xf32> to vector<256x1xf32>
    %div3A_279 = arith.constant 7.680000e+02 : f32
    %div3A_280 = vector.broadcast %div3A_279 : f32 to vector<256x1xf32>
    %div3A_281 = arith.divf %broadcast_in_dim3A_278, %div3A_280 : vector<256x1xf32>
    %add3A_282 = arith.constant 9.99999997E-7 : f32
    %add3A_283 = vector.broadcast %add3A_282 : f32 to vector<256x1xf32>
    %add3A_284 = arith.addf %div3A_281, %add3A_283 : vector<256x1xf32>
    %rsqrt3A_285 = math.rsqrt %add3A_284 : vector<256x1xf32>
    %mul3A_286 = vector.broadcast %rsqrt3A_285 : vector<256x1xf32> to vector<256x768xf32>
    %mul3A_287 = arith.mulf %add3A_269, %mul3A_286 : vector<256x768xf32>
    %mul3A_288 = vector.broadcast %get3A_274 : vector<1x768xf32> to vector<256x768xf32>
    %mul3A_289 = arith.mulf %mul3A_287, %mul3A_288 : vector<256x768xf32>
    %swap3A_290 = arith.constant 0 : index
    %swap3A_291 = arith.constant 0 : index
    %swap3A_292 = vector.load %arg12[%swap3A_290, %swap3A_291] : memref<256x768xf32, #tpu.memory_space<vmem>>, vector<256x768xf32>
    tpu.vector_store %arg12[%swap3A_290, %swap3A_291], %mul3A_289 {strides = array<i32>} : memref<256x768xf32, #tpu.memory_space<vmem>>, vector<256x768xf32>,
    %get3A_293 = arith.constant 0 : index
    %get3A_294 = arith.constant 0 : index
    %get3A_295 = vector.load %arg10[%get3A_293, %get3A_294] : memref<768x8xf32, #tpu.memory_space<vmem>>, vector<768x8xf32>
    %dot_general3A_296 = arith.constant dense<0.000000e+00> : vector<256x8xf32>
    %dot_general3A_297 = tpu.matmul %mul3A_289, %get3A_295, %dot_general3A_296 {dimension_numbers = #tpu.dot_dimension_numbers<[1], [0], [0], [1], [0, 0, 1, 1], [], []>, transpose_lhs_hint = false} : vector<256x768xf32>, vector<768x8xf32>, vector<256x8xf32> -> vector<256x8xf32>
    %reduce_max3A = arith.constant dense<0xFF800000> : vector<256xf32>
    %reduce_max3A_298 = vector.multi_reduction <maximumf>, %dot_general3A_297, %reduce_max3A [1] : vector<256x8xf32> to vector<256xf32>
    %broadcast_in_dim3A_299 = vector.shape_cast %reduce_max3A_298 : vector<256xf32> to vector<256x1xf32>
    %sub3A = vector.broadcast %broadcast_in_dim3A_299 : vector<256x1xf32> to vector<256x8xf32>
    %sub3A_300 = arith.subf %dot_general3A_297, %sub3A : vector<256x8xf32>
    %exp3A_301 = math.exp %sub3A_300 : vector<256x8xf32>
    %reduce_sum3A_302 = arith.constant dense<0.000000e+00> : vector<256xf32>
    %reduce_sum3A_303 = vector.multi_reduction <add>, %exp3A_301, %reduce_sum3A_302 [1] : vector<256x8xf32> to vector<256xf32>
    %broadcast_in_dim3A_304 = vector.shape_cast %reduce_sum3A_303 : vector<256xf32> to vector<256x1xf32>
    %div3A_305 = vector.broadcast %broadcast_in_dim3A_304 : vector<256x1xf32> to vector<256x8xf32>
    %div3A_306 = arith.divf %exp3A_301, %div3A_305 : vector<256x8xf32>
    %argmax3A = tpu.reduce_index %div3A_306 {axis = 1 : i32, kind = #tpu.reduction_kind<arg_max>} : vector<256x8xf32> -> vector<256xi32>
    %swap3A_307 = arith.constant 0 : index
    %swap3A_308 = arith.constant 0 : index
    %swap3A_309 = arith.constant 0 : index
    %swap3A_310 = vector.load %arg13[%swap3A_307, %swap3A_308, %swap3A_309] : memref<1x1x256xi32, #tpu.memory_space<vmem>>, vector<1x1x256xi32>
    %swap3A_311 = vector.shape_cast %swap3A_310 : vector<1x1x256xi32> to vector<256xi32>
    %swap3A_312 = vector.shape_cast %argmax3A : vector<256xi32> to vector<1x1x256xi32>
    tpu.vector_store %arg13[%swap3A_307, %swap3A_308, %swap3A_309], %swap3A_312 {strides = array<i32>} : memref<1x1x256xi32, #tpu.memory_space<vmem>>, vector<1x1x256xi32>,
    %reduce_max3A_313 = arith.constant dense<0xFF800000> : vector<256xf32>
    %reduce_max3A_314 = vector.multi_reduction <maximumf>, %div3A_306, %reduce_max3A_313 [1] : vector<256x8xf32> to vector<256xf32>
    %swap3A_315 = arith.constant 0 : index
    %swap3A_316 = arith.constant 0 : index
    %swap3A_317 = arith.constant 0 : index
    %swap3A_318 = vector.load %arg14[%swap3A_315, %swap3A_316, %swap3A_317] : memref<1x1x256xf32, #tpu.memory_space<vmem>>, vector<1x1x256xf32>
    %swap3A_319 = vector.shape_cast %swap3A_318 : vector<1x1x256xf32> to vector<256xf32>
    %swap3A_320 = vector.shape_cast %reduce_max3A_314 : vector<256xf32> to vector<1x1x256xf32>
    tpu.vector_store %arg14[%swap3A_315, %swap3A_316, %swap3A_317], %swap3A_320 {strides = array<i32>} : memref<1x1x256xf32, #tpu.memory_space<vmem>>, vector<1x1x256xf32>,
    %eq3A = arith.constant 0 : i32
    %eq3A_321 = arith.cmpi eq, %arg0, %eq3A : i32
    %convert_element_type3A_322 = arith.extui %eq3A_321 : i1 to i32
    %cond3A = arith.constant 0 : i32
    %cond3A_323 = arith.cmpi ne, %convert_element_type3A_322, %cond3A : i32
    scf.if %cond3A_323 {
      %broadcast_in_dim3A_366 = arith.constant 0.000000e+00 : f32
      %broadcast_in_dim3A_367 = vector.broadcast %broadcast_in_dim3A_366 : f32 to vector<1x8xf32>
      %swap3A_368 = arith.constant 0 : index
      %swap3A_369 = arith.constant 0 : index
      %swap3A_370 = vector.load %arg17[%swap3A_368, %swap3A_369] : memref<1x8xf32, #tpu.memory_space<vmem>>, vector<1x8xf32>
      tpu.vector_store %arg17[%swap3A_368, %swap3A_369], %broadcast_in_dim3A_367 {strides = array<i32>} : memref<1x8xf32, #tpu.memory_space<vmem>>, vector<1x8xf32>,
    } else {
    }
    %get3A_324 = arith.constant 0 : index
    %get3A_325 = arith.constant 0 : index
    %get3A_326 = vector.load %arg17[%get3A_324, %get3A_325] : memref<1x8xf32, #tpu.memory_space<vmem>>, vector<1x8xf32>
    %broadcast_in_dim3A_327 = vector.shape_cast %argmax3A : vector<256xi32> to vector<256x1xi32>
    %iota3A_328 = tpu.iota {dimensions = array<i32: 1>} : vector<256x8xi32>
    %eq3A_329 = vector.broadcast %broadcast_in_dim3A_327 : vector<256x1xi32> to vector<256x8xi32>
    %eq3A_330 = arith.cmpi eq, %eq3A_329, %iota3A_328 : vector<256x8xi32>
    %convert_element_type3A_331 = arith.extui %eq3A_330 : vector<256x8xi1> to vector<256x8xi32>
    %convert_element_type3A_332 = arith.sitofp %convert_element_type3A_331 : vector<256x8xi32> to vector<256x8xf32>
    %convert_element_type3A_333 = arith.truncf %convert_element_type3A_332 : vector<256x8xf32> to vector<256x8xbf16>
    %iota3A_334 = tpu.iota {dimensions = array<i32: 0>} : vector<256x256xi32>
    %iota3A_335 = tpu.iota {dimensions = array<i32: 1>} : vector<256x256xi32>
    %ge3A_336 = arith.cmpi sge, %iota3A_334, %iota3A_335 : vector<256x256xi32>
    %convert_element_type3A_337 = arith.extui %ge3A_336 : vector<256x256xi1> to vector<256x256xi32>
    %convert_element_type3A_338 = arith.sitofp %convert_element_type3A_337 : vector<256x256xi32> to vector<256x256xf32>
    %convert_element_type3A_339 = arith.truncf %convert_element_type3A_338 : vector<256x256xf32> to vector<256x256xbf16>
    %dot_general3A_340 = arith.constant dense<0.000000e+00> : vector<256x8xf32>
    %dot_general3A_341 = tpu.matmul %convert_element_type3A_339, %convert_element_type3A_333, %dot_general3A_340 {dimension_numbers = #tpu.dot_dimension_numbers<[1], [0], [0], [1], [0, 0, 1, 1], [], []>, transpose_lhs_hint = false} : vector<256x256xbf16>, vector<256x8xbf16>, vector<256x8xf32> -> vector<256x8xf32>
    %sub3A_342 = arith.constant 1.000000e+00 : f32
    %sub3A_343 = vector.broadcast %sub3A_342 : f32 to vector<256x8xf32>
    %sub3A_344 = arith.subf %dot_general3A_341, %sub3A_343 : vector<256x8xf32>
    %add3A_345 = vector.broadcast %get3A_326 : vector<1x8xf32> to vector<256x8xf32>
    %add3A_346 = arith.addf %sub3A_344, %add3A_345 : vector<256x8xf32>
    %convert_element_type3A_347 = arith.extf %convert_element_type3A_333 : vector<256x8xbf16> to vector<256x8xf32>
    %mul3A_348 = arith.mulf %add3A_346, %convert_element_type3A_347 : vector<256x8xf32>
    %reduce_sum3A_349 = arith.constant dense<0.000000e+00> : vector<256xf32>
    %reduce_sum3A_350 = vector.multi_reduction <add>, %mul3A_348, %reduce_sum3A_349 [1] : vector<256x8xf32> to vector<256xf32>
    %convert_element_type3A_351 = arith.fptosi %reduce_sum3A_350 : vector<256xf32> to vector<256xi32>
    %swap3A_352 = arith.constant 0 : index
    %swap3A_353 = arith.constant 0 : index
    %swap3A_354 = arith.constant 0 : index
    %swap3A_355 = vector.load %arg15[%swap3A_352, %swap3A_353, %swap3A_354] : memref<1x1x256xi32, #tpu.memory_space<vmem>>, vector<1x1x256xi32>
    %swap3A_356 = vector.shape_cast %swap3A_355 : vector<1x1x256xi32> to vector<256xi32>
    %swap3A_357 = vector.shape_cast %convert_element_type3A_351 : vector<256xi32> to vector<1x1x256xi32>
    tpu.vector_store %arg15[%swap3A_352, %swap3A_353, %swap3A_354], %swap3A_357 {strides = array<i32>} : memref<1x1x256xi32, #tpu.memory_space<vmem>>, vector<1x1x256xi32>,
    %slice3A_358 = vector.extract_strided_slice %dot_general3A_341 {offsets = [255, 0], sizes = [1, 8], strides = [1, 1]} : vector<256x8xf32> to vector<1x8xf32>
    %add3A_359 = arith.addf %get3A_326, %slice3A_358 : vector<1x8xf32>
    %swap3A_360 = arith.constant 0 : index
    %swap3A_361 = arith.constant 0 : index
    %swap3A_362 = vector.load %arg17[%swap3A_360, %swap3A_361] : memref<1x8xf32, #tpu.memory_space<vmem>>, vector<1x8xf32>
    tpu.vector_store %arg17[%swap3A_360, %swap3A_361], %add3A_359 {strides = array<i32>} : memref<1x8xf32, #tpu.memory_space<vmem>>, vector<1x8xf32>,
    %swap3A_363 = arith.constant 0 : index
    %swap3A_364 = arith.constant 0 : index
    %swap3A_365 = vector.load %arg16[%swap3A_363, %swap3A_364] : memref<1x8xf32, #tpu.memory_space<vmem>>, vector<1x8xf32>
    tpu.vector_store %arg16[%swap3A_363, %swap3A_364], %add3A_359 {strides = array<i32>} : memref<1x8xf32, #tpu.memory_space<vmem>>, vector<1x8xf32>,
    return
  }
  func.func @transform_0(%arg0: i32) -> (i32, i32) {
    %c0_i32 = arith.constant 0 : i32
    %c0_i32_0 = arith.constant 0 : i32
    return %arg0, %c0_i32 : i32, i32
  }
  func.func @transform_1(%arg0: i32) -> (i32, i32) {
    %c0_i32 = arith.constant 0 : i32
    %c0_i32_0 = arith.constant 0 : i32
    return %arg0, %c0_i32 : i32, i32
  }
  func.func @transform_2(%arg0: i32) -> (i32, i32) {
    %c0_i32 = arith.constant 0 : i32
    %c0_i32_0 = arith.constant 0 : i32
    %c0_i32_1 = arith.constant 0 : i32
    return %c0_i32, %c0_i32_0 : i32, i32
  }
  func.func @transform_3(%arg0: i32) -> (i32, i32) {
    %c0_i32 = arith.constant 0 : i32
    %c0_i32_0 = arith.constant 0 : i32
    %c0_i32_1 = arith.constant 0 : i32
    return %c0_i32, %c0_i32_0 : i32, i32
  }
  func.func @transform_4(%arg0: i32) -> (i32, i32) {
    %c0_i32 = arith.constant 0 : i32
    %c0_i32_0 = arith.constant 0 : i32
    %c0_i32_1 = arith.constant 0 : i32
    return %c0_i32, %c0_i32_0 : i32, i32
  }
  func.func @transform_5(%arg0: i32) -> (i32, i32) {
    %c0_i32 = arith.constant 0 : i32
    %c0_i32_0 = arith.constant 0 : i32
    %c0_i32_1 = arith.constant 0 : i32
    return %c0_i32, %c0_i32_0 : i32, i32
  }
  func.func @transform_6(%arg0: i32) -> (i32, i32) {
    %c0_i32 = arith.constant 0 : i32
    %c0_i32_0 = arith.constant 0 : i32
    %c0_i32_1 = arith.constant 0 : i32
    return %c0_i32, %c0_i32_0 : i32, i32
  }
  func.func @transform_7(%arg0: i32) -> (i32, i32) {
    %c0_i32 = arith.constant 0 : i32
    %c0_i32_0 = arith.constant 0 : i32
    %c0_i32_1 = arith.constant 0 : i32
    return %c0_i32, %c0_i32_0 : i32, i32
  }
  func.func @transform_8(%arg0: i32) -> (i32, i32) {
    %c0_i32 = arith.constant 0 : i32
    %c0_i32_0 = arith.constant 0 : i32
    %c0_i32_1 = arith.constant 0 : i32
    return %c0_i32, %c0_i32_0 : i32, i32
  }
  func.func @transform_9(%arg0: i32) -> (i32, i32) {
    %c0_i32 = arith.constant 0 : i32
    %c0_i32_0 = arith.constant 0 : i32
    %c0_i32_1 = arith.constant 0 : i32
    return %c0_i32, %c0_i32_0 : i32, i32
  }
  func.func @transform_10(%arg0: i32) -> (i32, i32) {
    %c0_i32 = arith.constant 0 : i32
    %c0_i32_0 = arith.constant 0 : i32
    return %arg0, %c0_i32 : i32, i32
  }
  func.func @transform_11(%arg0: i32) -> (i32, i32) {
    %c0_i32 = arith.constant 0 : i32
    %c0_i32_0 = arith.constant 0 : i32
    return %arg0, %c0_i32 : i32, i32
  }
  func.func @transform_12(%arg0: i32) -> (i32, i32, i32) {
    %c0_i32 = arith.constant 0 : i32
    %c0_i32_0 = arith.constant 0 : i32
    %c0_i32_1 = arith.constant 0 : i32
    return %arg0, %c0_i32, %c0_i32_0 : i32, i32, i32
  }
  func.func @transform_13(%arg0: i32) -> (i32, i32, i32) {
    %c0_i32 = arith.constant 0 : i32
    %c0_i32_0 = arith.constant 0 : i32
    %c0_i32_1 = arith.constant 0 : i32
    return %arg0, %c0_i32, %c0_i32_0 : i32, i32, i32
  }
  func.func @transform_14(%arg0: i32) -> (i32, i32, i32) {
    %c0_i32 = arith.constant 0 : i32
    %c0_i32_0 = arith.constant 0 : i32
    %c0_i32_1 = arith.constant 0 : i32
    return %arg0, %c0_i32, %c0_i32_0 : i32, i32, i32
  }
  func.func @transform_15(%arg0: i32) -> (i32, i32) {
    %c0_i32 = arith.constant 0 : i32
    %c0_i32_0 = arith.constant 0 : i32
    %c0_i32_1 = arith.constant 0 : i32
    return %c0_i32, %c0_i32_0 : i32, i32
  }
}

module attributes {stable_mosaic.version = 14 : i64} {
  func.func @_dest_kernel(%arg0: memref<8x1x256xi32, #tpu.memory_space<vmem>>, %arg1: memref<8x1x256xi32, #tpu.memory_space<vmem>>, %arg2: memref<1x8xf32, #tpu.memory_space<vmem>>, %arg3: memref<8x1x256xi32, #tpu.memory_space<vmem>>, %arg4: memref<1x16xi32, #tpu.memory_space<vmem>>) attributes {dimension_semantics = [], scalar_prefetch = 0 : i64, scratch_operands = 0 : i64, tpu.core_type = #tpu.core_type<tc>} {
    %get3A = arith.constant 0 : index
    %get3A_0 = arith.constant 0 : index
    %get3A_1 = vector.load %arg2[%get3A, %get3A_0] : memref<1x8xf32, #tpu.memory_space<vmem>>, vector<1x8xf32>
    %iota3A = tpu.iota {dimensions = array<i32: 0>} : vector<8x8xi32>
    %iota3A_2 = tpu.iota {dimensions = array<i32: 1>} : vector<8x8xi32>
    %lt3A = arith.cmpi slt, %iota3A, %iota3A_2 : vector<8x8xi32>
    %convert_element_type3A = arith.extui %lt3A : vector<8x8xi1> to vector<8x8xi32>
    %convert_element_type3A_3 = arith.sitofp %convert_element_type3A : vector<8x8xi32> to vector<8x8xf32>
    %dot_general3A = arith.constant dense<0.000000e+00> : vector<1x8xf32>
    %dot_general3A_4 = tpu.matmul %get3A_1, %convert_element_type3A_3, %dot_general3A {dimension_numbers = #tpu.dot_dimension_numbers<[1], [0], [0], [1], [0, 0, 1, 1], [], []>, transpose_lhs_hint = false} : vector<1x8xf32>, vector<8x8xf32>, vector<1x8xf32> -> vector<1x8xf32>
    %convert_element_type3A_5 = arith.fptosi %dot_general3A_4 : vector<1x8xf32> to vector<1x8xi32>
    %swap3A = arith.constant 0 : index
    %swap3A_6 = arith.constant 0 : index
    %swap3A_7 = vector.load %arg4[%swap3A, %swap3A_6] : memref<1x16xi32, #tpu.memory_space<vmem>>, vector<1x8xi32>
    tpu.vector_store %arg4[%swap3A, %swap3A_6], %convert_element_type3A_5 {strides = array<i32>} : memref<1x16xi32, #tpu.memory_space<vmem>>, vector<1x8xi32>,
    %add3A = arith.addf %dot_general3A_4, %get3A_1 : vector<1x8xf32>
    %convert_element_type3A_8 = arith.fptosi %add3A : vector<1x8xf32> to vector<1x8xi32>
    %swap3A_9 = arith.constant 0 : index
    %swap3A_10 = arith.constant 8 : index
    %swap3A_11 = vector.load %arg4[%swap3A_9, %swap3A_10] : memref<1x16xi32, #tpu.memory_space<vmem>>, vector<1x8xi32>
    tpu.vector_store %arg4[%swap3A_9, %swap3A_10], %convert_element_type3A_8 {strides = array<i32>} : memref<1x16xi32, #tpu.memory_space<vmem>>, vector<1x8xi32>,
    %get3A_12 = arith.constant 0 : index
    %get3A_13 = arith.constant 0 : index
    %get3A_14 = arith.constant 0 : index
    %get3A_15 = vector.load %arg1[%get3A_12, %get3A_13, %get3A_14] : memref<8x1x256xi32, #tpu.memory_space<vmem>>, vector<8x1x256xi32>
    %get3A_16 = arith.constant 0 : index
    %get3A_17 = arith.constant 0 : index
    %get3A_18 = arith.constant 0 : index
    %get3A_19 = vector.load %arg0[%get3A_16, %get3A_17, %get3A_18] : memref<8x1x256xi32, #tpu.memory_space<vmem>>, vector<8x1x256xi32>
    %slice3A = vector.extract_strided_slice %dot_general3A_4 {offsets = [0, 0], sizes = [1, 1], strides = [1, 1]} : vector<1x8xf32> to vector<1x1xf32>
    %squeeze3A = vector.extract %slice3A[0, 0] : f32 from vector<1x1xf32>
    %convert_element_type3A_20 = arith.fptosi %squeeze3A : f32 to i32
    %eq3A = arith.constant 0 : i32
    %eq3A_21 = vector.broadcast %eq3A : i32 to vector<8x1x256xi32>
    %eq3A_22 = arith.cmpi eq, %get3A_15, %eq3A_21 : vector<8x1x256xi32>
    %jit3A = arith.constant 0 : i32
    %broadcast_in_dim3A = vector.broadcast %convert_element_type3A_20 : i32 to vector<8x1x256xi32>
    %broadcast_in_dim3A_23 = vector.broadcast %jit3A : i32 to vector<8x1x256xi32>
    %select_n3A = arith.select %eq3A_22, %broadcast_in_dim3A, %broadcast_in_dim3A_23 : vector<8x1x256xi1>, vector<8x1x256xi32>
    %add3A_24 = arith.addi %get3A_19, %select_n3A : vector<8x1x256xi32>
    %slice3A_25 = vector.extract_strided_slice %dot_general3A_4 {offsets = [0, 1], sizes = [1, 1], strides = [1, 1]} : vector<1x8xf32> to vector<1x1xf32>
    %squeeze3A_26 = vector.extract %slice3A_25[0, 0] : f32 from vector<1x1xf32>
    %convert_element_type3A_27 = arith.fptosi %squeeze3A_26 : f32 to i32
    %eq3A_28 = arith.constant 1 : i32
    %eq3A_29 = vector.broadcast %eq3A_28 : i32 to vector<8x1x256xi32>
    %eq3A_30 = arith.cmpi eq, %get3A_15, %eq3A_29 : vector<8x1x256xi32>
    %jit3A_31 = arith.constant 0 : i32
    %broadcast_in_dim3A_32 = vector.broadcast %convert_element_type3A_27 : i32 to vector<8x1x256xi32>
    %broadcast_in_dim3A_33 = vector.broadcast %jit3A_31 : i32 to vector<8x1x256xi32>
    %select_n3A_34 = arith.select %eq3A_30, %broadcast_in_dim3A_32, %broadcast_in_dim3A_33 : vector<8x1x256xi1>, vector<8x1x256xi32>
    %add3A_35 = arith.addi %add3A_24, %select_n3A_34 : vector<8x1x256xi32>
    %slice3A_36 = vector.extract_strided_slice %dot_general3A_4 {offsets = [0, 2], sizes = [1, 1], strides = [1, 1]} : vector<1x8xf32> to vector<1x1xf32>
    %squeeze3A_37 = vector.extract %slice3A_36[0, 0] : f32 from vector<1x1xf32>
    %convert_element_type3A_38 = arith.fptosi %squeeze3A_37 : f32 to i32
    %eq3A_39 = arith.constant 2 : i32
    %eq3A_40 = vector.broadcast %eq3A_39 : i32 to vector<8x1x256xi32>
    %eq3A_41 = arith.cmpi eq, %get3A_15, %eq3A_40 : vector<8x1x256xi32>
    %jit3A_42 = arith.constant 0 : i32
    %broadcast_in_dim3A_43 = vector.broadcast %convert_element_type3A_38 : i32 to vector<8x1x256xi32>
    %broadcast_in_dim3A_44 = vector.broadcast %jit3A_42 : i32 to vector<8x1x256xi32>
    %select_n3A_45 = arith.select %eq3A_41, %broadcast_in_dim3A_43, %broadcast_in_dim3A_44 : vector<8x1x256xi1>, vector<8x1x256xi32>
    %add3A_46 = arith.addi %add3A_35, %select_n3A_45 : vector<8x1x256xi32>
    %slice3A_47 = vector.extract_strided_slice %dot_general3A_4 {offsets = [0, 3], sizes = [1, 1], strides = [1, 1]} : vector<1x8xf32> to vector<1x1xf32>
    %squeeze3A_48 = vector.extract %slice3A_47[0, 0] : f32 from vector<1x1xf32>
    %convert_element_type3A_49 = arith.fptosi %squeeze3A_48 : f32 to i32
    %eq3A_50 = arith.constant 3 : i32
    %eq3A_51 = vector.broadcast %eq3A_50 : i32 to vector<8x1x256xi32>
    %eq3A_52 = arith.cmpi eq, %get3A_15, %eq3A_51 : vector<8x1x256xi32>
    %jit3A_53 = arith.constant 0 : i32
    %broadcast_in_dim3A_54 = vector.broadcast %convert_element_type3A_49 : i32 to vector<8x1x256xi32>
    %broadcast_in_dim3A_55 = vector.broadcast %jit3A_53 : i32 to vector<8x1x256xi32>
    %select_n3A_56 = arith.select %eq3A_52, %broadcast_in_dim3A_54, %broadcast_in_dim3A_55 : vector<8x1x256xi1>, vector<8x1x256xi32>
    %add3A_57 = arith.addi %add3A_46, %select_n3A_56 : vector<8x1x256xi32>
    %slice3A_58 = vector.extract_strided_slice %dot_general3A_4 {offsets = [0, 4], sizes = [1, 1], strides = [1, 1]} : vector<1x8xf32> to vector<1x1xf32>
    %squeeze3A_59 = vector.extract %slice3A_58[0, 0] : f32 from vector<1x1xf32>
    %convert_element_type3A_60 = arith.fptosi %squeeze3A_59 : f32 to i32
    %eq3A_61 = arith.constant 4 : i32
    %eq3A_62 = vector.broadcast %eq3A_61 : i32 to vector<8x1x256xi32>
    %eq3A_63 = arith.cmpi eq, %get3A_15, %eq3A_62 : vector<8x1x256xi32>
    %jit3A_64 = arith.constant 0 : i32
    %broadcast_in_dim3A_65 = vector.broadcast %convert_element_type3A_60 : i32 to vector<8x1x256xi32>
    %broadcast_in_dim3A_66 = vector.broadcast %jit3A_64 : i32 to vector<8x1x256xi32>
    %select_n3A_67 = arith.select %eq3A_63, %broadcast_in_dim3A_65, %broadcast_in_dim3A_66 : vector<8x1x256xi1>, vector<8x1x256xi32>
    %add3A_68 = arith.addi %add3A_57, %select_n3A_67 : vector<8x1x256xi32>
    %slice3A_69 = vector.extract_strided_slice %dot_general3A_4 {offsets = [0, 5], sizes = [1, 1], strides = [1, 1]} : vector<1x8xf32> to vector<1x1xf32>
    %squeeze3A_70 = vector.extract %slice3A_69[0, 0] : f32 from vector<1x1xf32>
    %convert_element_type3A_71 = arith.fptosi %squeeze3A_70 : f32 to i32
    %eq3A_72 = arith.constant 5 : i32
    %eq3A_73 = vector.broadcast %eq3A_72 : i32 to vector<8x1x256xi32>
    %eq3A_74 = arith.cmpi eq, %get3A_15, %eq3A_73 : vector<8x1x256xi32>
    %jit3A_75 = arith.constant 0 : i32
    %broadcast_in_dim3A_76 = vector.broadcast %convert_element_type3A_71 : i32 to vector<8x1x256xi32>
    %broadcast_in_dim3A_77 = vector.broadcast %jit3A_75 : i32 to vector<8x1x256xi32>
    %select_n3A_78 = arith.select %eq3A_74, %broadcast_in_dim3A_76, %broadcast_in_dim3A_77 : vector<8x1x256xi1>, vector<8x1x256xi32>
    %add3A_79 = arith.addi %add3A_68, %select_n3A_78 : vector<8x1x256xi32>
    %slice3A_80 = vector.extract_strided_slice %dot_general3A_4 {offsets = [0, 6], sizes = [1, 1], strides = [1, 1]} : vector<1x8xf32> to vector<1x1xf32>
    %squeeze3A_81 = vector.extract %slice3A_80[0, 0] : f32 from vector<1x1xf32>
    %convert_element_type3A_82 = arith.fptosi %squeeze3A_81 : f32 to i32
    %eq3A_83 = arith.constant 6 : i32
    %eq3A_84 = vector.broadcast %eq3A_83 : i32 to vector<8x1x256xi32>
    %eq3A_85 = arith.cmpi eq, %get3A_15, %eq3A_84 : vector<8x1x256xi32>
    %jit3A_86 = arith.constant 0 : i32
    %broadcast_in_dim3A_87 = vector.broadcast %convert_element_type3A_82 : i32 to vector<8x1x256xi32>
    %broadcast_in_dim3A_88 = vector.broadcast %jit3A_86 : i32 to vector<8x1x256xi32>
    %select_n3A_89 = arith.select %eq3A_85, %broadcast_in_dim3A_87, %broadcast_in_dim3A_88 : vector<8x1x256xi1>, vector<8x1x256xi32>
    %add3A_90 = arith.addi %add3A_79, %select_n3A_89 : vector<8x1x256xi32>
    %slice3A_91 = vector.extract_strided_slice %dot_general3A_4 {offsets = [0, 7], sizes = [1, 1], strides = [1, 1]} : vector<1x8xf32> to vector<1x1xf32>
    %squeeze3A_92 = vector.extract %slice3A_91[0, 0] : f32 from vector<1x1xf32>
    %convert_element_type3A_93 = arith.fptosi %squeeze3A_92 : f32 to i32
    %eq3A_94 = arith.constant 7 : i32
    %eq3A_95 = vector.broadcast %eq3A_94 : i32 to vector<8x1x256xi32>
    %eq3A_96 = arith.cmpi eq, %get3A_15, %eq3A_95 : vector<8x1x256xi32>
    %jit3A_97 = arith.constant 0 : i32
    %broadcast_in_dim3A_98 = vector.broadcast %convert_element_type3A_93 : i32 to vector<8x1x256xi32>
    %broadcast_in_dim3A_99 = vector.broadcast %jit3A_97 : i32 to vector<8x1x256xi32>
    %select_n3A_100 = arith.select %eq3A_96, %broadcast_in_dim3A_98, %broadcast_in_dim3A_99 : vector<8x1x256xi1>, vector<8x1x256xi32>
    %add3A_101 = arith.addi %add3A_90, %select_n3A_100 : vector<8x1x256xi32>
    %swap3A_102 = arith.constant 0 : index
    %swap3A_103 = arith.constant 0 : index
    %swap3A_104 = arith.constant 0 : index
    %swap3A_105 = vector.load %arg3[%swap3A_102, %swap3A_103, %swap3A_104] : memref<8x1x256xi32, #tpu.memory_space<vmem>>, vector<8x1x256xi32>
    tpu.vector_store %arg3[%swap3A_102, %swap3A_103, %swap3A_104], %add3A_101 {strides = array<i32>} : memref<8x1x256xi32, #tpu.memory_space<vmem>>, vector<8x1x256xi32>,
    return
  }
}

module attributes {stable_mosaic.version = 14 : i64} {
  func.func @_moe_kernel(%arg0: i32, %arg1: memref<16xi32, #tpu.memory_space<smem>>, %arg2: memref<2048x768xf32, #tpu.memory_space<vmem>>, %arg3: memref<1x768x768xf32, #tpu.memory_space<vmem>>, %arg4: memref<1x768x768xf32, #tpu.memory_space<vmem>>, %arg5: memref<1x1x1536xf32, #tpu.memory_space<vmem>>, %arg6: memref<1x768x768xf32, #tpu.memory_space<vmem>>, %arg7: memref<1x768x768xf32, #tpu.memory_space<vmem>>, %arg8: memref<1x1x768xf32, #tpu.memory_space<vmem>>, %arg9: memref<2048x768xf32, #tpu.memory_space<vmem>>) attributes {dimension_semantics = [#tpu.dimension_semantics<arbitrary>], iteration_bounds = array<i64: 8>, scalar_prefetch = 1 : i64, scratch_operands = 0 : i64, tpu.core_type = #tpu.core_type<tc>, window_params = [{pipeline_mode = #tpu.pipeline_mode<synchronous>, transform_indices = @transform_0, window_bounds = array<i64: 2048, 768>}, {transform_indices = @transform_1, window_bounds = array<i64: 1, 768, 768>}, {transform_indices = @transform_2, window_bounds = array<i64: 1, 768, 768>}, {transform_indices = @transform_3, window_bounds = array<i64: 1, 1, 1536>}, {transform_indices = @transform_4, window_bounds = array<i64: 1, 768, 768>}, {transform_indices = @transform_5, window_bounds = array<i64: 1, 768, 768>}, {transform_indices = @transform_6, window_bounds = array<i64: 1, 1, 768>}, {pipeline_mode = #tpu.pipeline_mode<synchronous>, transform_indices = @transform_7, window_bounds = array<i64: 2048, 768>}]} {
    %get3A = arith.index_cast %arg0 : i32 to index
    %get3A_0 = memref.load %arg1[%get3A] : memref<16xi32, #tpu.memory_space<smem>>
    %add3A = arith.constant 8 : i32
    %add3A_1 = arith.addi %add3A, %arg0 : i32
    %get3A_2 = arith.index_cast %add3A_1 : i32 to index
    %get3A_3 = memref.load %arg1[%get3A_2] : memref<16xi32, #tpu.memory_space<smem>>
    %eq3A = arith.constant 0 : i32
    %eq3A_4 = arith.cmpi eq, %arg0, %eq3A : i32
    %convert_element_type3A = arith.extui %eq3A_4 : i1 to i32
    %cond3A = arith.constant 0 : i32
    %cond3A_5 = arith.cmpi ne, %convert_element_type3A, %cond3A : i32
    scf.if %cond3A_5 {
      %broadcast_in_dim3A = arith.constant 0.000000e+00 : f32
      %broadcast_in_dim3A_91 = vector.broadcast %broadcast_in_dim3A : f32 to vector<2048x768xf32>
      %swap3A = arith.constant 0 : index
      %swap3A_92 = arith.constant 0 : index
      %swap3A_93 = vector.load %arg9[%swap3A, %swap3A_92] : memref<2048x768xf32, #tpu.memory_space<vmem>>, vector<2048x768xf32>
      tpu.vector_store %arg9[%swap3A, %swap3A_92], %broadcast_in_dim3A_91 {strides = array<i32>} : memref<2048x768xf32, #tpu.memory_space<vmem>>, vector<2048x768xf32>,
    } else {
    }
    %get3A_6 = arith.constant 0 : index
    %get3A_7 = arith.constant 0 : index
    %get3A_8 = arith.constant 0 : index
    %get3A_9 = vector.load %arg3[%get3A_6, %get3A_7, %get3A_8] : memref<1x768x768xf32, #tpu.memory_space<vmem>>, vector<1x768x768xf32>
    %get3A_10 = vector.shape_cast %get3A_9 : vector<1x768x768xf32> to vector<768x768xf32>
    %convert_element_type3A_11 = arith.truncf %get3A_10 : vector<768x768xf32> to vector<768x768xbf16>
    %get3A_12 = arith.constant 0 : index
    %get3A_13 = arith.constant 0 : index
    %get3A_14 = arith.constant 0 : index
    %get3A_15 = vector.load %arg4[%get3A_12, %get3A_13, %get3A_14] : memref<1x768x768xf32, #tpu.memory_space<vmem>>, vector<1x768x768xf32>
    %get3A_16 = vector.shape_cast %get3A_15 : vector<1x768x768xf32> to vector<768x768xf32>
    %convert_element_type3A_17 = arith.truncf %get3A_16 : vector<768x768xf32> to vector<768x768xbf16>
    %get3A_18 = arith.constant 0 : index
    %get3A_19 = arith.constant 0 : index
    %get3A_20 = arith.constant 0 : index
    %get3A_21 = vector.load %arg6[%get3A_18, %get3A_19, %get3A_20] : memref<1x768x768xf32, #tpu.memory_space<vmem>>, vector<1x768x768xf32>
    %get3A_22 = vector.shape_cast %get3A_21 : vector<1x768x768xf32> to vector<768x768xf32>
    %convert_element_type3A_23 = arith.truncf %get3A_22 : vector<768x768xf32> to vector<768x768xbf16>
    %get3A_24 = arith.constant 0 : index
    %get3A_25 = arith.constant 0 : index
    %get3A_26 = arith.constant 0 : index
    %get3A_27 = vector.load %arg7[%get3A_24, %get3A_25, %get3A_26] : memref<1x768x768xf32, #tpu.memory_space<vmem>>, vector<1x768x768xf32>
    %get3A_28 = vector.shape_cast %get3A_27 : vector<1x768x768xf32> to vector<768x768xf32>
    %convert_element_type3A_29 = arith.truncf %get3A_28 : vector<768x768xf32> to vector<768x768xbf16>
    %lt3A = arith.constant 256 : i32
    %lt3A_30 = arith.cmpi slt, %get3A_0, %lt3A : i32
    %gt3A = arith.constant 0 : i32
    %gt3A_31 = arith.cmpi sgt, %get3A_3, %gt3A : i32
    %and3A = arith.andi %lt3A_30, %gt3A_31 : i1
    %convert_element_type3A_32 = arith.extui %and3A : i1 to i32
    %cond3A_33 = arith.constant 0 : i32
    %cond3A_34 = arith.cmpi ne, %convert_element_type3A_32, %cond3A_33 : i32
    scf.if %cond3A_34 {
      %get3A_91 = arith.constant 0 : index
      %get3A_92 = arith.constant 0 : index
      %get3A_93 = vector.load %arg2[%get3A_91, %get3A_92] : memref<2048x768xf32, #tpu.memory_space<vmem>>, vector<256x768xf32>
      %convert_element_type3A_94 = arith.truncf %get3A_93 : vector<256x768xf32> to vector<256x768xbf16>
      %dot_general3A = arith.constant dense<0.000000e+00> : vector<256x768xf32>
      %dot_general3A_95 = tpu.matmul %convert_element_type3A_94, %convert_element_type3A_11, %dot_general3A {dimension_numbers = #tpu.dot_dimension_numbers<[1], [0], [0], [1], [0, 0, 1, 1], [], []>, transpose_lhs_hint = false} : vector<256x768xbf16>, vector<768x768xbf16>, vector<256x768xf32> -> vector<256x768xf32>
      %get3A_96 = arith.constant 0 : index
      %get3A_97 = arith.constant 0 : index
      %get3A_98 = arith.constant 0 : index
      %get3A_99 = vector.load %arg5[%get3A_96, %get3A_97, %get3A_98] : memref<1x1x1536xf32, #tpu.memory_space<vmem>>, vector<1x1x768xf32>
      %get3A_100 = vector.shape_cast %get3A_99 : vector<1x1x768xf32> to vector<1x768xf32>
      %add3A_101 = vector.broadcast %get3A_100 : vector<1x768xf32> to vector<256x768xf32>
      %add3A_102 = arith.addf %dot_general3A_95, %add3A_101 : vector<256x768xf32>
      %dot_general3A_103 = arith.constant dense<0.000000e+00> : vector<256x768xf32>
      %dot_general3A_104 = tpu.matmul %convert_element_type3A_94, %convert_element_type3A_17, %dot_general3A_103 {dimension_numbers = #tpu.dot_dimension_numbers<[1], [0], [0], [1], [0, 0, 1, 1], [], []>, transpose_lhs_hint = false} : vector<256x768xbf16>, vector<768x768xbf16>, vector<256x768xf32> -> vector<256x768xf32>
      %get3A_105 = arith.constant 0 : index
      %get3A_106 = arith.constant 0 : index
      %get3A_107 = arith.constant 768 : index
      %get3A_108 = vector.load %arg5[%get3A_105, %get3A_106, %get3A_107] : memref<1x1x1536xf32, #tpu.memory_space<vmem>>, vector<1x1x768xf32>
      %get3A_109 = vector.shape_cast %get3A_108 : vector<1x1x768xf32> to vector<1x768xf32>
      %add3A_110 = vector.broadcast %get3A_109 : vector<1x768xf32> to vector<256x768xf32>
      %add3A_111 = arith.addf %dot_general3A_104, %add3A_110 : vector<256x768xf32>
      %logistic3A = arith.negf %add3A_102 : vector<256x768xf32>
      %logistic3A_112 = math.exp %logistic3A : vector<256x768xf32>
      %logistic3A_113 = arith.constant 1.000000e+00 : f32
      %logistic3A_114 = vector.broadcast %logistic3A_113 : f32 to vector<256x768xf32>
      %logistic3A_115 = arith.addf %logistic3A_114, %logistic3A_112 : vector<256x768xf32>
      %logistic3A_116 = arith.divf %logistic3A_114, %logistic3A_115 : vector<256x768xf32>
      %mul3A = arith.mulf %add3A_102, %logistic3A_116 : vector<256x768xf32>
      %convert_element_type3A_117 = arith.truncf %mul3A : vector<256x768xf32> to vector<256x768xbf16>
      %logistic3A_118 = arith.negf %add3A_111 : vector<256x768xf32>
      %logistic3A_119 = math.exp %logistic3A_118 : vector<256x768xf32>
      %logistic3A_120 = arith.constant 1.000000e+00 : f32
      %logistic3A_121 = vector.broadcast %logistic3A_120 : f32 to vector<256x768xf32>
      %logistic3A_122 = arith.addf %logistic3A_121, %logistic3A_119 : vector<256x768xf32>
      %logistic3A_123 = arith.divf %logistic3A_121, %logistic3A_122 : vector<256x768xf32>
      %mul3A_124 = arith.mulf %add3A_111, %logistic3A_123 : vector<256x768xf32>
      %convert_element_type3A_125 = arith.truncf %mul3A_124 : vector<256x768xf32> to vector<256x768xbf16>
      %dot_general3A_126 = arith.constant dense<0.000000e+00> : vector<256x768xf32>
      %dot_general3A_127 = tpu.matmul %convert_element_type3A_117, %convert_element_type3A_23, %dot_general3A_126 {dimension_numbers = #tpu.dot_dimension_numbers<[1], [0], [0], [1], [0, 0, 1, 1], [], []>, transpose_lhs_hint = false} : vector<256x768xbf16>, vector<768x768xbf16>, vector<256x768xf32> -> vector<256x768xf32>
      %dot_general3A_128 = arith.constant dense<0.000000e+00> : vector<256x768xf32>
      %dot_general3A_129 = tpu.matmul %convert_element_type3A_125, %convert_element_type3A_29, %dot_general3A_128 {dimension_numbers = #tpu.dot_dimension_numbers<[1], [0], [0], [1], [0, 0, 1, 1], [], []>, transpose_lhs_hint = false} : vector<256x768xbf16>, vector<768x768xbf16>, vector<256x768xf32> -> vector<256x768xf32>
      %add3A_130 = arith.addf %dot_general3A_127, %dot_general3A_129 : vector<256x768xf32>
      %get3A_131 = arith.constant 0 : index
      %get3A_132 = arith.constant 0 : index
      %get3A_133 = arith.constant 0 : index
      %get3A_134 = vector.load %arg8[%get3A_131, %get3A_132, %get3A_133] : memref<1x1x768xf32, #tpu.memory_space<vmem>>, vector<1x1x768xf32>
      %get3A_135 = vector.shape_cast %get3A_134 : vector<1x1x768xf32> to vector<1x768xf32>
      %add3A_136 = vector.broadcast %get3A_135 : vector<1x768xf32> to vector<256x768xf32>
      %add3A_137 = arith.addf %add3A_130, %add3A_136 : vector<256x768xf32>
      %iota3A = tpu.iota {dimensions = array<i32: 0>} : vector<256x768xi32>
      %add3A_138 = arith.constant 0 : i32
      %add3A_139 = vector.broadcast %add3A_138 : i32 to vector<256x768xi32>
      %add3A_140 = arith.addi %add3A_139, %iota3A : vector<256x768xi32>
      %ge3A = vector.broadcast %get3A_0 : i32 to vector<256x768xi32>
      %ge3A_141 = arith.cmpi sge, %add3A_140, %ge3A : vector<256x768xi32>
      %lt3A_142 = vector.broadcast %get3A_3 : i32 to vector<256x768xi32>
      %lt3A_143 = arith.cmpi slt, %add3A_140, %lt3A_142 : vector<256x768xi32>
      %and3A_144 = arith.andi %ge3A_141, %lt3A_143 : vector<256x768xi1>
      %get3A_145 = arith.constant 0 : index
      %get3A_146 = arith.constant 0 : index
      %get3A_147 = vector.load %arg9[%get3A_145, %get3A_146] : memref<2048x768xf32, #tpu.memory_space<vmem>>, vector<256x768xf32>
      %jit3A = arith.constant 0.000000e+00 : f32
      %broadcast_in_dim3A = vector.broadcast %jit3A : f32 to vector<256x768xf32>
      %select_n3A = arith.select %and3A_144, %add3A_137, %broadcast_in_dim3A : vector<256x768xi1>, vector<256x768xf32>
      %add3A_148 = arith.addf %get3A_147, %select_n3A : vector<256x768xf32>
      %swap3A = arith.constant 0 : index
      %swap3A_149 = arith.constant 0 : index
      %swap3A_150 = vector.load %arg9[%swap3A, %swap3A_149] : memref<2048x768xf32, #tpu.memory_space<vmem>>, vector<256x768xf32>
      tpu.vector_store %arg9[%swap3A, %swap3A_149], %add3A_148 {strides = array<i32>} : memref<2048x768xf32, #tpu.memory_space<vmem>>, vector<256x768xf32>,
    } else {
    }
    %lt3A_35 = arith.constant 512 : i32
    %lt3A_36 = arith.cmpi slt, %get3A_0, %lt3A_35 : i32
    %gt3A_37 = arith.constant 256 : i32
    %gt3A_38 = arith.cmpi sgt, %get3A_3, %gt3A_37 : i32
    %and3A_39 = arith.andi %lt3A_36, %gt3A_38 : i1
    %convert_element_type3A_40 = arith.extui %and3A_39 : i1 to i32
    %cond3A_41 = arith.constant 0 : i32
    %cond3A_42 = arith.cmpi ne, %convert_element_type3A_40, %cond3A_41 : i32
    scf.if %cond3A_42 {
      %get3A_91 = arith.constant 256 : index
      %get3A_92 = arith.constant 0 : index
      %get3A_93 = vector.load %arg2[%get3A_91, %get3A_92] : memref<2048x768xf32, #tpu.memory_space<vmem>>, vector<256x768xf32>
      %convert_element_type3A_94 = arith.truncf %get3A_93 : vector<256x768xf32> to vector<256x768xbf16>
      %dot_general3A = arith.constant dense<0.000000e+00> : vector<256x768xf32>
      %dot_general3A_95 = tpu.matmul %convert_element_type3A_94, %convert_element_type3A_11, %dot_general3A {dimension_numbers = #tpu.dot_dimension_numbers<[1], [0], [0], [1], [0, 0, 1, 1], [], []>, transpose_lhs_hint = false} : vector<256x768xbf16>, vector<768x768xbf16>, vector<256x768xf32> -> vector<256x768xf32>
      %get3A_96 = arith.constant 0 : index
      %get3A_97 = arith.constant 0 : index
      %get3A_98 = arith.constant 0 : index
      %get3A_99 = vector.load %arg5[%get3A_96, %get3A_97, %get3A_98] : memref<1x1x1536xf32, #tpu.memory_space<vmem>>, vector<1x1x768xf32>
      %get3A_100 = vector.shape_cast %get3A_99 : vector<1x1x768xf32> to vector<1x768xf32>
      %add3A_101 = vector.broadcast %get3A_100 : vector<1x768xf32> to vector<256x768xf32>
      %add3A_102 = arith.addf %dot_general3A_95, %add3A_101 : vector<256x768xf32>
      %dot_general3A_103 = arith.constant dense<0.000000e+00> : vector<256x768xf32>
      %dot_general3A_104 = tpu.matmul %convert_element_type3A_94, %convert_element_type3A_17, %dot_general3A_103 {dimension_numbers = #tpu.dot_dimension_numbers<[1], [0], [0], [1], [0, 0, 1, 1], [], []>, transpose_lhs_hint = false} : vector<256x768xbf16>, vector<768x768xbf16>, vector<256x768xf32> -> vector<256x768xf32>
      %get3A_105 = arith.constant 0 : index
      %get3A_106 = arith.constant 0 : index
      %get3A_107 = arith.constant 768 : index
      %get3A_108 = vector.load %arg5[%get3A_105, %get3A_106, %get3A_107] : memref<1x1x1536xf32, #tpu.memory_space<vmem>>, vector<1x1x768xf32>
      %get3A_109 = vector.shape_cast %get3A_108 : vector<1x1x768xf32> to vector<1x768xf32>
      %add3A_110 = vector.broadcast %get3A_109 : vector<1x768xf32> to vector<256x768xf32>
      %add3A_111 = arith.addf %dot_general3A_104, %add3A_110 : vector<256x768xf32>
      %logistic3A = arith.negf %add3A_102 : vector<256x768xf32>
      %logistic3A_112 = math.exp %logistic3A : vector<256x768xf32>
      %logistic3A_113 = arith.constant 1.000000e+00 : f32
      %logistic3A_114 = vector.broadcast %logistic3A_113 : f32 to vector<256x768xf32>
      %logistic3A_115 = arith.addf %logistic3A_114, %logistic3A_112 : vector<256x768xf32>
      %logistic3A_116 = arith.divf %logistic3A_114, %logistic3A_115 : vector<256x768xf32>
      %mul3A = arith.mulf %add3A_102, %logistic3A_116 : vector<256x768xf32>
      %convert_element_type3A_117 = arith.truncf %mul3A : vector<256x768xf32> to vector<256x768xbf16>
      %logistic3A_118 = arith.negf %add3A_111 : vector<256x768xf32>
      %logistic3A_119 = math.exp %logistic3A_118 : vector<256x768xf32>
      %logistic3A_120 = arith.constant 1.000000e+00 : f32
      %logistic3A_121 = vector.broadcast %logistic3A_120 : f32 to vector<256x768xf32>
      %logistic3A_122 = arith.addf %logistic3A_121, %logistic3A_119 : vector<256x768xf32>
      %logistic3A_123 = arith.divf %logistic3A_121, %logistic3A_122 : vector<256x768xf32>
      %mul3A_124 = arith.mulf %add3A_111, %logistic3A_123 : vector<256x768xf32>
      %convert_element_type3A_125 = arith.truncf %mul3A_124 : vector<256x768xf32> to vector<256x768xbf16>
      %dot_general3A_126 = arith.constant dense<0.000000e+00> : vector<256x768xf32>
      %dot_general3A_127 = tpu.matmul %convert_element_type3A_117, %convert_element_type3A_23, %dot_general3A_126 {dimension_numbers = #tpu.dot_dimension_numbers<[1], [0], [0], [1], [0, 0, 1, 1], [], []>, transpose_lhs_hint = false} : vector<256x768xbf16>, vector<768x768xbf16>, vector<256x768xf32> -> vector<256x768xf32>
      %dot_general3A_128 = arith.constant dense<0.000000e+00> : vector<256x768xf32>
      %dot_general3A_129 = tpu.matmul %convert_element_type3A_125, %convert_element_type3A_29, %dot_general3A_128 {dimension_numbers = #tpu.dot_dimension_numbers<[1], [0], [0], [1], [0, 0, 1, 1], [], []>, transpose_lhs_hint = false} : vector<256x768xbf16>, vector<768x768xbf16>, vector<256x768xf32> -> vector<256x768xf32>
      %add3A_130 = arith.addf %dot_general3A_127, %dot_general3A_129 : vector<256x768xf32>
      %get3A_131 = arith.constant 0 : index
      %get3A_132 = arith.constant 0 : index
      %get3A_133 = arith.constant 0 : index
      %get3A_134 = vector.load %arg8[%get3A_131, %get3A_132, %get3A_133] : memref<1x1x768xf32, #tpu.memory_space<vmem>>, vector<1x1x768xf32>
      %get3A_135 = vector.shape_cast %get3A_134 : vector<1x1x768xf32> to vector<1x768xf32>
      %add3A_136 = vector.broadcast %get3A_135 : vector<1x768xf32> to vector<256x768xf32>
      %add3A_137 = arith.addf %add3A_130, %add3A_136 : vector<256x768xf32>
      %iota3A = tpu.iota {dimensions = array<i32: 0>} : vector<256x768xi32>
      %add3A_138 = arith.constant 256 : i32
      %add3A_139 = vector.broadcast %add3A_138 : i32 to vector<256x768xi32>
      %add3A_140 = arith.addi %add3A_139, %iota3A : vector<256x768xi32>
      %ge3A = vector.broadcast %get3A_0 : i32 to vector<256x768xi32>
      %ge3A_141 = arith.cmpi sge, %add3A_140, %ge3A : vector<256x768xi32>
      %lt3A_142 = vector.broadcast %get3A_3 : i32 to vector<256x768xi32>
      %lt3A_143 = arith.cmpi slt, %add3A_140, %lt3A_142 : vector<256x768xi32>
      %and3A_144 = arith.andi %ge3A_141, %lt3A_143 : vector<256x768xi1>
      %get3A_145 = arith.constant 256 : index
      %get3A_146 = arith.constant 0 : index
      %get3A_147 = vector.load %arg9[%get3A_145, %get3A_146] : memref<2048x768xf32, #tpu.memory_space<vmem>>, vector<256x768xf32>
      %jit3A = arith.constant 0.000000e+00 : f32
      %broadcast_in_dim3A = vector.broadcast %jit3A : f32 to vector<256x768xf32>
      %select_n3A = arith.select %and3A_144, %add3A_137, %broadcast_in_dim3A : vector<256x768xi1>, vector<256x768xf32>
      %add3A_148 = arith.addf %get3A_147, %select_n3A : vector<256x768xf32>
      %swap3A = arith.constant 256 : index
      %swap3A_149 = arith.constant 0 : index
      %swap3A_150 = vector.load %arg9[%swap3A, %swap3A_149] : memref<2048x768xf32, #tpu.memory_space<vmem>>, vector<256x768xf32>
      tpu.vector_store %arg9[%swap3A, %swap3A_149], %add3A_148 {strides = array<i32>} : memref<2048x768xf32, #tpu.memory_space<vmem>>, vector<256x768xf32>,
    } else {
    }
    %lt3A_43 = arith.constant 768 : i32
    %lt3A_44 = arith.cmpi slt, %get3A_0, %lt3A_43 : i32
    %gt3A_45 = arith.constant 512 : i32
    %gt3A_46 = arith.cmpi sgt, %get3A_3, %gt3A_45 : i32
    %and3A_47 = arith.andi %lt3A_44, %gt3A_46 : i1
    %convert_element_type3A_48 = arith.extui %and3A_47 : i1 to i32
    %cond3A_49 = arith.constant 0 : i32
    %cond3A_50 = arith.cmpi ne, %convert_element_type3A_48, %cond3A_49 : i32
    scf.if %cond3A_50 {
      %get3A_91 = arith.constant 512 : index
      %get3A_92 = arith.constant 0 : index
      %get3A_93 = vector.load %arg2[%get3A_91, %get3A_92] : memref<2048x768xf32, #tpu.memory_space<vmem>>, vector<256x768xf32>
      %convert_element_type3A_94 = arith.truncf %get3A_93 : vector<256x768xf32> to vector<256x768xbf16>
      %dot_general3A = arith.constant dense<0.000000e+00> : vector<256x768xf32>
      %dot_general3A_95 = tpu.matmul %convert_element_type3A_94, %convert_element_type3A_11, %dot_general3A {dimension_numbers = #tpu.dot_dimension_numbers<[1], [0], [0], [1], [0, 0, 1, 1], [], []>, transpose_lhs_hint = false} : vector<256x768xbf16>, vector<768x768xbf16>, vector<256x768xf32> -> vector<256x768xf32>
      %get3A_96 = arith.constant 0 : index
      %get3A_97 = arith.constant 0 : index
      %get3A_98 = arith.constant 0 : index
      %get3A_99 = vector.load %arg5[%get3A_96, %get3A_97, %get3A_98] : memref<1x1x1536xf32, #tpu.memory_space<vmem>>, vector<1x1x768xf32>
      %get3A_100 = vector.shape_cast %get3A_99 : vector<1x1x768xf32> to vector<1x768xf32>
      %add3A_101 = vector.broadcast %get3A_100 : vector<1x768xf32> to vector<256x768xf32>
      %add3A_102 = arith.addf %dot_general3A_95, %add3A_101 : vector<256x768xf32>
      %dot_general3A_103 = arith.constant dense<0.000000e+00> : vector<256x768xf32>
      %dot_general3A_104 = tpu.matmul %convert_element_type3A_94, %convert_element_type3A_17, %dot_general3A_103 {dimension_numbers = #tpu.dot_dimension_numbers<[1], [0], [0], [1], [0, 0, 1, 1], [], []>, transpose_lhs_hint = false} : vector<256x768xbf16>, vector<768x768xbf16>, vector<256x768xf32> -> vector<256x768xf32>
      %get3A_105 = arith.constant 0 : index
      %get3A_106 = arith.constant 0 : index
      %get3A_107 = arith.constant 768 : index
      %get3A_108 = vector.load %arg5[%get3A_105, %get3A_106, %get3A_107] : memref<1x1x1536xf32, #tpu.memory_space<vmem>>, vector<1x1x768xf32>
      %get3A_109 = vector.shape_cast %get3A_108 : vector<1x1x768xf32> to vector<1x768xf32>
      %add3A_110 = vector.broadcast %get3A_109 : vector<1x768xf32> to vector<256x768xf32>
      %add3A_111 = arith.addf %dot_general3A_104, %add3A_110 : vector<256x768xf32>
      %logistic3A = arith.negf %add3A_102 : vector<256x768xf32>
      %logistic3A_112 = math.exp %logistic3A : vector<256x768xf32>
      %logistic3A_113 = arith.constant 1.000000e+00 : f32
      %logistic3A_114 = vector.broadcast %logistic3A_113 : f32 to vector<256x768xf32>
      %logistic3A_115 = arith.addf %logistic3A_114, %logistic3A_112 : vector<256x768xf32>
      %logistic3A_116 = arith.divf %logistic3A_114, %logistic3A_115 : vector<256x768xf32>
      %mul3A = arith.mulf %add3A_102, %logistic3A_116 : vector<256x768xf32>
      %convert_element_type3A_117 = arith.truncf %mul3A : vector<256x768xf32> to vector<256x768xbf16>
      %logistic3A_118 = arith.negf %add3A_111 : vector<256x768xf32>
      %logistic3A_119 = math.exp %logistic3A_118 : vector<256x768xf32>
      %logistic3A_120 = arith.constant 1.000000e+00 : f32
      %logistic3A_121 = vector.broadcast %logistic3A_120 : f32 to vector<256x768xf32>
      %logistic3A_122 = arith.addf %logistic3A_121, %logistic3A_119 : vector<256x768xf32>
      %logistic3A_123 = arith.divf %logistic3A_121, %logistic3A_122 : vector<256x768xf32>
      %mul3A_124 = arith.mulf %add3A_111, %logistic3A_123 : vector<256x768xf32>
      %convert_element_type3A_125 = arith.truncf %mul3A_124 : vector<256x768xf32> to vector<256x768xbf16>
      %dot_general3A_126 = arith.constant dense<0.000000e+00> : vector<256x768xf32>
      %dot_general3A_127 = tpu.matmul %convert_element_type3A_117, %convert_element_type3A_23, %dot_general3A_126 {dimension_numbers = #tpu.dot_dimension_numbers<[1], [0], [0], [1], [0, 0, 1, 1], [], []>, transpose_lhs_hint = false} : vector<256x768xbf16>, vector<768x768xbf16>, vector<256x768xf32> -> vector<256x768xf32>
      %dot_general3A_128 = arith.constant dense<0.000000e+00> : vector<256x768xf32>
      %dot_general3A_129 = tpu.matmul %convert_element_type3A_125, %convert_element_type3A_29, %dot_general3A_128 {dimension_numbers = #tpu.dot_dimension_numbers<[1], [0], [0], [1], [0, 0, 1, 1], [], []>, transpose_lhs_hint = false} : vector<256x768xbf16>, vector<768x768xbf16>, vector<256x768xf32> -> vector<256x768xf32>
      %add3A_130 = arith.addf %dot_general3A_127, %dot_general3A_129 : vector<256x768xf32>
      %get3A_131 = arith.constant 0 : index
      %get3A_132 = arith.constant 0 : index
      %get3A_133 = arith.constant 0 : index
      %get3A_134 = vector.load %arg8[%get3A_131, %get3A_132, %get3A_133] : memref<1x1x768xf32, #tpu.memory_space<vmem>>, vector<1x1x768xf32>
      %get3A_135 = vector.shape_cast %get3A_134 : vector<1x1x768xf32> to vector<1x768xf32>
      %add3A_136 = vector.broadcast %get3A_135 : vector<1x768xf32> to vector<256x768xf32>
      %add3A_137 = arith.addf %add3A_130, %add3A_136 : vector<256x768xf32>
      %iota3A = tpu.iota {dimensions = array<i32: 0>} : vector<256x768xi32>
      %add3A_138 = arith.constant 512 : i32
      %add3A_139 = vector.broadcast %add3A_138 : i32 to vector<256x768xi32>
      %add3A_140 = arith.addi %add3A_139, %iota3A : vector<256x768xi32>
      %ge3A = vector.broadcast %get3A_0 : i32 to vector<256x768xi32>
      %ge3A_141 = arith.cmpi sge, %add3A_140, %ge3A : vector<256x768xi32>
      %lt3A_142 = vector.broadcast %get3A_3 : i32 to vector<256x768xi32>
      %lt3A_143 = arith.cmpi slt, %add3A_140, %lt3A_142 : vector<256x768xi32>
      %and3A_144 = arith.andi %ge3A_141, %lt3A_143 : vector<256x768xi1>
      %get3A_145 = arith.constant 512 : index
      %get3A_146 = arith.constant 0 : index
      %get3A_147 = vector.load %arg9[%get3A_145, %get3A_146] : memref<2048x768xf32, #tpu.memory_space<vmem>>, vector<256x768xf32>
      %jit3A = arith.constant 0.000000e+00 : f32
      %broadcast_in_dim3A = vector.broadcast %jit3A : f32 to vector<256x768xf32>
      %select_n3A = arith.select %and3A_144, %add3A_137, %broadcast_in_dim3A : vector<256x768xi1>, vector<256x768xf32>
      %add3A_148 = arith.addf %get3A_147, %select_n3A : vector<256x768xf32>
      %swap3A = arith.constant 512 : index
      %swap3A_149 = arith.constant 0 : index
      %swap3A_150 = vector.load %arg9[%swap3A, %swap3A_149] : memref<2048x768xf32, #tpu.memory_space<vmem>>, vector<256x768xf32>
      tpu.vector_store %arg9[%swap3A, %swap3A_149], %add3A_148 {strides = array<i32>} : memref<2048x768xf32, #tpu.memory_space<vmem>>, vector<256x768xf32>,
    } else {
    }
    %lt3A_51 = arith.constant 1024 : i32
    %lt3A_52 = arith.cmpi slt, %get3A_0, %lt3A_51 : i32
    %gt3A_53 = arith.constant 768 : i32
    %gt3A_54 = arith.cmpi sgt, %get3A_3, %gt3A_53 : i32
    %and3A_55 = arith.andi %lt3A_52, %gt3A_54 : i1
    %convert_element_type3A_56 = arith.extui %and3A_55 : i1 to i32
    %cond3A_57 = arith.constant 0 : i32
    %cond3A_58 = arith.cmpi ne, %convert_element_type3A_56, %cond3A_57 : i32
    scf.if %cond3A_58 {
      %get3A_91 = arith.constant 768 : index
      %get3A_92 = arith.constant 0 : index
      %get3A_93 = vector.load %arg2[%get3A_91, %get3A_92] : memref<2048x768xf32, #tpu.memory_space<vmem>>, vector<256x768xf32>
      %convert_element_type3A_94 = arith.truncf %get3A_93 : vector<256x768xf32> to vector<256x768xbf16>
      %dot_general3A = arith.constant dense<0.000000e+00> : vector<256x768xf32>
      %dot_general3A_95 = tpu.matmul %convert_element_type3A_94, %convert_element_type3A_11, %dot_general3A {dimension_numbers = #tpu.dot_dimension_numbers<[1], [0], [0], [1], [0, 0, 1, 1], [], []>, transpose_lhs_hint = false} : vector<256x768xbf16>, vector<768x768xbf16>, vector<256x768xf32> -> vector<256x768xf32>
      %get3A_96 = arith.constant 0 : index
      %get3A_97 = arith.constant 0 : index
      %get3A_98 = arith.constant 0 : index
      %get3A_99 = vector.load %arg5[%get3A_96, %get3A_97, %get3A_98] : memref<1x1x1536xf32, #tpu.memory_space<vmem>>, vector<1x1x768xf32>
      %get3A_100 = vector.shape_cast %get3A_99 : vector<1x1x768xf32> to vector<1x768xf32>
      %add3A_101 = vector.broadcast %get3A_100 : vector<1x768xf32> to vector<256x768xf32>
      %add3A_102 = arith.addf %dot_general3A_95, %add3A_101 : vector<256x768xf32>
      %dot_general3A_103 = arith.constant dense<0.000000e+00> : vector<256x768xf32>
      %dot_general3A_104 = tpu.matmul %convert_element_type3A_94, %convert_element_type3A_17, %dot_general3A_103 {dimension_numbers = #tpu.dot_dimension_numbers<[1], [0], [0], [1], [0, 0, 1, 1], [], []>, transpose_lhs_hint = false} : vector<256x768xbf16>, vector<768x768xbf16>, vector<256x768xf32> -> vector<256x768xf32>
      %get3A_105 = arith.constant 0 : index
      %get3A_106 = arith.constant 0 : index
      %get3A_107 = arith.constant 768 : index
      %get3A_108 = vector.load %arg5[%get3A_105, %get3A_106, %get3A_107] : memref<1x1x1536xf32, #tpu.memory_space<vmem>>, vector<1x1x768xf32>
      %get3A_109 = vector.shape_cast %get3A_108 : vector<1x1x768xf32> to vector<1x768xf32>
      %add3A_110 = vector.broadcast %get3A_109 : vector<1x768xf32> to vector<256x768xf32>
      %add3A_111 = arith.addf %dot_general3A_104, %add3A_110 : vector<256x768xf32>
      %logistic3A = arith.negf %add3A_102 : vector<256x768xf32>
      %logistic3A_112 = math.exp %logistic3A : vector<256x768xf32>
      %logistic3A_113 = arith.constant 1.000000e+00 : f32
      %logistic3A_114 = vector.broadcast %logistic3A_113 : f32 to vector<256x768xf32>
      %logistic3A_115 = arith.addf %logistic3A_114, %logistic3A_112 : vector<256x768xf32>
      %logistic3A_116 = arith.divf %logistic3A_114, %logistic3A_115 : vector<256x768xf32>
      %mul3A = arith.mulf %add3A_102, %logistic3A_116 : vector<256x768xf32>
      %convert_element_type3A_117 = arith.truncf %mul3A : vector<256x768xf32> to vector<256x768xbf16>
      %logistic3A_118 = arith.negf %add3A_111 : vector<256x768xf32>
      %logistic3A_119 = math.exp %logistic3A_118 : vector<256x768xf32>
      %logistic3A_120 = arith.constant 1.000000e+00 : f32
      %logistic3A_121 = vector.broadcast %logistic3A_120 : f32 to vector<256x768xf32>
      %logistic3A_122 = arith.addf %logistic3A_121, %logistic3A_119 : vector<256x768xf32>
      %logistic3A_123 = arith.divf %logistic3A_121, %logistic3A_122 : vector<256x768xf32>
      %mul3A_124 = arith.mulf %add3A_111, %logistic3A_123 : vector<256x768xf32>
      %convert_element_type3A_125 = arith.truncf %mul3A_124 : vector<256x768xf32> to vector<256x768xbf16>
      %dot_general3A_126 = arith.constant dense<0.000000e+00> : vector<256x768xf32>
      %dot_general3A_127 = tpu.matmul %convert_element_type3A_117, %convert_element_type3A_23, %dot_general3A_126 {dimension_numbers = #tpu.dot_dimension_numbers<[1], [0], [0], [1], [0, 0, 1, 1], [], []>, transpose_lhs_hint = false} : vector<256x768xbf16>, vector<768x768xbf16>, vector<256x768xf32> -> vector<256x768xf32>
      %dot_general3A_128 = arith.constant dense<0.000000e+00> : vector<256x768xf32>
      %dot_general3A_129 = tpu.matmul %convert_element_type3A_125, %convert_element_type3A_29, %dot_general3A_128 {dimension_numbers = #tpu.dot_dimension_numbers<[1], [0], [0], [1], [0, 0, 1, 1], [], []>, transpose_lhs_hint = false} : vector<256x768xbf16>, vector<768x768xbf16>, vector<256x768xf32> -> vector<256x768xf32>
      %add3A_130 = arith.addf %dot_general3A_127, %dot_general3A_129 : vector<256x768xf32>
      %get3A_131 = arith.constant 0 : index
      %get3A_132 = arith.constant 0 : index
      %get3A_133 = arith.constant 0 : index
      %get3A_134 = vector.load %arg8[%get3A_131, %get3A_132, %get3A_133] : memref<1x1x768xf32, #tpu.memory_space<vmem>>, vector<1x1x768xf32>
      %get3A_135 = vector.shape_cast %get3A_134 : vector<1x1x768xf32> to vector<1x768xf32>
      %add3A_136 = vector.broadcast %get3A_135 : vector<1x768xf32> to vector<256x768xf32>
      %add3A_137 = arith.addf %add3A_130, %add3A_136 : vector<256x768xf32>
      %iota3A = tpu.iota {dimensions = array<i32: 0>} : vector<256x768xi32>
      %add3A_138 = arith.constant 768 : i32
      %add3A_139 = vector.broadcast %add3A_138 : i32 to vector<256x768xi32>
      %add3A_140 = arith.addi %add3A_139, %iota3A : vector<256x768xi32>
      %ge3A = vector.broadcast %get3A_0 : i32 to vector<256x768xi32>
      %ge3A_141 = arith.cmpi sge, %add3A_140, %ge3A : vector<256x768xi32>
      %lt3A_142 = vector.broadcast %get3A_3 : i32 to vector<256x768xi32>
      %lt3A_143 = arith.cmpi slt, %add3A_140, %lt3A_142 : vector<256x768xi32>
      %and3A_144 = arith.andi %ge3A_141, %lt3A_143 : vector<256x768xi1>
      %get3A_145 = arith.constant 768 : index
      %get3A_146 = arith.constant 0 : index
      %get3A_147 = vector.load %arg9[%get3A_145, %get3A_146] : memref<2048x768xf32, #tpu.memory_space<vmem>>, vector<256x768xf32>
      %jit3A = arith.constant 0.000000e+00 : f32
      %broadcast_in_dim3A = vector.broadcast %jit3A : f32 to vector<256x768xf32>
      %select_n3A = arith.select %and3A_144, %add3A_137, %broadcast_in_dim3A : vector<256x768xi1>, vector<256x768xf32>
      %add3A_148 = arith.addf %get3A_147, %select_n3A : vector<256x768xf32>
      %swap3A = arith.constant 768 : index
      %swap3A_149 = arith.constant 0 : index
      %swap3A_150 = vector.load %arg9[%swap3A, %swap3A_149] : memref<2048x768xf32, #tpu.memory_space<vmem>>, vector<256x768xf32>
      tpu.vector_store %arg9[%swap3A, %swap3A_149], %add3A_148 {strides = array<i32>} : memref<2048x768xf32, #tpu.memory_space<vmem>>, vector<256x768xf32>,
    } else {
    }
    %lt3A_59 = arith.constant 1280 : i32
    %lt3A_60 = arith.cmpi slt, %get3A_0, %lt3A_59 : i32
    %gt3A_61 = arith.constant 1024 : i32
    %gt3A_62 = arith.cmpi sgt, %get3A_3, %gt3A_61 : i32
    %and3A_63 = arith.andi %lt3A_60, %gt3A_62 : i1
    %convert_element_type3A_64 = arith.extui %and3A_63 : i1 to i32
    %cond3A_65 = arith.constant 0 : i32
    %cond3A_66 = arith.cmpi ne, %convert_element_type3A_64, %cond3A_65 : i32
    scf.if %cond3A_66 {
      %get3A_91 = arith.constant 1024 : index
      %get3A_92 = arith.constant 0 : index
      %get3A_93 = vector.load %arg2[%get3A_91, %get3A_92] : memref<2048x768xf32, #tpu.memory_space<vmem>>, vector<256x768xf32>
      %convert_element_type3A_94 = arith.truncf %get3A_93 : vector<256x768xf32> to vector<256x768xbf16>
      %dot_general3A = arith.constant dense<0.000000e+00> : vector<256x768xf32>
      %dot_general3A_95 = tpu.matmul %convert_element_type3A_94, %convert_element_type3A_11, %dot_general3A {dimension_numbers = #tpu.dot_dimension_numbers<[1], [0], [0], [1], [0, 0, 1, 1], [], []>, transpose_lhs_hint = false} : vector<256x768xbf16>, vector<768x768xbf16>, vector<256x768xf32> -> vector<256x768xf32>
      %get3A_96 = arith.constant 0 : index
      %get3A_97 = arith.constant 0 : index
      %get3A_98 = arith.constant 0 : index
      %get3A_99 = vector.load %arg5[%get3A_96, %get3A_97, %get3A_98] : memref<1x1x1536xf32, #tpu.memory_space<vmem>>, vector<1x1x768xf32>
      %get3A_100 = vector.shape_cast %get3A_99 : vector<1x1x768xf32> to vector<1x768xf32>
      %add3A_101 = vector.broadcast %get3A_100 : vector<1x768xf32> to vector<256x768xf32>
      %add3A_102 = arith.addf %dot_general3A_95, %add3A_101 : vector<256x768xf32>
      %dot_general3A_103 = arith.constant dense<0.000000e+00> : vector<256x768xf32>
      %dot_general3A_104 = tpu.matmul %convert_element_type3A_94, %convert_element_type3A_17, %dot_general3A_103 {dimension_numbers = #tpu.dot_dimension_numbers<[1], [0], [0], [1], [0, 0, 1, 1], [], []>, transpose_lhs_hint = false} : vector<256x768xbf16>, vector<768x768xbf16>, vector<256x768xf32> -> vector<256x768xf32>
      %get3A_105 = arith.constant 0 : index
      %get3A_106 = arith.constant 0 : index
      %get3A_107 = arith.constant 768 : index
      %get3A_108 = vector.load %arg5[%get3A_105, %get3A_106, %get3A_107] : memref<1x1x1536xf32, #tpu.memory_space<vmem>>, vector<1x1x768xf32>
      %get3A_109 = vector.shape_cast %get3A_108 : vector<1x1x768xf32> to vector<1x768xf32>
      %add3A_110 = vector.broadcast %get3A_109 : vector<1x768xf32> to vector<256x768xf32>
      %add3A_111 = arith.addf %dot_general3A_104, %add3A_110 : vector<256x768xf32>
      %logistic3A = arith.negf %add3A_102 : vector<256x768xf32>
      %logistic3A_112 = math.exp %logistic3A : vector<256x768xf32>
      %logistic3A_113 = arith.constant 1.000000e+00 : f32
      %logistic3A_114 = vector.broadcast %logistic3A_113 : f32 to vector<256x768xf32>
      %logistic3A_115 = arith.addf %logistic3A_114, %logistic3A_112 : vector<256x768xf32>
      %logistic3A_116 = arith.divf %logistic3A_114, %logistic3A_115 : vector<256x768xf32>
      %mul3A = arith.mulf %add3A_102, %logistic3A_116 : vector<256x768xf32>
      %convert_element_type3A_117 = arith.truncf %mul3A : vector<256x768xf32> to vector<256x768xbf16>
      %logistic3A_118 = arith.negf %add3A_111 : vector<256x768xf32>
      %logistic3A_119 = math.exp %logistic3A_118 : vector<256x768xf32>
      %logistic3A_120 = arith.constant 1.000000e+00 : f32
      %logistic3A_121 = vector.broadcast %logistic3A_120 : f32 to vector<256x768xf32>
      %logistic3A_122 = arith.addf %logistic3A_121, %logistic3A_119 : vector<256x768xf32>
      %logistic3A_123 = arith.divf %logistic3A_121, %logistic3A_122 : vector<256x768xf32>
      %mul3A_124 = arith.mulf %add3A_111, %logistic3A_123 : vector<256x768xf32>
      %convert_element_type3A_125 = arith.truncf %mul3A_124 : vector<256x768xf32> to vector<256x768xbf16>
      %dot_general3A_126 = arith.constant dense<0.000000e+00> : vector<256x768xf32>
      %dot_general3A_127 = tpu.matmul %convert_element_type3A_117, %convert_element_type3A_23, %dot_general3A_126 {dimension_numbers = #tpu.dot_dimension_numbers<[1], [0], [0], [1], [0, 0, 1, 1], [], []>, transpose_lhs_hint = false} : vector<256x768xbf16>, vector<768x768xbf16>, vector<256x768xf32> -> vector<256x768xf32>
      %dot_general3A_128 = arith.constant dense<0.000000e+00> : vector<256x768xf32>
      %dot_general3A_129 = tpu.matmul %convert_element_type3A_125, %convert_element_type3A_29, %dot_general3A_128 {dimension_numbers = #tpu.dot_dimension_numbers<[1], [0], [0], [1], [0, 0, 1, 1], [], []>, transpose_lhs_hint = false} : vector<256x768xbf16>, vector<768x768xbf16>, vector<256x768xf32> -> vector<256x768xf32>
      %add3A_130 = arith.addf %dot_general3A_127, %dot_general3A_129 : vector<256x768xf32>
      %get3A_131 = arith.constant 0 : index
      %get3A_132 = arith.constant 0 : index
      %get3A_133 = arith.constant 0 : index
      %get3A_134 = vector.load %arg8[%get3A_131, %get3A_132, %get3A_133] : memref<1x1x768xf32, #tpu.memory_space<vmem>>, vector<1x1x768xf32>
      %get3A_135 = vector.shape_cast %get3A_134 : vector<1x1x768xf32> to vector<1x768xf32>
      %add3A_136 = vector.broadcast %get3A_135 : vector<1x768xf32> to vector<256x768xf32>
      %add3A_137 = arith.addf %add3A_130, %add3A_136 : vector<256x768xf32>
      %iota3A = tpu.iota {dimensions = array<i32: 0>} : vector<256x768xi32>
      %add3A_138 = arith.constant 1024 : i32
      %add3A_139 = vector.broadcast %add3A_138 : i32 to vector<256x768xi32>
      %add3A_140 = arith.addi %add3A_139, %iota3A : vector<256x768xi32>
      %ge3A = vector.broadcast %get3A_0 : i32 to vector<256x768xi32>
      %ge3A_141 = arith.cmpi sge, %add3A_140, %ge3A : vector<256x768xi32>
      %lt3A_142 = vector.broadcast %get3A_3 : i32 to vector<256x768xi32>
      %lt3A_143 = arith.cmpi slt, %add3A_140, %lt3A_142 : vector<256x768xi32>
      %and3A_144 = arith.andi %ge3A_141, %lt3A_143 : vector<256x768xi1>
      %get3A_145 = arith.constant 1024 : index
      %get3A_146 = arith.constant 0 : index
      %get3A_147 = vector.load %arg9[%get3A_145, %get3A_146] : memref<2048x768xf32, #tpu.memory_space<vmem>>, vector<256x768xf32>
      %jit3A = arith.constant 0.000000e+00 : f32
      %broadcast_in_dim3A = vector.broadcast %jit3A : f32 to vector<256x768xf32>
      %select_n3A = arith.select %and3A_144, %add3A_137, %broadcast_in_dim3A : vector<256x768xi1>, vector<256x768xf32>
      %add3A_148 = arith.addf %get3A_147, %select_n3A : vector<256x768xf32>
      %swap3A = arith.constant 1024 : index
      %swap3A_149 = arith.constant 0 : index
      %swap3A_150 = vector.load %arg9[%swap3A, %swap3A_149] : memref<2048x768xf32, #tpu.memory_space<vmem>>, vector<256x768xf32>
      tpu.vector_store %arg9[%swap3A, %swap3A_149], %add3A_148 {strides = array<i32>} : memref<2048x768xf32, #tpu.memory_space<vmem>>, vector<256x768xf32>,
    } else {
    }
    %lt3A_67 = arith.constant 1536 : i32
    %lt3A_68 = arith.cmpi slt, %get3A_0, %lt3A_67 : i32
    %gt3A_69 = arith.constant 1280 : i32
    %gt3A_70 = arith.cmpi sgt, %get3A_3, %gt3A_69 : i32
    %and3A_71 = arith.andi %lt3A_68, %gt3A_70 : i1
    %convert_element_type3A_72 = arith.extui %and3A_71 : i1 to i32
    %cond3A_73 = arith.constant 0 : i32
    %cond3A_74 = arith.cmpi ne, %convert_element_type3A_72, %cond3A_73 : i32
    scf.if %cond3A_74 {
      %get3A_91 = arith.constant 1280 : index
      %get3A_92 = arith.constant 0 : index
      %get3A_93 = vector.load %arg2[%get3A_91, %get3A_92] : memref<2048x768xf32, #tpu.memory_space<vmem>>, vector<256x768xf32>
      %convert_element_type3A_94 = arith.truncf %get3A_93 : vector<256x768xf32> to vector<256x768xbf16>
      %dot_general3A = arith.constant dense<0.000000e+00> : vector<256x768xf32>
      %dot_general3A_95 = tpu.matmul %convert_element_type3A_94, %convert_element_type3A_11, %dot_general3A {dimension_numbers = #tpu.dot_dimension_numbers<[1], [0], [0], [1], [0, 0, 1, 1], [], []>, transpose_lhs_hint = false} : vector<256x768xbf16>, vector<768x768xbf16>, vector<256x768xf32> -> vector<256x768xf32>
      %get3A_96 = arith.constant 0 : index
      %get3A_97 = arith.constant 0 : index
      %get3A_98 = arith.constant 0 : index
      %get3A_99 = vector.load %arg5[%get3A_96, %get3A_97, %get3A_98] : memref<1x1x1536xf32, #tpu.memory_space<vmem>>, vector<1x1x768xf32>
      %get3A_100 = vector.shape_cast %get3A_99 : vector<1x1x768xf32> to vector<1x768xf32>
      %add3A_101 = vector.broadcast %get3A_100 : vector<1x768xf32> to vector<256x768xf32>
      %add3A_102 = arith.addf %dot_general3A_95, %add3A_101 : vector<256x768xf32>
      %dot_general3A_103 = arith.constant dense<0.000000e+00> : vector<256x768xf32>
      %dot_general3A_104 = tpu.matmul %convert_element_type3A_94, %convert_element_type3A_17, %dot_general3A_103 {dimension_numbers = #tpu.dot_dimension_numbers<[1], [0], [0], [1], [0, 0, 1, 1], [], []>, transpose_lhs_hint = false} : vector<256x768xbf16>, vector<768x768xbf16>, vector<256x768xf32> -> vector<256x768xf32>
      %get3A_105 = arith.constant 0 : index
      %get3A_106 = arith.constant 0 : index
      %get3A_107 = arith.constant 768 : index
      %get3A_108 = vector.load %arg5[%get3A_105, %get3A_106, %get3A_107] : memref<1x1x1536xf32, #tpu.memory_space<vmem>>, vector<1x1x768xf32>
      %get3A_109 = vector.shape_cast %get3A_108 : vector<1x1x768xf32> to vector<1x768xf32>
      %add3A_110 = vector.broadcast %get3A_109 : vector<1x768xf32> to vector<256x768xf32>
      %add3A_111 = arith.addf %dot_general3A_104, %add3A_110 : vector<256x768xf32>
      %logistic3A = arith.negf %add3A_102 : vector<256x768xf32>
      %logistic3A_112 = math.exp %logistic3A : vector<256x768xf32>
      %logistic3A_113 = arith.constant 1.000000e+00 : f32
      %logistic3A_114 = vector.broadcast %logistic3A_113 : f32 to vector<256x768xf32>
      %logistic3A_115 = arith.addf %logistic3A_114, %logistic3A_112 : vector<256x768xf32>
      %logistic3A_116 = arith.divf %logistic3A_114, %logistic3A_115 : vector<256x768xf32>
      %mul3A = arith.mulf %add3A_102, %logistic3A_116 : vector<256x768xf32>
      %convert_element_type3A_117 = arith.truncf %mul3A : vector<256x768xf32> to vector<256x768xbf16>
      %logistic3A_118 = arith.negf %add3A_111 : vector<256x768xf32>
      %logistic3A_119 = math.exp %logistic3A_118 : vector<256x768xf32>
      %logistic3A_120 = arith.constant 1.000000e+00 : f32
      %logistic3A_121 = vector.broadcast %logistic3A_120 : f32 to vector<256x768xf32>
      %logistic3A_122 = arith.addf %logistic3A_121, %logistic3A_119 : vector<256x768xf32>
      %logistic3A_123 = arith.divf %logistic3A_121, %logistic3A_122 : vector<256x768xf32>
      %mul3A_124 = arith.mulf %add3A_111, %logistic3A_123 : vector<256x768xf32>
      %convert_element_type3A_125 = arith.truncf %mul3A_124 : vector<256x768xf32> to vector<256x768xbf16>
      %dot_general3A_126 = arith.constant dense<0.000000e+00> : vector<256x768xf32>
      %dot_general3A_127 = tpu.matmul %convert_element_type3A_117, %convert_element_type3A_23, %dot_general3A_126 {dimension_numbers = #tpu.dot_dimension_numbers<[1], [0], [0], [1], [0, 0, 1, 1], [], []>, transpose_lhs_hint = false} : vector<256x768xbf16>, vector<768x768xbf16>, vector<256x768xf32> -> vector<256x768xf32>
      %dot_general3A_128 = arith.constant dense<0.000000e+00> : vector<256x768xf32>
      %dot_general3A_129 = tpu.matmul %convert_element_type3A_125, %convert_element_type3A_29, %dot_general3A_128 {dimension_numbers = #tpu.dot_dimension_numbers<[1], [0], [0], [1], [0, 0, 1, 1], [], []>, transpose_lhs_hint = false} : vector<256x768xbf16>, vector<768x768xbf16>, vector<256x768xf32> -> vector<256x768xf32>
      %add3A_130 = arith.addf %dot_general3A_127, %dot_general3A_129 : vector<256x768xf32>
      %get3A_131 = arith.constant 0 : index
      %get3A_132 = arith.constant 0 : index
      %get3A_133 = arith.constant 0 : index
      %get3A_134 = vector.load %arg8[%get3A_131, %get3A_132, %get3A_133] : memref<1x1x768xf32, #tpu.memory_space<vmem>>, vector<1x1x768xf32>
      %get3A_135 = vector.shape_cast %get3A_134 : vector<1x1x768xf32> to vector<1x768xf32>
      %add3A_136 = vector.broadcast %get3A_135 : vector<1x768xf32> to vector<256x768xf32>
      %add3A_137 = arith.addf %add3A_130, %add3A_136 : vector<256x768xf32>
      %iota3A = tpu.iota {dimensions = array<i32: 0>} : vector<256x768xi32>
      %add3A_138 = arith.constant 1280 : i32
      %add3A_139 = vector.broadcast %add3A_138 : i32 to vector<256x768xi32>
      %add3A_140 = arith.addi %add3A_139, %iota3A : vector<256x768xi32>
      %ge3A = vector.broadcast %get3A_0 : i32 to vector<256x768xi32>
      %ge3A_141 = arith.cmpi sge, %add3A_140, %ge3A : vector<256x768xi32>
      %lt3A_142 = vector.broadcast %get3A_3 : i32 to vector<256x768xi32>
      %lt3A_143 = arith.cmpi slt, %add3A_140, %lt3A_142 : vector<256x768xi32>
      %and3A_144 = arith.andi %ge3A_141, %lt3A_143 : vector<256x768xi1>
      %get3A_145 = arith.constant 1280 : index
      %get3A_146 = arith.constant 0 : index
      %get3A_147 = vector.load %arg9[%get3A_145, %get3A_146] : memref<2048x768xf32, #tpu.memory_space<vmem>>, vector<256x768xf32>
      %jit3A = arith.constant 0.000000e+00 : f32
      %broadcast_in_dim3A = vector.broadcast %jit3A : f32 to vector<256x768xf32>
      %select_n3A = arith.select %and3A_144, %add3A_137, %broadcast_in_dim3A : vector<256x768xi1>, vector<256x768xf32>
      %add3A_148 = arith.addf %get3A_147, %select_n3A : vector<256x768xf32>
      %swap3A = arith.constant 1280 : index
      %swap3A_149 = arith.constant 0 : index
      %swap3A_150 = vector.load %arg9[%swap3A, %swap3A_149] : memref<2048x768xf32, #tpu.memory_space<vmem>>, vector<256x768xf32>
      tpu.vector_store %arg9[%swap3A, %swap3A_149], %add3A_148 {strides = array<i32>} : memref<2048x768xf32, #tpu.memory_space<vmem>>, vector<256x768xf32>,
    } else {
    }
    %lt3A_75 = arith.constant 1792 : i32
    %lt3A_76 = arith.cmpi slt, %get3A_0, %lt3A_75 : i32
    %gt3A_77 = arith.constant 1536 : i32
    %gt3A_78 = arith.cmpi sgt, %get3A_3, %gt3A_77 : i32
    %and3A_79 = arith.andi %lt3A_76, %gt3A_78 : i1
    %convert_element_type3A_80 = arith.extui %and3A_79 : i1 to i32
    %cond3A_81 = arith.constant 0 : i32
    %cond3A_82 = arith.cmpi ne, %convert_element_type3A_80, %cond3A_81 : i32
    scf.if %cond3A_82 {
      %get3A_91 = arith.constant 1536 : index
      %get3A_92 = arith.constant 0 : index
      %get3A_93 = vector.load %arg2[%get3A_91, %get3A_92] : memref<2048x768xf32, #tpu.memory_space<vmem>>, vector<256x768xf32>
      %convert_element_type3A_94 = arith.truncf %get3A_93 : vector<256x768xf32> to vector<256x768xbf16>
      %dot_general3A = arith.constant dense<0.000000e+00> : vector<256x768xf32>
      %dot_general3A_95 = tpu.matmul %convert_element_type3A_94, %convert_element_type3A_11, %dot_general3A {dimension_numbers = #tpu.dot_dimension_numbers<[1], [0], [0], [1], [0, 0, 1, 1], [], []>, transpose_lhs_hint = false} : vector<256x768xbf16>, vector<768x768xbf16>, vector<256x768xf32> -> vector<256x768xf32>
      %get3A_96 = arith.constant 0 : index
      %get3A_97 = arith.constant 0 : index
      %get3A_98 = arith.constant 0 : index
      %get3A_99 = vector.load %arg5[%get3A_96, %get3A_97, %get3A_98] : memref<1x1x1536xf32, #tpu.memory_space<vmem>>, vector<1x1x768xf32>
      %get3A_100 = vector.shape_cast %get3A_99 : vector<1x1x768xf32> to vector<1x768xf32>
      %add3A_101 = vector.broadcast %get3A_100 : vector<1x768xf32> to vector<256x768xf32>
      %add3A_102 = arith.addf %dot_general3A_95, %add3A_101 : vector<256x768xf32>
      %dot_general3A_103 = arith.constant dense<0.000000e+00> : vector<256x768xf32>
      %dot_general3A_104 = tpu.matmul %convert_element_type3A_94, %convert_element_type3A_17, %dot_general3A_103 {dimension_numbers = #tpu.dot_dimension_numbers<[1], [0], [0], [1], [0, 0, 1, 1], [], []>, transpose_lhs_hint = false} : vector<256x768xbf16>, vector<768x768xbf16>, vector<256x768xf32> -> vector<256x768xf32>
      %get3A_105 = arith.constant 0 : index
      %get3A_106 = arith.constant 0 : index
      %get3A_107 = arith.constant 768 : index
      %get3A_108 = vector.load %arg5[%get3A_105, %get3A_106, %get3A_107] : memref<1x1x1536xf32, #tpu.memory_space<vmem>>, vector<1x1x768xf32>
      %get3A_109 = vector.shape_cast %get3A_108 : vector<1x1x768xf32> to vector<1x768xf32>
      %add3A_110 = vector.broadcast %get3A_109 : vector<1x768xf32> to vector<256x768xf32>
      %add3A_111 = arith.addf %dot_general3A_104, %add3A_110 : vector<256x768xf32>
      %logistic3A = arith.negf %add3A_102 : vector<256x768xf32>
      %logistic3A_112 = math.exp %logistic3A : vector<256x768xf32>
      %logistic3A_113 = arith.constant 1.000000e+00 : f32
      %logistic3A_114 = vector.broadcast %logistic3A_113 : f32 to vector<256x768xf32>
      %logistic3A_115 = arith.addf %logistic3A_114, %logistic3A_112 : vector<256x768xf32>
      %logistic3A_116 = arith.divf %logistic3A_114, %logistic3A_115 : vector<256x768xf32>
      %mul3A = arith.mulf %add3A_102, %logistic3A_116 : vector<256x768xf32>
      %convert_element_type3A_117 = arith.truncf %mul3A : vector<256x768xf32> to vector<256x768xbf16>
      %logistic3A_118 = arith.negf %add3A_111 : vector<256x768xf32>
      %logistic3A_119 = math.exp %logistic3A_118 : vector<256x768xf32>
      %logistic3A_120 = arith.constant 1.000000e+00 : f32
      %logistic3A_121 = vector.broadcast %logistic3A_120 : f32 to vector<256x768xf32>
      %logistic3A_122 = arith.addf %logistic3A_121, %logistic3A_119 : vector<256x768xf32>
      %logistic3A_123 = arith.divf %logistic3A_121, %logistic3A_122 : vector<256x768xf32>
      %mul3A_124 = arith.mulf %add3A_111, %logistic3A_123 : vector<256x768xf32>
      %convert_element_type3A_125 = arith.truncf %mul3A_124 : vector<256x768xf32> to vector<256x768xbf16>
      %dot_general3A_126 = arith.constant dense<0.000000e+00> : vector<256x768xf32>
      %dot_general3A_127 = tpu.matmul %convert_element_type3A_117, %convert_element_type3A_23, %dot_general3A_126 {dimension_numbers = #tpu.dot_dimension_numbers<[1], [0], [0], [1], [0, 0, 1, 1], [], []>, transpose_lhs_hint = false} : vector<256x768xbf16>, vector<768x768xbf16>, vector<256x768xf32> -> vector<256x768xf32>
      %dot_general3A_128 = arith.constant dense<0.000000e+00> : vector<256x768xf32>
      %dot_general3A_129 = tpu.matmul %convert_element_type3A_125, %convert_element_type3A_29, %dot_general3A_128 {dimension_numbers = #tpu.dot_dimension_numbers<[1], [0], [0], [1], [0, 0, 1, 1], [], []>, transpose_lhs_hint = false} : vector<256x768xbf16>, vector<768x768xbf16>, vector<256x768xf32> -> vector<256x768xf32>
      %add3A_130 = arith.addf %dot_general3A_127, %dot_general3A_129 : vector<256x768xf32>
      %get3A_131 = arith.constant 0 : index
      %get3A_132 = arith.constant 0 : index
      %get3A_133 = arith.constant 0 : index
      %get3A_134 = vector.load %arg8[%get3A_131, %get3A_132, %get3A_133] : memref<1x1x768xf32, #tpu.memory_space<vmem>>, vector<1x1x768xf32>
      %get3A_135 = vector.shape_cast %get3A_134 : vector<1x1x768xf32> to vector<1x768xf32>
      %add3A_136 = vector.broadcast %get3A_135 : vector<1x768xf32> to vector<256x768xf32>
      %add3A_137 = arith.addf %add3A_130, %add3A_136 : vector<256x768xf32>
      %iota3A = tpu.iota {dimensions = array<i32: 0>} : vector<256x768xi32>
      %add3A_138 = arith.constant 1536 : i32
      %add3A_139 = vector.broadcast %add3A_138 : i32 to vector<256x768xi32>
      %add3A_140 = arith.addi %add3A_139, %iota3A : vector<256x768xi32>
      %ge3A = vector.broadcast %get3A_0 : i32 to vector<256x768xi32>
      %ge3A_141 = arith.cmpi sge, %add3A_140, %ge3A : vector<256x768xi32>
      %lt3A_142 = vector.broadcast %get3A_3 : i32 to vector<256x768xi32>
      %lt3A_143 = arith.cmpi slt, %add3A_140, %lt3A_142 : vector<256x768xi32>
      %and3A_144 = arith.andi %ge3A_141, %lt3A_143 : vector<256x768xi1>
      %get3A_145 = arith.constant 1536 : index
      %get3A_146 = arith.constant 0 : index
      %get3A_147 = vector.load %arg9[%get3A_145, %get3A_146] : memref<2048x768xf32, #tpu.memory_space<vmem>>, vector<256x768xf32>
      %jit3A = arith.constant 0.000000e+00 : f32
      %broadcast_in_dim3A = vector.broadcast %jit3A : f32 to vector<256x768xf32>
      %select_n3A = arith.select %and3A_144, %add3A_137, %broadcast_in_dim3A : vector<256x768xi1>, vector<256x768xf32>
      %add3A_148 = arith.addf %get3A_147, %select_n3A : vector<256x768xf32>
      %swap3A = arith.constant 1536 : index
      %swap3A_149 = arith.constant 0 : index
      %swap3A_150 = vector.load %arg9[%swap3A, %swap3A_149] : memref<2048x768xf32, #tpu.memory_space<vmem>>, vector<256x768xf32>
      tpu.vector_store %arg9[%swap3A, %swap3A_149], %add3A_148 {strides = array<i32>} : memref<2048x768xf32, #tpu.memory_space<vmem>>, vector<256x768xf32>,
    } else {
    }
    %lt3A_83 = arith.constant 2048 : i32
    %lt3A_84 = arith.cmpi slt, %get3A_0, %lt3A_83 : i32
    %gt3A_85 = arith.constant 1792 : i32
    %gt3A_86 = arith.cmpi sgt, %get3A_3, %gt3A_85 : i32
    %and3A_87 = arith.andi %lt3A_84, %gt3A_86 : i1
    %convert_element_type3A_88 = arith.extui %and3A_87 : i1 to i32
    %cond3A_89 = arith.constant 0 : i32
    %cond3A_90 = arith.cmpi ne, %convert_element_type3A_88, %cond3A_89 : i32
    scf.if %cond3A_90 {
      %get3A_91 = arith.constant 1792 : index
      %get3A_92 = arith.constant 0 : index
      %get3A_93 = vector.load %arg2[%get3A_91, %get3A_92] : memref<2048x768xf32, #tpu.memory_space<vmem>>, vector<256x768xf32>
      %convert_element_type3A_94 = arith.truncf %get3A_93 : vector<256x768xf32> to vector<256x768xbf16>
      %dot_general3A = arith.constant dense<0.000000e+00> : vector<256x768xf32>
      %dot_general3A_95 = tpu.matmul %convert_element_type3A_94, %convert_element_type3A_11, %dot_general3A {dimension_numbers = #tpu.dot_dimension_numbers<[1], [0], [0], [1], [0, 0, 1, 1], [], []>, transpose_lhs_hint = false} : vector<256x768xbf16>, vector<768x768xbf16>, vector<256x768xf32> -> vector<256x768xf32>
      %get3A_96 = arith.constant 0 : index
      %get3A_97 = arith.constant 0 : index
      %get3A_98 = arith.constant 0 : index
      %get3A_99 = vector.load %arg5[%get3A_96, %get3A_97, %get3A_98] : memref<1x1x1536xf32, #tpu.memory_space<vmem>>, vector<1x1x768xf32>
      %get3A_100 = vector.shape_cast %get3A_99 : vector<1x1x768xf32> to vector<1x768xf32>
      %add3A_101 = vector.broadcast %get3A_100 : vector<1x768xf32> to vector<256x768xf32>
      %add3A_102 = arith.addf %dot_general3A_95, %add3A_101 : vector<256x768xf32>
      %dot_general3A_103 = arith.constant dense<0.000000e+00> : vector<256x768xf32>
      %dot_general3A_104 = tpu.matmul %convert_element_type3A_94, %convert_element_type3A_17, %dot_general3A_103 {dimension_numbers = #tpu.dot_dimension_numbers<[1], [0], [0], [1], [0, 0, 1, 1], [], []>, transpose_lhs_hint = false} : vector<256x768xbf16>, vector<768x768xbf16>, vector<256x768xf32> -> vector<256x768xf32>
      %get3A_105 = arith.constant 0 : index
      %get3A_106 = arith.constant 0 : index
      %get3A_107 = arith.constant 768 : index
      %get3A_108 = vector.load %arg5[%get3A_105, %get3A_106, %get3A_107] : memref<1x1x1536xf32, #tpu.memory_space<vmem>>, vector<1x1x768xf32>
      %get3A_109 = vector.shape_cast %get3A_108 : vector<1x1x768xf32> to vector<1x768xf32>
      %add3A_110 = vector.broadcast %get3A_109 : vector<1x768xf32> to vector<256x768xf32>
      %add3A_111 = arith.addf %dot_general3A_104, %add3A_110 : vector<256x768xf32>
      %logistic3A = arith.negf %add3A_102 : vector<256x768xf32>
      %logistic3A_112 = math.exp %logistic3A : vector<256x768xf32>
      %logistic3A_113 = arith.constant 1.000000e+00 : f32
      %logistic3A_114 = vector.broadcast %logistic3A_113 : f32 to vector<256x768xf32>
      %logistic3A_115 = arith.addf %logistic3A_114, %logistic3A_112 : vector<256x768xf32>
      %logistic3A_116 = arith.divf %logistic3A_114, %logistic3A_115 : vector<256x768xf32>
      %mul3A = arith.mulf %add3A_102, %logistic3A_116 : vector<256x768xf32>
      %convert_element_type3A_117 = arith.truncf %mul3A : vector<256x768xf32> to vector<256x768xbf16>
      %logistic3A_118 = arith.negf %add3A_111 : vector<256x768xf32>
      %logistic3A_119 = math.exp %logistic3A_118 : vector<256x768xf32>
      %logistic3A_120 = arith.constant 1.000000e+00 : f32
      %logistic3A_121 = vector.broadcast %logistic3A_120 : f32 to vector<256x768xf32>
      %logistic3A_122 = arith.addf %logistic3A_121, %logistic3A_119 : vector<256x768xf32>
      %logistic3A_123 = arith.divf %logistic3A_121, %logistic3A_122 : vector<256x768xf32>
      %mul3A_124 = arith.mulf %add3A_111, %logistic3A_123 : vector<256x768xf32>
      %convert_element_type3A_125 = arith.truncf %mul3A_124 : vector<256x768xf32> to vector<256x768xbf16>
      %dot_general3A_126 = arith.constant dense<0.000000e+00> : vector<256x768xf32>
      %dot_general3A_127 = tpu.matmul %convert_element_type3A_117, %convert_element_type3A_23, %dot_general3A_126 {dimension_numbers = #tpu.dot_dimension_numbers<[1], [0], [0], [1], [0, 0, 1, 1], [], []>, transpose_lhs_hint = false} : vector<256x768xbf16>, vector<768x768xbf16>, vector<256x768xf32> -> vector<256x768xf32>
      %dot_general3A_128 = arith.constant dense<0.000000e+00> : vector<256x768xf32>
      %dot_general3A_129 = tpu.matmul %convert_element_type3A_125, %convert_element_type3A_29, %dot_general3A_128 {dimension_numbers = #tpu.dot_dimension_numbers<[1], [0], [0], [1], [0, 0, 1, 1], [], []>, transpose_lhs_hint = false} : vector<256x768xbf16>, vector<768x768xbf16>, vector<256x768xf32> -> vector<256x768xf32>
      %add3A_130 = arith.addf %dot_general3A_127, %dot_general3A_129 : vector<256x768xf32>
      %get3A_131 = arith.constant 0 : index
      %get3A_132 = arith.constant 0 : index
      %get3A_133 = arith.constant 0 : index
      %get3A_134 = vector.load %arg8[%get3A_131, %get3A_132, %get3A_133] : memref<1x1x768xf32, #tpu.memory_space<vmem>>, vector<1x1x768xf32>
      %get3A_135 = vector.shape_cast %get3A_134 : vector<1x1x768xf32> to vector<1x768xf32>
      %add3A_136 = vector.broadcast %get3A_135 : vector<1x768xf32> to vector<256x768xf32>
      %add3A_137 = arith.addf %add3A_130, %add3A_136 : vector<256x768xf32>
      %iota3A = tpu.iota {dimensions = array<i32: 0>} : vector<256x768xi32>
      %add3A_138 = arith.constant 1792 : i32
      %add3A_139 = vector.broadcast %add3A_138 : i32 to vector<256x768xi32>
      %add3A_140 = arith.addi %add3A_139, %iota3A : vector<256x768xi32>
      %ge3A = vector.broadcast %get3A_0 : i32 to vector<256x768xi32>
      %ge3A_141 = arith.cmpi sge, %add3A_140, %ge3A : vector<256x768xi32>
      %lt3A_142 = vector.broadcast %get3A_3 : i32 to vector<256x768xi32>
      %lt3A_143 = arith.cmpi slt, %add3A_140, %lt3A_142 : vector<256x768xi32>
      %and3A_144 = arith.andi %ge3A_141, %lt3A_143 : vector<256x768xi1>
      %get3A_145 = arith.constant 1792 : index
      %get3A_146 = arith.constant 0 : index
      %get3A_147 = vector.load %arg9[%get3A_145, %get3A_146] : memref<2048x768xf32, #tpu.memory_space<vmem>>, vector<256x768xf32>
      %jit3A = arith.constant 0.000000e+00 : f32
      %broadcast_in_dim3A = vector.broadcast %jit3A : f32 to vector<256x768xf32>
      %select_n3A = arith.select %and3A_144, %add3A_137, %broadcast_in_dim3A : vector<256x768xi1>, vector<256x768xf32>
      %add3A_148 = arith.addf %get3A_147, %select_n3A : vector<256x768xf32>
      %swap3A = arith.constant 1792 : index
      %swap3A_149 = arith.constant 0 : index
      %swap3A_150 = vector.load %arg9[%swap3A, %swap3A_149] : memref<2048x768xf32, #tpu.memory_space<vmem>>, vector<256x768xf32>
      tpu.vector_store %arg9[%swap3A, %swap3A_149], %add3A_148 {strides = array<i32>} : memref<2048x768xf32, #tpu.memory_space<vmem>>, vector<256x768xf32>,
    } else {
    }
    return
  }
  func.func @transform_0(%arg0: i32, %arg1: memref<16xi32, #tpu.memory_space<smem>>) -> (i32, i32) {
    %c0_i32 = arith.constant 0 : i32
    %c0_i32_0 = arith.constant 0 : i32
    %c0_i32_1 = arith.constant 0 : i32
    return %c0_i32, %c0_i32_0 : i32, i32
  }
  func.func @transform_1(%arg0: i32, %arg1: memref<16xi32, #tpu.memory_space<smem>>) -> (i32, i32, i32) {
    %c0_i32 = arith.constant 0 : i32
    %c0_i32_0 = arith.constant 0 : i32
    %c0_i32_1 = arith.constant 0 : i32
    return %arg0, %c0_i32, %c0_i32_0 : i32, i32, i32
  }
  func.func @transform_2(%arg0: i32, %arg1: memref<16xi32, #tpu.memory_space<smem>>) -> (i32, i32, i32) {
    %c0_i32 = arith.constant 0 : i32
    %c1_i32 = arith.constant 1 : i32
    %c0_i32_0 = arith.constant 0 : i32
    return %arg0, %c0_i32, %c1_i32 : i32, i32, i32
  }
  func.func @transform_3(%arg0: i32, %arg1: memref<16xi32, #tpu.memory_space<smem>>) -> (i32, i32, i32) {
    %c0_i32 = arith.constant 0 : i32
    %c0_i32_0 = arith.constant 0 : i32
    %c0_i32_1 = arith.constant 0 : i32
    return %arg0, %c0_i32, %c0_i32_0 : i32, i32, i32
  }
  func.func @transform_4(%arg0: i32, %arg1: memref<16xi32, #tpu.memory_space<smem>>) -> (i32, i32, i32) {
    %c0_i32 = arith.constant 0 : i32
    %c0_i32_0 = arith.constant 0 : i32
    %c0_i32_1 = arith.constant 0 : i32
    return %arg0, %c0_i32, %c0_i32_0 : i32, i32, i32
  }
  func.func @transform_5(%arg0: i32, %arg1: memref<16xi32, #tpu.memory_space<smem>>) -> (i32, i32, i32) {
    %c1_i32 = arith.constant 1 : i32
    %c0_i32 = arith.constant 0 : i32
    %c0_i32_0 = arith.constant 0 : i32
    return %arg0, %c1_i32, %c0_i32 : i32, i32, i32
  }
  func.func @transform_6(%arg0: i32, %arg1: memref<16xi32, #tpu.memory_space<smem>>) -> (i32, i32, i32) {
    %c0_i32 = arith.constant 0 : i32
    %c0_i32_0 = arith.constant 0 : i32
    %c0_i32_1 = arith.constant 0 : i32
    return %arg0, %c0_i32, %c0_i32_0 : i32, i32, i32
  }
  func.func @transform_7(%arg0: i32, %arg1: memref<16xi32, #tpu.memory_space<smem>>) -> (i32, i32) {
    %c0_i32 = arith.constant 0 : i32
    %c0_i32_0 = arith.constant 0 : i32
    %c0_i32_1 = arith.constant 0 : i32
    return %c0_i32, %c0_i32_0 : i32, i32
  }
}

module attributes {stable_mosaic.version = 14 : i64} {
  func.func @_combine_qkv_kernel(%arg0: i32, %arg1: memref<256x768xf32, #tpu.memory_space<vmem>>, %arg2: memref<256x768xf32, #tpu.memory_space<vmem>>, %arg3: memref<1x1x256xf32, #tpu.memory_space<vmem>>, %arg4: memref<1x768xf32, #tpu.memory_space<vmem>>, %arg5: memref<768x2304xbf16, #tpu.memory_space<vmem>>, %arg6: memref<256x768xf32, #tpu.memory_space<vmem>>, %arg7: memref<256x768xbf16, #tpu.memory_space<vmem>>, %arg8: memref<256x768xbf16, #tpu.memory_space<vmem>>, %arg9: memref<256x768xbf16, #tpu.memory_space<vmem>>) attributes {dimension_semantics = [#tpu.dimension_semantics<arbitrary>], iteration_bounds = array<i64: 8>, scalar_prefetch = 0 : i64, scratch_operands = 0 : i64, tpu.core_type = #tpu.core_type<tc>, window_params = [{transform_indices = @transform_0, window_bounds = array<i64: 256, 768>}, {transform_indices = @transform_1, window_bounds = array<i64: 256, 768>}, {transform_indices = @transform_2, window_bounds = array<i64: 1, 1, 256>}, {pipeline_mode = #tpu.pipeline_mode<synchronous>, transform_indices = @transform_3, window_bounds = array<i64: 1, 768>}, {pipeline_mode = #tpu.pipeline_mode<synchronous>, transform_indices = @transform_4, window_bounds = array<i64: 768, 2304>}, {transform_indices = @transform_5, window_bounds = array<i64: 256, 768>}, {transform_indices = @transform_6, window_bounds = array<i64: 256, 768>}, {transform_indices = @transform_7, window_bounds = array<i64: 256, 768>}, {transform_indices = @transform_8, window_bounds = array<i64: 256, 768>}]} {
    %get3A = arith.constant 0 : index
    %get3A_0 = arith.constant 0 : index
    %get3A_1 = vector.load %arg1[%get3A, %get3A_0] : memref<256x768xf32, #tpu.memory_space<vmem>>, vector<256x768xf32>
    %get3A_2 = arith.constant 0 : index
    %get3A_3 = arith.constant 0 : index
    %get3A_4 = vector.load %arg2[%get3A_2, %get3A_3] : memref<256x768xf32, #tpu.memory_space<vmem>>, vector<256x768xf32>
    %get3A_5 = arith.constant 0 : index
    %get3A_6 = arith.constant 0 : index
    %get3A_7 = arith.constant 0 : index
    %get3A_8 = vector.load %arg3[%get3A_5, %get3A_6, %get3A_7] : memref<1x1x256xf32, #tpu.memory_space<vmem>>, vector<1x1x256xf32>
    %get3A_9 = vector.shape_cast %get3A_8 : vector<1x1x256xf32> to vector<256xf32>
    %broadcast_in_dim3A = vector.shape_cast %get3A_9 : vector<256xf32> to vector<256x1xf32>
    %mul3A = vector.broadcast %broadcast_in_dim3A : vector<256x1xf32> to vector<256x768xf32>
    %mul3A_10 = arith.mulf %get3A_4, %mul3A : vector<256x768xf32>
    %add3A = arith.addf %get3A_1, %mul3A_10 : vector<256x768xf32>
    %swap3A = arith.constant 0 : index
    %swap3A_11 = arith.constant 0 : index
    %swap3A_12 = vector.load %arg6[%swap3A, %swap3A_11] : memref<256x768xf32, #tpu.memory_space<vmem>>, vector<256x768xf32>
    tpu.vector_store %arg6[%swap3A, %swap3A_11], %add3A {strides = array<i32>} : memref<256x768xf32, #tpu.memory_space<vmem>>, vector<256x768xf32>,
    %get3A_13 = arith.constant 0 : index
    %get3A_14 = arith.constant 0 : index
    %get3A_15 = vector.load %arg4[%get3A_13, %get3A_14] : memref<1x768xf32, #tpu.memory_space<vmem>>, vector<1x768xf32>
    %mul3A_16 = arith.mulf %add3A, %add3A : vector<256x768xf32>
    %reduce_sum3A = arith.constant dense<0.000000e+00> : vector<256xf32>
    %reduce_sum3A_17 = vector.multi_reduction <add>, %mul3A_16, %reduce_sum3A [1] : vector<256x768xf32> to vector<256xf32>
    %broadcast_in_dim3A_18 = vector.shape_cast %reduce_sum3A_17 : vector<256xf32> to vector<256x1xf32>
    %div3A = arith.constant 7.680000e+02 : f32
    %div3A_19 = vector.broadcast %div3A : f32 to vector<256x1xf32>
    %div3A_20 = arith.divf %broadcast_in_dim3A_18, %div3A_19 : vector<256x1xf32>
    %add3A_21 = arith.constant 9.99999997E-7 : f32
    %add3A_22 = vector.broadcast %add3A_21 : f32 to vector<256x1xf32>
    %add3A_23 = arith.addf %div3A_20, %add3A_22 : vector<256x1xf32>
    %rsqrt3A = math.rsqrt %add3A_23 : vector<256x1xf32>
    %mul3A_24 = vector.broadcast %rsqrt3A : vector<256x1xf32> to vector<256x768xf32>
    %mul3A_25 = arith.mulf %add3A, %mul3A_24 : vector<256x768xf32>
    %mul3A_26 = vector.broadcast %get3A_15 : vector<1x768xf32> to vector<256x768xf32>
    %mul3A_27 = arith.mulf %mul3A_25, %mul3A_26 : vector<256x768xf32>
    %get3A_28 = arith.constant 0 : index
    %get3A_29 = arith.constant 0 : index
    %get3A_30 = vector.load %arg5[%get3A_28, %get3A_29] : memref<768x2304xbf16, #tpu.memory_space<vmem>>, vector<768x2304xbf16>
    %convert_element_type3A = arith.truncf %mul3A_27 : vector<256x768xf32> to vector<256x768xbf16>
    %dot_general3A = arith.constant dense<0.000000e+00> : vector<256x2304xf32>
    %dot_general3A_31 = tpu.matmul %convert_element_type3A, %get3A_30, %dot_general3A {dimension_numbers = #tpu.dot_dimension_numbers<[1], [0], [0], [1], [0, 0, 1, 1], [], []>, transpose_lhs_hint = false} : vector<256x768xbf16>, vector<768x2304xbf16>, vector<256x2304xf32> -> vector<256x2304xf32>
    %slice3A = vector.extract_strided_slice %dot_general3A_31 {offsets = [0, 0], sizes = [256, 768], strides = [1, 1]} : vector<256x2304xf32> to vector<256x768xf32>
    %mul3A_32 = arith.constant 1.250000e-01 : f32
    %mul3A_33 = vector.broadcast %mul3A_32 : f32 to vector<256x768xf32>
    %mul3A_34 = arith.mulf %slice3A, %mul3A_33 : vector<256x768xf32>
    %convert_element_type3A_35 = arith.truncf %mul3A_34 : vector<256x768xf32> to vector<256x768xbf16>
    %swap3A_36 = arith.constant 0 : index
    %swap3A_37 = arith.constant 0 : index
    %swap3A_38 = vector.load %arg7[%swap3A_36, %swap3A_37] : memref<256x768xbf16, #tpu.memory_space<vmem>>, vector<256x768xbf16>
    tpu.vector_store %arg7[%swap3A_36, %swap3A_37], %convert_element_type3A_35 {strides = array<i32>} : memref<256x768xbf16, #tpu.memory_space<vmem>>, vector<256x768xbf16>,
    %slice3A_39 = vector.extract_strided_slice %dot_general3A_31 {offsets = [0, 768], sizes = [256, 768], strides = [1, 1]} : vector<256x2304xf32> to vector<256x768xf32>
    %convert_element_type3A_40 = arith.truncf %slice3A_39 : vector<256x768xf32> to vector<256x768xbf16>
    %swap3A_41 = arith.constant 0 : index
    %swap3A_42 = arith.constant 0 : index
    %swap3A_43 = vector.load %arg8[%swap3A_41, %swap3A_42] : memref<256x768xbf16, #tpu.memory_space<vmem>>, vector<256x768xbf16>
    tpu.vector_store %arg8[%swap3A_41, %swap3A_42], %convert_element_type3A_40 {strides = array<i32>} : memref<256x768xbf16, #tpu.memory_space<vmem>>, vector<256x768xbf16>,
    %slice3A_44 = vector.extract_strided_slice %dot_general3A_31 {offsets = [0, 1536], sizes = [256, 768], strides = [1, 1]} : vector<256x2304xf32> to vector<256x768xf32>
    %convert_element_type3A_45 = arith.truncf %slice3A_44 : vector<256x768xf32> to vector<256x768xbf16>
    %swap3A_46 = arith.constant 0 : index
    %swap3A_47 = arith.constant 0 : index
    %swap3A_48 = vector.load %arg9[%swap3A_46, %swap3A_47] : memref<256x768xbf16, #tpu.memory_space<vmem>>, vector<256x768xbf16>
    tpu.vector_store %arg9[%swap3A_46, %swap3A_47], %convert_element_type3A_45 {strides = array<i32>} : memref<256x768xbf16, #tpu.memory_space<vmem>>, vector<256x768xbf16>,
    return
  }
  func.func @transform_0(%arg0: i32) -> (i32, i32) {
    %c0_i32 = arith.constant 0 : i32
    %c0_i32_0 = arith.constant 0 : i32
    return %arg0, %c0_i32 : i32, i32
  }
  func.func @transform_1(%arg0: i32) -> (i32, i32) {
    %c0_i32 = arith.constant 0 : i32
    %c0_i32_0 = arith.constant 0 : i32
    return %arg0, %c0_i32 : i32, i32
  }
  func.func @transform_2(%arg0: i32) -> (i32, i32, i32) {
    %c0_i32 = arith.constant 0 : i32
    %c0_i32_0 = arith.constant 0 : i32
    %c0_i32_1 = arith.constant 0 : i32
    return %arg0, %c0_i32, %c0_i32_0 : i32, i32, i32
  }
  func.func @transform_3(%arg0: i32) -> (i32, i32) {
    %c0_i32 = arith.constant 0 : i32
    %c0_i32_0 = arith.constant 0 : i32
    %c0_i32_1 = arith.constant 0 : i32
    return %c0_i32, %c0_i32_0 : i32, i32
  }
  func.func @transform_4(%arg0: i32) -> (i32, i32) {
    %c0_i32 = arith.constant 0 : i32
    %c0_i32_0 = arith.constant 0 : i32
    %c0_i32_1 = arith.constant 0 : i32
    return %c0_i32, %c0_i32_0 : i32, i32
  }
  func.func @transform_5(%arg0: i32) -> (i32, i32) {
    %c0_i32 = arith.constant 0 : i32
    %c0_i32_0 = arith.constant 0 : i32
    return %arg0, %c0_i32 : i32, i32
  }
  func.func @transform_6(%arg0: i32) -> (i32, i32) {
    %c0_i32 = arith.constant 0 : i32
    %c0_i32_0 = arith.constant 0 : i32
    return %arg0, %c0_i32 : i32, i32
  }
  func.func @transform_7(%arg0: i32) -> (i32, i32) {
    %c0_i32 = arith.constant 0 : i32
    %c0_i32_0 = arith.constant 0 : i32
    return %arg0, %c0_i32 : i32, i32
  }
  func.func @transform_8(%arg0: i32) -> (i32, i32) {
    %c0_i32 = arith.constant 0 : i32
    %c0_i32_0 = arith.constant 0 : i32
    return %arg0, %c0_i32 : i32, i32
  }
}

module attributes {stable_mosaic.version = 14 : i64} {
  func.func @_combine_kernel_final(%arg0: i32, %arg1: memref<256x768xf32, #tpu.memory_space<vmem>>, %arg2: memref<256x768xf32, #tpu.memory_space<vmem>>, %arg3: memref<1x1x256xf32, #tpu.memory_space<vmem>>, %arg4: memref<1x768xf32, #tpu.memory_space<vmem>>, %arg5: memref<256x768xf32, #tpu.memory_space<vmem>>) attributes {dimension_semantics = [#tpu.dimension_semantics<arbitrary>], iteration_bounds = array<i64: 8>, scalar_prefetch = 0 : i64, scratch_operands = 0 : i64, tpu.core_type = #tpu.core_type<tc>, window_params = [{transform_indices = @transform_0, window_bounds = array<i64: 256, 768>}, {transform_indices = @transform_1, window_bounds = array<i64: 256, 768>}, {transform_indices = @transform_2, window_bounds = array<i64: 1, 1, 256>}, {pipeline_mode = #tpu.pipeline_mode<synchronous>, transform_indices = @transform_3, window_bounds = array<i64: 1, 768>}, {transform_indices = @transform_4, window_bounds = array<i64: 256, 768>}]} {
    %get3A = arith.constant 0 : index
    %get3A_0 = arith.constant 0 : index
    %get3A_1 = vector.load %arg1[%get3A, %get3A_0] : memref<256x768xf32, #tpu.memory_space<vmem>>, vector<256x768xf32>
    %get3A_2 = arith.constant 0 : index
    %get3A_3 = arith.constant 0 : index
    %get3A_4 = vector.load %arg2[%get3A_2, %get3A_3] : memref<256x768xf32, #tpu.memory_space<vmem>>, vector<256x768xf32>
    %get3A_5 = arith.constant 0 : index
    %get3A_6 = arith.constant 0 : index
    %get3A_7 = arith.constant 0 : index
    %get3A_8 = vector.load %arg3[%get3A_5, %get3A_6, %get3A_7] : memref<1x1x256xf32, #tpu.memory_space<vmem>>, vector<1x1x256xf32>
    %get3A_9 = vector.shape_cast %get3A_8 : vector<1x1x256xf32> to vector<256xf32>
    %broadcast_in_dim3A = vector.shape_cast %get3A_9 : vector<256xf32> to vector<256x1xf32>
    %mul3A = vector.broadcast %broadcast_in_dim3A : vector<256x1xf32> to vector<256x768xf32>
    %mul3A_10 = arith.mulf %get3A_4, %mul3A : vector<256x768xf32>
    %add3A = arith.addf %get3A_1, %mul3A_10 : vector<256x768xf32>
    %get3A_11 = arith.constant 0 : index
    %get3A_12 = arith.constant 0 : index
    %get3A_13 = vector.load %arg4[%get3A_11, %get3A_12] : memref<1x768xf32, #tpu.memory_space<vmem>>, vector<1x768xf32>
    %mul3A_14 = arith.mulf %add3A, %add3A : vector<256x768xf32>
    %reduce_sum3A = arith.constant dense<0.000000e+00> : vector<256xf32>
    %reduce_sum3A_15 = vector.multi_reduction <add>, %mul3A_14, %reduce_sum3A [1] : vector<256x768xf32> to vector<256xf32>
    %broadcast_in_dim3A_16 = vector.shape_cast %reduce_sum3A_15 : vector<256xf32> to vector<256x1xf32>
    %div3A = arith.constant 7.680000e+02 : f32
    %div3A_17 = vector.broadcast %div3A : f32 to vector<256x1xf32>
    %div3A_18 = arith.divf %broadcast_in_dim3A_16, %div3A_17 : vector<256x1xf32>
    %add3A_19 = arith.constant 9.99999997E-7 : f32
    %add3A_20 = vector.broadcast %add3A_19 : f32 to vector<256x1xf32>
    %add3A_21 = arith.addf %div3A_18, %add3A_20 : vector<256x1xf32>
    %rsqrt3A = math.rsqrt %add3A_21 : vector<256x1xf32>
    %mul3A_22 = vector.broadcast %rsqrt3A : vector<256x1xf32> to vector<256x768xf32>
    %mul3A_23 = arith.mulf %add3A, %mul3A_22 : vector<256x768xf32>
    %mul3A_24 = vector.broadcast %get3A_13 : vector<1x768xf32> to vector<256x768xf32>
    %mul3A_25 = arith.mulf %mul3A_23, %mul3A_24 : vector<256x768xf32>
    %swap3A = arith.constant 0 : index
    %swap3A_26 = arith.constant 0 : index
    %swap3A_27 = vector.load %arg5[%swap3A, %swap3A_26] : memref<256x768xf32, #tpu.memory_space<vmem>>, vector<256x768xf32>
    tpu.vector_store %arg5[%swap3A, %swap3A_26], %mul3A_25 {strides = array<i32>} : memref<256x768xf32, #tpu.memory_space<vmem>>, vector<256x768xf32>,
    return
  }
  func.func @transform_0(%arg0: i32) -> (i32, i32) {
    %c0_i32 = arith.constant 0 : i32
    %c0_i32_0 = arith.constant 0 : i32
    return %arg0, %c0_i32 : i32, i32
  }
  func.func @transform_1(%arg0: i32) -> (i32, i32) {
    %c0_i32 = arith.constant 0 : i32
    %c0_i32_0 = arith.constant 0 : i32
    return %arg0, %c0_i32 : i32, i32
  }
  func.func @transform_2(%arg0: i32) -> (i32, i32, i32) {
    %c0_i32 = arith.constant 0 : i32
    %c0_i32_0 = arith.constant 0 : i32
    %c0_i32_1 = arith.constant 0 : i32
    return %arg0, %c0_i32, %c0_i32_0 : i32, i32, i32
  }
  func.func @transform_3(%arg0: i32) -> (i32, i32) {
    %c0_i32 = arith.constant 0 : i32
    %c0_i32_0 = arith.constant 0 : i32
    %c0_i32_1 = arith.constant 0 : i32
    return %c0_i32, %c0_i32_0 : i32, i32
  }
  func.func @transform_4(%arg0: i32) -> (i32, i32) {
    %c0_i32 = arith.constant 0 : i32
    %c0_i32_0 = arith.constant 0 : i32
    return %arg0, %c0_i32 : i32, i32
  }
}

</mosaic_0001>

<sc_bundles>
// kernel: kernel.24.cloned.1.call-start
scs
__scs_entry_jumppad:
0x0: {  	(pc) =	sbr.rel $0x88, $3  }
0x1: {  	(tag) =	ssettag $0x0;
	lr =	simm.s32 $0x1  }
0x2: {  	[smem:$0x3F8D] =	sst lr;
	_ =	strace $0xD0000000  }
0x3: {  	_ = 	snop  }
0x4: {  	_ = 	snop  }
0x5: {  	_ = 	snop  }
0x6: {  	_ = 	snop  }
0x7: {  	_ = 	snop  }
__scs_overlays_trampoline_lowered:
0x8: {  	[smem:$0x3F9C] =	sst s0  }
0x9: {  	[smem:$0x3F9D] =	sst s1  }
0xa: {  	[smem:$0x3F9E] =	sst s2  }
0xb: {  	[smem:$0x3F9F] =	sst s3  }
0xc: {  	[smem:$0x3FA0] =	sst s4  }
0xd: {  	[smem:$0x3FA1] =	sst s5  }
0xe: {  	[smem:$0x3FA2] =	sst s6  }
0xf: {  	[smem:$0x3FA3] =	sst s7  }
0x10: {  	[smem:$0x3FA4] =	sst s8  }
0x11: {  	[smem:$0x3FA5] =	sst s9;
	s0 =	simm.s32 @!p0 $0x0  }
0x12: {  	s1 =	sld [smem:$0x3F8B];
	s0 =	simm.s32 @p0 $0x1  }
0x13: {  	[smem:$0x3FA6] =	sst s0;
	s0 =	simm.s32 @!p1 $0x0  }
0x14: {  	s2 =	sld [smem:$0x3F8A];
	s0 =	simm.s32 @p1 $0x1  }
0x15: {  	[smem:$0x3FA7] =	sst s0;
	s0 =	simm.s32 @!p2 $0x0  }
0x16: {  	s3 =	sld [smem:$0x3FDB];
	s0 =	simm.s32 @p2 $0x1  }
0x17: {  	s4 =	simm.s32 $0x1BF5;
	[smem:$0x3FA9] =	sst s0  }
0x18: {  	s0 =	sld [smem:$0x3F8C];
	_ =	swait.ge [sflag:s4], $0x0  }
0x19: {  	s7 =	sld [smem:$0x3F8D]  }
0x1a: {  	s8 =	sadd.s32 $0xFFFFE003, lr  }
0x1b: {  	s9 =	sadd.s32 $0xFFFFFEF7, lr;
	s5 =	simm.s32 $0xFFFFFFFF;
	p2 =	slt.u32 s8, $0xFFFFF086  }
0x1c: {  	p1 =	slt.u32 s9, $0xF7A;
	s5 =	simm.s32 @!p2 $0x0  }
0x1d: {  	s5 =	simm.s32 @p1 $0x1;
	p0 =	seq.s32 s7, s2  }
0x1e: {  	s7 =	smul.u32 @!p0 $0xF7A, s2;
	p2 =	seq.s32 @!p0 s5, $0x0  }
0x1f: {  	s9 =	smul.u32 $0xF7A, s1;
	s8 =	simm.s32 @!p0 $0x1BF5;
	p2 =	por !p2, p0  }
0x20: {  	[sflag:s8] =	ssyncset.s32 @!p0 $0xFFFFF086;
	s6 =	sadd.s32 @!p0 s3, s7;
	s7 =	simm.s32 @!p0 $0x108  }
0x21: {  	s3 =	sadd.s32 s3, s9;
	s6 =	sadd.s32 @!p0 $0x88, s6;
	s7 =	simm.s32 @p2 $0x1082  }
0x22: {  	[simem:s7], [sflag:s8] =	dma.local @!p0 [hbm:s6], $0xF7A  }
0x23: {  	s9 =	sor.u32 $0xD0000000, s2;
	s6 =	simm.s32 $0x108;
	_ =	swait.ge @!p0 [sflag:s8], $0x0  }
0x24: {  	s3 =	sadd.s32 $0x88, s3;
	s6 =	simm.s32 @!p1 $0x1082;
	[sflag:s4] =	ssyncset.s32 $0xFFFFF086  }
0x25: {  	[simem:s6], [sflag:s4] =	dma.local [hbm:s3], $0xF7A  }
0x26: {  	[smem:$0x3F8D] =	sst s1;
	(tag) =	ssettag s2;
	_ =	strace s9  }
0x27: {  	s1 =	sld [smem:$0x3F9D]  }
0x28: {  	s2 =	sld [smem:$0x3F9E]  }
0x29: {  	s4 =	sld [smem:$0x3FA0]  }
0x2a: {  	p0 =	seq.s32 s5, $0x0;
	s5 =	sld [smem:$0x3FA1]  }
0x2b: {  	s6 =	sld [smem:$0x3FA2]  }
0x2c: {  	s7 =	sld [smem:$0x3FA3]  }
0x2d: {  	s3 =	simm.s32 $0x108;
	s8 =	sld [smem:$0x3FA4]  }
0x2e: {  	s3 =	simm.s32 @!p0 $0x1082;
	s9 =	sld [smem:$0x3FA5]  }
0x2f: {  	lr =	sadd.s32 s0, s3;
	s0 =	sld [smem:$0x3F9C]  }
0x30: {  	s3 =	sld [smem:$0x3F9F]  }
0x31: {  	[smem:$0x3FA8] =	sst s10  }
0x32: {  	s10 =	sld [smem:$0x3FA6];
	_ =	sdelay $0x3  }
0x33: {  	p0 =	seq.s32 s10, $0x1;
	s10 =	sld [smem:$0x3FA8];
	_ =	sdelay $0x3  }
0x34: {  	[smem:$0x3FA8] =	sst s10  }
0x35: {  	s10 =	sld [smem:$0x3FA7];
	_ =	sdelay $0x3  }
0x36: {  	p1 =	seq.s32 s10, $0x1;
	s10 =	sld [smem:$0x3FA8];
	_ =	sdelay $0x3  }
0x37: {  	[smem:$0x3FA8] =	sst s10  }
0x38: {  	s10 =	sld [smem:$0x3FA9]  }
0x39: {  	_ = 	snop;
	(pc) =	sbr.ind lr, $3  }
0x3a: {  	_ = 	snop  }
0x3b: {  	_ = 	snop  }
0x3c: {  	p2 =	seq.s32 s10, $0x1;
	s10 =	sld [smem:$0x3FA8]  }
0x3d: {  	_ =	shalt  }
0x3e: {  	_ =	shalt  }
0x3f: {  	_ =	shalt  }
0x40: {  	_ =	shalt  }
0x41: {  	_ =	shalt  }
0x42: {  	_ =	shalt  }
0x43: {  	_ =	shalt  }
0x44: {  	_ =	shalt  }
0x45: {  	_ =	shalt  }
0x46: {  	_ =	shalt  }
0x47: {  	_ =	shalt  }
0x48: {  	_ =	shalt  }
0x49: {  	_ =	shalt  }
0x4a: {  	_ =	shalt  }
0x4b: {  	_ =	shalt  }
0x4c: {  	_ =	shalt  }
0x4d: {  	_ =	shalt  }
0x4e: {  	_ =	shalt  }
0x4f: {  	_ =	shalt  }
0x50: {  	_ =	shalt  }
0x51: {  	_ =	shalt  }
0x52: {  	_ =	shalt  }
0x53: {  	_ =	shalt  }
0x54: {  	_ =	shalt  }
0x55: {  	_ =	shalt  }
0x56: {  	_ =	shalt  }
0x57: {  	_ =	shalt  }
0x58: {  	_ =	shalt  }
0x59: {  	_ =	shalt  }
0x5a: {  	_ =	shalt  }
0x5b: {  	_ =	shalt  }
0x5c: {  	_ =	shalt  }
0x5d: {  	_ =	shalt  }
0x5e: {  	_ =	shalt  }
0x5f: {  	_ =	shalt  }
0x60: {  	_ =	shalt  }
0x61: {  	_ =	shalt  }
0x62: {  	_ =	shalt  }
0x63: {  	_ =	shalt  }
0x64: {  	_ =	shalt  }
0x65: {  	_ =	shalt  }
0x66: {  	_ =	shalt  }
0x67: {  	_ =	shalt  }
0x68: {  	_ =	shalt  }
0x69: {  	_ =	shalt  }
0x6a: {  	_ =	shalt  }
0x6b: {  	_ =	shalt  }
0x6c: {  	_ =	shalt  }
0x6d: {  	_ =	shalt  }
0x6e: {  	_ =	shalt  }
0x6f: {  	_ =	shalt  }
0x70: {  	_ =	shalt  }
0x71: {  	_ =	shalt  }
0x72: {  	_ =	shalt  }
0x73: {  	_ =	shalt  }
0x74: {  	_ =	shalt  }
0x75: {  	_ =	shalt  }
0x76: {  	_ =	shalt  }
0x77: {  	_ =	shalt  }
0x78: {  	_ =	shalt  }
0x79: {  	_ =	shalt  }
0x7a: {  	_ =	shalt  }
0x7b: {  	_ =	shalt  }
0x7c: {  	_ =	shalt  }
0x7d: {  	_ =	shalt  }
0x7e: {  	_ =	shalt  }
0x7f: {  	_ =	shalt  }
0x80: {  	_ =	shalt  }
0x81: {  	_ =	shalt  }
0x82: {  	_ =	shalt  }
0x83: {  	_ =	shalt  }
0x84: {  	_ =	shalt  }
0x85: {  	_ =	shalt  }
0x86: {  	_ =	shalt  }
0x87: {  	_ =	shalt  }
.Lfunc_end0:
.L_simem_size_0:
called_computation_lowered:
.L_overlay_start_0:
0x88: {  	s2 =	sld [smem:$0x3FD9]  }
0x89: {  	s3 =	sld [smem:$0x3FFE];
	_ =	sdelay $0x1  }
0x8a: {  	s1 =	srdreg.scid  }
0x8b: {  	s0 =	sand.u32 $0x1, s1  }
0x8c: {  	s16 =	sshll.u32 s0, $0xA;
	s2 =	sadd.s32 s3, s2  }
0x8d: {  	s2 =	sadd.s32 s2, s16  }
0x8e: {  	[smem:$0x3FB4] =	sst s2  }
0x8f: {  	_ = 	snop  }
0x90: {  	(tm) =	ssettm $0x1  }
0x91: {  	s17 =	sld [smem:$0x3FFB];
	_ =	sdelay $0x3  }
0x92: {  	_ =	strace s17  }
0x93: {  	s2 =	sld [smem:$0x3FFC];
	_ =	sdelay $0x3  }
0x94: {  	_ =	strace s2  }
0x95: {  	s2 =	sld [smem:$0x3FFD];
	_ =	sdelay $0x3  }
0x96: {  	_ =	strace s2  }
0x97: {  	_ =	strace $0x8FFFFFFF  }
0x98: {  	s18 =	sld [smem:$0x3FDB];
	_ =	sdelay $0x1  }
0x99: {  	s19 =	simm.s32 $_scs_section_size  }
0x9a: {  	s4 =	simm.s32 $_size__tile_overlayer_lowered;
	s5 =	simm.s32 $_tile_overlayer_lowered  }
0x9b: {  	s22 =	simm.s32 $0x1BFF;
	s21 =	sshll.u32 s5, $0x1;
	s2 =	sadd.s32 s19, s18  }
0x9c: {  	s6 =	simm.s32 $0x0;
	s20 =	sshll.u32 s4, $0x1;
	s4 =	sadd.s32 s21, s2  }
0x9d: {  	[timem:s6], [sflag:s22] =	dma.local [hbm:s4], s20  }
0x9e: {  	_ =	swait.ge [sflag:s22], s20  }
0x9f: {  	s3 =	ssub.s32 $0x0, s20;
	[sflag:s22] =	ssyncset.done $0x0  }
0xa0: {  	[sflag:s22] =	ssyncadd.s32 s3;
	_ =	sdelay $0x1  }
0xa1: {  	s23 =	simm.s32 $0x1B8B  }
0xa2: {  	_ =	swait.ge [sflag:s23], $0x1  }
0xa3: {  	[sflag:s23] =	ssyncset.done $0x0  }
0xa4: {  	s25 =	simm.s32 $0x1B8E;
	s24 =	sld [smem:$0x3FFE];
	[sflag:s23] =	ssyncadd.s32 $0xFFFFFFFF  }
0xa5: {  	s26 =	simm.s32 $execute0_lowered;
	[smem:$0x3FD2] =	sst s25  }
0xa6: {  	s4 =	sshll.u32 s26, $0x1;
	_ =	strace $0x80000046;
	[dreg:$0x1] =	wrdreg $0xFFFFFFFF  }
0xa7: {  	s28 =	simm.s32 $_size_execute0_lowered;
	s2 =	sadd.s32 s2, s4;
	[dreg:$0x0] =	wrdreg $0x0  }
0xa8: {  	s4 =	sshll.u32 s28, $0x1;
	[dreg:$0x2] =	wrdreg s2  }
0xa9: {  	[dreg:$0x3] =	wrdreg s4  }
0xaa: {  	[dreg:$0x4] =	wrdreg $0xC0  }
0xab: {  	_ =	task [dreg:s6], $0x5FFFF  }
0xac: {  	[dreg:$0x1] =	wrdreg $0xFFFFFFFF  }
0xad: {  	[dreg:$0x0] =	wrdreg $0x60  }
0xae: {  	[dreg:$0x2] =	wrdreg s24  }
0xaf: {  	[dreg:$0x3] =	wrdreg $0x9  }
0xb0: {  	_ =	task.clear_ibuf [dreg:s6], $0x4FFFF;
	_ =	strace $0x90000046  }
0xb1: {  	s29 =	simm.s32 $0x9;
	_ =	strace $0x80000048  }
0xb2: {  	_ =	swait.ge [sflag:s29], $0x1  }
0xb3: {  	[sflag:s29] =	ssyncadd.s32 $0xFFFFFFFF  }
0xb4: {  	_ =	strace $0x90000048  }
0xb5: {  	_ =	sfence  }
0xb6: {  	s30 =	sld [smem:$0x0];
	_ =	sdelay $0x2  }
0xb7: {  	s31 =	sshll.u32 s1, $0xD;
	s1 =	sshrl.u32 s1, $0x2  }
0xb8: {  	s3 =	sand.u32 $0x4000, s31;
	s1 =	sadd.s32 s1, s30  }
0xb9: {  	s0 =	sor.u32 s3, s0;
	s1 =	sshll.u32 s1, $0x11  }
0xba: {  	s0 =	sor.u32 s1, s0  }
0xbb: {  	s0 =	sadd.s32 $0x8F2B, s0  }
0xbc: {  	[sflag:s0] =	ssyncadd.remote.s32 $0x1  }
0xbd: {  	_ =	sfence.sel $0xFFFF  }
0xbe: {  	[dreg:$0x0] =	wrdreg $0xFFFFFFFF;
	(pc) =	sbr.abs _section_cstart, $3  }
0xbf: {  	[dreg:$0x1] =	wrdreg $0xFFFFFFFF  }
0xc0: {  	_ =	task.clear_ibuf [dreg:s6], $0x2FFFF;
	_ =	strace $0x9FFFFFFF  }
0xc1: {  	(tm) =	ssettm $0x7FFFFFFF  }
tec
execute0_lowered:
.L_overlay_start_1:
0x0: {  	(tag) =	ssettag $0x1  }
0x1: {  	s0 =	rddreg [dreg:$0x0]  }
0x2: {  	s2 =	srdreg.scid;
	s1 =	stileid.u32  }
0x3: {  	s8 =	simm.s32 $0x80;
	s26 =	simm.s32 $0x880;
	s9 =	simm.s32 $0x1080  }
0x4: {  	s10 =	simm.s32 $0x1880;
	s11 =	simm.s32 $0x2080;
	s12 =	simm.s32 $0x2880  }
0x5: {  	s13 =	simm.s32 $0x3080;
	s14 =	simm.s32 $0x3880;
	s15 =	simm.s32 $0x4080  }
0x6: {  	s16 =	simm.s32 $0x4880;
	s17 =	simm.s32 $0x5080;
	s18 =	simm.s32 $0x5880  }
0x7: {  	s19 =	simm.s32 $0x6080;
	s20 =	simm.s32 $0x6880;
	s21 =	simm.s32 $0x7080  }
0x8: {  	s22 =	simm.s32 $0x7880;
	s23 =	simm.s32 $0x8080;
	s24 =	simm.s32 $0x8880  }
0x9: {  	s28 =	simm.s32 $0xA080;
	s29 =	simm.s32 $0xA880;
	s30 =	simm.s32 $0xB080  }
0xa: {  	s31 =	simm.s32 $0xB880;
	s3 =	sand.u32 $0x1, s2;
	s2 =	simm.s32 $0x0  }
0xb: {  	s4 =	sshll.u32 s1, $0x4;
	s5 =	sshll.u32 s3, $0x3;
	[smem:$0x7FF] =	sst s2  }
0xc: {  	s6 =	ssub.s32 $0x2, s3;
	s3 =	sadd.s32 $0x41E00, s0;
	s4 =	sor.u32 s5, s4  }
0xd: {  	_ =	strace $0x80000047;
	s7 =	sshrl.u32 s6, $0x1;
	[dreg:$0x4] =	wrdreg s26  }
0xe: {  	s26 =	simm.s32 $0x9880;
	s5 =	smul.u32 $0x300, s4;
	s4 =	sadd.s32 s4, s0  }
0xf: {  	s6 =	ssub.s32 s6, s7;
	s7 =	simm.s32 $0x2;
	s4 =	sadd.s32 $0x72200, s4  }
0x10: {  	v2 =	vlaneseq.u32;
	s6 =	smax.u32 s6, $0x1;
	s5 =	sadd.s32 s5, s0;
	[dreg:$0x2] =	wrdreg s4  }
0x11: {  	vm0 =	vmmov $0xffff;
	v1 =	vshrl.u32 v2, $0x3;
	s4 =	sadd.s32 $0x41F00, s0;
	s25 =	sadd.s32 $0x72400, s5;
	s5 =	sadd.s32 $0x42000, s0  }
0x12: {  	v0 =	vand.u32 $0x7, v2;
	v2 =	vor.u32 $0x8, v2;
	v1 =	vmul.u32 $0x8, v1;
	s0 =	simm.s32 $0x1;
	[dreg:$0x3] =	wrdreg s25;
	s25 =	simm.s32 $0x9080  }
.LBB2_1:
0x13: {  	s1 =	rddreg [dreg:$0x2]  }
0x14: {  	[tilespmem:s2], [sflag:$0x2] =	stream.linear.gather [hbm4b:s1+s2], $0x40, $0x38;
	[tilespmem:$0xC080] =	vst v63  }
0x15: {  	_ =	swait.ge [sflag:s7], $0x40  }
0x16: {  	[sflag:s7] =	ssyncset.done $0x0  }
0x17: {  	[sflag:s7] =	ssyncadd.s32 $0xFFFFFFC0  }
0x18: {  	v3 =	vld [tilespmem:$0x0];
	_ =	sdelay $0x4  }
0x19: {  	v4 =	vshrl.u32 v3, $0x3  }
0x1a: {  	v4 =	vmul.u32 $0x30, v4  }
0x1b: {  	v3 =	vand.u32 $0x7, v3  }
0x1c: {  	v3 =	vor.u32 v3, v4  }
0x1d: {  	v4 =	vperm.xlane v3, v0;
	_ =	sdelay $0x1  }
0x1e: {  	v4 =	vadd.s32 v1, v4;
	_ =	sdelay $0x3  }
0x1f: {  	v3 =	vperm.xlane v3, v2  }
0x20: {  	[tilespmem:s8], [sflag:$0x1] =	stream.indirect_vreg.gather [hbm4b:s3+s2], $0x80, v4, vm0, $0xb8;
	[tilespmem:$0xC080] =	vst v63  }
0x21: {  	s1 =	rddreg [dreg:$0x4];
	v3 =	vadd.s32 v1, v3  }
0x22: {  	[tilespmem:s1], [sflag:$0x1] =	stream.indirect_vreg.gather [hbm4b:s4+s2], $0x80, v4, vm0, $0xb8;
	[tilespmem:$0xC080] =	vst v63  }
0x23: {  	_ = 	snop  }
0x24: {  	[tilespmem:s9], [sflag:$0x1] =	stream.indirect_vreg.gather [hbm4b:s5+s2], $0x80, v4, vm0, $0xb8;
	[tilespmem:$0xC080] =	vst v63  }
0x25: {  	_ = 	snop  }
0x26: {  	[tilespmem:s10], [sflag:$0x1] =	stream.indirect_vreg.gather [hbm4b:s3+s2], $0x80, v3, vm0, $0xb8;
	[tilespmem:$0xC080] =	vst v63  }
0x27: {  	_ = 	snop  }
0x28: {  	[tilespmem:s11], [sflag:$0x1] =	stream.indirect_vreg.gather [hbm4b:s4+s2], $0x80, v3, vm0, $0xb8;
	[tilespmem:$0xC080] =	vst v63  }
0x29: {  	_ = 	snop  }
0x2a: {  	[tilespmem:s12], [sflag:$0x1] =	stream.indirect_vreg.gather [hbm4b:s5+s2], $0x80, v3, vm0, $0xb8;
	[tilespmem:$0xC080] =	vst v63  }
0x2b: {  	v3 =	vld [tilespmem:$0x10];
	_ =	sdelay $0x4  }
0x2c: {  	v61 =	vshrl.u32 v3, $0x3  }
0x2d: {  	v4 =	vmul.u32 $0x30, v61  }
0x2e: {  	v3 =	vand.u32 $0x7, v3  }
0x2f: {  	v3 =	vor.u32 v3, v4  }
0x30: {  	v4 =	vperm.xlane v3, v0;
	_ =	sdelay $0x1  }
0x31: {  	v4 =	vadd.s32 v1, v4;
	_ =	sdelay $0x3  }
0x32: {  	v3 =	vperm.xlane v3, v2  }
0x33: {  	[tilespmem:s13], [sflag:$0x1] =	stream.indirect_vreg.gather [hbm4b:s3+s2], $0x80, v4, vm0, $0xb8;
	[tilespmem:$0xC080] =	vst v63  }
0x34: {  	v3 =	vadd.s32 v1, v3  }
0x35: {  	[tilespmem:s14], [sflag:$0x1] =	stream.indirect_vreg.gather [hbm4b:s4+s2], $0x80, v4, vm0, $0xb8;
	[tilespmem:$0xC080] =	vst v63  }
0x36: {  	_ = 	snop  }
0x37: {  	[tilespmem:s15], [sflag:$0x1] =	stream.indirect_vreg.gather [hbm4b:s5+s2], $0x80, v4, vm0, $0xb8;
	[tilespmem:$0xC080] =	vst v63  }
0x38: {  	_ = 	snop  }
0x39: {  	[tilespmem:s16], [sflag:$0x1] =	stream.indirect_vreg.gather [hbm4b:s3+s2], $0x80, v3, vm0, $0xb8;
	[tilespmem:$0xC080] =	vst v63  }
0x3a: {  	_ = 	snop  }
0x3b: {  	[tilespmem:s17], [sflag:$0x1] =	stream.indirect_vreg.gather [hbm4b:s4+s2], $0x80, v3, vm0, $0xb8;
	[tilespmem:$0xC080] =	vst v63  }
0x3c: {  	_ = 	snop  }
0x3d: {  	[tilespmem:s18], [sflag:$0x1] =	stream.indirect_vreg.gather [hbm4b:s5+s2], $0x80, v3, vm0, $0xb8;
	[tilespmem:$0xC080] =	vst v63  }
0x3e: {  	v3 =	vld [tilespmem:$0x20];
	_ =	sdelay $0x4  }
0x3f: {  	v62 =	vshrl.u32 v3, $0x3  }
0x40: {  	v4 =	vmul.u32 $0x30, v62  }
0x41: {  	v3 =	vand.u32 $0x7, v3  }
0x42: {  	v3 =	vor.u32 v3, v4  }
0x43: {  	v4 =	vperm.xlane v3, v0;
	_ =	sdelay $0x1  }
0x44: {  	v4 =	vadd.s32 v1, v4;
	_ =	sdelay $0x3  }
0x45: {  	v3 =	vperm.xlane v3, v2  }
0x46: {  	[tilespmem:s19], [sflag:$0x1] =	stream.indirect_vreg.gather [hbm4b:s3+s2], $0x80, v4, vm0, $0xb8;
	[tilespmem:$0xC080] =	vst v63  }
0x47: {  	v3 =	vadd.s32 v1, v3  }
0x48: {  	[tilespmem:s20], [sflag:$0x1] =	stream.indirect_vreg.gather [hbm4b:s4+s2], $0x80, v4, vm0, $0xb8;
	[tilespmem:$0xC080] =	vst v63  }
0x49: {  	_ = 	snop  }
0x4a: {  	[tilespmem:s21], [sflag:$0x1] =	stream.indirect_vreg.gather [hbm4b:s5+s2], $0x80, v4, vm0, $0xb8;
	[tilespmem:$0xC080] =	vst v63  }
0x4b: {  	_ = 	snop  }
0x4c: {  	[tilespmem:s22], [sflag:$0x1] =	stream.indirect_vreg.gather [hbm4b:s3+s2], $0x80, v3, vm0, $0xb8;
	[tilespmem:$0xC080] =	vst v63  }
0x4d: {  	_ = 	snop  }
0x4e: {  	[tilespmem:s23], [sflag:$0x1] =	stream.indirect_vreg.gather [hbm4b:s4+s2], $0x80, v3, vm0, $0xb8;
	[tilespmem:$0xC080] =	vst v63  }
0x4f: {  	_ = 	snop  }
0x50: {  	[tilespmem:s24], [sflag:$0x1] =	stream.indirect_vreg.gather [hbm4b:s5+s2], $0x80, v3, vm0, $0xb8;
	[tilespmem:$0xC080] =	vst v63  }
0x51: {  	v3 =	vld [tilespmem:$0x30];
	_ =	sdelay $0x4  }
0x52: {  	v63 =	vshrl.u32 v3, $0x3  }
0x53: {  	v4 =	vmul.u32 $0x30, v63  }
0x54: {  	v3 =	vand.u32 $0x7, v3  }
0x55: {  	v3 =	vor.u32 v3, v4  }
0x56: {  	v4 =	vperm.xlane v3, v0;
	_ =	sdelay $0x1  }
0x57: {  	v4 =	vadd.s32 v1, v4;
	_ =	sdelay $0x3  }
0x58: {  	v3 =	vperm.xlane v3, v2  }
0x59: {  	[tilespmem:s25], [sflag:$0x1] =	stream.indirect_vreg.gather [hbm4b:s3+s2], $0x80, v4, vm0, $0xb8;
	[tilespmem:$0xC080] =	vst v63  }
0x5a: {  	v3 =	vadd.s32 v1, v3  }
0x5b: {  	[tilespmem:s26], [sflag:$0x1] =	stream.indirect_vreg.gather [hbm4b:s4+s2], $0x80, v4, vm0, $0xb8;
	[tilespmem:$0xC080] =	vst v63  }
0x5c: {  	_ = 	snop  }
0x5d: {  	[tilespmem:s28], [sflag:$0x1] =	stream.indirect_vreg.gather [hbm4b:s5+s2], $0x80, v4, vm0, $0xb8;
	[tilespmem:$0xC080] =	vst v63  }
0x5e: {  	_ = 	snop  }
0x5f: {  	[tilespmem:s29], [sflag:$0x1] =	stream.indirect_vreg.gather [hbm4b:s3+s2], $0x80, v3, vm0, $0xb8;
	[tilespmem:$0xC080] =	vst v63  }
0x60: {  	_ = 	snop  }
0x61: {  	[tilespmem:s30], [sflag:$0x1] =	stream.indirect_vreg.gather [hbm4b:s4+s2], $0x80, v3, vm0, $0xb8;
	[tilespmem:$0xC080] =	vst v63  }
0x62: {  	_ = 	snop  }
0x63: {  	[tilespmem:s31], [sflag:$0x1] =	stream.indirect_vreg.gather [hbm4b:s5+s2], $0x80, v3, vm0, $0xb8;
	[tilespmem:$0xC080] =	vst v63  }
0x64: {  	_ =	swait.ge [sflag:s0], $0xC000  }
0x65: {  	p0 =	sne.s32 s6, $0x1;
	[sflag:s0] =	ssyncset.done $0x0  }
.Ltmp0:
0x66: {  	s1 =	rddreg [dreg:$0x3];
	[sflag:s0] =	ssyncadd.s32 $0xFFFF4000;
	(pc) =	sbr.rel @p0 .LBB2_1-.Ltmp0, $4  }
0x67: {  	[hbm4b:s1+s2] =	stream.linear.scatter [tilespmem:s8], [sflag:$0x2], $0xC000, $0x38;
	[tilespmem:$0xC080] =	vst v63  }
0x68: {  	_ =	swait.ge [sflag:s7], $0xC000  }
0x69: {  	[sflag:s7] =	ssyncset.done $0x0  }
0x6a: {  	s6 =	sadd.s32 $0xFFFFFFFF, s6;
	[sflag:s7] =	ssyncadd.s32 $0xFFFF4000  }
0x6b: {  	_ =	sfence.sel $0x180000  }
0x6c: {  	[bflag:$0x0] =	sbarrier.arrive $0xFFFF  }
0x6d: {  	_ =	strace $0x90000047  }
0x6e: {  	s0 =	stileid.u32;
	[bflag:$0x2] =	sbarrier.arrive $0xFFFF  }
0x6f: {  	p0 =	sne.s32 s0, $0x0;
	s0 =	rddreg [dreg:$0x1]  }
0x70: {  	s0 =	sadd.s32 @!p0 $0x100000, s0  }
0x71: {  	[sflag:s0] =	ssyncadd.tile.s32 @!p0 $0x1;
	_ =	shalt  }
.Lfunc_end2:
_tile_overlayer_lowered:
.L_overlay_start_2:
0x72: {  	(tag) =	ssettag $0x2  }
0x73: {  	s0 =	rddreg [dreg:$0x0];
	s2 =	stileid.u32  }
0x74: {  	s1 =	rddreg [dreg:$0x1];
	p0 =	sne.s32 s2, $0x0  }
0x75: {  	s3 =	rddreg [dreg:$0x2];
	[bflag:$0x3] =	sbarrier.arrive $0xFFFF;
	s2 =	simm.s32 @!p0 $0x1C02  }
0x76: {  	[timem:s3], [sflag:s2] =	dma.local @!p0 [hbm:s0], s1  }
0x77: {  	s0 =	simm.s32 @!p0 $0x2  }
0x78: {  	_ =	swait.ge @!p0 [sflag:s0], s1  }
0x79: {  	s1 =	ssub.s32 @!p0 $0x0, s1;
	[sflag:s0] =	ssyncset.done @!p0 $0x0  }
0x7a: {  	[sflag:s0] =	ssyncadd.s32 @!p0 s1  }
0x7b: {  	[bflag:$0x3] =	sbarrier.arrive $0xFFFF  }
0x7c: {  	_ =	shalt  }

// kernel: kernel.27.cloned.1.call-start
scs
__scs_entry_jumppad:
0x0: {  	(pc) =	sbr.rel $0x88, $3  }
0x1: {  	(tag) =	ssettag $0x0;
	lr =	simm.s32 $0x1  }
0x2: {  	[smem:$0x3F8D] =	sst lr;
	_ =	strace $0xD0000000  }
0x3: {  	_ = 	snop  }
0x4: {  	_ = 	snop  }
0x5: {  	_ = 	snop  }
0x6: {  	_ = 	snop  }
0x7: {  	_ = 	snop  }
__scs_overlays_trampoline_lowered:
0x8: {  	[smem:$0x3F9C] =	sst s0  }
0x9: {  	[smem:$0x3F9D] =	sst s1  }
0xa: {  	[smem:$0x3F9E] =	sst s2  }
0xb: {  	[smem:$0x3F9F] =	sst s3  }
0xc: {  	[smem:$0x3FA0] =	sst s4  }
0xd: {  	[smem:$0x3FA1] =	sst s5  }
0xe: {  	[smem:$0x3FA2] =	sst s6  }
0xf: {  	[smem:$0x3FA3] =	sst s7  }
0x10: {  	[smem:$0x3FA4] =	sst s8  }
0x11: {  	[smem:$0x3FA5] =	sst s9;
	s0 =	simm.s32 @!p0 $0x0  }
0x12: {  	s1 =	sld [smem:$0x3F8B];
	s0 =	simm.s32 @p0 $0x1  }
0x13: {  	[smem:$0x3FA6] =	sst s0;
	s0 =	simm.s32 @!p1 $0x0  }
0x14: {  	s2 =	sld [smem:$0x3F8A];
	s0 =	simm.s32 @p1 $0x1  }
0x15: {  	[smem:$0x3FA7] =	sst s0;
	s0 =	simm.s32 @!p2 $0x0  }
0x16: {  	s3 =	sld [smem:$0x3FDB];
	s0 =	simm.s32 @p2 $0x1  }
0x17: {  	s4 =	simm.s32 $0x1BF5;
	[smem:$0x3FA9] =	sst s0  }
0x18: {  	s0 =	sld [smem:$0x3F8C];
	_ =	swait.ge [sflag:s4], $0x0  }
0x19: {  	s7 =	sld [smem:$0x3F8D]  }
0x1a: {  	s8 =	sadd.s32 $0xFFFFE003, lr  }
0x1b: {  	s9 =	sadd.s32 $0xFFFFFEF7, lr;
	s5 =	simm.s32 $0xFFFFFFFF;
	p2 =	slt.u32 s8, $0xFFFFF086  }
0x1c: {  	p1 =	slt.u32 s9, $0xF7A;
	s5 =	simm.s32 @!p2 $0x0  }
0x1d: {  	s5 =	simm.s32 @p1 $0x1;
	p0 =	seq.s32 s7, s2  }
0x1e: {  	s7 =	smul.u32 @!p0 $0xF7A, s2;
	p2 =	seq.s32 @!p0 s5, $0x0  }
0x1f: {  	s9 =	smul.u32 $0xF7A, s1;
	s8 =	simm.s32 @!p0 $0x1BF5;
	p2 =	por !p2, p0  }
0x20: {  	[sflag:s8] =	ssyncset.s32 @!p0 $0xFFFFF086;
	s6 =	sadd.s32 @!p0 s3, s7;
	s7 =	simm.s32 @!p0 $0x108  }
0x21: {  	s3 =	sadd.s32 s3, s9;
	s6 =	sadd.s32 @!p0 $0x88, s6;
	s7 =	simm.s32 @p2 $0x1082  }
0x22: {  	[simem:s7], [sflag:s8] =	dma.local @!p0 [hbm:s6], $0xF7A  }
0x23: {  	s9 =	sor.u32 $0xD0000000, s2;
	s6 =	simm.s32 $0x108;
	_ =	swait.ge @!p0 [sflag:s8], $0x0  }
0x24: {  	s3 =	sadd.s32 $0x88, s3;
	s6 =	simm.s32 @!p1 $0x1082;
	[sflag:s4] =	ssyncset.s32 $0xFFFFF086  }
0x25: {  	[simem:s6], [sflag:s4] =	dma.local [hbm:s3], $0xF7A  }
0x26: {  	[smem:$0x3F8D] =	sst s1;
	(tag) =	ssettag s2;
	_ =	strace s9  }
0x27: {  	s1 =	sld [smem:$0x3F9D]  }
0x28: {  	s2 =	sld [smem:$0x3F9E]  }
0x29: {  	s4 =	sld [smem:$0x3FA0]  }
0x2a: {  	p0 =	seq.s32 s5, $0x0;
	s5 =	sld [smem:$0x3FA1]  }
0x2b: {  	s6 =	sld [smem:$0x3FA2]  }
0x2c: {  	s7 =	sld [smem:$0x3FA3]  }
0x2d: {  	s3 =	simm.s32 $0x108;
	s8 =	sld [smem:$0x3FA4]  }
0x2e: {  	s3 =	simm.s32 @!p0 $0x1082;
	s9 =	sld [smem:$0x3FA5]  }
0x2f: {  	lr =	sadd.s32 s0, s3;
	s0 =	sld [smem:$0x3F9C]  }
0x30: {  	s3 =	sld [smem:$0x3F9F]  }
0x31: {  	[smem:$0x3FA8] =	sst s10  }
0x32: {  	s10 =	sld [smem:$0x3FA6];
	_ =	sdelay $0x3  }
0x33: {  	p0 =	seq.s32 s10, $0x1;
	s10 =	sld [smem:$0x3FA8];
	_ =	sdelay $0x3  }
0x34: {  	[smem:$0x3FA8] =	sst s10  }
0x35: {  	s10 =	sld [smem:$0x3FA7];
	_ =	sdelay $0x3  }
0x36: {  	p1 =	seq.s32 s10, $0x1;
	s10 =	sld [smem:$0x3FA8];
	_ =	sdelay $0x3  }
0x37: {  	[smem:$0x3FA8] =	sst s10  }
0x38: {  	s10 =	sld [smem:$0x3FA9]  }
0x39: {  	_ = 	snop;
	(pc) =	sbr.ind lr, $3  }
0x3a: {  	_ = 	snop  }
0x3b: {  	_ = 	snop  }
0x3c: {  	p2 =	seq.s32 s10, $0x1;
	s10 =	sld [smem:$0x3FA8]  }
0x3d: {  	_ =	shalt  }
0x3e: {  	_ =	shalt  }
0x3f: {  	_ =	shalt  }
0x40: {  	_ =	shalt  }
0x41: {  	_ =	shalt  }
0x42: {  	_ =	shalt  }
0x43: {  	_ =	shalt  }
0x44: {  	_ =	shalt  }
0x45: {  	_ =	shalt  }
0x46: {  	_ =	shalt  }
0x47: {  	_ =	shalt  }
0x48: {  	_ =	shalt  }
0x49: {  	_ =	shalt  }
0x4a: {  	_ =	shalt  }
0x4b: {  	_ =	shalt  }
0x4c: {  	_ =	shalt  }
0x4d: {  	_ =	shalt  }
0x4e: {  	_ =	shalt  }
0x4f: {  	_ =	shalt  }
0x50: {  	_ =	shalt  }
0x51: {  	_ =	shalt  }
0x52: {  	_ =	shalt  }
0x53: {  	_ =	shalt  }
0x54: {  	_ =	shalt  }
0x55: {  	_ =	shalt  }
0x56: {  	_ =	shalt  }
0x57: {  	_ =	shalt  }
0x58: {  	_ =	shalt  }
0x59: {  	_ =	shalt  }
0x5a: {  	_ =	shalt  }
0x5b: {  	_ =	shalt  }
0x5c: {  	_ =	shalt  }
0x5d: {  	_ =	shalt  }
0x5e: {  	_ =	shalt  }
0x5f: {  	_ =	shalt  }
0x60: {  	_ =	shalt  }
0x61: {  	_ =	shalt  }
0x62: {  	_ =	shalt  }
0x63: {  	_ =	shalt  }
0x64: {  	_ =	shalt  }
0x65: {  	_ =	shalt  }
0x66: {  	_ =	shalt  }
0x67: {  	_ =	shalt  }
0x68: {  	_ =	shalt  }
0x69: {  	_ =	shalt  }
0x6a: {  	_ =	shalt  }
0x6b: {  	_ =	shalt  }
0x6c: {  	_ =	shalt  }
0x6d: {  	_ =	shalt  }
0x6e: {  	_ =	shalt  }
0x6f: {  	_ =	shalt  }
0x70: {  	_ =	shalt  }
0x71: {  	_ =	shalt  }
0x72: {  	_ =	shalt  }
0x73: {  	_ =	shalt  }
0x74: {  	_ =	shalt  }
0x75: {  	_ =	shalt  }
0x76: {  	_ =	shalt  }
0x77: {  	_ =	shalt  }
0x78: {  	_ =	shalt  }
0x79: {  	_ =	shalt  }
0x7a: {  	_ =	shalt  }
0x7b: {  	_ =	shalt  }
0x7c: {  	_ =	shalt  }
0x7d: {  	_ =	shalt  }
0x7e: {  	_ =	shalt  }
0x7f: {  	_ =	shalt  }
0x80: {  	_ =	shalt  }
0x81: {  	_ =	shalt  }
0x82: {  	_ =	shalt  }
0x83: {  	_ =	shalt  }
0x84: {  	_ =	shalt  }
0x85: {  	_ =	shalt  }
0x86: {  	_ =	shalt  }
0x87: {  	_ =	shalt  }
.Lfunc_end0:
.L_simem_size_0:
called_computation.1_lowered:
.L_overlay_start_0:
0x88: {  	s2 =	sld [smem:$0x3FD9]  }
0x89: {  	s3 =	sld [smem:$0x3FFE];
	_ =	sdelay $0x1  }
0x8a: {  	s1 =	srdreg.scid  }
0x8b: {  	s0 =	sand.u32 $0x1, s1  }
0x8c: {  	s16 =	sshll.u32 s0, $0xA;
	s2 =	sadd.s32 s3, s2  }
0x8d: {  	s2 =	sadd.s32 s2, s16  }
0x8e: {  	[smem:$0x3FB4] =	sst s2  }
0x8f: {  	_ = 	snop  }
0x90: {  	(tm) =	ssettm $0x1  }
0x91: {  	s17 =	sld [smem:$0x3FFB];
	_ =	sdelay $0x3  }
0x92: {  	_ =	strace s17  }
0x93: {  	s2 =	sld [smem:$0x3FFC];
	_ =	sdelay $0x3  }
0x94: {  	_ =	strace s2  }
0x95: {  	s2 =	sld [smem:$0x3FFD];
	_ =	sdelay $0x3  }
0x96: {  	_ =	strace s2  }
0x97: {  	_ =	strace $0x8FFFFFFF  }
0x98: {  	s18 =	sld [smem:$0x3FDB];
	_ =	sdelay $0x1  }
0x99: {  	s19 =	simm.s32 $_scs_section_size  }
0x9a: {  	s4 =	simm.s32 $_size__tile_overlayer_lowered;
	s5 =	simm.s32 $_tile_overlayer_lowered  }
0x9b: {  	s22 =	simm.s32 $0x1BFF;
	s21 =	sshll.u32 s5, $0x1;
	s2 =	sadd.s32 s19, s18  }
0x9c: {  	s6 =	simm.s32 $0x0;
	s20 =	sshll.u32 s4, $0x1;
	s4 =	sadd.s32 s21, s2  }
0x9d: {  	[timem:s6], [sflag:s22] =	dma.local [hbm:s4], s20  }
0x9e: {  	_ =	swait.ge [sflag:s22], s20  }
0x9f: {  	s3 =	ssub.s32 $0x0, s20;
	[sflag:s22] =	ssyncset.done $0x0  }
0xa0: {  	[sflag:s22] =	ssyncadd.s32 s3;
	_ =	sdelay $0x1  }
0xa1: {  	s23 =	simm.s32 $0x1B8B  }
0xa2: {  	_ =	swait.ge [sflag:s23], $0x1  }
0xa3: {  	[sflag:s23] =	ssyncset.done $0x0  }
0xa4: {  	s25 =	simm.s32 $0x1B8E;
	s24 =	sld [smem:$0x3FFE];
	[sflag:s23] =	ssyncadd.s32 $0xFFFFFFFF  }
0xa5: {  	s26 =	simm.s32 $execute0_lowered;
	[smem:$0x3FD2] =	sst s25  }
0xa6: {  	s4 =	sshll.u32 s26, $0x1;
	_ =	strace $0x80000049;
	[dreg:$0x1] =	wrdreg $0xFFFFFFFF  }
0xa7: {  	s28 =	simm.s32 $_size_execute0_lowered;
	s2 =	sadd.s32 s2, s4;
	[dreg:$0x0] =	wrdreg $0x0  }
0xa8: {  	s4 =	sshll.u32 s28, $0x1;
	[dreg:$0x2] =	wrdreg s2  }
0xa9: {  	[dreg:$0x3] =	wrdreg s4  }
0xaa: {  	[dreg:$0x4] =	wrdreg $0xC0  }
0xab: {  	_ =	task [dreg:s6], $0x5FFFF  }
0xac: {  	[dreg:$0x1] =	wrdreg $0xFFFFFFFF  }
0xad: {  	[dreg:$0x0] =	wrdreg $0x60  }
0xae: {  	[dreg:$0x2] =	wrdreg s24  }
0xaf: {  	[dreg:$0x3] =	wrdreg $0x9  }
0xb0: {  	_ =	task.clear_ibuf [dreg:s6], $0x4FFFF;
	_ =	strace $0x90000049  }
0xb1: {  	s29 =	simm.s32 $0x9;
	_ =	strace $0x8000004B  }
0xb2: {  	_ =	swait.ge [sflag:s29], $0x1  }
0xb3: {  	[sflag:s29] =	ssyncadd.s32 $0xFFFFFFFF  }
0xb4: {  	_ =	strace $0x9000004B  }
0xb5: {  	_ =	sfence  }
0xb6: {  	s30 =	sld [smem:$0x0];
	_ =	sdelay $0x2  }
0xb7: {  	s31 =	sshll.u32 s1, $0xD;
	s1 =	sshrl.u32 s1, $0x2  }
0xb8: {  	s3 =	sand.u32 $0x4000, s31;
	s1 =	sadd.s32 s1, s30  }
0xb9: {  	s0 =	sor.u32 s3, s0;
	s1 =	sshll.u32 s1, $0x11  }
0xba: {  	s0 =	sor.u32 s1, s0  }
0xbb: {  	s0 =	sadd.s32 $0x8F2B, s0  }
0xbc: {  	[sflag:s0] =	ssyncadd.remote.s32 $0x1  }
0xbd: {  	_ =	sfence.sel $0xFFFF  }
0xbe: {  	[dreg:$0x0] =	wrdreg $0xFFFFFFFF;
	(pc) =	sbr.abs _section_cstart, $3  }
0xbf: {  	[dreg:$0x1] =	wrdreg $0xFFFFFFFF  }
0xc0: {  	_ =	task.clear_ibuf [dreg:s6], $0x2FFFF;
	_ =	strace $0x9FFFFFFF  }
0xc1: {  	(tm) =	ssettm $0x7FFFFFFF  }
tec
execute0_lowered:
.L_overlay_start_1:
0x0: {  	(tag) =	ssettag $0x1  }
0x1: {  	s0 =	rddreg [dreg:$0x0]  }
0x2: {  	s2 =	srdreg.scid;
	s1 =	stileid.u32  }
0x3: {  	s8 =	simm.s32 $0x80;
	s26 =	simm.s32 $0x880;
	s9 =	simm.s32 $0x1080  }
0x4: {  	s10 =	simm.s32 $0x1880;
	s11 =	simm.s32 $0x2080;
	s12 =	simm.s32 $0x2880  }
0x5: {  	s13 =	simm.s32 $0x3080;
	s14 =	simm.s32 $0x3880;
	s15 =	simm.s32 $0x4080  }
0x6: {  	s16 =	simm.s32 $0x4880;
	s17 =	simm.s32 $0x5080;
	s18 =	simm.s32 $0x5880  }
0x7: {  	s19 =	simm.s32 $0x6080;
	s20 =	simm.s32 $0x6880;
	s21 =	simm.s32 $0x7080  }
0x8: {  	s22 =	simm.s32 $0x7880;
	s23 =	simm.s32 $0x8080;
	s24 =	simm.s32 $0x8880  }
0x9: {  	s28 =	simm.s32 $0xA080;
	s29 =	simm.s32 $0xA880;
	s30 =	simm.s32 $0xB080  }
0xa: {  	s31 =	simm.s32 $0xB880;
	s3 =	sand.u32 $0x1, s2;
	s2 =	simm.s32 $0x0  }
0xb: {  	s4 =	sshll.u32 s1, $0x4;
	s5 =	sshll.u32 s3, $0x3;
	[smem:$0x7FF] =	sst s2  }
0xc: {  	s6 =	ssub.s32 $0x2, s3;
	s3 =	sadd.s32 $0x41E00, s0;
	s4 =	sor.u32 s5, s4  }
0xd: {  	_ =	strace $0x8000004A;
	s7 =	sshrl.u32 s6, $0x1;
	[dreg:$0x4] =	wrdreg s26  }
0xe: {  	s26 =	simm.s32 $0x9880;
	s5 =	smul.u32 $0x300, s4;
	s4 =	sadd.s32 s4, s0  }
0xf: {  	s6 =	ssub.s32 s6, s7;
	s7 =	simm.s32 $0x2;
	s4 =	sadd.s32 $0x72000, s4  }
0x10: {  	v2 =	vlaneseq.u32;
	s6 =	smax.u32 s6, $0x1;
	s5 =	sadd.s32 s5, s0;
	[dreg:$0x2] =	wrdreg s4  }
0x11: {  	vm0 =	vmmov $0xffff;
	v1 =	vshrl.u32 v2, $0x3;
	s4 =	sadd.s32 $0x41F00, s0;
	s25 =	sadd.s32 $0x2E2400, s5;
	s5 =	sadd.s32 $0x42000, s0  }
0x12: {  	v0 =	vand.u32 $0x7, v2;
	v2 =	vor.u32 $0x8, v2;
	v1 =	vmul.u32 $0x8, v1;
	s0 =	simm.s32 $0x1;
	[dreg:$0x3] =	wrdreg s25;
	s25 =	simm.s32 $0x9080  }
.LBB2_1:
0x13: {  	s1 =	rddreg [dreg:$0x2]  }
0x14: {  	[tilespmem:s2], [sflag:$0x2] =	stream.linear.gather [hbm4b:s1+s2], $0x40, $0x38;
	[tilespmem:$0xC080] =	vst v63  }
0x15: {  	_ =	swait.ge [sflag:s7], $0x40  }
0x16: {  	[sflag:s7] =	ssyncset.done $0x0  }
0x17: {  	[sflag:s7] =	ssyncadd.s32 $0xFFFFFFC0  }
0x18: {  	v3 =	vld [tilespmem:$0x0];
	_ =	sdelay $0x4  }
0x19: {  	v4 =	vshrl.u32 v3, $0x3  }
0x1a: {  	v4 =	vmul.u32 $0x30, v4  }
0x1b: {  	v3 =	vand.u32 $0x7, v3  }
0x1c: {  	v3 =	vor.u32 v3, v4  }
0x1d: {  	v4 =	vperm.xlane v3, v0;
	_ =	sdelay $0x1  }
0x1e: {  	v4 =	vadd.s32 v1, v4;
	_ =	sdelay $0x3  }
0x1f: {  	v3 =	vperm.xlane v3, v2  }
0x20: {  	[tilespmem:s8], [sflag:$0x1] =	stream.indirect_vreg.gather [hbm4b:s3+s2], $0x80, v4, vm0, $0xb8;
	[tilespmem:$0xC080] =	vst v63  }
0x21: {  	s1 =	rddreg [dreg:$0x4];
	v3 =	vadd.s32 v1, v3  }
0x22: {  	[tilespmem:s1], [sflag:$0x1] =	stream.indirect_vreg.gather [hbm4b:s4+s2], $0x80, v4, vm0, $0xb8;
	[tilespmem:$0xC080] =	vst v63  }
0x23: {  	_ = 	snop  }
0x24: {  	[tilespmem:s9], [sflag:$0x1] =	stream.indirect_vreg.gather [hbm4b:s5+s2], $0x80, v4, vm0, $0xb8;
	[tilespmem:$0xC080] =	vst v63  }
0x25: {  	_ = 	snop  }
0x26: {  	[tilespmem:s10], [sflag:$0x1] =	stream.indirect_vreg.gather [hbm4b:s3+s2], $0x80, v3, vm0, $0xb8;
	[tilespmem:$0xC080] =	vst v63  }
0x27: {  	_ = 	snop  }
0x28: {  	[tilespmem:s11], [sflag:$0x1] =	stream.indirect_vreg.gather [hbm4b:s4+s2], $0x80, v3, vm0, $0xb8;
	[tilespmem:$0xC080] =	vst v63  }
0x29: {  	_ = 	snop  }
0x2a: {  	[tilespmem:s12], [sflag:$0x1] =	stream.indirect_vreg.gather [hbm4b:s5+s2], $0x80, v3, vm0, $0xb8;
	[tilespmem:$0xC080] =	vst v63  }
0x2b: {  	v3 =	vld [tilespmem:$0x10];
	_ =	sdelay $0x4  }
0x2c: {  	v61 =	vshrl.u32 v3, $0x3  }
0x2d: {  	v4 =	vmul.u32 $0x30, v61  }
0x2e: {  	v3 =	vand.u32 $0x7, v3  }
0x2f: {  	v3 =	vor.u32 v3, v4  }
0x30: {  	v4 =	vperm.xlane v3, v0;
	_ =	sdelay $0x1  }
0x31: {  	v4 =	vadd.s32 v1, v4;
	_ =	sdelay $0x3  }
0x32: {  	v3 =	vperm.xlane v3, v2  }
0x33: {  	[tilespmem:s13], [sflag:$0x1] =	stream.indirect_vreg.gather [hbm4b:s3+s2], $0x80, v4, vm0, $0xb8;
	[tilespmem:$0xC080] =	vst v63  }
0x34: {  	v3 =	vadd.s32 v1, v3  }
0x35: {  	[tilespmem:s14], [sflag:$0x1] =	stream.indirect_vreg.gather [hbm4b:s4+s2], $0x80, v4, vm0, $0xb8;
	[tilespmem:$0xC080] =	vst v63  }
0x36: {  	_ = 	snop  }
0x37: {  	[tilespmem:s15], [sflag:$0x1] =	stream.indirect_vreg.gather [hbm4b:s5+s2], $0x80, v4, vm0, $0xb8;
	[tilespmem:$0xC080] =	vst v63  }
0x38: {  	_ = 	snop  }
0x39: {  	[tilespmem:s16], [sflag:$0x1] =	stream.indirect_vreg.gather [hbm4b:s3+s2], $0x80, v3, vm0, $0xb8;
	[tilespmem:$0xC080] =	vst v63  }
0x3a: {  	_ = 	snop  }
0x3b: {  	[tilespmem:s17], [sflag:$0x1] =	stream.indirect_vreg.gather [hbm4b:s4+s2], $0x80, v3, vm0, $0xb8;
	[tilespmem:$0xC080] =	vst v63  }
0x3c: {  	_ = 	snop  }
0x3d: {  	[tilespmem:s18], [sflag:$0x1] =	stream.indirect_vreg.gather [hbm4b:s5+s2], $0x80, v3, vm0, $0xb8;
	[tilespmem:$0xC080] =	vst v63  }
0x3e: {  	v3 =	vld [tilespmem:$0x20];
	_ =	sdelay $0x4  }
0x3f: {  	v62 =	vshrl.u32 v3, $0x3  }
0x40: {  	v4 =	vmul.u32 $0x30, v62  }
0x41: {  	v3 =	vand.u32 $0x7, v3  }
0x42: {  	v3 =	vor.u32 v3, v4  }
0x43: {  	v4 =	vperm.xlane v3, v0;
	_ =	sdelay $0x1  }
0x44: {  	v4 =	vadd.s32 v1, v4;
	_ =	sdelay $0x3  }
0x45: {  	v3 =	vperm.xlane v3, v2  }
0x46: {  	[tilespmem:s19], [sflag:$0x1] =	stream.indirect_vreg.gather [hbm4b:s3+s2], $0x80, v4, vm0, $0xb8;
	[tilespmem:$0xC080] =	vst v63  }
0x47: {  	v3 =	vadd.s32 v1, v3  }
0x48: {  	[tilespmem:s20], [sflag:$0x1] =	stream.indirect_vreg.gather [hbm4b:s4+s2], $0x80, v4, vm0, $0xb8;
	[tilespmem:$0xC080] =	vst v63  }
0x49: {  	_ = 	snop  }
0x4a: {  	[tilespmem:s21], [sflag:$0x1] =	stream.indirect_vreg.gather [hbm4b:s5+s2], $0x80, v4, vm0, $0xb8;
	[tilespmem:$0xC080] =	vst v63  }
0x4b: {  	_ = 	snop  }
0x4c: {  	[tilespmem:s22], [sflag:$0x1] =	stream.indirect_vreg.gather [hbm4b:s3+s2], $0x80, v3, vm0, $0xb8;
	[tilespmem:$0xC080] =	vst v63  }
0x4d: {  	_ = 	snop  }
0x4e: {  	[tilespmem:s23], [sflag:$0x1] =	stream.indirect_vreg.gather [hbm4b:s4+s2], $0x80, v3, vm0, $0xb8;
	[tilespmem:$0xC080] =	vst v63  }
0x4f: {  	_ = 	snop  }
0x50: {  	[tilespmem:s24], [sflag:$0x1] =	stream.indirect_vreg.gather [hbm4b:s5+s2], $0x80, v3, vm0, $0xb8;
	[tilespmem:$0xC080] =	vst v63  }
0x51: {  	v3 =	vld [tilespmem:$0x30];
	_ =	sdelay $0x4  }
0x52: {  	v63 =	vshrl.u32 v3, $0x3  }
0x53: {  	v4 =	vmul.u32 $0x30, v63  }
0x54: {  	v3 =	vand.u32 $0x7, v3  }
0x55: {  	v3 =	vor.u32 v3, v4  }
0x56: {  	v4 =	vperm.xlane v3, v0;
	_ =	sdelay $0x1  }
0x57: {  	v4 =	vadd.s32 v1, v4;
	_ =	sdelay $0x3  }
0x58: {  	v3 =	vperm.xlane v3, v2  }
0x59: {  	[tilespmem:s25], [sflag:$0x1] =	stream.indirect_vreg.gather [hbm4b:s3+s2], $0x80, v4, vm0, $0xb8;
	[tilespmem:$0xC080] =	vst v63  }
0x5a: {  	v3 =	vadd.s32 v1, v3  }
0x5b: {  	[tilespmem:s26], [sflag:$0x1] =	stream.indirect_vreg.gather [hbm4b:s4+s2], $0x80, v4, vm0, $0xb8;
	[tilespmem:$0xC080] =	vst v63  }
0x5c: {  	_ = 	snop  }
0x5d: {  	[tilespmem:s28], [sflag:$0x1] =	stream.indirect_vreg.gather [hbm4b:s5+s2], $0x80, v4, vm0, $0xb8;
	[tilespmem:$0xC080] =	vst v63  }
0x5e: {  	_ = 	snop  }
0x5f: {  	[tilespmem:s29], [sflag:$0x1] =	stream.indirect_vreg.gather [hbm4b:s3+s2], $0x80, v3, vm0, $0xb8;
	[tilespmem:$0xC080] =	vst v63  }
0x60: {  	_ = 	snop  }
0x61: {  	[tilespmem:s30], [sflag:$0x1] =	stream.indirect_vreg.gather [hbm4b:s4+s2], $0x80, v3, vm0, $0xb8;
	[tilespmem:$0xC080] =	vst v63  }
0x62: {  	_ = 	snop  }
0x63: {  	[tilespmem:s31], [sflag:$0x1] =	stream.indirect_vreg.gather [hbm4b:s5+s2], $0x80, v3, vm0, $0xb8;
	[tilespmem:$0xC080] =	vst v63  }
0x64: {  	_ =	swait.ge [sflag:s0], $0xC000  }
0x65: {  	p0 =	sne.s32 s6, $0x1;
	[sflag:s0] =	ssyncset.done $0x0  }
.Ltmp0:
0x66: {  	s1 =	rddreg [dreg:$0x3];
	[sflag:s0] =	ssyncadd.s32 $0xFFFF4000;
	(pc) =	sbr.rel @p0 .LBB2_1-.Ltmp0, $4  }
0x67: {  	[hbm4b:s1+s2] =	stream.linear.scatter [tilespmem:s8], [sflag:$0x2], $0xC000, $0x38;
	[tilespmem:$0xC080] =	vst v63  }
0x68: {  	_ =	swait.ge [sflag:s7], $0xC000  }
0x69: {  	[sflag:s7] =	ssyncset.done $0x0  }
0x6a: {  	s6 =	sadd.s32 $0xFFFFFFFF, s6;
	[sflag:s7] =	ssyncadd.s32 $0xFFFF4000  }
0x6b: {  	_ =	sfence.sel $0x180000  }
0x6c: {  	[bflag:$0x0] =	sbarrier.arrive $0xFFFF  }
0x6d: {  	_ =	strace $0x9000004A  }
0x6e: {  	s0 =	stileid.u32;
	[bflag:$0x2] =	sbarrier.arrive $0xFFFF  }
0x6f: {  	p0 =	sne.s32 s0, $0x0;
	s0 =	rddreg [dreg:$0x1]  }
0x70: {  	s0 =	sadd.s32 @!p0 $0x100000, s0  }
0x71: {  	[sflag:s0] =	ssyncadd.tile.s32 @!p0 $0x1;
	_ =	shalt  }
.Lfunc_end2:
_tile_overlayer_lowered:
.L_overlay_start_2:
0x72: {  	(tag) =	ssettag $0x2  }
0x73: {  	s0 =	rddreg [dreg:$0x0];
	s2 =	stileid.u32  }
0x74: {  	s1 =	rddreg [dreg:$0x1];
	p0 =	sne.s32 s2, $0x0  }
0x75: {  	s3 =	rddreg [dreg:$0x2];
	[bflag:$0x3] =	sbarrier.arrive $0xFFFF;
	s2 =	simm.s32 @!p0 $0x1C02  }
0x76: {  	[timem:s3], [sflag:s2] =	dma.local @!p0 [hbm:s0], s1  }
0x77: {  	s0 =	simm.s32 @!p0 $0x2  }
0x78: {  	_ =	swait.ge @!p0 [sflag:s0], s1  }
0x79: {  	s1 =	ssub.s32 @!p0 $0x0, s1;
	[sflag:s0] =	ssyncset.done @!p0 $0x0  }
0x7a: {  	[sflag:s0] =	ssyncadd.s32 @!p0 s1  }
0x7b: {  	[bflag:$0x3] =	sbarrier.arrive $0xFFFF  }
0x7c: {  	_ =	shalt  }

// kernel: kernel.30.cloned.1.call-start
scs
__scs_entry_jumppad:
0x0: {  	(pc) =	sbr.rel $0x88, $3  }
0x1: {  	(tag) =	ssettag $0x0;
	lr =	simm.s32 $0x1  }
0x2: {  	[smem:$0x3F8D] =	sst lr;
	_ =	strace $0xD0000000  }
0x3: {  	_ = 	snop  }
0x4: {  	_ = 	snop  }
0x5: {  	_ = 	snop  }
0x6: {  	_ = 	snop  }
0x7: {  	_ = 	snop  }
__scs_overlays_trampoline_lowered:
0x8: {  	[smem:$0x3F9C] =	sst s0  }
0x9: {  	[smem:$0x3F9D] =	sst s1  }
0xa: {  	[smem:$0x3F9E] =	sst s2  }
0xb: {  	[smem:$0x3F9F] =	sst s3  }
0xc: {  	[smem:$0x3FA0] =	sst s4  }
0xd: {  	[smem:$0x3FA1] =	sst s5  }
0xe: {  	[smem:$0x3FA2] =	sst s6  }
0xf: {  	[smem:$0x3FA3] =	sst s7  }
0x10: {  	[smem:$0x3FA4] =	sst s8  }
0x11: {  	[smem:$0x3FA5] =	sst s9;
	s0 =	simm.s32 @!p0 $0x0  }
0x12: {  	s1 =	sld [smem:$0x3F8B];
	s0 =	simm.s32 @p0 $0x1  }
0x13: {  	[smem:$0x3FA6] =	sst s0;
	s0 =	simm.s32 @!p1 $0x0  }
0x14: {  	s2 =	sld [smem:$0x3F8A];
	s0 =	simm.s32 @p1 $0x1  }
0x15: {  	[smem:$0x3FA7] =	sst s0;
	s0 =	simm.s32 @!p2 $0x0  }
0x16: {  	s3 =	sld [smem:$0x3FDB];
	s0 =	simm.s32 @p2 $0x1  }
0x17: {  	s4 =	simm.s32 $0x1BF5;
	[smem:$0x3FA9] =	sst s0  }
0x18: {  	s0 =	sld [smem:$0x3F8C];
	_ =	swait.ge [sflag:s4], $0x0  }
0x19: {  	s7 =	sld [smem:$0x3F8D]  }
0x1a: {  	s8 =	sadd.s32 $0xFFFFE003, lr  }
0x1b: {  	s9 =	sadd.s32 $0xFFFFFEF7, lr;
	s5 =	simm.s32 $0xFFFFFFFF;
	p2 =	slt.u32 s8, $0xFFFFF086  }
0x1c: {  	p1 =	slt.u32 s9, $0xF7A;
	s5 =	simm.s32 @!p2 $0x0  }
0x1d: {  	s5 =	simm.s32 @p1 $0x1;
	p0 =	seq.s32 s7, s2  }
0x1e: {  	s7 =	smul.u32 @!p0 $0xF7A, s2;
	p2 =	seq.s32 @!p0 s5, $0x0  }
0x1f: {  	s9 =	smul.u32 $0xF7A, s1;
	s8 =	simm.s32 @!p0 $0x1BF5;
	p2 =	por !p2, p0  }
0x20: {  	[sflag:s8] =	ssyncset.s32 @!p0 $0xFFFFF086;
	s6 =	sadd.s32 @!p0 s3, s7;
	s7 =	simm.s32 @!p0 $0x108  }
0x21: {  	s3 =	sadd.s32 s3, s9;
	s6 =	sadd.s32 @!p0 $0x88, s6;
	s7 =	simm.s32 @p2 $0x1082  }
0x22: {  	[simem:s7], [sflag:s8] =	dma.local @!p0 [hbm:s6], $0xF7A  }
0x23: {  	s9 =	sor.u32 $0xD0000000, s2;
	s6 =	simm.s32 $0x108;
	_ =	swait.ge @!p0 [sflag:s8], $0x0  }
0x24: {  	s3 =	sadd.s32 $0x88, s3;
	s6 =	simm.s32 @!p1 $0x1082;
	[sflag:s4] =	ssyncset.s32 $0xFFFFF086  }
0x25: {  	[simem:s6], [sflag:s4] =	dma.local [hbm:s3], $0xF7A  }
0x26: {  	[smem:$0x3F8D] =	sst s1;
	(tag) =	ssettag s2;
	_ =	strace s9  }
0x27: {  	s1 =	sld [smem:$0x3F9D]  }
0x28: {  	s2 =	sld [smem:$0x3F9E]  }
0x29: {  	s4 =	sld [smem:$0x3FA0]  }
0x2a: {  	p0 =	seq.s32 s5, $0x0;
	s5 =	sld [smem:$0x3FA1]  }
0x2b: {  	s6 =	sld [smem:$0x3FA2]  }
0x2c: {  	s7 =	sld [smem:$0x3FA3]  }
0x2d: {  	s3 =	simm.s32 $0x108;
	s8 =	sld [smem:$0x3FA4]  }
0x2e: {  	s3 =	simm.s32 @!p0 $0x1082;
	s9 =	sld [smem:$0x3FA5]  }
0x2f: {  	lr =	sadd.s32 s0, s3;
	s0 =	sld [smem:$0x3F9C]  }
0x30: {  	s3 =	sld [smem:$0x3F9F]  }
0x31: {  	[smem:$0x3FA8] =	sst s10  }
0x32: {  	s10 =	sld [smem:$0x3FA6];
	_ =	sdelay $0x3  }
0x33: {  	p0 =	seq.s32 s10, $0x1;
	s10 =	sld [smem:$0x3FA8];
	_ =	sdelay $0x3  }
0x34: {  	[smem:$0x3FA8] =	sst s10  }
0x35: {  	s10 =	sld [smem:$0x3FA7];
	_ =	sdelay $0x3  }
0x36: {  	p1 =	seq.s32 s10, $0x1;
	s10 =	sld [smem:$0x3FA8];
	_ =	sdelay $0x3  }
0x37: {  	[smem:$0x3FA8] =	sst s10  }
0x38: {  	s10 =	sld [smem:$0x3FA9]  }
0x39: {  	_ = 	snop;
	(pc) =	sbr.ind lr, $3  }
0x3a: {  	_ = 	snop  }
0x3b: {  	_ = 	snop  }
0x3c: {  	p2 =	seq.s32 s10, $0x1;
	s10 =	sld [smem:$0x3FA8]  }
0x3d: {  	_ =	shalt  }
0x3e: {  	_ =	shalt  }
0x3f: {  	_ =	shalt  }
0x40: {  	_ =	shalt  }
0x41: {  	_ =	shalt  }
0x42: {  	_ =	shalt  }
0x43: {  	_ =	shalt  }
0x44: {  	_ =	shalt  }
0x45: {  	_ =	shalt  }
0x46: {  	_ =	shalt  }
0x47: {  	_ =	shalt  }
0x48: {  	_ =	shalt  }
0x49: {  	_ =	shalt  }
0x4a: {  	_ =	shalt  }
0x4b: {  	_ =	shalt  }
0x4c: {  	_ =	shalt  }
0x4d: {  	_ =	shalt  }
0x4e: {  	_ =	shalt  }
0x4f: {  	_ =	shalt  }
0x50: {  	_ =	shalt  }
0x51: {  	_ =	shalt  }
0x52: {  	_ =	shalt  }
0x53: {  	_ =	shalt  }
0x54: {  	_ =	shalt  }
0x55: {  	_ =	shalt  }
0x56: {  	_ =	shalt  }
0x57: {  	_ =	shalt  }
0x58: {  	_ =	shalt  }
0x59: {  	_ =	shalt  }
0x5a: {  	_ =	shalt  }
0x5b: {  	_ =	shalt  }
0x5c: {  	_ =	shalt  }
0x5d: {  	_ =	shalt  }
0x5e: {  	_ =	shalt  }
0x5f: {  	_ =	shalt  }
0x60: {  	_ =	shalt  }
0x61: {  	_ =	shalt  }
0x62: {  	_ =	shalt  }
0x63: {  	_ =	shalt  }
0x64: {  	_ =	shalt  }
0x65: {  	_ =	shalt  }
0x66: {  	_ =	shalt  }
0x67: {  	_ =	shalt  }
0x68: {  	_ =	shalt  }
0x69: {  	_ =	shalt  }
0x6a: {  	_ =	shalt  }
0x6b: {  	_ =	shalt  }
0x6c: {  	_ =	shalt  }
0x6d: {  	_ =	shalt  }
0x6e: {  	_ =	shalt  }
0x6f: {  	_ =	shalt  }
0x70: {  	_ =	shalt  }
0x71: {  	_ =	shalt  }
0x72: {  	_ =	shalt  }
0x73: {  	_ =	shalt  }
0x74: {  	_ =	shalt  }
0x75: {  	_ =	shalt  }
0x76: {  	_ =	shalt  }
0x77: {  	_ =	shalt  }
0x78: {  	_ =	shalt  }
0x79: {  	_ =	shalt  }
0x7a: {  	_ =	shalt  }
0x7b: {  	_ =	shalt  }
0x7c: {  	_ =	shalt  }
0x7d: {  	_ =	shalt  }
0x7e: {  	_ =	shalt  }
0x7f: {  	_ =	shalt  }
0x80: {  	_ =	shalt  }
0x81: {  	_ =	shalt  }
0x82: {  	_ =	shalt  }
0x83: {  	_ =	shalt  }
0x84: {  	_ =	shalt  }
0x85: {  	_ =	shalt  }
0x86: {  	_ =	shalt  }
0x87: {  	_ =	shalt  }
.Lfunc_end0:
.L_simem_size_0:
called_computation.2_lowered:
.L_overlay_start_0:
0x88: {  	s2 =	sld [smem:$0x3FD9]  }
0x89: {  	s3 =	sld [smem:$0x3FFE];
	_ =	sdelay $0x1  }
0x8a: {  	s1 =	srdreg.scid  }
0x8b: {  	s0 =	sand.u32 $0x1, s1  }
0x8c: {  	s17 =	sshll.u32 s0, $0xA;
	s2 =	sadd.s32 s3, s2  }
0x8d: {  	s2 =	sadd.s32 s2, s17  }
0x8e: {  	[smem:$0x3FB4] =	sst s2  }
0x8f: {  	_ = 	snop  }
0x90: {  	s2 =	sld [smem:$0x3FD0];
	(tm) =	ssettm $0x1  }
0x91: {  	s18 =	sld [smem:$0x3FFB];
	_ =	sdelay $0x3  }
0x92: {  	_ =	strace s18  }
0x93: {  	s3 =	sld [smem:$0x3FFC];
	_ =	sdelay $0x3  }
0x94: {  	_ =	strace s3  }
0x95: {  	s3 =	sld [smem:$0x3FFD];
	_ =	sdelay $0x3  }
0x96: {  	_ =	strace s3  }
0x97: {  	_ =	strace $0x8FFFFFFF  }
0x98: {  	s19 =	sld [smem:$0x3FDB];
	_ =	sdelay $0x1  }
0x99: {  	s4 =	simm.s32 $_scs_section_size  }
0x9a: {  	s5 =	simm.s32 $_size__tile_overlayer_lowered;
	s6 =	simm.s32 $_tile_overlayer_lowered  }
0x9b: {  	s22 =	simm.s32 $0x1BFF;
	s21 =	sshll.u32 s6, $0x1;
	s3 =	sadd.s32 s4, s19  }
0x9c: {  	s7 =	simm.s32 $0x0;
	s20 =	sshll.u32 s5, $0x1;
	s5 =	sadd.s32 s21, s3  }
0x9d: {  	[timem:s7], [sflag:s22] =	dma.local [hbm:s5], s20  }
0x9e: {  	_ =	swait.ge [sflag:s22], s20  }
0x9f: {  	s4 =	ssub.s32 $0x0, s20;
	[sflag:s22] =	ssyncset.done $0x0  }
0xa0: {  	[sflag:s22] =	ssyncadd.s32 s4;
	_ =	sdelay $0x1  }
0xa1: {  	s23 =	simm.s32 $0x1B8B  }
0xa2: {  	_ =	swait.ge [sflag:s23], $0x1  }
0xa3: {  	[sflag:s23] =	ssyncset.done $0x0  }
0xa4: {  	s25 =	simm.s32 $0x1B8E;
	s24 =	sld [smem:$0x3FFE];
	[sflag:s23] =	ssyncadd.s32 $0xFFFFFFFF  }
0xa5: {  	s26 =	simm.s32 $execute0_lowered;
	[smem:$0x3FD2] =	sst s25  }
0xa6: {  	s5 =	sshll.u32 s26, $0x1;
	_ =	strace $0x8000004C;
	[dreg:$0x1] =	wrdreg $0xFFFFFFFF  }
0xa7: {  	s28 =	simm.s32 $_size_execute0_lowered;
	s3 =	sadd.s32 s3, s5;
	[dreg:$0x0] =	wrdreg $0x0  }
0xa8: {  	s5 =	sshll.u32 s28, $0x1;
	[dreg:$0x2] =	wrdreg s3  }
0xa9: {  	[dreg:$0x3] =	wrdreg s5  }
0xaa: {  	[dreg:$0x4] =	wrdreg $0xC0  }
0xab: {  	_ =	task [dreg:s7], $0x5FFFF  }
0xac: {  	[dreg:$0x1] =	wrdreg $0xFFFFFFFF  }
0xad: {  	[dreg:$0x0] =	wrdreg $0x60  }
0xae: {  	[dreg:$0x2] =	wrdreg s2  }
0xaf: {  	[dreg:$0x3] =	wrdreg s24  }
0xb0: {  	[dreg:$0x4] =	wrdreg $0x9  }
0xb1: {  	_ =	task.clear_ibuf [dreg:s7], $0x5FFFF;
	_ =	strace $0x9000004C  }
0xb2: {  	s29 =	simm.s32 $0x9;
	_ =	strace $0x8000004E  }
0xb3: {  	_ =	swait.ge [sflag:s29], $0x1  }
0xb4: {  	[sflag:s29] =	ssyncadd.s32 $0xFFFFFFFF  }
0xb5: {  	_ =	strace $0x9000004E  }
0xb6: {  	_ =	sfence  }
0xb7: {  	s30 =	sld [smem:$0x0];
	_ =	sdelay $0x2  }
0xb8: {  	s31 =	sshll.u32 s1, $0xD;
	s1 =	sshrl.u32 s1, $0x2  }
0xb9: {  	s3 =	sand.u32 $0x4000, s31;
	s1 =	sadd.s32 s1, s30  }
0xba: {  	s0 =	sor.u32 s3, s0;
	s1 =	sshll.u32 s1, $0x11  }
0xbb: {  	s0 =	sor.u32 s1, s0  }
0xbc: {  	s0 =	sadd.s32 $0x8F2B, s0  }
0xbd: {  	[sflag:s0] =	ssyncadd.remote.s32 $0x1  }
0xbe: {  	_ =	sfence.sel $0xFFFF  }
0xbf: {  	[dreg:$0x0] =	wrdreg $0xFFFFFFFF;
	(pc) =	sbr.abs _section_cstart, $3  }
0xc0: {  	[dreg:$0x1] =	wrdreg $0xFFFFFFFF  }
0xc1: {  	_ =	task.clear_ibuf [dreg:s7], $0x2FFFF;
	_ =	strace $0x9FFFFFFF  }
0xc2: {  	(tm) =	ssettm $0x7FFFFFFF  }
0xc3: {  	_ =	shalt  }
tec
execute0_lowered:
.L_overlay_start_1:
0x0: {  	(tag) =	ssettag $0x1  }
0x1: {  	s1 =	srdreg.scid  }
0x2: {  	s2 =	rddreg [dreg:$0x0];
	s0 =	stileid.u32  }
0x3: {  	s4 =	rddreg [dreg:$0x1];
	s3 =	simm.s32 $0x0;
	s8 =	simm.s32 $0x80  }
0x4: {  	s26 =	simm.s32 $0x880;
	s9 =	simm.s32 $0x1080;
	s10 =	simm.s32 $0x1880  }
0x5: {  	s11 =	simm.s32 $0x2080;
	s12 =	simm.s32 $0x2880;
	s13 =	simm.s32 $0x3080  }
0x6: {  	s14 =	simm.s32 $0x3880;
	s15 =	simm.s32 $0x4080;
	s16 =	simm.s32 $0x4880  }
0x7: {  	s17 =	simm.s32 $0x5080;
	s18 =	simm.s32 $0x5880;
	s19 =	simm.s32 $0x6080  }
0x8: {  	s20 =	simm.s32 $0x6880;
	s21 =	simm.s32 $0x7080;
	s22 =	simm.s32 $0x7880  }
0x9: {  	s23 =	simm.s32 $0x8080;
	s24 =	simm.s32 $0x8880;
	s28 =	simm.s32 $0xA080  }
0xa: {  	s29 =	simm.s32 $0xA880;
	s30 =	simm.s32 $0xB080;
	s31 =	simm.s32 $0xB880  }
0xb: {  	s1 =	sand.u32 $0x1, s1;
	s5 =	sshll.u32 s0, $0x4;
	[smem:$0x7FF] =	sst s3  }
0xc: {  	s6 =	sshll.u32 s1, $0x3;
	s1 =	ssub.s32 $0x2, s1;
	_ =	strace $0x8000004D  }
0xd: {  	[dreg:$0x5] =	wrdreg s26;
	s26 =	simm.s32 $0x9880;
	s5 =	sor.u32 s6, s5  }
0xe: {  	s7 =	sshrl.u32 s1, $0x1;
	s6 =	smul.u32 $0x300, s5;
	s5 =	sadd.s32 s5, s4  }
0xf: {  	s1 =	ssub.s32 s1, s7;
	s7 =	simm.s32 $0x2;
	s25 =	sadd.s32 $0x2E2600, s5  }
0x10: {  	v2 =	vlaneseq.u32;
	s5 =	sadd.s32 $0x200, s2;
	s6 =	sadd.s32 s6, s4;
	[dreg:$0x3] =	wrdreg s25  }
0x11: {  	vm0 =	vmmov $0xffff;
	v1 =	vshrl.u32 v2, $0x3;
	s4 =	sadd.s32 $0x100, s2;
	s25 =	simm.s32 $0x9080;
	s6 =	sadd.s32 $0x2E2800, s6  }
0x12: {  	v0 =	vand.u32 $0x7, v2;
	v2 =	vor.u32 $0x8, v2;
	v1 =	vmul.u32 $0x8, v1;
	[dreg:$0x4] =	wrdreg s6;
	s6 =	smax.u32 s1, $0x1;
	s1 =	simm.s32 $0x1  }
.LBB2_1:
0x13: {  	s0 =	rddreg [dreg:$0x3]  }
0x14: {  	[tilespmem:s3], [sflag:$0x2] =	stream.linear.gather [hbm4b:s0+s3], $0x40, $0x38;
	[tilespmem:$0xC080] =	vst v63  }
0x15: {  	_ =	swait.ge [sflag:s7], $0x40  }
0x16: {  	[sflag:s7] =	ssyncset.done $0x0  }
0x17: {  	[sflag:s7] =	ssyncadd.s32 $0xFFFFFFC0  }
0x18: {  	v3 =	vld [tilespmem:$0x0];
	_ =	sdelay $0x4  }
0x19: {  	v4 =	vshrl.u32 v3, $0x3  }
0x1a: {  	v4 =	vmul.u32 $0x30, v4  }
0x1b: {  	v3 =	vand.u32 $0x7, v3  }
0x1c: {  	v3 =	vor.u32 v3, v4  }
0x1d: {  	v4 =	vperm.xlane v3, v0;
	_ =	sdelay $0x1  }
0x1e: {  	v4 =	vadd.s32 v1, v4;
	_ =	sdelay $0x3  }
0x1f: {  	v3 =	vperm.xlane v3, v2  }
0x20: {  	[tilespmem:s8], [sflag:$0x1] =	stream.indirect_vreg.gather [hbm4b:s2+s3], $0x80, v4, vm0, $0xb8;
	[tilespmem:$0xC080] =	vst v63  }
0x21: {  	s0 =	rddreg [dreg:$0x5];
	v3 =	vadd.s32 v1, v3  }
0x22: {  	[tilespmem:s0], [sflag:$0x1] =	stream.indirect_vreg.gather [hbm4b:s4+s3], $0x80, v4, vm0, $0xb8;
	[tilespmem:$0xC080] =	vst v63  }
0x23: {  	_ = 	snop  }
0x24: {  	[tilespmem:s9], [sflag:$0x1] =	stream.indirect_vreg.gather [hbm4b:s5+s3], $0x80, v4, vm0, $0xb8;
	[tilespmem:$0xC080] =	vst v63  }
0x25: {  	_ = 	snop  }
0x26: {  	[tilespmem:s10], [sflag:$0x1] =	stream.indirect_vreg.gather [hbm4b:s2+s3], $0x80, v3, vm0, $0xb8;
	[tilespmem:$0xC080] =	vst v63  }
0x27: {  	_ = 	snop  }
0x28: {  	[tilespmem:s11], [sflag:$0x1] =	stream.indirect_vreg.gather [hbm4b:s4+s3], $0x80, v3, vm0, $0xb8;
	[tilespmem:$0xC080] =	vst v63  }
0x29: {  	_ = 	snop  }
0x2a: {  	[tilespmem:s12], [sflag:$0x1] =	stream.indirect_vreg.gather [hbm4b:s5+s3], $0x80, v3, vm0, $0xb8;
	[tilespmem:$0xC080] =	vst v63  }
0x2b: {  	v3 =	vld [tilespmem:$0x10];
	_ =	sdelay $0x4  }
0x2c: {  	v61 =	vshrl.u32 v3, $0x3  }
0x2d: {  	v4 =	vmul.u32 $0x30, v61  }
0x2e: {  	v3 =	vand.u32 $0x7, v3  }
0x2f: {  	v3 =	vor.u32 v3, v4  }
0x30: {  	v4 =	vperm.xlane v3, v0;
	_ =	sdelay $0x1  }
0x31: {  	v4 =	vadd.s32 v1, v4;
	_ =	sdelay $0x3  }
0x32: {  	v3 =	vperm.xlane v3, v2  }
0x33: {  	[tilespmem:s13], [sflag:$0x1] =	stream.indirect_vreg.gather [hbm4b:s2+s3], $0x80, v4, vm0, $0xb8;
	[tilespmem:$0xC080] =	vst v63  }
0x34: {  	v3 =	vadd.s32 v1, v3  }
0x35: {  	[tilespmem:s14], [sflag:$0x1] =	stream.indirect_vreg.gather [hbm4b:s4+s3], $0x80, v4, vm0, $0xb8;
	[tilespmem:$0xC080] =	vst v63  }
0x36: {  	_ = 	snop  }
0x37: {  	[tilespmem:s15], [sflag:$0x1] =	stream.indirect_vreg.gather [hbm4b:s5+s3], $0x80, v4, vm0, $0xb8;
	[tilespmem:$0xC080] =	vst v63  }
0x38: {  	_ = 	snop  }
0x39: {  	[tilespmem:s16], [sflag:$0x1] =	stream.indirect_vreg.gather [hbm4b:s2+s3], $0x80, v3, vm0, $0xb8;
	[tilespmem:$0xC080] =	vst v63  }
0x3a: {  	_ = 	snop  }
0x3b: {  	[tilespmem:s17], [sflag:$0x1] =	stream.indirect_vreg.gather [hbm4b:s4+s3], $0x80, v3, vm0, $0xb8;
	[tilespmem:$0xC080] =	vst v63  }
0x3c: {  	_ = 	snop  }
0x3d: {  	[tilespmem:s18], [sflag:$0x1] =	stream.indirect_vreg.gather [hbm4b:s5+s3], $0x80, v3, vm0, $0xb8;
	[tilespmem:$0xC080] =	vst v63  }
0x3e: {  	v3 =	vld [tilespmem:$0x20];
	_ =	sdelay $0x4  }
0x3f: {  	v62 =	vshrl.u32 v3, $0x3  }
0x40: {  	v4 =	vmul.u32 $0x30, v62  }
0x41: {  	v3 =	vand.u32 $0x7, v3  }
0x42: {  	v3 =	vor.u32 v3, v4  }
0x43: {  	v4 =	vperm.xlane v3, v0;
	_ =	sdelay $0x1  }
0x44: {  	v4 =	vadd.s32 v1, v4;
	_ =	sdelay $0x3  }
0x45: {  	v3 =	vperm.xlane v3, v2  }
0x46: {  	[tilespmem:s19], [sflag:$0x1] =	stream.indirect_vreg.gather [hbm4b:s2+s3], $0x80, v4, vm0, $0xb8;
	[tilespmem:$0xC080] =	vst v63  }
0x47: {  	v3 =	vadd.s32 v1, v3  }
0x48: {  	[tilespmem:s20], [sflag:$0x1] =	stream.indirect_vreg.gather [hbm4b:s4+s3], $0x80, v4, vm0, $0xb8;
	[tilespmem:$0xC080] =	vst v63  }
0x49: {  	_ = 	snop  }
0x4a: {  	[tilespmem:s21], [sflag:$0x1] =	stream.indirect_vreg.gather [hbm4b:s5+s3], $0x80, v4, vm0, $0xb8;
	[tilespmem:$0xC080] =	vst v63  }
0x4b: {  	_ = 	snop  }
0x4c: {  	[tilespmem:s22], [sflag:$0x1] =	stream.indirect_vreg.gather [hbm4b:s2+s3], $0x80, v3, vm0, $0xb8;
	[tilespmem:$0xC080] =	vst v63  }
0x4d: {  	_ = 	snop  }
0x4e: {  	[tilespmem:s23], [sflag:$0x1] =	stream.indirect_vreg.gather [hbm4b:s4+s3], $0x80, v3, vm0, $0xb8;
	[tilespmem:$0xC080] =	vst v63  }
0x4f: {  	_ = 	snop  }
0x50: {  	[tilespmem:s24], [sflag:$0x1] =	stream.indirect_vreg.gather [hbm4b:s5+s3], $0x80, v3, vm0, $0xb8;
	[tilespmem:$0xC080] =	vst v63  }
0x51: {  	v3 =	vld [tilespmem:$0x30];
	_ =	sdelay $0x4  }
0x52: {  	v63 =	vshrl.u32 v3, $0x3  }
0x53: {  	v4 =	vmul.u32 $0x30, v63  }
0x54: {  	v3 =	vand.u32 $0x7, v3  }
0x55: {  	v3 =	vor.u32 v3, v4  }
0x56: {  	v4 =	vperm.xlane v3, v0;
	_ =	sdelay $0x1  }
0x57: {  	v4 =	vadd.s32 v1, v4;
	_ =	sdelay $0x3  }
0x58: {  	v3 =	vperm.xlane v3, v2  }
0x59: {  	[tilespmem:s25], [sflag:$0x1] =	stream.indirect_vreg.gather [hbm4b:s2+s3], $0x80, v4, vm0, $0xb8;
	[tilespmem:$0xC080] =	vst v63  }
0x5a: {  	v3 =	vadd.s32 v1, v3  }
0x5b: {  	[tilespmem:s26], [sflag:$0x1] =	stream.indirect_vreg.gather [hbm4b:s4+s3], $0x80, v4, vm0, $0xb8;
	[tilespmem:$0xC080] =	vst v63  }
0x5c: {  	_ = 	snop  }
0x5d: {  	[tilespmem:s28], [sflag:$0x1] =	stream.indirect_vreg.gather [hbm4b:s5+s3], $0x80, v4, vm0, $0xb8;
	[tilespmem:$0xC080] =	vst v63  }
0x5e: {  	_ = 	snop  }
0x5f: {  	[tilespmem:s29], [sflag:$0x1] =	stream.indirect_vreg.gather [hbm4b:s2+s3], $0x80, v3, vm0, $0xb8;
	[tilespmem:$0xC080] =	vst v63  }
0x60: {  	_ = 	snop  }
0x61: {  	[tilespmem:s30], [sflag:$0x1] =	stream.indirect_vreg.gather [hbm4b:s4+s3], $0x80, v3, vm0, $0xb8;
	[tilespmem:$0xC080] =	vst v63  }
0x62: {  	_ = 	snop  }
0x63: {  	[tilespmem:s31], [sflag:$0x1] =	stream.indirect_vreg.gather [hbm4b:s5+s3], $0x80, v3, vm0, $0xb8;
	[tilespmem:$0xC080] =	vst v63  }
0x64: {  	_ =	swait.ge [sflag:s1], $0xC000  }
0x65: {  	p0 =	sne.s32 s6, $0x1;
	[sflag:s1] =	ssyncset.done $0x0  }
.Ltmp0:
0x66: {  	s0 =	rddreg [dreg:$0x4];
	[sflag:s1] =	ssyncadd.s32 $0xFFFF4000;
	(pc) =	sbr.rel @p0 .LBB2_1-.Ltmp0, $4  }
0x67: {  	[hbm4b:s0+s3] =	stream.linear.scatter [tilespmem:s8], [sflag:$0x2], $0xC000, $0x38;
	[tilespmem:$0xC080] =	vst v63  }
0x68: {  	_ =	swait.ge [sflag:s7], $0xC000  }
0x69: {  	[sflag:s7] =	ssyncset.done $0x0  }
0x6a: {  	s6 =	sadd.s32 $0xFFFFFFFF, s6;
	[sflag:s7] =	ssyncadd.s32 $0xFFFF4000  }
0x6b: {  	_ =	sfence.sel $0x180000  }
0x6c: {  	[bflag:$0x0] =	sbarrier.arrive $0xFFFF  }
0x6d: {  	_ =	strace $0x9000004D  }
0x6e: {  	s0 =	stileid.u32;
	[bflag:$0x2] =	sbarrier.arrive $0xFFFF  }
0x6f: {  	p0 =	sne.s32 s0, $0x0;
	s0 =	rddreg [dreg:$0x2]  }
0x70: {  	s0 =	sadd.s32 @!p0 $0x100000, s0  }
0x71: {  	[sflag:s0] =	ssyncadd.tile.s32 @!p0 $0x1;
	_ =	shalt  }
.Lfunc_end2:
_tile_overlayer_lowered:
.L_overlay_start_2:
0x72: {  	(tag) =	ssettag $0x2  }
0x73: {  	s0 =	rddreg [dreg:$0x0];
	s2 =	stileid.u32  }
0x74: {  	s1 =	rddreg [dreg:$0x1];
	p0 =	sne.s32 s2, $0x0  }
0x75: {  	s3 =	rddreg [dreg:$0x2];
	[bflag:$0x3] =	sbarrier.arrive $0xFFFF;
	s2 =	simm.s32 @!p0 $0x1C02  }
0x76: {  	[timem:s3], [sflag:s2] =	dma.local @!p0 [hbm:s0], s1  }
0x77: {  	s0 =	simm.s32 @!p0 $0x2  }
0x78: {  	_ =	swait.ge @!p0 [sflag:s0], s1  }
0x79: {  	s1 =	ssub.s32 @!p0 $0x0, s1;
	[sflag:s0] =	ssyncset.done @!p0 $0x0  }
0x7a: {  	[sflag:s0] =	ssyncadd.s32 @!p0 s1  }
0x7b: {  	[bflag:$0x3] =	sbarrier.arrive $0xFFFF  }
0x7c: {  	_ =	shalt  }

// kernel: kernel.33.cloned.1.call-start
scs
__scs_entry_jumppad:
0x0: {  	(pc) =	sbr.rel $0x88, $3  }
0x1: {  	(tag) =	ssettag $0x0;
	lr =	simm.s32 $0x1  }
0x2: {  	[smem:$0x3F8D] =	sst lr;
	_ =	strace $0xD0000000  }
0x3: {  	_ = 	snop  }
0x4: {  	_ = 	snop  }
0x5: {  	_ = 	snop  }
0x6: {  	_ = 	snop  }
0x7: {  	_ = 	snop  }
__scs_overlays_trampoline_lowered:
0x8: {  	[smem:$0x3F9C] =	sst s0  }
0x9: {  	[smem:$0x3F9D] =	sst s1  }
0xa: {  	[smem:$0x3F9E] =	sst s2  }
0xb: {  	[smem:$0x3F9F] =	sst s3  }
0xc: {  	[smem:$0x3FA0] =	sst s4  }
0xd: {  	[smem:$0x3FA1] =	sst s5  }
0xe: {  	[smem:$0x3FA2] =	sst s6  }
0xf: {  	[smem:$0x3FA3] =	sst s7  }
0x10: {  	[smem:$0x3FA4] =	sst s8  }
0x11: {  	[smem:$0x3FA5] =	sst s9;
	s0 =	simm.s32 @!p0 $0x0  }
0x12: {  	s1 =	sld [smem:$0x3F8B];
	s0 =	simm.s32 @p0 $0x1  }
0x13: {  	[smem:$0x3FA6] =	sst s0;
	s0 =	simm.s32 @!p1 $0x0  }
0x14: {  	s2 =	sld [smem:$0x3F8A];
	s0 =	simm.s32 @p1 $0x1  }
0x15: {  	[smem:$0x3FA7] =	sst s0;
	s0 =	simm.s32 @!p2 $0x0  }
0x16: {  	s3 =	sld [smem:$0x3FDB];
	s0 =	simm.s32 @p2 $0x1  }
0x17: {  	s4 =	simm.s32 $0x1BF5;
	[smem:$0x3FA9] =	sst s0  }
0x18: {  	s0 =	sld [smem:$0x3F8C];
	_ =	swait.ge [sflag:s4], $0x0  }
0x19: {  	s7 =	sld [smem:$0x3F8D]  }
0x1a: {  	s8 =	sadd.s32 $0xFFFFE003, lr  }
0x1b: {  	s9 =	sadd.s32 $0xFFFFFEF7, lr;
	s5 =	simm.s32 $0xFFFFFFFF;
	p2 =	slt.u32 s8, $0xFFFFF086  }
0x1c: {  	p1 =	slt.u32 s9, $0xF7A;
	s5 =	simm.s32 @!p2 $0x0  }
0x1d: {  	s5 =	simm.s32 @p1 $0x1;
	p0 =	seq.s32 s7, s2  }
0x1e: {  	s7 =	smul.u32 @!p0 $0xF7A, s2;
	p2 =	seq.s32 @!p0 s5, $0x0  }
0x1f: {  	s9 =	smul.u32 $0xF7A, s1;
	s8 =	simm.s32 @!p0 $0x1BF5;
	p2 =	por !p2, p0  }
0x20: {  	[sflag:s8] =	ssyncset.s32 @!p0 $0xFFFFF086;
	s6 =	sadd.s32 @!p0 s3, s7;
	s7 =	simm.s32 @!p0 $0x108  }
0x21: {  	s3 =	sadd.s32 s3, s9;
	s6 =	sadd.s32 @!p0 $0x88, s6;
	s7 =	simm.s32 @p2 $0x1082  }
0x22: {  	[simem:s7], [sflag:s8] =	dma.local @!p0 [hbm:s6], $0xF7A  }
0x23: {  	s9 =	sor.u32 $0xD0000000, s2;
	s6 =	simm.s32 $0x108;
	_ =	swait.ge @!p0 [sflag:s8], $0x0  }
0x24: {  	s3 =	sadd.s32 $0x88, s3;
	s6 =	simm.s32 @!p1 $0x1082;
	[sflag:s4] =	ssyncset.s32 $0xFFFFF086  }
0x25: {  	[simem:s6], [sflag:s4] =	dma.local [hbm:s3], $0xF7A  }
0x26: {  	[smem:$0x3F8D] =	sst s1;
	(tag) =	ssettag s2;
	_ =	strace s9  }
0x27: {  	s1 =	sld [smem:$0x3F9D]  }
0x28: {  	s2 =	sld [smem:$0x3F9E]  }
0x29: {  	s4 =	sld [smem:$0x3FA0]  }
0x2a: {  	p0 =	seq.s32 s5, $0x0;
	s5 =	sld [smem:$0x3FA1]  }
0x2b: {  	s6 =	sld [smem:$0x3FA2]  }
0x2c: {  	s7 =	sld [smem:$0x3FA3]  }
0x2d: {  	s3 =	simm.s32 $0x108;
	s8 =	sld [smem:$0x3FA4]  }
0x2e: {  	s3 =	simm.s32 @!p0 $0x1082;
	s9 =	sld [smem:$0x3FA5]  }
0x2f: {  	lr =	sadd.s32 s0, s3;
	s0 =	sld [smem:$0x3F9C]  }
0x30: {  	s3 =	sld [smem:$0x3F9F]  }
0x31: {  	[smem:$0x3FA8] =	sst s10  }
0x32: {  	s10 =	sld [smem:$0x3FA6];
	_ =	sdelay $0x3  }
0x33: {  	p0 =	seq.s32 s10, $0x1;
	s10 =	sld [smem:$0x3FA8];
	_ =	sdelay $0x3  }
0x34: {  	[smem:$0x3FA8] =	sst s10  }
0x35: {  	s10 =	sld [smem:$0x3FA7];
	_ =	sdelay $0x3  }
0x36: {  	p1 =	seq.s32 s10, $0x1;
	s10 =	sld [smem:$0x3FA8];
	_ =	sdelay $0x3  }
0x37: {  	[smem:$0x3FA8] =	sst s10  }
0x38: {  	s10 =	sld [smem:$0x3FA9]  }
0x39: {  	_ = 	snop;
	(pc) =	sbr.ind lr, $3  }
0x3a: {  	_ = 	snop  }
0x3b: {  	_ = 	snop  }
0x3c: {  	p2 =	seq.s32 s10, $0x1;
	s10 =	sld [smem:$0x3FA8]  }
0x3d: {  	_ =	shalt  }
0x3e: {  	_ =	shalt  }
0x3f: {  	_ =	shalt  }
0x40: {  	_ =	shalt  }
0x41: {  	_ =	shalt  }
0x42: {  	_ =	shalt  }
0x43: {  	_ =	shalt  }
0x44: {  	_ =	shalt  }
0x45: {  	_ =	shalt  }
0x46: {  	_ =	shalt  }
0x47: {  	_ =	shalt  }
0x48: {  	_ =	shalt  }
0x49: {  	_ =	shalt  }
0x4a: {  	_ =	shalt  }
0x4b: {  	_ =	shalt  }
0x4c: {  	_ =	shalt  }
0x4d: {  	_ =	shalt  }
0x4e: {  	_ =	shalt  }
0x4f: {  	_ =	shalt  }
0x50: {  	_ =	shalt  }
0x51: {  	_ =	shalt  }
0x52: {  	_ =	shalt  }
0x53: {  	_ =	shalt  }
0x54: {  	_ =	shalt  }
0x55: {  	_ =	shalt  }
0x56: {  	_ =	shalt  }
0x57: {  	_ =	shalt  }
0x58: {  	_ =	shalt  }
0x59: {  	_ =	shalt  }
0x5a: {  	_ =	shalt  }
0x5b: {  	_ =	shalt  }
0x5c: {  	_ =	shalt  }
0x5d: {  	_ =	shalt  }
0x5e: {  	_ =	shalt  }
0x5f: {  	_ =	shalt  }
0x60: {  	_ =	shalt  }
0x61: {  	_ =	shalt  }
0x62: {  	_ =	shalt  }
0x63: {  	_ =	shalt  }
0x64: {  	_ =	shalt  }
0x65: {  	_ =	shalt  }
0x66: {  	_ =	shalt  }
0x67: {  	_ =	shalt  }
0x68: {  	_ =	shalt  }
0x69: {  	_ =	shalt  }
0x6a: {  	_ =	shalt  }
0x6b: {  	_ =	shalt  }
0x6c: {  	_ =	shalt  }
0x6d: {  	_ =	shalt  }
0x6e: {  	_ =	shalt  }
0x6f: {  	_ =	shalt  }
0x70: {  	_ =	shalt  }
0x71: {  	_ =	shalt  }
0x72: {  	_ =	shalt  }
0x73: {  	_ =	shalt  }
0x74: {  	_ =	shalt  }
0x75: {  	_ =	shalt  }
0x76: {  	_ =	shalt  }
0x77: {  	_ =	shalt  }
0x78: {  	_ =	shalt  }
0x79: {  	_ =	shalt  }
0x7a: {  	_ =	shalt  }
0x7b: {  	_ =	shalt  }
0x7c: {  	_ =	shalt  }
0x7d: {  	_ =	shalt  }
0x7e: {  	_ =	shalt  }
0x7f: {  	_ =	shalt  }
0x80: {  	_ =	shalt  }
0x81: {  	_ =	shalt  }
0x82: {  	_ =	shalt  }
0x83: {  	_ =	shalt  }
0x84: {  	_ =	shalt  }
0x85: {  	_ =	shalt  }
0x86: {  	_ =	shalt  }
0x87: {  	_ =	shalt  }
.Lfunc_end0:
.L_simem_size_0:
called_computation.3_lowered:
.L_overlay_start_0:
0x88: {  	s2 =	sld [smem:$0x3FD9]  }
0x89: {  	s3 =	sld [smem:$0x3FFE];
	_ =	sdelay $0x1  }
0x8a: {  	s1 =	srdreg.scid  }
0x8b: {  	s0 =	sand.u32 $0x1, s1  }
0x8c: {  	s17 =	sshll.u32 s0, $0xA;
	s2 =	sadd.s32 s3, s2  }
0x8d: {  	s2 =	sadd.s32 s2, s17  }
0x8e: {  	[smem:$0x3FB4] =	sst s2  }
0x8f: {  	_ = 	snop  }
0x90: {  	s2 =	sld [smem:$0x3FD0];
	(tm) =	ssettm $0x1  }
0x91: {  	s18 =	sld [smem:$0x3FFB];
	_ =	sdelay $0x3  }
0x92: {  	_ =	strace s18  }
0x93: {  	s3 =	sld [smem:$0x3FFC];
	_ =	sdelay $0x3  }
0x94: {  	_ =	strace s3  }
0x95: {  	s3 =	sld [smem:$0x3FFD];
	_ =	sdelay $0x3  }
0x96: {  	_ =	strace s3  }
0x97: {  	_ =	strace $0x8FFFFFFF  }
0x98: {  	s19 =	sld [smem:$0x3FDB];
	_ =	sdelay $0x1  }
0x99: {  	s4 =	simm.s32 $_scs_section_size  }
0x9a: {  	s5 =	simm.s32 $_size__tile_overlayer_lowered;
	s6 =	simm.s32 $_tile_overlayer_lowered  }
0x9b: {  	s22 =	simm.s32 $0x1BFF;
	s21 =	sshll.u32 s6, $0x1;
	s3 =	sadd.s32 s4, s19  }
0x9c: {  	s7 =	simm.s32 $0x0;
	s20 =	sshll.u32 s5, $0x1;
	s5 =	sadd.s32 s21, s3  }
0x9d: {  	[timem:s7], [sflag:s22] =	dma.local [hbm:s5], s20  }
0x9e: {  	_ =	swait.ge [sflag:s22], s20  }
0x9f: {  	s4 =	ssub.s32 $0x0, s20;
	[sflag:s22] =	ssyncset.done $0x0  }
0xa0: {  	[sflag:s22] =	ssyncadd.s32 s4;
	_ =	sdelay $0x1  }
0xa1: {  	s23 =	simm.s32 $0x1B8B  }
0xa2: {  	_ =	swait.ge [sflag:s23], $0x1  }
0xa3: {  	[sflag:s23] =	ssyncset.done $0x0  }
0xa4: {  	s25 =	simm.s32 $0x1B8E;
	s24 =	sld [smem:$0x3FFE];
	[sflag:s23] =	ssyncadd.s32 $0xFFFFFFFF  }
0xa5: {  	s26 =	simm.s32 $execute0_lowered;
	[smem:$0x3FD2] =	sst s25  }
0xa6: {  	s5 =	sshll.u32 s26, $0x1;
	_ =	strace $0x8000004F;
	[dreg:$0x1] =	wrdreg $0xFFFFFFFF  }
0xa7: {  	s28 =	simm.s32 $_size_execute0_lowered;
	s3 =	sadd.s32 s3, s5;
	[dreg:$0x0] =	wrdreg $0x0  }
0xa8: {  	s5 =	sshll.u32 s28, $0x1;
	[dreg:$0x2] =	wrdreg s3  }
0xa9: {  	[dreg:$0x3] =	wrdreg s5  }
0xaa: {  	[dreg:$0x4] =	wrdreg $0xC0  }
0xab: {  	_ =	task [dreg:s7], $0x5FFFF  }
0xac: {  	[dreg:$0x1] =	wrdreg $0xFFFFFFFF  }
0xad: {  	[dreg:$0x0] =	wrdreg $0x60  }
0xae: {  	[dreg:$0x2] =	wrdreg s2  }
0xaf: {  	[dreg:$0x3] =	wrdreg s24  }
0xb0: {  	[dreg:$0x4] =	wrdreg $0x9  }
0xb1: {  	_ =	task.clear_ibuf [dreg:s7], $0x5FFFF;
	_ =	strace $0x9000004F  }
0xb2: {  	s29 =	simm.s32 $0x9;
	_ =	strace $0x80000051  }
0xb3: {  	_ =	swait.ge [sflag:s29], $0x1  }
0xb4: {  	[sflag:s29] =	ssyncadd.s32 $0xFFFFFFFF  }
0xb5: {  	_ =	strace $0x90000051  }
0xb6: {  	_ =	sfence  }
0xb7: {  	s30 =	sld [smem:$0x0];
	_ =	sdelay $0x2  }
0xb8: {  	s31 =	sshll.u32 s1, $0xD;
	s1 =	sshrl.u32 s1, $0x2  }
0xb9: {  	s3 =	sand.u32 $0x4000, s31;
	s1 =	sadd.s32 s1, s30  }
0xba: {  	s0 =	sor.u32 s3, s0;
	s1 =	sshll.u32 s1, $0x11  }
0xbb: {  	s0 =	sor.u32 s1, s0  }
0xbc: {  	s0 =	sadd.s32 $0x8F2B, s0  }
0xbd: {  	[sflag:s0] =	ssyncadd.remote.s32 $0x1  }
0xbe: {  	_ =	sfence.sel $0xFFFF  }
0xbf: {  	[dreg:$0x0] =	wrdreg $0xFFFFFFFF;
	(pc) =	sbr.abs _section_cstart, $3  }
0xc0: {  	[dreg:$0x1] =	wrdreg $0xFFFFFFFF  }
0xc1: {  	_ =	task.clear_ibuf [dreg:s7], $0x2FFFF;
	_ =	strace $0x9FFFFFFF  }
0xc2: {  	(tm) =	ssettm $0x7FFFFFFF  }
0xc3: {  	_ =	shalt  }
tec
execute0_lowered:
.L_overlay_start_1:
0x0: {  	(tag) =	ssettag $0x1  }
0x1: {  	s1 =	srdreg.scid  }
0x2: {  	s2 =	rddreg [dreg:$0x0];
	s0 =	stileid.u32  }
0x3: {  	s4 =	rddreg [dreg:$0x1];
	s3 =	simm.s32 $0x0;
	s8 =	simm.s32 $0x80  }
0x4: {  	s26 =	simm.s32 $0x880;
	s9 =	simm.s32 $0x1080;
	s10 =	simm.s32 $0x1880  }
0x5: {  	s11 =	simm.s32 $0x2080;
	s12 =	simm.s32 $0x2880;
	s13 =	simm.s32 $0x3080  }
0x6: {  	s14 =	simm.s32 $0x3880;
	s15 =	simm.s32 $0x4080;
	s16 =	simm.s32 $0x4880  }
0x7: {  	s17 =	simm.s32 $0x5080;
	s18 =	simm.s32 $0x5880;
	s19 =	simm.s32 $0x6080  }
0x8: {  	s20 =	simm.s32 $0x6880;
	s21 =	simm.s32 $0x7080;
	s22 =	simm.s32 $0x7880  }
0x9: {  	s23 =	simm.s32 $0x8080;
	s24 =	simm.s32 $0x8880;
	s28 =	simm.s32 $0xA080  }
0xa: {  	s29 =	simm.s32 $0xA880;
	s30 =	simm.s32 $0xB080;
	s31 =	simm.s32 $0xB880  }
0xb: {  	s1 =	sand.u32 $0x1, s1;
	s5 =	sshll.u32 s0, $0x4;
	[smem:$0x7FF] =	sst s3  }
0xc: {  	s6 =	sshll.u32 s1, $0x3;
	s1 =	ssub.s32 $0x2, s1;
	_ =	strace $0x80000050  }
0xd: {  	[dreg:$0x5] =	wrdreg s26;
	s26 =	simm.s32 $0x9880;
	s5 =	sor.u32 s6, s5  }
0xe: {  	s7 =	sshrl.u32 s1, $0x1;
	s6 =	smul.u32 $0x300, s5;
	s5 =	sadd.s32 s5, s4  }
0xf: {  	s1 =	ssub.s32 s1, s7;
	s7 =	simm.s32 $0x2;
	s25 =	sadd.s32 $0x2E2400, s5  }
0x10: {  	v2 =	vlaneseq.u32;
	s5 =	sadd.s32 $0x200, s2;
	s6 =	sadd.s32 s6, s4;
	[dreg:$0x3] =	wrdreg s25  }
0x11: {  	vm0 =	vmmov $0xffff;
	v1 =	vshrl.u32 v2, $0x3;
	s4 =	sadd.s32 $0x100, s2;
	s25 =	simm.s32 $0x9080;
	s6 =	sadd.s32 $0x9400, s6  }
0x12: {  	v0 =	vand.u32 $0x7, v2;
	v2 =	vor.u32 $0x8, v2;
	v1 =	vmul.u32 $0x8, v1;
	[dreg:$0x4] =	wrdreg s6;
	s6 =	smax.u32 s1, $0x1;
	s1 =	simm.s32 $0x1  }
.LBB2_1:
0x13: {  	s0 =	rddreg [dreg:$0x3]  }
0x14: {  	[tilespmem:s3], [sflag:$0x2] =	stream.linear.gather [hbm4b:s0+s3], $0x40, $0x38;
	[tilespmem:$0xC080] =	vst v63  }
0x15: {  	_ =	swait.ge [sflag:s7], $0x40  }
0x16: {  	[sflag:s7] =	ssyncset.done $0x0  }
0x17: {  	[sflag:s7] =	ssyncadd.s32 $0xFFFFFFC0  }
0x18: {  	v3 =	vld [tilespmem:$0x0];
	_ =	sdelay $0x4  }
0x19: {  	v4 =	vshrl.u32 v3, $0x3  }
0x1a: {  	v4 =	vmul.u32 $0x30, v4  }
0x1b: {  	v3 =	vand.u32 $0x7, v3  }
0x1c: {  	v3 =	vor.u32 v3, v4  }
0x1d: {  	v4 =	vperm.xlane v3, v0;
	_ =	sdelay $0x1  }
0x1e: {  	v4 =	vadd.s32 v1, v4;
	_ =	sdelay $0x3  }
0x1f: {  	v3 =	vperm.xlane v3, v2  }
0x20: {  	[tilespmem:s8], [sflag:$0x1] =	stream.indirect_vreg.gather [hbm4b:s2+s3], $0x80, v4, vm0, $0xb8;
	[tilespmem:$0xC080] =	vst v63  }
0x21: {  	s0 =	rddreg [dreg:$0x5];
	v3 =	vadd.s32 v1, v3  }
0x22: {  	[tilespmem:s0], [sflag:$0x1] =	stream.indirect_vreg.gather [hbm4b:s4+s3], $0x80, v4, vm0, $0xb8;
	[tilespmem:$0xC080] =	vst v63  }
0x23: {  	_ = 	snop  }
0x24: {  	[tilespmem:s9], [sflag:$0x1] =	stream.indirect_vreg.gather [hbm4b:s5+s3], $0x80, v4, vm0, $0xb8;
	[tilespmem:$0xC080] =	vst v63  }
0x25: {  	_ = 	snop  }
0x26: {  	[tilespmem:s10], [sflag:$0x1] =	stream.indirect_vreg.gather [hbm4b:s2+s3], $0x80, v3, vm0, $0xb8;
	[tilespmem:$0xC080] =	vst v63  }
0x27: {  	_ = 	snop  }
0x28: {  	[tilespmem:s11], [sflag:$0x1] =	stream.indirect_vreg.gather [hbm4b:s4+s3], $0x80, v3, vm0, $0xb8;
	[tilespmem:$0xC080] =	vst v63  }
0x29: {  	_ = 	snop  }
0x2a: {  	[tilespmem:s12], [sflag:$0x1] =	stream.indirect_vreg.gather [hbm4b:s5+s3], $0x80, v3, vm0, $0xb8;
	[tilespmem:$0xC080] =	vst v63  }
0x2b: {  	v3 =	vld [tilespmem:$0x10];
	_ =	sdelay $0x4  }
0x2c: {  	v61 =	vshrl.u32 v3, $0x3  }
0x2d: {  	v4 =	vmul.u32 $0x30, v61  }
0x2e: {  	v3 =	vand.u32 $0x7, v3  }
0x2f: {  	v3 =	vor.u32 v3, v4  }
0x30: {  	v4 =	vperm.xlane v3, v0;
	_ =	sdelay $0x1  }
0x31: {  	v4 =	vadd.s32 v1, v4;
	_ =	sdelay $0x3  }
0x32: {  	v3 =	vperm.xlane v3, v2  }
0x33: {  	[tilespmem:s13], [sflag:$0x1] =	stream.indirect_vreg.gather [hbm4b:s2+s3], $0x80, v4, vm0, $0xb8;
	[tilespmem:$0xC080] =	vst v63  }
0x34: {  	v3 =	vadd.s32 v1, v3  }
0x35: {  	[tilespmem:s14], [sflag:$0x1] =	stream.indirect_vreg.gather [hbm4b:s4+s3], $0x80, v4, vm0, $0xb8;
	[tilespmem:$0xC080] =	vst v63  }
0x36: {  	_ = 	snop  }
0x37: {  	[tilespmem:s15], [sflag:$0x1] =	stream.indirect_vreg.gather [hbm4b:s5+s3], $0x80, v4, vm0, $0xb8;
	[tilespmem:$0xC080] =	vst v63  }
0x38: {  	_ = 	snop  }
0x39: {  	[tilespmem:s16], [sflag:$0x1] =	stream.indirect_vreg.gather [hbm4b:s2+s3], $0x80, v3, vm0, $0xb8;
	[tilespmem:$0xC080] =	vst v63  }
0x3a: {  	_ = 	snop  }
0x3b: {  	[tilespmem:s17], [sflag:$0x1] =	stream.indirect_vreg.gather [hbm4b:s4+s3], $0x80, v3, vm0, $0xb8;
	[tilespmem:$0xC080] =	vst v63  }
0x3c: {  	_ = 	snop  }
0x3d: {  	[tilespmem:s18], [sflag:$0x1] =	stream.indirect_vreg.gather [hbm4b:s5+s3], $0x80, v3, vm0, $0xb8;
	[tilespmem:$0xC080] =	vst v63  }
0x3e: {  	v3 =	vld [tilespmem:$0x20];
	_ =	sdelay $0x4  }
0x3f: {  	v62 =	vshrl.u32 v3, $0x3  }
0x40: {  	v4 =	vmul.u32 $0x30, v62  }
0x41: {  	v3 =	vand.u32 $0x7, v3  }
0x42: {  	v3 =	vor.u32 v3, v4  }
0x43: {  	v4 =	vperm.xlane v3, v0;
	_ =	sdelay $0x1  }
0x44: {  	v4 =	vadd.s32 v1, v4;
	_ =	sdelay $0x3  }
0x45: {  	v3 =	vperm.xlane v3, v2  }
0x46: {  	[tilespmem:s19], [sflag:$0x1] =	stream.indirect_vreg.gather [hbm4b:s2+s3], $0x80, v4, vm0, $0xb8;
	[tilespmem:$0xC080] =	vst v63  }
0x47: {  	v3 =	vadd.s32 v1, v3  }
0x48: {  	[tilespmem:s20], [sflag:$0x1] =	stream.indirect_vreg.gather [hbm4b:s4+s3], $0x80, v4, vm0, $0xb8;
	[tilespmem:$0xC080] =	vst v63  }
0x49: {  	_ = 	snop  }
0x4a: {  	[tilespmem:s21], [sflag:$0x1] =	stream.indirect_vreg.gather [hbm4b:s5+s3], $0x80, v4, vm0, $0xb8;
	[tilespmem:$0xC080] =	vst v63  }
0x4b: {  	_ = 	snop  }
0x4c: {  	[tilespmem:s22], [sflag:$0x1] =	stream.indirect_vreg.gather [hbm4b:s2+s3], $0x80, v3, vm0, $0xb8;
	[tilespmem:$0xC080] =	vst v63  }
0x4d: {  	_ = 	snop  }
0x4e: {  	[tilespmem:s23], [sflag:$0x1] =	stream.indirect_vreg.gather [hbm4b:s4+s3], $0x80, v3, vm0, $0xb8;
	[tilespmem:$0xC080] =	vst v63  }
0x4f: {  	_ = 	snop  }
0x50: {  	[tilespmem:s24], [sflag:$0x1] =	stream.indirect_vreg.gather [hbm4b:s5+s3], $0x80, v3, vm0, $0xb8;
	[tilespmem:$0xC080] =	vst v63  }
0x51: {  	v3 =	vld [tilespmem:$0x30];
	_ =	sdelay $0x4  }
0x52: {  	v63 =	vshrl.u32 v3, $0x3  }
0x53: {  	v4 =	vmul.u32 $0x30, v63  }
0x54: {  	v3 =	vand.u32 $0x7, v3  }
0x55: {  	v3 =	vor.u32 v3, v4  }
0x56: {  	v4 =	vperm.xlane v3, v0;
	_ =	sdelay $0x1  }
0x57: {  	v4 =	vadd.s32 v1, v4;
	_ =	sdelay $0x3  }
0x58: {  	v3 =	vperm.xlane v3, v2  }
0x59: {  	[tilespmem:s25], [sflag:$0x1] =	stream.indirect_vreg.gather [hbm4b:s2+s3], $0x80, v4, vm0, $0xb8;
	[tilespmem:$0xC080] =	vst v63  }
0x5a: {  	v3 =	vadd.s32 v1, v3  }
0x5b: {  	[tilespmem:s26], [sflag:$0x1] =	stream.indirect_vreg.gather [hbm4b:s4+s3], $0x80, v4, vm0, $0xb8;
	[tilespmem:$0xC080] =	vst v63  }
0x5c: {  	_ = 	snop  }
0x5d: {  	[tilespmem:s28], [sflag:$0x1] =	stream.indirect_vreg.gather [hbm4b:s5+s3], $0x80, v4, vm0, $0xb8;
	[tilespmem:$0xC080] =	vst v63  }
0x5e: {  	_ = 	snop  }
0x5f: {  	[tilespmem:s29], [sflag:$0x1] =	stream.indirect_vreg.gather [hbm4b:s2+s3], $0x80, v3, vm0, $0xb8;
	[tilespmem:$0xC080] =	vst v63  }
0x60: {  	_ = 	snop  }
0x61: {  	[tilespmem:s30], [sflag:$0x1] =	stream.indirect_vreg.gather [hbm4b:s4+s3], $0x80, v3, vm0, $0xb8;
	[tilespmem:$0xC080] =	vst v63  }
0x62: {  	_ = 	snop  }
0x63: {  	[tilespmem:s31], [sflag:$0x1] =	stream.indirect_vreg.gather [hbm4b:s5+s3], $0x80, v3, vm0, $0xb8;
	[tilespmem:$0xC080] =	vst v63  }
0x64: {  	_ =	swait.ge [sflag:s1], $0xC000  }
0x65: {  	p0 =	sne.s32 s6, $0x1;
	[sflag:s1] =	ssyncset.done $0x0  }
.Ltmp0:
0x66: {  	s0 =	rddreg [dreg:$0x4];
	[sflag:s1] =	ssyncadd.s32 $0xFFFF4000;
	(pc) =	sbr.rel @p0 .LBB2_1-.Ltmp0, $4  }
0x67: {  	[hbm4b:s0+s3] =	stream.linear.scatter [tilespmem:s8], [sflag:$0x2], $0xC000, $0x38;
	[tilespmem:$0xC080] =	vst v63  }
0x68: {  	_ =	swait.ge [sflag:s7], $0xC000  }
0x69: {  	[sflag:s7] =	ssyncset.done $0x0  }
0x6a: {  	s6 =	sadd.s32 $0xFFFFFFFF, s6;
	[sflag:s7] =	ssyncadd.s32 $0xFFFF4000  }
0x6b: {  	_ =	sfence.sel $0x180000  }
0x6c: {  	[bflag:$0x0] =	sbarrier.arrive $0xFFFF  }
0x6d: {  	_ =	strace $0x90000050  }
0x6e: {  	s0 =	stileid.u32;
	[bflag:$0x2] =	sbarrier.arrive $0xFFFF  }
0x6f: {  	p0 =	sne.s32 s0, $0x0;
	s0 =	rddreg [dreg:$0x2]  }
0x70: {  	s0 =	sadd.s32 @!p0 $0x100000, s0  }
0x71: {  	[sflag:s0] =	ssyncadd.tile.s32 @!p0 $0x1;
	_ =	shalt  }
.Lfunc_end2:
_tile_overlayer_lowered:
.L_overlay_start_2:
0x72: {  	(tag) =	ssettag $0x2  }
0x73: {  	s0 =	rddreg [dreg:$0x0];
	s2 =	stileid.u32  }
0x74: {  	s1 =	rddreg [dreg:$0x1];
	p0 =	sne.s32 s2, $0x0  }
0x75: {  	s3 =	rddreg [dreg:$0x2];
	[bflag:$0x3] =	sbarrier.arrive $0xFFFF;
	s2 =	simm.s32 @!p0 $0x1C02  }
0x76: {  	[timem:s3], [sflag:s2] =	dma.local @!p0 [hbm:s0], s1  }
0x77: {  	s0 =	simm.s32 @!p0 $0x2  }
0x78: {  	_ =	swait.ge @!p0 [sflag:s0], s1  }
0x79: {  	s1 =	ssub.s32 @!p0 $0x0, s1;
	[sflag:s0] =	ssyncset.done @!p0 $0x0  }
0x7a: {  	[sflag:s0] =	ssyncadd.s32 @!p0 s1  }
0x7b: {  	[bflag:$0x3] =	sbarrier.arrive $0xFFFF  }
0x7c: {  	_ =	shalt  }

</sc_bundles>
